<compile_context>
chip_gen: v7x
topology: tpu7x:2x2x1
jax: 0.10.2.dev20260603
libtpu: 0.0.44.dev20260713+nightly
codegen_flags: <defaults>
</compile_context>

<pallas_src>
import functools
import jax
import jax.numpy as jnp
from jax import lax
from jax.experimental import pallas as pl
from jax.experimental.pallas import tpu as pltpu
from jax.experimental.pallas import tpu_sc as plsc

N_NODES = 10000
N_EDGES = 5000
NNZ = 160000
IN_CH = 128
HIDDEN = 256
HALF = HIDDEN // 2

NC = 2
NS = 16
L = 16

F32 = jnp.float32
I32 = jnp.int32

_mesh = lambda: plsc.VectorSubcoreMesh(
    core_axis_name="c", subcore_axis_name="s", num_cores=NC, num_subcores=NS)

_SC_PARAMS = pltpu.CompilerParams(needs_layout_passes=False)



def _make_deg_kernel():
    P = NNZ // (NC * NS)
    FULL = P // L
    REM = P - FULL * L
    PP = (FULL + 1) * L if REM else P

    @functools.partial(
        pl.kernel,
        out_type=(
            jax.ShapeDtypeStruct((NC * NS, N_NODES), F32),
            jax.ShapeDtypeStruct((NC * NS, N_EDGES), F32),
        ),
        mesh=_mesh(),
        compiler_params=_SC_PARAMS,
        scratch_types=[
            pltpu.VMEM((PP,), I32),
            pltpu.VMEM((PP,), I32),
            pltpu.VMEM((N_NODES,), F32),
            pltpu.VMEM((N_EDGES,), F32),
        ],
    )
    def deg_kernel(ni_hbm, ei_hbm, nd_out, ed_out, ni_v, ei_v, nd_acc, ed_acc):
        w = lax.axis_index("c") * NS + lax.axis_index("s")
        base = w * P
        if REM:
            zi = jnp.zeros((L,), I32)
            ni_v[pl.ds(FULL * L, L)] = zi
            ei_v[pl.ds(FULL * L, L)] = zi
        pltpu.sync_copy(ni_hbm.at[pl.ds(base, P)], ni_v.at[pl.ds(0, P)])
        pltpu.sync_copy(ei_hbm.at[pl.ds(base, P)], ei_v.at[pl.ds(0, P)])

        zeros = jnp.zeros((L,), F32)

        @pl.loop(0, N_NODES // L)
        def _(i):
            nd_acc[pl.ds(i * L, L)] = zeros

        @pl.loop(0, N_EDGES // L)
        def _(i):
            ed_acc[pl.ds(i * L, L)] = zeros

        ones = jnp.ones((L,), F32)

        @pl.loop(0, FULL)
        def _(j):
            ni = ni_v[pl.ds(j * L, L)]
            ei = ei_v[pl.ds(j * L, L)]
            plsc.addupdate_scatter(nd_acc, [ni], ones)
            plsc.addupdate_scatter(ed_acc, [ei], ones)

        if REM:
            m = lax.iota(I32, L) < REM
            ni = ni_v[pl.ds(FULL * L, L)]
            ei = ei_v[pl.ds(FULL * L, L)]
            plsc.addupdate_scatter(nd_acc, [ni], ones, mask=m)
            plsc.addupdate_scatter(ed_acc, [ei], ones, mask=m)

        pltpu.sync_copy(nd_acc, nd_out.at[w])
        pltpu.sync_copy(ed_acc, ed_out.at[w])

    return deg_kernel



def _make_norm_kernel():
    P = NNZ // (NC * NS)
    FULL = P // L
    REM = P - FULL * L
    PP = (FULL + 1) * L if REM else P

    @functools.partial(
        pl.kernel,
        out_type=(
            jax.ShapeDtypeStruct((NC * NS, N_NODES), F32),
            jax.ShapeDtypeStruct((NC * NS, N_EDGES), F32),
        ),
        mesh=_mesh(),
        compiler_params=_SC_PARAMS,
        scratch_types=[
            pltpu.VMEM((PP,), I32),
            pltpu.VMEM((PP,), I32),
            pltpu.VMEM((N_NODES,), F32),
            pltpu.VMEM((N_EDGES,), F32),
            pltpu.VMEM((N_NODES,), F32),
            pltpu.VMEM((N_EDGES,), F32),
        ],
    )
    def norm_kernel(ni_hbm, ei_hbm, ncard_hbm, ecard_hbm, s0_out, s1_out,
                    ni_v, ei_v, nc_v, ec_v, s0_acc, s1_acc):
        w = lax.axis_index("c") * NS + lax.axis_index("s")
        base = w * P
        if REM:
            zi = jnp.zeros((L,), I32)
            ni_v[pl.ds(FULL * L, L)] = zi
            ei_v[pl.ds(FULL * L, L)] = zi
        pltpu.sync_copy(ni_hbm.at[pl.ds(base, P)], ni_v.at[pl.ds(0, P)])
        pltpu.sync_copy(ei_hbm.at[pl.ds(base, P)], ei_v.at[pl.ds(0, P)])
        pltpu.sync_copy(ncard_hbm, nc_v)
        pltpu.sync_copy(ecard_hbm, ec_v)

        zeros = jnp.zeros((L,), F32)

        @pl.loop(0, N_NODES // L)
        def _(i):
            s0_acc[pl.ds(i * L, L)] = zeros

        @pl.loop(0, N_EDGES // L)
        def _(i):
            s1_acc[pl.ds(i * L, L)] = zeros

        @pl.loop(0, FULL)
        def _(j):
            ni = ni_v[pl.ds(j * L, L)]
            ei = ei_v[pl.ds(j * L, L)]
            ec = plsc.load_gather(ec_v, [ei])
            plsc.addupdate_scatter(s0_acc, [ni], ec)
            nc = plsc.load_gather(nc_v, [ni])
            plsc.addupdate_scatter(s1_acc, [ei], nc)

        if REM:
            m = lax.iota(I32, L) < REM
            ni = ni_v[pl.ds(FULL * L, L)]
            ei = ei_v[pl.ds(FULL * L, L)]
            ec = plsc.load_gather(ec_v, [ei], mask=m)
            plsc.addupdate_scatter(s0_acc, [ni], ec, mask=m)
            nc = plsc.load_gather(nc_v, [ni], mask=m)
            plsc.addupdate_scatter(s1_acc, [ei], nc, mask=m)

        pltpu.sync_copy(s0_acc, s0_out.at[w])
        pltpu.sync_copy(s1_acc, s1_out.at[w])

    return norm_kernel



def _make_pass_kernel(n_src, n_dst_pad, chunk):
    P = NNZ // NS
    NBUF = 2
    NCHUNK = P // chunk
    TAIL = P - NCHUNK * chunk
    GROUPS = NCHUNK // NBUF
    assert GROUPS * NBUF == NCHUNK and TAIL % 8 == 0 and TAIL < chunk
    R = n_dst_pad // NS
    G = 80
    assert R % G == 0

    @functools.partial(
        pl.kernel,
        out_type=jax.ShapeDtypeStruct((NC, n_dst_pad, HALF), F32),
        mesh=_mesh(),
        compiler_params=_SC_PARAMS,
        scratch_types=[
            pltpu.VMEM((P,), I32),
            pltpu.VMEM((NBUF, chunk), I32),
            pltpu.VMEM((NBUF, chunk, HALF), F32),
            pltpu.VMEM_SHARED((n_dst_pad, HALF), F32),
        ] + [pltpu.SemaphoreType.DMA] * (2 * NBUF),
    )
    def pass_kernel(table_hbm, src_hbm, dst_hbm, out_hbm,
                    si_v, di_v, rows_v, acc, *sems):
        sem_g = sems[:NBUF]
        sem_i = sems[NBUF:]
        c = lax.axis_index("c")
        s = lax.axis_index("s")
        row_off = (c * n_src).astype(I32)

        pltpu.sync_copy(src_hbm.at[pl.ds(s * P, P)], si_v)

        @pl.loop(0, P // L)
        def _(i):
            si_v[pl.ds(i * L, L)] = si_v[pl.ds(i * L, L)] + row_off

        zeros = jnp.zeros((L,), F32)

        @pl.loop(0, G)
        def _(i):
            for k in range(HALF // L):
                rows_v[0, i, pl.ds(k * L, L)] = zeros

        @pl.loop(0, R // G)
        def _(i):
            pltpu.sync_copy(rows_v.at[0].at[pl.ds(0, G)],
                            acc.at[pl.ds(s * R + i * G, G)])

        plsc.subcore_barrier()

        def fire(j, b, n=chunk):
            pltpu.async_copy(dst_hbm.at[pl.ds(s * P + j * chunk, n)],
                             di_v.at[b].at[pl.ds(0, n)], sem_i[b])
            pltpu.async_copy(
                table_hbm.at[si_v.at[pl.ds(j * chunk, n)]],
                rows_v.at[b].at[pl.ds(0, n)], sem_g[b])

        def wait_in(b, n=chunk):
            pltpu.make_async_copy(dst_hbm.at[pl.ds(s * P, n)],
                                  di_v.at[b].at[pl.ds(0, n)], sem_i[b]).wait()
            pltpu.make_async_copy(
                table_hbm.at[si_v.at[pl.ds(0, n)]],
                rows_v.at[b].at[pl.ds(0, n)], sem_g[b]).wait()

        def scat(b, n=chunk):
            pltpu.sync_copy(rows_v.at[b].at[pl.ds(0, n)],
                            acc.at[di_v.at[b].at[pl.ds(0, n)]], add=True)

        for b in range(NBUF):
            fire(b, b)

        @pl.loop(0, GROUPS)
        def _(g):
            for b in range(NBUF):
                j = g * NBUF + b
                wait_in(b)
                scat(b)

                @pl.when(j + NBUF < NCHUNK)
                def _():
                    fire(j + NBUF, b)

        if TAIL:
            fire(NCHUNK, 0, TAIL)
            wait_in(0, TAIL)
            scat(0, TAIL)

        plsc.subcore_barrier()

        @pl.loop(0, R // G)
        def _(i):
            pltpu.sync_copy(acc.at[pl.ds(s * R + i * G, G)],
                            out_hbm.at[c, pl.ds(s * R + i * G, G)])

    return pass_kernel



_DOT = dict(precision=lax.Precision.HIGHEST, preferred_element_type=F32)


def _cards_call(nd_p, ed_p):
    def body(nd_ref, ed_ref, ncard_ref, ecard_ref):
        nd = jnp.sum(nd_ref[...], axis=0, keepdims=True)
        ed = jnp.sum(ed_ref[...], axis=0, keepdims=True)
        nd = jnp.where(nd > 0, nd, 1.0)
        ed = jnp.where(ed > 0, ed, 1.0)
        ncard_ref[...] = lax.rsqrt(nd)
        r = lax.rsqrt(ed)
        ecard_ref[...] = r * r * r

    return pl.pallas_call(
        body,
        out_shape=(jax.ShapeDtypeStruct((1, N_NODES), F32),
                   jax.ShapeDtypeStruct((1, N_EDGES), F32)),
    )(nd_p, ed_p)


def _dinv_call(s0_p, s1_p):
    def body(s0_ref, s1_ref, d0_ref, d1_ref):
        s0 = jnp.sum(s0_ref[...], axis=0, keepdims=True)
        s1 = jnp.sum(s1_ref[...], axis=0, keepdims=True)
        d0_ref[...] = jnp.where(s0 > 0, 1.0 / jnp.where(s0 > 0, s0, 1.0), 0.0)
        d1_ref[...] = jnp.where(s1 > 0, 1.0 / jnp.where(s1 > 0, s1, 1.0), 0.0)

    return pl.pallas_call(
        body,
        out_shape=(jax.ShapeDtypeStruct((1, N_NODES), F32),
                   jax.ShapeDtypeStruct((1, N_EDGES), F32)),
    )(s0_p, s1_p)


def _prep_call(x0, w0, ncard):
    n, k = x0.shape
    blk = 2000
    grid = n // blk

    def body(x_ref, w_ref, c_ref, o_ref):
        m = lax.dot_general(x_ref[...], w_ref[...],
                            (((1,), (0,)), ((), ())), **_DOT)
        m = m * c_ref[...]
        o_ref[0] = m[:, :HALF]
        o_ref[1] = m[:, HALF:]

    return pl.pallas_call(
        body,
        grid=(grid,),
        in_specs=[
            pl.BlockSpec((blk, k), lambda i: (i, 0)),
            pl.BlockSpec((k, HIDDEN), lambda i: (0, 0)),
            pl.BlockSpec((blk, 1), lambda i: (i, 0)),
        ],
        out_specs=pl.BlockSpec((2, blk, HALF), lambda i: (0, i, 0)),
        out_shape=jax.ShapeDtypeStruct((2, n, HALF), F32),
    )(x0, w0, ncard)


def _mid_call(agg, dinv, b, w, card, blk):
    n = dinv.shape[0]
    grid = n // blk

    def body(a0_ref, a1_ref, di_ref, b_ref, w_ref, c_ref, o_ref):
        a = jnp.concatenate([a0_ref[0], a1_ref[0]], axis=1)
        x = jax.nn.sigmoid(a * di_ref[...] + b_ref[...])
        m = lax.dot_general(x, w_ref[...], (((1,), (0,)), ((), ())), **_DOT)
        m = m * c_ref[...]
        o_ref[0] = m[:, :HALF]
        o_ref[1] = m[:, HALF:]

    return pl.pallas_call(
        body,
        grid=(grid,),
        in_specs=[
            pl.BlockSpec((1, blk, HALF), lambda i: (0, i, 0)),
            pl.BlockSpec((1, blk, HALF), lambda i: (1, i, 0)),
            pl.BlockSpec((blk, 1), lambda i: (i, 0)),
            pl.BlockSpec((1, HIDDEN), lambda i: (0, 0)),
            pl.BlockSpec((HIDDEN, HIDDEN), lambda i: (0, 0)),
            pl.BlockSpec((blk, 1), lambda i: (i, 0)),
        ],
        out_specs=pl.BlockSpec((2, blk, HALF), lambda i: (0, i, 0)),
        out_shape=jax.ShapeDtypeStruct((2, n, HALF), F32),
    )(agg, agg, dinv, b, w, card)


def _final_call(agg, dinv, b, w_lin, b_lin):
    n = dinv.shape[0]
    blk = 2000
    grid = n // blk

    def body(a0_ref, a1_ref, di_ref, b_ref, wl_ref, bl_ref, o_ref, acc_ref):
        a = jnp.concatenate([a0_ref[0], a1_ref[0]], axis=1)
        x = jax.nn.sigmoid(a * di_ref[...] + b_ref[...])
        bmax = jnp.max(x, axis=0, keepdims=True)
        i = pl.program_id(0)

        @pl.when(i == 0)
        def _():
            acc_ref[...] = bmax

        @pl.when(i > 0)
        def _():
            acc_ref[...] = jnp.maximum(acc_ref[...], bmax)

        @pl.when(i == grid - 1)
        def _():
            o_ref[...] = lax.dot_general(
                acc_ref[...], wl_ref[...], (((1,), (0,)), ((), ())),
                **_DOT) + bl_ref[...]

    return pl.pallas_call(
        body,
        grid=(grid,),
        in_specs=[
            pl.BlockSpec((1, blk, HALF), lambda i: (0, i, 0)),
            pl.BlockSpec((1, blk, HALF), lambda i: (1, i, 0)),
            pl.BlockSpec((blk, 1), lambda i: (i, 0)),
            pl.BlockSpec((1, HIDDEN), lambda i: (0, 0)),
            pl.BlockSpec((HIDDEN, 1), lambda i: (0, 0)),
            pl.BlockSpec((1, 1), lambda i: (0, 0)),
        ],
        out_specs=pl.BlockSpec((1, 1), lambda i: (0, 0)),
        out_shape=jax.ShapeDtypeStruct((1, 1), F32),
        scratch_shapes=[pltpu.VMEM((1, HIDDEN), F32)],
    )(agg, agg, dinv, b, w_lin, b_lin)



N_NODES_PAD = 10240
N_EDGES_PAD = 5120
CHUNK = 128

_deg = _make_deg_kernel()
_norm_sc = _make_norm_kernel()
_pass_n2e = _make_pass_kernel(N_NODES, N_EDGES_PAD, CHUNK)
_pass_e2n = _make_pass_kernel(N_EDGES, N_NODES_PAD, CHUNK)


@jax.jit
def kernel(x_0, node_idx, edge_idx, W0_1, W1_1, b01_1, b10_1,
           W0_2, W1_2, b01_2, b10_2, W_lin, b_lin):
    nd_p, ed_p = _deg(node_idx, edge_idx)
    ncard, ecard = _cards_call(nd_p, ed_p)
    s0_p, s1_p = _norm_sc(node_idx, edge_idx,
                          ncard.reshape(N_NODES), ecard.reshape(N_EDGES))
    d0_inv, d1_inv = _dinv_call(s0_p, s1_p)
    ncard = ncard.reshape(N_NODES, 1)
    ecard = ecard.reshape(N_EDGES, 1)
    d0_inv = d0_inv.reshape(N_NODES, 1)
    d1_inv = d1_inv.reshape(N_EDGES, 1)

    b01_1r = b01_1.reshape(1, HIDDEN)
    b10_1r = b10_1.reshape(1, HIDDEN)
    b01_2r = b01_2.reshape(1, HIDDEN)
    b10_2r = b10_2.reshape(1, HIDDEN)

    t1 = _prep_call(x_0, W0_1, ncard).reshape(2 * N_NODES, HALF)
    agg_e = _pass_n2e(t1, node_idx, edge_idx)
    t2 = _mid_call(agg_e, d1_inv, b01_1r, W1_1, ecard, 1000)
    t2 = t2.reshape(2 * N_EDGES, HALF)
    agg_v = _pass_e2n(t2, edge_idx, node_idx)

    t3 = _mid_call(agg_v, d0_inv, b10_1r, W0_2, ncard, 2000)
    t3 = t3.reshape(2 * N_NODES, HALF)
    agg_e2 = _pass_n2e(t3, node_idx, edge_idx)
    t4 = _mid_call(agg_e2, d1_inv, b01_2r, W1_2, ecard, 1000)
    t4 = t4.reshape(2 * N_EDGES, HALF)
    agg_v2 = _pass_e2n(t4, edge_idx, node_idx)

    out = _final_call(agg_v2, d0_inv, b10_2r, W_lin, b_lin.reshape(1, 1))
    return out.reshape(1)

# --- scband reference (transcript-rebuilt; emitter-appended) ---
"""Pipeline reference for scband-hnhnmodel-42279658062365 (READ-ONLY COPY).

The authoritative reference and input builder live on the scoring server;
editing this copy changes nothing except your own understanding.
"""

import jax, jax.numpy as jnp
import numpy as np

N_NODES = 10000
N_HYPEREDGES = 5000
NNZ = 160000
IN_CH = 128
HIDDEN = 256
ALPHA = -1.5
BETA = -0.5


def setup_inputs(seed: int = 0):
    key = jax.random.key(seed)
    ks = jax.random.split(key, 10)
    def glorot(k, shape):
        lim = np.sqrt(6.0 / (shape[0] + shape[1]))
        return jax.random.uniform(k, shape, dtype=jnp.float32, minval=-lim, maxval=lim)
    inp = {}
    inp['x_0'] = jax.random.normal(ks[0], (N_NODES, IN_CH), dtype=jnp.float32)
    inp['node_idx'] = jax.random.randint(ks[1], (NNZ,), 0, N_NODES, dtype=jnp.int32)
    inp['edge_idx'] = jax.random.randint(ks[2], (NNZ,), 0, N_HYPEREDGES, dtype=jnp.int32)
    inp['W0_1'] = glorot(ks[3], (IN_CH, HIDDEN))
    inp['W1_1'] = glorot(ks[4], (HIDDEN, HIDDEN))
    inp['b01_1'] = jnp.zeros((HIDDEN,), jnp.float32)
    inp['b10_1'] = jnp.zeros((HIDDEN,), jnp.float32)
    inp['W0_2'] = glorot(ks[5], (HIDDEN, HIDDEN))
    inp['W1_2'] = glorot(ks[6], (HIDDEN, HIDDEN))
    inp['b01_2'] = jnp.zeros((HIDDEN,), jnp.float32)
    inp['b10_2'] = jnp.zeros((HIDDEN,), jnp.float32)
    inp['W_lin'] = glorot(ks[7], (HIDDEN, 1))
    inp['b_lin'] = jnp.zeros((1,), jnp.float32)
    return inp


def _norm(node_idx, edge_idx):
    # HNHN normalization matrices (diagonals), alpha=-1.5, beta=-0.5 (topomodelx defaults)
    ones = jnp.ones((node_idx.shape[0],), jnp.float32)
    edge_deg = jax.ops.segment_sum(ones, edge_idx, num_segments=N_HYPEREDGES)
    node_deg = jax.ops.segment_sum(ones, node_idx, num_segments=N_NODES)
    edge_card = jnp.where(edge_deg > 0, edge_deg, 1.0) ** ALPHA  # D1_right_alpha diag
    node_card = jnp.where(node_deg > 0, node_deg, 1.0) ** BETA   # D0_right_beta diag
    s0 = jax.ops.segment_sum(edge_card[edge_idx], node_idx, num_segments=N_NODES)
    d0_inv = jnp.where(s0 > 0, 1.0 / jnp.where(s0 > 0, s0, 1.0), 0.0)  # D0_left_alpha_inverse diag
    s1 = jax.ops.segment_sum(node_card[node_idx], edge_idx, num_segments=N_HYPEREDGES)
    d1_inv = jnp.where(s1 > 0, 1.0 / jnp.where(s1 > 0, s1, 1.0), 0.0)  # D1_left_beta_inverse diag
    return node_card, edge_card, d0_inv, d1_inv


def _hnhn_layer(x0, node_idx, edge_idx, node_card, edge_card, d0_inv, d1_inv, W0, W1, b01, b10):
    # nodes -> hyperedges: x_1 = sigmoid(D1_left_beta_inv @ B1^T @ D0_right_beta @ (x_0 W0) + b)
    m = x0 @ W0
    agg_e = jax.ops.segment_sum(node_card[node_idx][:, None] * m[node_idx], edge_idx, num_segments=N_HYPEREDGES)
    x1 = jax.nn.sigmoid(d1_inv[:, None] * agg_e + b01[None, :])
    # hyperedges -> nodes: x_0 = sigmoid(D0_left_alpha_inv @ B1 @ D1_right_alpha @ (x_1 W1) + b)
    m1 = x1 @ W1
    agg_v = jax.ops.segment_sum(edge_card[edge_idx][:, None] * m1[edge_idx], node_idx, num_segments=N_NODES)
    x0_new = jax.nn.sigmoid(d0_inv[:, None] * agg_v + b10[None, :])
    return x0_new, x1


def reference(x_0, node_idx, edge_idx, W0_1, W1_1, b01_1, b10_1, W0_2, W1_2, b01_2, b10_2, W_lin, b_lin):
    node_card, edge_card, d0_inv, d1_inv = _norm(node_idx, edge_idx)
    x0, _ = _hnhn_layer(x_0, node_idx, edge_idx, node_card, edge_card, d0_inv, d1_inv, W0_1, W1_1, b01_1, b10_1)
    x0, _ = _hnhn_layer(x0, node_idx, edge_idx, node_card, edge_card, d0_inv, d1_inv, W0_2, W1_2, b01_2, b10_2)
    x = jnp.max(x0, axis=0)  # out_pool=True
    return x @ W_lin + b_lin  # shape [1]

if __name__ == "__main__":
    import jax
    _d = setup_inputs()
    print(jax.jit(kernel)(*tuple(_d.values())))

</pallas_src>

<mosaic_0001>
#map = affine_map<(d0, d1) -> (0, 0)>
#map1 = affine_map<(d0, d1) -> (0)>
#map2 = affine_map<(d0, d1) -> (0, 0, 0)>
module attributes {stable_mosaic.version = 14 : i64} {
  func.func @pass_kernel(%arg0: i32, %arg1: i32, %arg2: memref<20000x128xf32, #tpu.memory_space<hbm>>, %arg3: memref<160000xi32, #tpu.memory_space<hbm>>, %arg4: memref<160000xi32, #tpu.memory_space<hbm>>, %arg5: memref<2x5120x128xf32, #tpu.memory_space<hbm>>, %arg6: memref<10000xi32, #tpu.memory_space<vmem>>, %arg7: memref<2x128xi32, #tpu.memory_space<vmem>>, %arg8: memref<2x128x128xf32, #tpu.memory_space<vmem>>, %arg9: memref<5120x128xf32, #tpu.memory_space<vmem_shared>>, %arg10: memref<!tpu.dma_semaphore, #tpu.memory_space<semaphore_mem>>, %arg11: memref<!tpu.dma_semaphore, #tpu.memory_space<semaphore_mem>>, %arg12: memref<!tpu.dma_semaphore, #tpu.memory_space<semaphore_mem>>, %arg13: memref<!tpu.dma_semaphore, #tpu.memory_space<semaphore_mem>>) attributes {dimension_semantics = [#tpu.dimension_semantics<core_parallel>, #tpu.dimension_semantics<subcore_parallel>], iteration_bounds = array<i64: 2, 16>, scalar_prefetch = 0 : i64, scratch_operands = 8 : i64, tpu.core_type = #tpu.core_type<sc_vector_subcore>, window_params = [{transform_indices = #map}, {transform_indices = #map1}, {transform_indices = #map1}, {transform_indices = #map2}]} {
    %mul3A = arith.constant 10000 : i32
    %mul3A_0 = arith.muli %arg0, %mul3A : i32
    %mul3A_1 = arith.constant 10000 : i32
    %mul3A_2 = arith.muli %arg1, %mul3A_1 : i32
    "tpu.region"() ({
      %run_scoped3A_145 = tpu.sem_alloc : memref<!tpu.dma_semaphore, #tpu.memory_space<semaphore_mem>>
      %dma_start3A_146 = tpu.memref_slice %arg3[%mul3A_2] : memref<160000xi32, #tpu.memory_space<hbm>> -> memref<10000xi32, #tpu.memory_space<hbm>>
      %dma_start3A_147 = tpu.memref_slice %arg3[%mul3A_2] : memref<160000xi32, #tpu.memory_space<hbm>> -> memref<10000xi32, #tpu.memory_space<hbm>>
      tpu.enqueue_dma source(%dma_start3A_147 : memref<10000xi32, #tpu.memory_space<hbm>>) target(%arg6 : memref<10000xi32, #tpu.memory_space<vmem>>) target_semaphore(%run_scoped3A_145 : memref<!tpu.dma_semaphore, #tpu.memory_space<semaphore_mem>>)
      %dma_wait3A_148 = tpu.memref_slice %arg3[%mul3A_2] : memref<160000xi32, #tpu.memory_space<hbm>> -> memref<10000xi32, #tpu.memory_space<hbm>>
      %dma_wait3A_149 = tpu.memref_slice %arg3[%mul3A_2] : memref<160000xi32, #tpu.memory_space<hbm>> -> memref<10000xi32, #tpu.memory_space<hbm>>
      tpu.wait_dma2 semaphore(%run_scoped3A_145 : memref<!tpu.dma_semaphore, #tpu.memory_space<semaphore_mem>>) src(%dma_wait3A_149 : memref<10000xi32, #tpu.memory_space<hbm>>) dst(%arg6 : memref<10000xi32, #tpu.memory_space<vmem>>)
      tpu.yield
    }) : () -> ()
    %scan3A = arith.constant 0 : i32
    %scan3A_3 = arith.constant 625 : i32
    %scan3A_4 = arith.addi %scan3A, %scan3A_3 : i32
    %scan3A_5 = arith.constant 1 : i32
    scf.for %scan3A_145 = %scan3A to %scan3A_4 step %scan3A_5  : i32 {
      %mul3A_146 = arith.constant 1 : i32
      %mul3A_147 = arith.muli %scan3A_145, %mul3A_146 : i32
      %add3A_148 = arith.constant 0 : i32
      %add3A_149 = arith.addi %add3A_148, %mul3A_147 : i32
      %mul3A_150 = arith.constant 16 : i32
      %mul3A_151 = arith.muli %add3A_149, %mul3A_150 : i32
      %get3A = arith.index_cast %mul3A_151 : i32 to index
      %get3A_152 = tpu.vector_load %arg6[%get3A] {strides = array<i32>} : memref<10000xi32, #tpu.memory_space<vmem>>, vector<16xi32>,
      %add3A_153 = vector.broadcast %mul3A_0 : i32 to vector<16xi32>
      %add3A_154 = arith.addi %get3A_152, %add3A_153 : vector<16xi32>
      %mul3A_155 = arith.constant 16 : i32
      %mul3A_156 = arith.muli %add3A_149, %mul3A_155 : i32
      %swap3A = arith.index_cast %mul3A_156 : i32 to index
      %swap3A_157 = tpu.vector_load %arg6[%swap3A] {strides = array<i32>} : memref<10000xi32, #tpu.memory_space<vmem>>, vector<16xi32>,
      tpu.vector_store %arg6[%swap3A], %add3A_154 {strides = array<i32>} : memref<10000xi32, #tpu.memory_space<vmem>>, vector<16xi32>,
    }
    %scan3A_6 = arith.constant 625 : i32
    %broadcast_in_dim3A = arith.constant 0.000000e+00 : f32
    %broadcast_in_dim3A_7 = vector.broadcast %broadcast_in_dim3A : f32 to vector<16xf32>
    %scan3A_8 = arith.constant 0 : i32
    %scan3A_9 = arith.constant 80 : i32
    %scan3A_10 = arith.addi %scan3A_8, %scan3A_9 : i32
    %scan3A_11 = arith.constant 1 : i32
    scf.for %scan3A_145 = %scan3A_8 to %scan3A_10 step %scan3A_11  : i32 {
      %mul3A_146 = arith.constant 1 : i32
      %mul3A_147 = arith.muli %scan3A_145, %mul3A_146 : i32
      %add3A_148 = arith.constant 0 : i32
      %add3A_149 = arith.addi %add3A_148, %mul3A_147 : i32
      %swap3A = arith.constant 0 : i32
      %swap3A_150 = arith.index_cast %swap3A : i32 to index
      %swap3A_151 = arith.index_cast %add3A_149 : i32 to index
      %swap3A_152 = arith.constant 0 : index
      %swap3A_153 = tpu.vector_load %arg8[%swap3A_150, %swap3A_151, %swap3A_152] {strides = array<i32>} : memref<2x128x128xf32, #tpu.memory_space<vmem>>, vector<16xf32>,
      tpu.vector_store %arg8[%swap3A_150, %swap3A_151, %swap3A_152], %broadcast_in_dim3A_7 {strides = array<i32>} : memref<2x128x128xf32, #tpu.memory_space<vmem>>, vector<16xf32>,
      %swap3A_154 = arith.constant 0 : i32
      %swap3A_155 = arith.index_cast %swap3A_154 : i32 to index
      %swap3A_156 = arith.index_cast %add3A_149 : i32 to index
      %swap3A_157 = arith.constant 16 : index
      %swap3A_158 = tpu.vector_load %arg8[%swap3A_155, %swap3A_156, %swap3A_157] {strides = array<i32>} : memref<2x128x128xf32, #tpu.memory_space<vmem>>, vector<16xf32>,
      tpu.vector_store %arg8[%swap3A_155, %swap3A_156, %swap3A_157], %broadcast_in_dim3A_7 {strides = array<i32>} : memref<2x128x128xf32, #tpu.memory_space<vmem>>, vector<16xf32>,
      %swap3A_159 = arith.constant 0 : i32
      %swap3A_160 = arith.index_cast %swap3A_159 : i32 to index
      %swap3A_161 = arith.index_cast %add3A_149 : i32 to index
      %swap3A_162 = arith.constant 32 : index
      %swap3A_163 = tpu.vector_load %arg8[%swap3A_160, %swap3A_161, %swap3A_162] {strides = array<i32>} : memref<2x128x128xf32, #tpu.memory_space<vmem>>, vector<16xf32>,
      tpu.vector_store %arg8[%swap3A_160, %swap3A_161, %swap3A_162], %broadcast_in_dim3A_7 {strides = array<i32>} : memref<2x128x128xf32, #tpu.memory_space<vmem>>, vector<16xf32>,
      %swap3A_164 = arith.constant 0 : i32
      %swap3A_165 = arith.index_cast %swap3A_164 : i32 to index
      %swap3A_166 = arith.index_cast %add3A_149 : i32 to index
      %swap3A_167 = arith.constant 48 : index
      %swap3A_168 = tpu.vector_load %arg8[%swap3A_165, %swap3A_166, %swap3A_167] {strides = array<i32>} : memref<2x128x128xf32, #tpu.memory_space<vmem>>, vector<16xf32>,
      tpu.vector_store %arg8[%swap3A_165, %swap3A_166, %swap3A_167], %broadcast_in_dim3A_7 {strides = array<i32>} : memref<2x128x128xf32, #tpu.memory_space<vmem>>, vector<16xf32>,
      %swap3A_169 = arith.constant 0 : i32
      %swap3A_170 = arith.index_cast %swap3A_169 : i32 to index
      %swap3A_171 = arith.index_cast %add3A_149 : i32 to index
      %swap3A_172 = arith.constant 64 : index
      %swap3A_173 = tpu.vector_load %arg8[%swap3A_170, %swap3A_171, %swap3A_172] {strides = array<i32>} : memref<2x128x128xf32, #tpu.memory_space<vmem>>, vector<16xf32>,
      tpu.vector_store %arg8[%swap3A_170, %swap3A_171, %swap3A_172], %broadcast_in_dim3A_7 {strides = array<i32>} : memref<2x128x128xf32, #tpu.memory_space<vmem>>, vector<16xf32>,
      %swap3A_174 = arith.constant 0 : i32
      %swap3A_175 = arith.index_cast %swap3A_174 : i32 to index
      %swap3A_176 = arith.index_cast %add3A_149 : i32 to index
      %swap3A_177 = arith.constant 80 : index
      %swap3A_178 = tpu.vector_load %arg8[%swap3A_175, %swap3A_176, %swap3A_177] {strides = array<i32>} : memref<2x128x128xf32, #tpu.memory_space<vmem>>, vector<16xf32>,
      tpu.vector_store %arg8[%swap3A_175, %swap3A_176, %swap3A_177], %broadcast_in_dim3A_7 {strides = array<i32>} : memref<2x128x128xf32, #tpu.memory_space<vmem>>, vector<16xf32>,
      %swap3A_179 = arith.constant 0 : i32
      %swap3A_180 = arith.index_cast %swap3A_179 : i32 to index
      %swap3A_181 = arith.index_cast %add3A_149 : i32 to index
      %swap3A_182 = arith.constant 96 : index
      %swap3A_183 = tpu.vector_load %arg8[%swap3A_180, %swap3A_181, %swap3A_182] {strides = array<i32>} : memref<2x128x128xf32, #tpu.memory_space<vmem>>, vector<16xf32>,
      tpu.vector_store %arg8[%swap3A_180, %swap3A_181, %swap3A_182], %broadcast_in_dim3A_7 {strides = array<i32>} : memref<2x128x128xf32, #tpu.memory_space<vmem>>, vector<16xf32>,
      %swap3A_184 = arith.constant 0 : i32
      %swap3A_185 = arith.index_cast %swap3A_184 : i32 to index
      %swap3A_186 = arith.index_cast %add3A_149 : i32 to index
      %swap3A_187 = arith.constant 112 : index
      %swap3A_188 = tpu.vector_load %arg8[%swap3A_185, %swap3A_186, %swap3A_187] {strides = array<i32>} : memref<2x128x128xf32, #tpu.memory_space<vmem>>, vector<16xf32>,
      tpu.vector_store %arg8[%swap3A_185, %swap3A_186, %swap3A_187], %broadcast_in_dim3A_7 {strides = array<i32>} : memref<2x128x128xf32, #tpu.memory_space<vmem>>, vector<16xf32>,
    }
    %scan3A_12 = arith.constant 80 : i32
    %scan3A_13 = arith.constant 0 : i32
    %scan3A_14 = arith.constant 4 : i32
    %scan3A_15 = arith.addi %scan3A_13, %scan3A_14 : i32
    %scan3A_16 = arith.constant 1 : i32
    scf.for %scan3A_145 = %scan3A_13 to %scan3A_15 step %scan3A_16  : i32 {
      %mul3A_146 = arith.constant 1 : i32
      %mul3A_147 = arith.muli %scan3A_145, %mul3A_146 : i32
      %add3A_148 = arith.constant 0 : i32
      %add3A_149 = arith.addi %add3A_148, %mul3A_147 : i32
      %mul3A_150 = arith.constant 320 : i32
      %mul3A_151 = arith.muli %arg1, %mul3A_150 : i32
      %mul3A_152 = arith.constant 80 : i32
      %mul3A_153 = arith.muli %add3A_149, %mul3A_152 : i32
      %add3A_154 = arith.addi %mul3A_151, %mul3A_153 : i32
      %run_scoped3A_155 = arith.constant 0 : i32
      "tpu.region"() ({
        %run_scoped3A_156 = tpu.sem_alloc : memref<!tpu.dma_semaphore, #tpu.memory_space<semaphore_mem>>
        %dma_start3A_157 = arith.constant 0 : i32
        %dma_start3A_158 = arith.constant 0 : i32
        %dma_start3A_159 = tpu.memref_slice %arg8[%run_scoped3A_155, %dma_start3A_157, %dma_start3A_158] : memref<2x128x128xf32, #tpu.memory_space<vmem>> -> memref<1x128x128xf32, #tpu.memory_space<vmem>>
        %dma_start3A_160 = tpu.memref_squeeze %dma_start3A_159 : memref<1x128x128xf32, #tpu.memory_space<vmem>> -> memref<128x128xf32, #tpu.memory_space<vmem>>
        %dma_start3A_161 = arith.constant 0 : i32
        %dma_start3A_162 = arith.constant 0 : i32
        %dma_start3A_163 = tpu.memref_slice %dma_start3A_160[%dma_start3A_161, %dma_start3A_162] : memref<128x128xf32, #tpu.memory_space<vmem>> -> memref<80x128xf32, #tpu.memory_space<vmem>>
        %dma_start3A_164 = arith.constant 0 : i32
        %dma_start3A_165 = tpu.memref_slice %arg9[%add3A_154, %dma_start3A_164] : memref<5120x128xf32, #tpu.memory_space<vmem_shared>> -> memref<80x128xf32, #tpu.memory_space<vmem_shared>>
        %dma_start3A_166 = arith.constant 0 : i32
        %dma_start3A_167 = tpu.memref_slice %arg9[%add3A_154, %dma_start3A_166] : memref<5120x128xf32, #tpu.memory_space<vmem_shared>> -> memref<80x128xf32, #tpu.memory_space<vmem_shared>>
        %dma_start3A_168 = arith.constant 0 : i32
        %dma_start3A_169 = arith.constant 0 : i32
        %dma_start3A_170 = tpu.memref_slice %arg8[%run_scoped3A_155, %dma_start3A_168, %dma_start3A_169] : memref<2x128x128xf32, #tpu.memory_space<vmem>> -> memref<1x128x128xf32, #tpu.memory_space<vmem>>
        %dma_start3A_171 = tpu.memref_squeeze %dma_start3A_170 : memref<1x128x128xf32, #tpu.memory_space<vmem>> -> memref<128x128xf32, #tpu.memory_space<vmem>>
        %dma_start3A_172 = arith.constant 0 : i32
        %dma_start3A_173 = arith.constant 0 : i32
        %dma_start3A_174 = tpu.memref_slice %dma_start3A_171[%dma_start3A_172, %dma_start3A_173] : memref<128x128xf32, #tpu.memory_space<vmem>> -> memref<80x128xf32, #tpu.memory_space<vmem>>
        tpu.enqueue_dma source(%dma_start3A_174 : memref<80x128xf32, #tpu.memory_space<vmem>>) target(%dma_start3A_167 : memref<80x128xf32, #tpu.memory_space<vmem_shared>>) target_semaphore(%run_scoped3A_156 : memref<!tpu.dma_semaphore, #tpu.memory_space<semaphore_mem>>)
        %dma_wait3A_175 = arith.constant 0 : i32
        %dma_wait3A_176 = arith.constant 0 : i32
        %dma_wait3A_177 = tpu.memref_slice %arg8[%run_scoped3A_155, %dma_wait3A_175, %dma_wait3A_176] : memref<2x128x128xf32, #tpu.memory_space<vmem>> -> memref<1x128x128xf32, #tpu.memory_space<vmem>>
        %dma_wait3A_178 = tpu.memref_squeeze %dma_wait3A_177 : memref<1x128x128xf32, #tpu.memory_space<vmem>> -> memref<128x128xf32, #tpu.memory_space<vmem>>
        %dma_wait3A_179 = arith.constant 0 : i32
        %dma_wait3A_180 = arith.constant 0 : i32
        %dma_wait3A_181 = tpu.memref_slice %dma_wait3A_178[%dma_wait3A_179, %dma_wait3A_180] : memref<128x128xf32, #tpu.memory_space<vmem>> -> memref<80x128xf32, #tpu.memory_space<vmem>>
        %dma_wait3A_182 = arith.constant 0 : i32
        %dma_wait3A_183 = tpu.memref_slice %arg9[%add3A_154, %dma_wait3A_182] : memref<5120x128xf32, #tpu.memory_space<vmem_shared>> -> memref<80x128xf32, #tpu.memory_space<vmem_shared>>
        %dma_wait3A_184 = arith.constant 0 : i32
        %dma_wait3A_185 = tpu.memref_slice %arg9[%add3A_154, %dma_wait3A_184] : memref<5120x128xf32, #tpu.memory_space<vmem_shared>> -> memref<80x128xf32, #tpu.memory_space<vmem_shared>>
        %dma_wait3A_186 = arith.constant 0 : i32
        %dma_wait3A_187 = arith.constant 0 : i32
        %dma_wait3A_188 = tpu.memref_slice %arg8[%run_scoped3A_155, %dma_wait3A_186, %dma_wait3A_187] : memref<2x128x128xf32, #tpu.memory_space<vmem>> -> memref<1x128x128xf32, #tpu.memory_space<vmem>>
        %dma_wait3A_189 = tpu.memref_squeeze %dma_wait3A_188 : memref<1x128x128xf32, #tpu.memory_space<vmem>> -> memref<128x128xf32, #tpu.memory_space<vmem>>
        %dma_wait3A_190 = arith.constant 0 : i32
        %dma_wait3A_191 = arith.constant 0 : i32
        %dma_wait3A_192 = tpu.memref_slice %dma_wait3A_189[%dma_wait3A_190, %dma_wait3A_191] : memref<128x128xf32, #tpu.memory_space<vmem>> -> memref<80x128xf32, #tpu.memory_space<vmem>>
        tpu.wait_dma2 semaphore(%run_scoped3A_156 : memref<!tpu.dma_semaphore, #tpu.memory_space<semaphore_mem>>) src(%dma_wait3A_192 : memref<80x128xf32, #tpu.memory_space<vmem>>) dst(%dma_wait3A_185 : memref<80x128xf32, #tpu.memory_space<vmem_shared>>)
        tpu.yield
      }) : () -> ()
    }
    %scan3A_17 = arith.constant 4 : i32
    %barrier3A = arith.constant 0 : index
    tpu.barrier barrier_id(%barrier3A)
    %mul3A_18 = arith.constant 10000 : i32
    %mul3A_19 = arith.muli %arg1, %mul3A_18 : i32
    %add3A = arith.constant 0 : i32
    %add3A_20 = arith.addi %mul3A_19, %add3A : i32
    %dma_start3A = arith.constant 0 : i32
    %dma_start3A_21 = arith.constant 0 : i32
    %dma_start3A_22 = tpu.memref_slice %arg7[%dma_start3A, %dma_start3A_21] : memref<2x128xi32, #tpu.memory_space<vmem>> -> memref<1x128xi32, #tpu.memory_space<vmem>>
    %dma_start3A_23 = tpu.memref_squeeze %dma_start3A_22 : memref<1x128xi32, #tpu.memory_space<vmem>> -> memref<128xi32, #tpu.memory_space<vmem>>
    %dma_start3A_24 = arith.constant 0 : i32
    %dma_start3A_25 = tpu.memref_slice %dma_start3A_23[%dma_start3A_24] : memref<128xi32, #tpu.memory_space<vmem>> -> memref<128xi32, #tpu.memory_space<vmem>>
    %dma_start3A_26 = tpu.memref_slice %arg4[%add3A_20] : memref<160000xi32, #tpu.memory_space<hbm>> -> memref<128xi32, #tpu.memory_space<hbm>>
    %dma_start3A_27 = arith.constant 0 : i32
    %dma_start3A_28 = tpu.memref_slice %arg7[%dma_start3A, %dma_start3A_27] : memref<2x128xi32, #tpu.memory_space<vmem>> -> memref<1x128xi32, #tpu.memory_space<vmem>>
    %dma_start3A_29 = tpu.memref_squeeze %dma_start3A_28 : memref<1x128xi32, #tpu.memory_space<vmem>> -> memref<128xi32, #tpu.memory_space<vmem>>
    %dma_start3A_30 = arith.constant 0 : i32
    %dma_start3A_31 = tpu.memref_slice %dma_start3A_29[%dma_start3A_30] : memref<128xi32, #tpu.memory_space<vmem>> -> memref<128xi32, #tpu.memory_space<vmem>>
    %dma_start3A_32 = tpu.memref_slice %arg4[%add3A_20] : memref<160000xi32, #tpu.memory_space<hbm>> -> memref<128xi32, #tpu.memory_space<hbm>>
    tpu.enqueue_dma source(%dma_start3A_32 : memref<128xi32, #tpu.memory_space<hbm>>) target(%dma_start3A_31 : memref<128xi32, #tpu.memory_space<vmem>>) target_semaphore(%arg12 : memref<!tpu.dma_semaphore, #tpu.memory_space<semaphore_mem>>)
    %dma_start3A_33 = arith.constant 0 : i32
    %dma_start3A_34 = arith.constant 0 : i32
    %dma_start3A_35 = arith.constant 0 : i32
    %dma_start3A_36 = tpu.memref_slice %arg8[%dma_start3A_33, %dma_start3A_34, %dma_start3A_35] : memref<2x128x128xf32, #tpu.memory_space<vmem>> -> memref<1x128x128xf32, #tpu.memory_space<vmem>>
    %dma_start3A_37 = tpu.memref_squeeze %dma_start3A_36 : memref<1x128x128xf32, #tpu.memory_space<vmem>> -> memref<128x128xf32, #tpu.memory_space<vmem>>
    %dma_start3A_38 = arith.constant 0 : i32
    %dma_start3A_39 = arith.constant 0 : i32
    %dma_start3A_40 = tpu.memref_slice %dma_start3A_37[%dma_start3A_38, %dma_start3A_39] : memref<128x128xf32, #tpu.memory_space<vmem>> -> memref<128x128xf32, #tpu.memory_space<vmem>>
    %dma_start3A_41 = arith.constant 0 : i32
    %dma_start3A_42 = tpu.memref_slice %arg6[%dma_start3A_41] : memref<10000xi32, #tpu.memory_space<vmem>> -> memref<128xi32, #tpu.memory_space<vmem>>
    %dma_start3A_43 = arith.constant 0 : i32
    %dma_start3A_44 = arith.constant 0 : i32
    %dma_start3A_45 = tpu.memref_slice %arg2[%dma_start3A_43, %dma_start3A_44] : memref<20000x128xf32, #tpu.memory_space<hbm>> -> memref<20000x128xf32, #tpu.memory_space<hbm>>
    tpu.enqueue_indirect_dma source(%dma_start3A_45 : memref<20000x128xf32, #tpu.memory_space<hbm>>) target(%dma_start3A_40 : memref<128x128xf32, #tpu.memory_space<vmem>>) offsets(%dma_start3A_42 : memref<128xi32, #tpu.memory_space<vmem>>) semaphore(%arg10 : memref<!tpu.dma_semaphore, #tpu.memory_space<semaphore_mem>>)
    %mul3A_46 = arith.constant 10000 : i32
    %mul3A_47 = arith.muli %arg1, %mul3A_46 : i32
    %add3A_48 = arith.constant 128 : i32
    %add3A_49 = arith.addi %mul3A_47, %add3A_48 : i32
    %dma_start3A_50 = arith.constant 1 : i32
    %dma_start3A_51 = arith.constant 0 : i32
    %dma_start3A_52 = tpu.memref_slice %arg7[%dma_start3A_50, %dma_start3A_51] : memref<2x128xi32, #tpu.memory_space<vmem>> -> memref<1x128xi32, #tpu.memory_space<vmem>>
    %dma_start3A_53 = tpu.memref_squeeze %dma_start3A_52 : memref<1x128xi32, #tpu.memory_space<vmem>> -> memref<128xi32, #tpu.memory_space<vmem>>
    %dma_start3A_54 = arith.constant 0 : i32
    %dma_start3A_55 = tpu.memref_slice %dma_start3A_53[%dma_start3A_54] : memref<128xi32, #tpu.memory_space<vmem>> -> memref<128xi32, #tpu.memory_space<vmem>>
    %dma_start3A_56 = tpu.memref_slice %arg4[%add3A_49] : memref<160000xi32, #tpu.memory_space<hbm>> -> memref<128xi32, #tpu.memory_space<hbm>>
    %dma_start3A_57 = arith.constant 0 : i32
    %dma_start3A_58 = tpu.memref_slice %arg7[%dma_start3A_50, %dma_start3A_57] : memref<2x128xi32, #tpu.memory_space<vmem>> -> memref<1x128xi32, #tpu.memory_space<vmem>>
    %dma_start3A_59 = tpu.memref_squeeze %dma_start3A_58 : memref<1x128xi32, #tpu.memory_space<vmem>> -> memref<128xi32, #tpu.memory_space<vmem>>
    %dma_start3A_60 = arith.constant 0 : i32
    %dma_start3A_61 = tpu.memref_slice %dma_start3A_59[%dma_start3A_60] : memref<128xi32, #tpu.memory_space<vmem>> -> memref<128xi32, #tpu.memory_space<vmem>>
    %dma_start3A_62 = tpu.memref_slice %arg4[%add3A_49] : memref<160000xi32, #tpu.memory_space<hbm>> -> memref<128xi32, #tpu.memory_space<hbm>>
    tpu.enqueue_dma source(%dma_start3A_62 : memref<128xi32, #tpu.memory_space<hbm>>) target(%dma_start3A_61 : memref<128xi32, #tpu.memory_space<vmem>>) target_semaphore(%arg13 : memref<!tpu.dma_semaphore, #tpu.memory_space<semaphore_mem>>)
    %dma_start3A_63 = arith.constant 1 : i32
    %dma_start3A_64 = arith.constant 0 : i32
    %dma_start3A_65 = arith.constant 0 : i32
    %dma_start3A_66 = tpu.memref_slice %arg8[%dma_start3A_63, %dma_start3A_64, %dma_start3A_65] : memref<2x128x128xf32, #tpu.memory_space<vmem>> -> memref<1x128x128xf32, #tpu.memory_space<vmem>>
    %dma_start3A_67 = tpu.memref_squeeze %dma_start3A_66 : memref<1x128x128xf32, #tpu.memory_space<vmem>> -> memref<128x128xf32, #tpu.memory_space<vmem>>
    %dma_start3A_68 = arith.constant 0 : i32
    %dma_start3A_69 = arith.constant 0 : i32
    %dma_start3A_70 = tpu.memref_slice %dma_start3A_67[%dma_start3A_68, %dma_start3A_69] : memref<128x128xf32, #tpu.memory_space<vmem>> -> memref<128x128xf32, #tpu.memory_space<vmem>>
    %dma_start3A_71 = arith.constant 128 : i32
    %dma_start3A_72 = tpu.memref_slice %arg6[%dma_start3A_71] : memref<10000xi32, #tpu.memory_space<vmem>> -> memref<128xi32, #tpu.memory_space<vmem>>
    %dma_start3A_73 = arith.constant 0 : i32
    %dma_start3A_74 = arith.constant 0 : i32
    %dma_start3A_75 = tpu.memref_slice %arg2[%dma_start3A_73, %dma_start3A_74] : memref<20000x128xf32, #tpu.memory_space<hbm>> -> memref<20000x128xf32, #tpu.memory_space<hbm>>
    tpu.enqueue_indirect_dma source(%dma_start3A_75 : memref<20000x128xf32, #tpu.memory_space<hbm>>) target(%dma_start3A_70 : memref<128x128xf32, #tpu.memory_space<vmem>>) offsets(%dma_start3A_72 : memref<128xi32, #tpu.memory_space<vmem>>) semaphore(%arg11 : memref<!tpu.dma_semaphore, #tpu.memory_space<semaphore_mem>>)
    %scan3A_76 = arith.constant 0 : i32
    %scan3A_77 = arith.constant 39 : i32
    %scan3A_78 = arith.addi %scan3A_76, %scan3A_77 : i32
    %scan3A_79 = arith.constant 1 : i32
    scf.for %scan3A_145 = %scan3A_76 to %scan3A_78 step %scan3A_79  : i32 {
      %mul3A_146 = arith.constant 1 : i32
      %mul3A_147 = arith.muli %scan3A_145, %mul3A_146 : i32
      %add3A_148 = arith.constant 0 : i32
      %add3A_149 = arith.addi %add3A_148, %mul3A_147 : i32
      %mul3A_150 = arith.constant 2 : i32
      %mul3A_151 = arith.muli %add3A_149, %mul3A_150 : i32
      %add3A_152 = arith.constant 0 : i32
      %add3A_153 = arith.addi %mul3A_151, %add3A_152 : i32
      %mul3A_154 = arith.constant 10000 : i32
      %mul3A_155 = arith.muli %arg1, %mul3A_154 : i32
      %dma_wait3A_156 = arith.constant 0 : i32
      %dma_wait3A_157 = arith.constant 0 : i32
      %dma_wait3A_158 = tpu.memref_slice %arg7[%dma_wait3A_156, %dma_wait3A_157] : memref<2x128xi32, #tpu.memory_space<vmem>> -> memref<1x128xi32, #tpu.memory_space<vmem>>
      %dma_wait3A_159 = tpu.memref_squeeze %dma_wait3A_158 : memref<1x128xi32, #tpu.memory_space<vmem>> -> memref<128xi32, #tpu.memory_space<vmem>>
      %dma_wait3A_160 = arith.constant 0 : i32
      %dma_wait3A_161 = tpu.memref_slice %dma_wait3A_159[%dma_wait3A_160] : memref<128xi32, #tpu.memory_space<vmem>> -> memref<128xi32, #tpu.memory_space<vmem>>
      %dma_wait3A_162 = tpu.memref_slice %arg4[%mul3A_155] : memref<160000xi32, #tpu.memory_space<hbm>> -> memref<128xi32, #tpu.memory_space<hbm>>
      %dma_wait3A_163 = arith.constant 0 : i32
      %dma_wait3A_164 = tpu.memref_slice %arg7[%dma_wait3A_156, %dma_wait3A_163] : memref<2x128xi32, #tpu.memory_space<vmem>> -> memref<1x128xi32, #tpu.memory_space<vmem>>
      %dma_wait3A_165 = tpu.memref_squeeze %dma_wait3A_164 : memref<1x128xi32, #tpu.memory_space<vmem>> -> memref<128xi32, #tpu.memory_space<vmem>>
      %dma_wait3A_166 = arith.constant 0 : i32
      %dma_wait3A_167 = tpu.memref_slice %dma_wait3A_165[%dma_wait3A_166] : memref<128xi32, #tpu.memory_space<vmem>> -> memref<128xi32, #tpu.memory_space<vmem>>
      %dma_wait3A_168 = tpu.memref_slice %arg4[%mul3A_155] : memref<160000xi32, #tpu.memory_space<hbm>> -> memref<128xi32, #tpu.memory_space<hbm>>
      tpu.wait_dma2 semaphore(%arg12 : memref<!tpu.dma_semaphore, #tpu.memory_space<semaphore_mem>>) src(%dma_wait3A_168 : memref<128xi32, #tpu.memory_space<hbm>>) dst(%dma_wait3A_167 : memref<128xi32, #tpu.memory_space<vmem>>)
      %dma_wait3A_169 = arith.constant 0 : i32
      %dma_wait3A_170 = arith.constant 0 : i32
      %dma_wait3A_171 = arith.constant 0 : i32
      %dma_wait3A_172 = tpu.memref_slice %arg8[%dma_wait3A_169, %dma_wait3A_170, %dma_wait3A_171] : memref<2x128x128xf32, #tpu.memory_space<vmem>> -> memref<1x128x128xf32, #tpu.memory_space<vmem>>
      %dma_wait3A_173 = tpu.memref_squeeze %dma_wait3A_172 : memref<1x128x128xf32, #tpu.memory_space<vmem>> -> memref<128x128xf32, #tpu.memory_space<vmem>>
      %dma_wait3A_174 = arith.constant 0 : i32
      %dma_wait3A_175 = arith.constant 0 : i32
      %dma_wait3A_176 = tpu.memref_slice %dma_wait3A_173[%dma_wait3A_174, %dma_wait3A_175] : memref<128x128xf32, #tpu.memory_space<vmem>> -> memref<128x128xf32, #tpu.memory_space<vmem>>
      %dma_wait3A_177 = arith.constant 0 : i32
      %dma_wait3A_178 = tpu.memref_slice %arg6[%dma_wait3A_177] : memref<10000xi32, #tpu.memory_space<vmem>> -> memref<128xi32, #tpu.memory_space<vmem>>
      %dma_wait3A_179 = arith.constant 0 : i32
      %dma_wait3A_180 = arith.constant 0 : i32
      %dma_wait3A_181 = tpu.memref_slice %arg2[%dma_wait3A_179, %dma_wait3A_180] : memref<20000x128xf32, #tpu.memory_space<hbm>> -> memref<20000x128xf32, #tpu.memory_space<hbm>>
      tpu.wait_indirect_dma semaphore(%arg10 : memref<!tpu.dma_semaphore, #tpu.memory_space<semaphore_mem>>) src(%dma_wait3A_181 : memref<20000x128xf32, #tpu.memory_space<hbm>>) dst(%dma_wait3A_176 : memref<128x128xf32, #tpu.memory_space<vmem>>)
      %run_scoped3A_182 = arith.constant 0 : i32
      %run_scoped3A_183 = arith.constant 0 : i32
      "tpu.region"() ({
        %run_scoped3A_229 = tpu.sem_alloc : memref<!tpu.dma_semaphore, #tpu.memory_space<semaphore_mem>>
        %dma_start3A_230 = arith.constant 0 : i32
        %dma_start3A_231 = arith.constant 0 : i32
        %dma_start3A_232 = tpu.memref_slice %arg8[%run_scoped3A_182, %dma_start3A_230, %dma_start3A_231] : memref<2x128x128xf32, #tpu.memory_space<vmem>> -> memref<1x128x128xf32, #tpu.memory_space<vmem>>
        %dma_start3A_233 = tpu.memref_squeeze %dma_start3A_232 : memref<1x128x128xf32, #tpu.memory_space<vmem>> -> memref<128x128xf32, #tpu.memory_space<vmem>>
        %dma_start3A_234 = arith.constant 0 : i32
        %dma_start3A_235 = arith.constant 0 : i32
        %dma_start3A_236 = tpu.memref_slice %dma_start3A_233[%dma_start3A_234, %dma_start3A_235] : memref<128x128xf32, #tpu.memory_space<vmem>> -> memref<128x128xf32, #tpu.memory_space<vmem>>
        %dma_start3A_237 = arith.constant 0 : i32
        %dma_start3A_238 = tpu.memref_slice %arg7[%run_scoped3A_183, %dma_start3A_237] : memref<2x128xi32, #tpu.memory_space<vmem>> -> memref<1x128xi32, #tpu.memory_space<vmem>>
        %dma_start3A_239 = tpu.memref_squeeze %dma_start3A_238 : memref<1x128xi32, #tpu.memory_space<vmem>> -> memref<128xi32, #tpu.memory_space<vmem>>
        %dma_start3A_240 = arith.constant 0 : i32
        %dma_start3A_241 = tpu.memref_slice %dma_start3A_239[%dma_start3A_240] : memref<128xi32, #tpu.memory_space<vmem>> -> memref<128xi32, #tpu.memory_space<vmem>>
        %dma_start3A_242 = arith.constant 0 : i32
        %dma_start3A_243 = arith.constant 0 : i32
        %dma_start3A_244 = tpu.memref_slice %arg9[%dma_start3A_242, %dma_start3A_243] : memref<5120x128xf32, #tpu.memory_space<vmem_shared>> -> memref<5120x128xf32, #tpu.memory_space<vmem_shared>>
        tpu.enqueue_indirect_dma source(%dma_start3A_236 : memref<128x128xf32, #tpu.memory_space<vmem>>) target(%dma_start3A_244 : memref<5120x128xf32, #tpu.memory_space<vmem_shared>>) offsets(%dma_start3A_241 : memref<128xi32, #tpu.memory_space<vmem>>) semaphore(%run_scoped3A_229 : memref<!tpu.dma_semaphore, #tpu.memory_space<semaphore_mem>>) {add = true}
        %dma_wait3A_245 = arith.constant 0 : i32
        %dma_wait3A_246 = arith.constant 0 : i32
        %dma_wait3A_247 = tpu.memref_slice %arg8[%run_scoped3A_182, %dma_wait3A_245, %dma_wait3A_246] : memref<2x128x128xf32, #tpu.memory_space<vmem>> -> memref<1x128x128xf32, #tpu.memory_space<vmem>>
        %dma_wait3A_248 = tpu.memref_squeeze %dma_wait3A_247 : memref<1x128x128xf32, #tpu.memory_space<vmem>> -> memref<128x128xf32, #tpu.memory_space<vmem>>
        %dma_wait3A_249 = arith.constant 0 : i32
        %dma_wait3A_250 = arith.constant 0 : i32
        %dma_wait3A_251 = tpu.memref_slice %dma_wait3A_248[%dma_wait3A_249, %dma_wait3A_250] : memref<128x128xf32, #tpu.memory_space<vmem>> -> memref<128x128xf32, #tpu.memory_space<vmem>>
        %dma_wait3A_252 = arith.constant 0 : i32
        %dma_wait3A_253 = tpu.memref_slice %arg7[%run_scoped3A_183, %dma_wait3A_252] : memref<2x128xi32, #tpu.memory_space<vmem>> -> memref<1x128xi32, #tpu.memory_space<vmem>>
        %dma_wait3A_254 = tpu.memref_squeeze %dma_wait3A_253 : memref<1x128xi32, #tpu.memory_space<vmem>> -> memref<128xi32, #tpu.memory_space<vmem>>
        %dma_wait3A_255 = arith.constant 0 : i32
        %dma_wait3A_256 = tpu.memref_slice %dma_wait3A_254[%dma_wait3A_255] : memref<128xi32, #tpu.memory_space<vmem>> -> memref<128xi32, #tpu.memory_space<vmem>>
        %dma_wait3A_257 = arith.constant 0 : i32
        %dma_wait3A_258 = arith.constant 0 : i32
        %dma_wait3A_259 = tpu.memref_slice %arg9[%dma_wait3A_257, %dma_wait3A_258] : memref<5120x128xf32, #tpu.memory_space<vmem_shared>> -> memref<5120x128xf32, #tpu.memory_space<vmem_shared>>
        tpu.wait_indirect_dma semaphore(%run_scoped3A_229 : memref<!tpu.dma_semaphore, #tpu.memory_space<semaphore_mem>>) src(%dma_wait3A_251 : memref<128x128xf32, #tpu.memory_space<vmem>>) dst(%dma_wait3A_259 : memref<5120x128xf32, #tpu.memory_space<vmem_shared>>)
        tpu.yield
      }) : () -> ()
      %add3A_184 = arith.constant 2 : i32
      %add3A_185 = arith.addi %add3A_153, %add3A_184 : i32
      %lt3A = arith.constant 78 : i32
      %lt3A_186 = arith.cmpi slt, %add3A_185, %lt3A : i32
      %convert_element_type3A = arith.extui %lt3A_186 : i1 to i32
      %cond3A = arith.constant 0 : i32
      %cond3A_187 = arith.cmpi ne, %convert_element_type3A, %cond3A : i32
      scf.if %cond3A_187 {
        %add3A_229 = arith.constant 2 : i32
        %add3A_230 = arith.addi %add3A_153, %add3A_229 : i32
        %mul3A_231 = arith.constant 10000 : i32
        %mul3A_232 = arith.muli %arg1, %mul3A_231 : i32
        %mul3A_233 = arith.constant 128 : i32
        %mul3A_234 = arith.muli %add3A_230, %mul3A_233 : i32
        %add3A_235 = arith.addi %mul3A_232, %mul3A_234 : i32
        %dma_start3A_236 = arith.constant 0 : i32
        %dma_start3A_237 = arith.constant 0 : i32
        %dma_start3A_238 = tpu.memref_slice %arg7[%dma_start3A_236, %dma_start3A_237] : memref<2x128xi32, #tpu.memory_space<vmem>> -> memref<1x128xi32, #tpu.memory_space<vmem>>
        %dma_start3A_239 = tpu.memref_squeeze %dma_start3A_238 : memref<1x128xi32, #tpu.memory_space<vmem>> -> memref<128xi32, #tpu.memory_space<vmem>>
        %dma_start3A_240 = arith.constant 0 : i32
        %dma_start3A_241 = tpu.memref_slice %dma_start3A_239[%dma_start3A_240] : memref<128xi32, #tpu.memory_space<vmem>> -> memref<128xi32, #tpu.memory_space<vmem>>
        %dma_start3A_242 = tpu.memref_slice %arg4[%add3A_235] : memref<160000xi32, #tpu.memory_space<hbm>> -> memref<128xi32, #tpu.memory_space<hbm>>
        %dma_start3A_243 = arith.constant 0 : i32
        %dma_start3A_244 = tpu.memref_slice %arg7[%dma_start3A_236, %dma_start3A_243] : memref<2x128xi32, #tpu.memory_space<vmem>> -> memref<1x128xi32, #tpu.memory_space<vmem>>
        %dma_start3A_245 = tpu.memref_squeeze %dma_start3A_244 : memref<1x128xi32, #tpu.memory_space<vmem>> -> memref<128xi32, #tpu.memory_space<vmem>>
        %dma_start3A_246 = arith.constant 0 : i32
        %dma_start3A_247 = tpu.memref_slice %dma_start3A_245[%dma_start3A_246] : memref<128xi32, #tpu.memory_space<vmem>> -> memref<128xi32, #tpu.memory_space<vmem>>
        %dma_start3A_248 = tpu.memref_slice %arg4[%add3A_235] : memref<160000xi32, #tpu.memory_space<hbm>> -> memref<128xi32, #tpu.memory_space<hbm>>
        tpu.enqueue_dma source(%dma_start3A_248 : memref<128xi32, #tpu.memory_space<hbm>>) target(%dma_start3A_247 : memref<128xi32, #tpu.memory_space<vmem>>) target_semaphore(%arg12 : memref<!tpu.dma_semaphore, #tpu.memory_space<semaphore_mem>>)
        %mul3A_249 = arith.constant 128 : i32
        %mul3A_250 = arith.muli %add3A_230, %mul3A_249 : i32
        %dma_start3A_251 = arith.constant 0 : i32
        %dma_start3A_252 = arith.constant 0 : i32
        %dma_start3A_253 = arith.constant 0 : i32
        %dma_start3A_254 = tpu.memref_slice %arg8[%dma_start3A_251, %dma_start3A_252, %dma_start3A_253] : memref<2x128x128xf32, #tpu.memory_space<vmem>> -> memref<1x128x128xf32, #tpu.memory_space<vmem>>
        %dma_start3A_255 = tpu.memref_squeeze %dma_start3A_254 : memref<1x128x128xf32, #tpu.memory_space<vmem>> -> memref<128x128xf32, #tpu.memory_space<vmem>>
        %dma_start3A_256 = arith.constant 0 : i32
        %dma_start3A_257 = arith.constant 0 : i32
        %dma_start3A_258 = tpu.memref_slice %dma_start3A_255[%dma_start3A_256, %dma_start3A_257] : memref<128x128xf32, #tpu.memory_space<vmem>> -> memref<128x128xf32, #tpu.memory_space<vmem>>
        %dma_start3A_259 = tpu.memref_slice %arg6[%mul3A_250] : memref<10000xi32, #tpu.memory_space<vmem>> -> memref<128xi32, #tpu.memory_space<vmem>>
        %dma_start3A_260 = arith.constant 0 : i32
        %dma_start3A_261 = arith.constant 0 : i32
        %dma_start3A_262 = tpu.memref_slice %arg2[%dma_start3A_260, %dma_start3A_261] : memref<20000x128xf32, #tpu.memory_space<hbm>> -> memref<20000x128xf32, #tpu.memory_space<hbm>>
        tpu.enqueue_indirect_dma source(%dma_start3A_262 : memref<20000x128xf32, #tpu.memory_space<hbm>>) target(%dma_start3A_258 : memref<128x128xf32, #tpu.memory_space<vmem>>) offsets(%dma_start3A_259 : memref<128xi32, #tpu.memory_space<vmem>>) semaphore(%arg10 : memref<!tpu.dma_semaphore, #tpu.memory_space<semaphore_mem>>)
      } else {
      }
      %mul3A_188 = arith.constant 2 : i32
      %mul3A_189 = arith.muli %add3A_149, %mul3A_188 : i32
      %add3A_190 = arith.constant 1 : i32
      %add3A_191 = arith.addi %mul3A_189, %add3A_190 : i32
      %mul3A_192 = arith.constant 10000 : i32
      %mul3A_193 = arith.muli %arg1, %mul3A_192 : i32
      %dma_wait3A_194 = arith.constant 1 : i32
      %dma_wait3A_195 = arith.constant 0 : i32
      %dma_wait3A_196 = tpu.memref_slice %arg7[%dma_wait3A_194, %dma_wait3A_195] : memref<2x128xi32, #tpu.memory_space<vmem>> -> memref<1x128xi32, #tpu.memory_space<vmem>>
      %dma_wait3A_197 = tpu.memref_squeeze %dma_wait3A_196 : memref<1x128xi32, #tpu.memory_space<vmem>> -> memref<128xi32, #tpu.memory_space<vmem>>
      %dma_wait3A_198 = arith.constant 0 : i32
      %dma_wait3A_199 = tpu.memref_slice %dma_wait3A_197[%dma_wait3A_198] : memref<128xi32, #tpu.memory_space<vmem>> -> memref<128xi32, #tpu.memory_space<vmem>>
      %dma_wait3A_200 = tpu.memref_slice %arg4[%mul3A_193] : memref<160000xi32, #tpu.memory_space<hbm>> -> memref<128xi32, #tpu.memory_space<hbm>>
      %dma_wait3A_201 = arith.constant 0 : i32
      %dma_wait3A_202 = tpu.memref_slice %arg7[%dma_wait3A_194, %dma_wait3A_201] : memref<2x128xi32, #tpu.memory_space<vmem>> -> memref<1x128xi32, #tpu.memory_space<vmem>>
      %dma_wait3A_203 = tpu.memref_squeeze %dma_wait3A_202 : memref<1x128xi32, #tpu.memory_space<vmem>> -> memref<128xi32, #tpu.memory_space<vmem>>
      %dma_wait3A_204 = arith.constant 0 : i32
      %dma_wait3A_205 = tpu.memref_slice %dma_wait3A_203[%dma_wait3A_204] : memref<128xi32, #tpu.memory_space<vmem>> -> memref<128xi32, #tpu.memory_space<vmem>>
      %dma_wait3A_206 = tpu.memref_slice %arg4[%mul3A_193] : memref<160000xi32, #tpu.memory_space<hbm>> -> memref<128xi32, #tpu.memory_space<hbm>>
      tpu.wait_dma2 semaphore(%arg13 : memref<!tpu.dma_semaphore, #tpu.memory_space<semaphore_mem>>) src(%dma_wait3A_206 : memref<128xi32, #tpu.memory_space<hbm>>) dst(%dma_wait3A_205 : memref<128xi32, #tpu.memory_space<vmem>>)
      %dma_wait3A_207 = arith.constant 1 : i32
      %dma_wait3A_208 = arith.constant 0 : i32
      %dma_wait3A_209 = arith.constant 0 : i32
      %dma_wait3A_210 = tpu.memref_slice %arg8[%dma_wait3A_207, %dma_wait3A_208, %dma_wait3A_209] : memref<2x128x128xf32, #tpu.memory_space<vmem>> -> memref<1x128x128xf32, #tpu.memory_space<vmem>>
      %dma_wait3A_211 = tpu.memref_squeeze %dma_wait3A_210 : memref<1x128x128xf32, #tpu.memory_space<vmem>> -> memref<128x128xf32, #tpu.memory_space<vmem>>
      %dma_wait3A_212 = arith.constant 0 : i32
      %dma_wait3A_213 = arith.constant 0 : i32
      %dma_wait3A_214 = tpu.memref_slice %dma_wait3A_211[%dma_wait3A_212, %dma_wait3A_213] : memref<128x128xf32, #tpu.memory_space<vmem>> -> memref<128x128xf32, #tpu.memory_space<vmem>>
      %dma_wait3A_215 = arith.constant 0 : i32
      %dma_wait3A_216 = tpu.memref_slice %arg6[%dma_wait3A_215] : memref<10000xi32, #tpu.memory_space<vmem>> -> memref<128xi32, #tpu.memory_space<vmem>>
      %dma_wait3A_217 = arith.constant 0 : i32
      %dma_wait3A_218 = arith.constant 0 : i32
      %dma_wait3A_219 = tpu.memref_slice %arg2[%dma_wait3A_217, %dma_wait3A_218] : memref<20000x128xf32, #tpu.memory_space<hbm>> -> memref<20000x128xf32, #tpu.memory_space<hbm>>
      tpu.wait_indirect_dma semaphore(%arg11 : memref<!tpu.dma_semaphore, #tpu.memory_space<semaphore_mem>>) src(%dma_wait3A_219 : memref<20000x128xf32, #tpu.memory_space<hbm>>) dst(%dma_wait3A_214 : memref<128x128xf32, #tpu.memory_space<vmem>>)
      %run_scoped3A_220 = arith.constant 1 : i32
      %run_scoped3A_221 = arith.constant 1 : i32
      "tpu.region"() ({
        %run_scoped3A_229 = tpu.sem_alloc : memref<!tpu.dma_semaphore, #tpu.memory_space<semaphore_mem>>
        %dma_start3A_230 = arith.constant 0 : i32
        %dma_start3A_231 = arith.constant 0 : i32
        %dma_start3A_232 = tpu.memref_slice %arg8[%run_scoped3A_220, %dma_start3A_230, %dma_start3A_231] : memref<2x128x128xf32, #tpu.memory_space<vmem>> -> memref<1x128x128xf32, #tpu.memory_space<vmem>>
        %dma_start3A_233 = tpu.memref_squeeze %dma_start3A_232 : memref<1x128x128xf32, #tpu.memory_space<vmem>> -> memref<128x128xf32, #tpu.memory_space<vmem>>
        %dma_start3A_234 = arith.constant 0 : i32
        %dma_start3A_235 = arith.constant 0 : i32
        %dma_start3A_236 = tpu.memref_slice %dma_start3A_233[%dma_start3A_234, %dma_start3A_235] : memref<128x128xf32, #tpu.memory_space<vmem>> -> memref<128x128xf32, #tpu.memory_space<vmem>>
        %dma_start3A_237 = arith.constant 0 : i32
        %dma_start3A_238 = tpu.memref_slice %arg7[%run_scoped3A_221, %dma_start3A_237] : memref<2x128xi32, #tpu.memory_space<vmem>> -> memref<1x128xi32, #tpu.memory_space<vmem>>
        %dma_start3A_239 = tpu.memref_squeeze %dma_start3A_238 : memref<1x128xi32, #tpu.memory_space<vmem>> -> memref<128xi32, #tpu.memory_space<vmem>>
        %dma_start3A_240 = arith.constant 0 : i32
        %dma_start3A_241 = tpu.memref_slice %dma_start3A_239[%dma_start3A_240] : memref<128xi32, #tpu.memory_space<vmem>> -> memref<128xi32, #tpu.memory_space<vmem>>
        %dma_start3A_242 = arith.constant 0 : i32
        %dma_start3A_243 = arith.constant 0 : i32
        %dma_start3A_244 = tpu.memref_slice %arg9[%dma_start3A_242, %dma_start3A_243] : memref<5120x128xf32, #tpu.memory_space<vmem_shared>> -> memref<5120x128xf32, #tpu.memory_space<vmem_shared>>
        tpu.enqueue_indirect_dma source(%dma_start3A_236 : memref<128x128xf32, #tpu.memory_space<vmem>>) target(%dma_start3A_244 : memref<5120x128xf32, #tpu.memory_space<vmem_shared>>) offsets(%dma_start3A_241 : memref<128xi32, #tpu.memory_space<vmem>>) semaphore(%run_scoped3A_229 : memref<!tpu.dma_semaphore, #tpu.memory_space<semaphore_mem>>) {add = true}
        %dma_wait3A_245 = arith.constant 0 : i32
        %dma_wait3A_246 = arith.constant 0 : i32
        %dma_wait3A_247 = tpu.memref_slice %arg8[%run_scoped3A_220, %dma_wait3A_245, %dma_wait3A_246] : memref<2x128x128xf32, #tpu.memory_space<vmem>> -> memref<1x128x128xf32, #tpu.memory_space<vmem>>
        %dma_wait3A_248 = tpu.memref_squeeze %dma_wait3A_247 : memref<1x128x128xf32, #tpu.memory_space<vmem>> -> memref<128x128xf32, #tpu.memory_space<vmem>>
        %dma_wait3A_249 = arith.constant 0 : i32
        %dma_wait3A_250 = arith.constant 0 : i32
        %dma_wait3A_251 = tpu.memref_slice %dma_wait3A_248[%dma_wait3A_249, %dma_wait3A_250] : memref<128x128xf32, #tpu.memory_space<vmem>> -> memref<128x128xf32, #tpu.memory_space<vmem>>
        %dma_wait3A_252 = arith.constant 0 : i32
        %dma_wait3A_253 = tpu.memref_slice %arg7[%run_scoped3A_221, %dma_wait3A_252] : memref<2x128xi32, #tpu.memory_space<vmem>> -> memref<1x128xi32, #tpu.memory_space<vmem>>
        %dma_wait3A_254 = tpu.memref_squeeze %dma_wait3A_253 : memref<1x128xi32, #tpu.memory_space<vmem>> -> memref<128xi32, #tpu.memory_space<vmem>>
        %dma_wait3A_255 = arith.constant 0 : i32
        %dma_wait3A_256 = tpu.memref_slice %dma_wait3A_254[%dma_wait3A_255] : memref<128xi32, #tpu.memory_space<vmem>> -> memref<128xi32, #tpu.memory_space<vmem>>
        %dma_wait3A_257 = arith.constant 0 : i32
        %dma_wait3A_258 = arith.constant 0 : i32
        %dma_wait3A_259 = tpu.memref_slice %arg9[%dma_wait3A_257, %dma_wait3A_258] : memref<5120x128xf32, #tpu.memory_space<vmem_shared>> -> memref<5120x128xf32, #tpu.memory_space<vmem_shared>>
        tpu.wait_indirect_dma semaphore(%run_scoped3A_229 : memref<!tpu.dma_semaphore, #tpu.memory_space<semaphore_mem>>) src(%dma_wait3A_251 : memref<128x128xf32, #tpu.memory_space<vmem>>) dst(%dma_wait3A_259 : memref<5120x128xf32, #tpu.memory_space<vmem_shared>>)
        tpu.yield
      }) : () -> ()
      %add3A_222 = arith.constant 2 : i32
      %add3A_223 = arith.addi %add3A_191, %add3A_222 : i32
      %lt3A_224 = arith.constant 78 : i32
      %lt3A_225 = arith.cmpi slt, %add3A_223, %lt3A_224 : i32
      %convert_element_type3A_226 = arith.extui %lt3A_225 : i1 to i32
      %cond3A_227 = arith.constant 0 : i32
      %cond3A_228 = arith.cmpi ne, %convert_element_type3A_226, %cond3A_227 : i32
      scf.if %cond3A_228 {
        %add3A_229 = arith.constant 2 : i32
        %add3A_230 = arith.addi %add3A_191, %add3A_229 : i32
        %mul3A_231 = arith.constant 10000 : i32
        %mul3A_232 = arith.muli %arg1, %mul3A_231 : i32
        %mul3A_233 = arith.constant 128 : i32
        %mul3A_234 = arith.muli %add3A_230, %mul3A_233 : i32
        %add3A_235 = arith.addi %mul3A_232, %mul3A_234 : i32
        %dma_start3A_236 = arith.constant 1 : i32
        %dma_start3A_237 = arith.constant 0 : i32
        %dma_start3A_238 = tpu.memref_slice %arg7[%dma_start3A_236, %dma_start3A_237] : memref<2x128xi32, #tpu.memory_space<vmem>> -> memref<1x128xi32, #tpu.memory_space<vmem>>
        %dma_start3A_239 = tpu.memref_squeeze %dma_start3A_238 : memref<1x128xi32, #tpu.memory_space<vmem>> -> memref<128xi32, #tpu.memory_space<vmem>>
        %dma_start3A_240 = arith.constant 0 : i32
        %dma_start3A_241 = tpu.memref_slice %dma_start3A_239[%dma_start3A_240] : memref<128xi32, #tpu.memory_space<vmem>> -> memref<128xi32, #tpu.memory_space<vmem>>
        %dma_start3A_242 = tpu.memref_slice %arg4[%add3A_235] : memref<160000xi32, #tpu.memory_space<hbm>> -> memref<128xi32, #tpu.memory_space<hbm>>
        %dma_start3A_243 = arith.constant 0 : i32
        %dma_start3A_244 = tpu.memref_slice %arg7[%dma_start3A_236, %dma_start3A_243] : memref<2x128xi32, #tpu.memory_space<vmem>> -> memref<1x128xi32, #tpu.memory_space<vmem>>
        %dma_start3A_245 = tpu.memref_squeeze %dma_start3A_244 : memref<1x128xi32, #tpu.memory_space<vmem>> -> memref<128xi32, #tpu.memory_space<vmem>>
        %dma_start3A_246 = arith.constant 0 : i32
        %dma_start3A_247 = tpu.memref_slice %dma_start3A_245[%dma_start3A_246] : memref<128xi32, #tpu.memory_space<vmem>> -> memref<128xi32, #tpu.memory_space<vmem>>
        %dma_start3A_248 = tpu.memref_slice %arg4[%add3A_235] : memref<160000xi32, #tpu.memory_space<hbm>> -> memref<128xi32, #tpu.memory_space<hbm>>
        tpu.enqueue_dma source(%dma_start3A_248 : memref<128xi32, #tpu.memory_space<hbm>>) target(%dma_start3A_247 : memref<128xi32, #tpu.memory_space<vmem>>) target_semaphore(%arg13 : memref<!tpu.dma_semaphore, #tpu.memory_space<semaphore_mem>>)
        %mul3A_249 = arith.constant 128 : i32
        %mul3A_250 = arith.muli %add3A_230, %mul3A_249 : i32
        %dma_start3A_251 = arith.constant 1 : i32
        %dma_start3A_252 = arith.constant 0 : i32
        %dma_start3A_253 = arith.constant 0 : i32
        %dma_start3A_254 = tpu.memref_slice %arg8[%dma_start3A_251, %dma_start3A_252, %dma_start3A_253] : memref<2x128x128xf32, #tpu.memory_space<vmem>> -> memref<1x128x128xf32, #tpu.memory_space<vmem>>
        %dma_start3A_255 = tpu.memref_squeeze %dma_start3A_254 : memref<1x128x128xf32, #tpu.memory_space<vmem>> -> memref<128x128xf32, #tpu.memory_space<vmem>>
        %dma_start3A_256 = arith.constant 0 : i32
        %dma_start3A_257 = arith.constant 0 : i32
        %dma_start3A_258 = tpu.memref_slice %dma_start3A_255[%dma_start3A_256, %dma_start3A_257] : memref<128x128xf32, #tpu.memory_space<vmem>> -> memref<128x128xf32, #tpu.memory_space<vmem>>
        %dma_start3A_259 = tpu.memref_slice %arg6[%mul3A_250] : memref<10000xi32, #tpu.memory_space<vmem>> -> memref<128xi32, #tpu.memory_space<vmem>>
        %dma_start3A_260 = arith.constant 0 : i32
        %dma_start3A_261 = arith.constant 0 : i32
        %dma_start3A_262 = tpu.memref_slice %arg2[%dma_start3A_260, %dma_start3A_261] : memref<20000x128xf32, #tpu.memory_space<hbm>> -> memref<20000x128xf32, #tpu.memory_space<hbm>>
        tpu.enqueue_indirect_dma source(%dma_start3A_262 : memref<20000x128xf32, #tpu.memory_space<hbm>>) target(%dma_start3A_258 : memref<128x128xf32, #tpu.memory_space<vmem>>) offsets(%dma_start3A_259 : memref<128xi32, #tpu.memory_space<vmem>>) semaphore(%arg11 : memref<!tpu.dma_semaphore, #tpu.memory_space<semaphore_mem>>)
      } else {
      }
    }
    %scan3A_80 = arith.constant 39 : i32
    %mul3A_81 = arith.constant 10000 : i32
    %mul3A_82 = arith.muli %arg1, %mul3A_81 : i32
    %add3A_83 = arith.constant 9984 : i32
    %add3A_84 = arith.addi %mul3A_82, %add3A_83 : i32
    %dma_start3A_85 = arith.constant 0 : i32
    %dma_start3A_86 = arith.constant 0 : i32
    %dma_start3A_87 = tpu.memref_slice %arg7[%dma_start3A_85, %dma_start3A_86] : memref<2x128xi32, #tpu.memory_space<vmem>> -> memref<1x128xi32, #tpu.memory_space<vmem>>
    %dma_start3A_88 = tpu.memref_squeeze %dma_start3A_87 : memref<1x128xi32, #tpu.memory_space<vmem>> -> memref<128xi32, #tpu.memory_space<vmem>>
    %dma_start3A_89 = arith.constant 0 : i32
    %dma_start3A_90 = tpu.memref_slice %dma_start3A_88[%dma_start3A_89] : memref<128xi32, #tpu.memory_space<vmem>> -> memref<16xi32, #tpu.memory_space<vmem>>
    %dma_start3A_91 = tpu.memref_slice %arg4[%add3A_84] : memref<160000xi32, #tpu.memory_space<hbm>> -> memref<16xi32, #tpu.memory_space<hbm>>
    %dma_start3A_92 = arith.constant 0 : i32
    %dma_start3A_93 = tpu.memref_slice %arg7[%dma_start3A_85, %dma_start3A_92] : memref<2x128xi32, #tpu.memory_space<vmem>> -> memref<1x128xi32, #tpu.memory_space<vmem>>
    %dma_start3A_94 = tpu.memref_squeeze %dma_start3A_93 : memref<1x128xi32, #tpu.memory_space<vmem>> -> memref<128xi32, #tpu.memory_space<vmem>>
    %dma_start3A_95 = arith.constant 0 : i32
    %dma_start3A_96 = tpu.memref_slice %dma_start3A_94[%dma_start3A_95] : memref<128xi32, #tpu.memory_space<vmem>> -> memref<16xi32, #tpu.memory_space<vmem>>
    %dma_start3A_97 = tpu.memref_slice %arg4[%add3A_84] : memref<160000xi32, #tpu.memory_space<hbm>> -> memref<16xi32, #tpu.memory_space<hbm>>
    tpu.enqueue_dma source(%dma_start3A_97 : memref<16xi32, #tpu.memory_space<hbm>>) target(%dma_start3A_96 : memref<16xi32, #tpu.memory_space<vmem>>) target_semaphore(%arg12 : memref<!tpu.dma_semaphore, #tpu.memory_space<semaphore_mem>>)
    %dma_start3A_98 = arith.constant 0 : i32
    %dma_start3A_99 = arith.constant 0 : i32
    %dma_start3A_100 = arith.constant 0 : i32
    %dma_start3A_101 = tpu.memref_slice %arg8[%dma_start3A_98, %dma_start3A_99, %dma_start3A_100] : memref<2x128x128xf32, #tpu.memory_space<vmem>> -> memref<1x128x128xf32, #tpu.memory_space<vmem>>
    %dma_start3A_102 = tpu.memref_squeeze %dma_start3A_101 : memref<1x128x128xf32, #tpu.memory_space<vmem>> -> memref<128x128xf32, #tpu.memory_space<vmem>>
    %dma_start3A_103 = arith.constant 0 : i32
    %dma_start3A_104 = arith.constant 0 : i32
    %dma_start3A_105 = tpu.memref_slice %dma_start3A_102[%dma_start3A_103, %dma_start3A_104] : memref<128x128xf32, #tpu.memory_space<vmem>> -> memref<16x128xf32, #tpu.memory_space<vmem>>
    %dma_start3A_106 = arith.constant 9984 : i32
    %dma_start3A_107 = tpu.memref_slice %arg6[%dma_start3A_106] : memref<10000xi32, #tpu.memory_space<vmem>> -> memref<16xi32, #tpu.memory_space<vmem>>
    %dma_start3A_108 = arith.constant 0 : i32
    %dma_start3A_109 = arith.constant 0 : i32
    %dma_start3A_110 = tpu.memref_slice %arg2[%dma_start3A_108, %dma_start3A_109] : memref<20000x128xf32, #tpu.memory_space<hbm>> -> memref<20000x128xf32, #tpu.memory_space<hbm>>
    tpu.enqueue_indirect_dma source(%dma_start3A_110 : memref<20000x128xf32, #tpu.memory_space<hbm>>) target(%dma_start3A_105 : memref<16x128xf32, #tpu.memory_space<vmem>>) offsets(%dma_start3A_107 : memref<16xi32, #tpu.memory_space<vmem>>) semaphore(%arg10 : memref<!tpu.dma_semaphore, #tpu.memory_space<semaphore_mem>>)
    %mul3A_111 = arith.constant 10000 : i32
    %mul3A_112 = arith.muli %arg1, %mul3A_111 : i32
    %dma_wait3A = arith.constant 0 : i32
    %dma_wait3A_113 = arith.constant 0 : i32
    %dma_wait3A_114 = tpu.memref_slice %arg7[%dma_wait3A, %dma_wait3A_113] : memref<2x128xi32, #tpu.memory_space<vmem>> -> memref<1x128xi32, #tpu.memory_space<vmem>>
    %dma_wait3A_115 = tpu.memref_squeeze %dma_wait3A_114 : memref<1x128xi32, #tpu.memory_space<vmem>> -> memref<128xi32, #tpu.memory_space<vmem>>
    %dma_wait3A_116 = arith.constant 0 : i32
    %dma_wait3A_117 = tpu.memref_slice %dma_wait3A_115[%dma_wait3A_116] : memref<128xi32, #tpu.memory_space<vmem>> -> memref<16xi32, #tpu.memory_space<vmem>>
    %dma_wait3A_118 = tpu.memref_slice %arg4[%mul3A_112] : memref<160000xi32, #tpu.memory_space<hbm>> -> memref<16xi32, #tpu.memory_space<hbm>>
    %dma_wait3A_119 = arith.constant 0 : i32
    %dma_wait3A_120 = tpu.memref_slice %arg7[%dma_wait3A, %dma_wait3A_119] : memref<2x128xi32, #tpu.memory_space<vmem>> -> memref<1x128xi32, #tpu.memory_space<vmem>>
    %dma_wait3A_121 = tpu.memref_squeeze %dma_wait3A_120 : memref<1x128xi32, #tpu.memory_space<vmem>> -> memref<128xi32, #tpu.memory_space<vmem>>
    %dma_wait3A_122 = arith.constant 0 : i32
    %dma_wait3A_123 = tpu.memref_slice %dma_wait3A_121[%dma_wait3A_122] : memref<128xi32, #tpu.memory_space<vmem>> -> memref<16xi32, #tpu.memory_space<vmem>>
    %dma_wait3A_124 = tpu.memref_slice %arg4[%mul3A_112] : memref<160000xi32, #tpu.memory_space<hbm>> -> memref<16xi32, #tpu.memory_space<hbm>>
    tpu.wait_dma2 semaphore(%arg12 : memref<!tpu.dma_semaphore, #tpu.memory_space<semaphore_mem>>) src(%dma_wait3A_124 : memref<16xi32, #tpu.memory_space<hbm>>) dst(%dma_wait3A_123 : memref<16xi32, #tpu.memory_space<vmem>>)
    %dma_wait3A_125 = arith.constant 0 : i32
    %dma_wait3A_126 = arith.constant 0 : i32
    %dma_wait3A_127 = arith.constant 0 : i32
    %dma_wait3A_128 = tpu.memref_slice %arg8[%dma_wait3A_125, %dma_wait3A_126, %dma_wait3A_127] : memref<2x128x128xf32, #tpu.memory_space<vmem>> -> memref<1x128x128xf32, #tpu.memory_space<vmem>>
    %dma_wait3A_129 = tpu.memref_squeeze %dma_wait3A_128 : memref<1x128x128xf32, #tpu.memory_space<vmem>> -> memref<128x128xf32, #tpu.memory_space<vmem>>
    %dma_wait3A_130 = arith.constant 0 : i32
    %dma_wait3A_131 = arith.constant 0 : i32
    %dma_wait3A_132 = tpu.memref_slice %dma_wait3A_129[%dma_wait3A_130, %dma_wait3A_131] : memref<128x128xf32, #tpu.memory_space<vmem>> -> memref<16x128xf32, #tpu.memory_space<vmem>>
    %dma_wait3A_133 = arith.constant 0 : i32
    %dma_wait3A_134 = tpu.memref_slice %arg6[%dma_wait3A_133] : memref<10000xi32, #tpu.memory_space<vmem>> -> memref<16xi32, #tpu.memory_space<vmem>>
    %dma_wait3A_135 = arith.constant 0 : i32
    %dma_wait3A_136 = arith.constant 0 : i32
    %dma_wait3A_137 = tpu.memref_slice %arg2[%dma_wait3A_135, %dma_wait3A_136] : memref<20000x128xf32, #tpu.memory_space<hbm>> -> memref<20000x128xf32, #tpu.memory_space<hbm>>
    tpu.wait_indirect_dma semaphore(%arg10 : memref<!tpu.dma_semaphore, #tpu.memory_space<semaphore_mem>>) src(%dma_wait3A_137 : memref<20000x128xf32, #tpu.memory_space<hbm>>) dst(%dma_wait3A_132 : memref<16x128xf32, #tpu.memory_space<vmem>>)
    %run_scoped3A = arith.constant 0 : i32
    %run_scoped3A_138 = arith.constant 0 : i32
    "tpu.region"() ({
      %run_scoped3A_145 = tpu.sem_alloc : memref<!tpu.dma_semaphore, #tpu.memory_space<semaphore_mem>>
      %dma_start3A_146 = arith.constant 0 : i32
      %dma_start3A_147 = arith.constant 0 : i32
      %dma_start3A_148 = tpu.memref_slice %arg8[%run_scoped3A, %dma_start3A_146, %dma_start3A_147] : memref<2x128x128xf32, #tpu.memory_space<vmem>> -> memref<1x128x128xf32, #tpu.memory_space<vmem>>
      %dma_start3A_149 = tpu.memref_squeeze %dma_start3A_148 : memref<1x128x128xf32, #tpu.memory_space<vmem>> -> memref<128x128xf32, #tpu.memory_space<vmem>>
      %dma_start3A_150 = arith.constant 0 : i32
      %dma_start3A_151 = arith.constant 0 : i32
      %dma_start3A_152 = tpu.memref_slice %dma_start3A_149[%dma_start3A_150, %dma_start3A_151] : memref<128x128xf32, #tpu.memory_space<vmem>> -> memref<16x128xf32, #tpu.memory_space<vmem>>
      %dma_start3A_153 = arith.constant 0 : i32
      %dma_start3A_154 = tpu.memref_slice %arg7[%run_scoped3A_138, %dma_start3A_153] : memref<2x128xi32, #tpu.memory_space<vmem>> -> memref<1x128xi32, #tpu.memory_space<vmem>>
      %dma_start3A_155 = tpu.memref_squeeze %dma_start3A_154 : memref<1x128xi32, #tpu.memory_space<vmem>> -> memref<128xi32, #tpu.memory_space<vmem>>
      %dma_start3A_156 = arith.constant 0 : i32
      %dma_start3A_157 = tpu.memref_slice %dma_start3A_155[%dma_start3A_156] : memref<128xi32, #tpu.memory_space<vmem>> -> memref<16xi32, #tpu.memory_space<vmem>>
      %dma_start3A_158 = arith.constant 0 : i32
      %dma_start3A_159 = arith.constant 0 : i32
      %dma_start3A_160 = tpu.memref_slice %arg9[%dma_start3A_158, %dma_start3A_159] : memref<5120x128xf32, #tpu.memory_space<vmem_shared>> -> memref<5120x128xf32, #tpu.memory_space<vmem_shared>>
      tpu.enqueue_indirect_dma source(%dma_start3A_152 : memref<16x128xf32, #tpu.memory_space<vmem>>) target(%dma_start3A_160 : memref<5120x128xf32, #tpu.memory_space<vmem_shared>>) offsets(%dma_start3A_157 : memref<16xi32, #tpu.memory_space<vmem>>) semaphore(%run_scoped3A_145 : memref<!tpu.dma_semaphore, #tpu.memory_space<semaphore_mem>>) {add = true}
      %dma_wait3A_161 = arith.constant 0 : i32
      %dma_wait3A_162 = arith.constant 0 : i32
      %dma_wait3A_163 = tpu.memref_slice %arg8[%run_scoped3A, %dma_wait3A_161, %dma_wait3A_162] : memref<2x128x128xf32, #tpu.memory_space<vmem>> -> memref<1x128x128xf32, #tpu.memory_space<vmem>>
      %dma_wait3A_164 = tpu.memref_squeeze %dma_wait3A_163 : memref<1x128x128xf32, #tpu.memory_space<vmem>> -> memref<128x128xf32, #tpu.memory_space<vmem>>
      %dma_wait3A_165 = arith.constant 0 : i32
      %dma_wait3A_166 = arith.constant 0 : i32
      %dma_wait3A_167 = tpu.memref_slice %dma_wait3A_164[%dma_wait3A_165, %dma_wait3A_166] : memref<128x128xf32, #tpu.memory_space<vmem>> -> memref<16x128xf32, #tpu.memory_space<vmem>>
      %dma_wait3A_168 = arith.constant 0 : i32
      %dma_wait3A_169 = tpu.memref_slice %arg7[%run_scoped3A_138, %dma_wait3A_168] : memref<2x128xi32, #tpu.memory_space<vmem>> -> memref<1x128xi32, #tpu.memory_space<vmem>>
      %dma_wait3A_170 = tpu.memref_squeeze %dma_wait3A_169 : memref<1x128xi32, #tpu.memory_space<vmem>> -> memref<128xi32, #tpu.memory_space<vmem>>
      %dma_wait3A_171 = arith.constant 0 : i32
      %dma_wait3A_172 = tpu.memref_slice %dma_wait3A_170[%dma_wait3A_171] : memref<128xi32, #tpu.memory_space<vmem>> -> memref<16xi32, #tpu.memory_space<vmem>>
      %dma_wait3A_173 = arith.constant 0 : i32
      %dma_wait3A_174 = arith.constant 0 : i32
      %dma_wait3A_175 = tpu.memref_slice %arg9[%dma_wait3A_173, %dma_wait3A_174] : memref<5120x128xf32, #tpu.memory_space<vmem_shared>> -> memref<5120x128xf32, #tpu.memory_space<vmem_shared>>
      tpu.wait_indirect_dma semaphore(%run_scoped3A_145 : memref<!tpu.dma_semaphore, #tpu.memory_space<semaphore_mem>>) src(%dma_wait3A_167 : memref<16x128xf32, #tpu.memory_space<vmem>>) dst(%dma_wait3A_175 : memref<5120x128xf32, #tpu.memory_space<vmem_shared>>)
      tpu.yield
    }) : () -> ()
    %barrier3A_139 = arith.constant 0 : index
    tpu.barrier barrier_id(%barrier3A_139)
    %scan3A_140 = arith.constant 0 : i32
    %scan3A_141 = arith.constant 4 : i32
    %scan3A_142 = arith.addi %scan3A_140, %scan3A_141 : i32
    %scan3A_143 = arith.constant 1 : i32
    scf.for %scan3A_145 = %scan3A_140 to %scan3A_142 step %scan3A_143  : i32 {
      %mul3A_146 = arith.constant 1 : i32
      %mul3A_147 = arith.muli %scan3A_145, %mul3A_146 : i32
      %add3A_148 = arith.constant 0 : i32
      %add3A_149 = arith.addi %add3A_148, %mul3A_147 : i32
      %mul3A_150 = arith.constant 320 : i32
      %mul3A_151 = arith.muli %arg1, %mul3A_150 : i32
      %mul3A_152 = arith.constant 80 : i32
      %mul3A_153 = arith.muli %add3A_149, %mul3A_152 : i32
      %add3A_154 = arith.addi %mul3A_151, %mul3A_153 : i32
      %mul3A_155 = arith.constant 320 : i32
      %mul3A_156 = arith.muli %arg1, %mul3A_155 : i32
      %mul3A_157 = arith.constant 80 : i32
      %mul3A_158 = arith.muli %add3A_149, %mul3A_157 : i32
      %add3A_159 = arith.addi %mul3A_156, %mul3A_158 : i32
      "tpu.region"() ({
        %run_scoped3A_160 = tpu.sem_alloc : memref<!tpu.dma_semaphore, #tpu.memory_space<semaphore_mem>>
        %dma_start3A_161 = arith.constant 0 : i32
        %dma_start3A_162 = tpu.memref_slice %arg5[%arg0, %add3A_159, %dma_start3A_161] : memref<2x5120x128xf32, #tpu.memory_space<hbm>> -> memref<1x80x128xf32, #tpu.memory_space<hbm>>
        %dma_start3A_163 = tpu.memref_squeeze %dma_start3A_162 : memref<1x80x128xf32, #tpu.memory_space<hbm>> -> memref<80x128xf32, #tpu.memory_space<hbm>>
        %dma_start3A_164 = arith.constant 0 : i32
        %dma_start3A_165 = tpu.memref_slice %arg9[%add3A_154, %dma_start3A_164] : memref<5120x128xf32, #tpu.memory_space<vmem_shared>> -> memref<80x128xf32, #tpu.memory_space<vmem_shared>>
        tpu.enqueue_dma source(%dma_start3A_165 : memref<80x128xf32, #tpu.memory_space<vmem_shared>>) target(%dma_start3A_163 : memref<80x128xf32, #tpu.memory_space<hbm>>) target_semaphore(%run_scoped3A_160 : memref<!tpu.dma_semaphore, #tpu.memory_space<semaphore_mem>>)
        %dma_wait3A_166 = arith.constant 0 : i32
        %dma_wait3A_167 = tpu.memref_slice %arg5[%arg0, %add3A_159, %dma_wait3A_166] : memref<2x5120x128xf32, #tpu.memory_space<hbm>> -> memref<1x80x128xf32, #tpu.memory_space<hbm>>
        %dma_wait3A_168 = tpu.memref_squeeze %dma_wait3A_167 : memref<1x80x128xf32, #tpu.memory_space<hbm>> -> memref<80x128xf32, #tpu.memory_space<hbm>>
        %dma_wait3A_169 = arith.constant 0 : i32
        %dma_wait3A_170 = tpu.memref_slice %arg9[%add3A_154, %dma_wait3A_169] : memref<5120x128xf32, #tpu.memory_space<vmem_shared>> -> memref<80x128xf32, #tpu.memory_space<vmem_shared>>
        tpu.wait_dma2 semaphore(%run_scoped3A_160 : memref<!tpu.dma_semaphore, #tpu.memory_space<semaphore_mem>>) src(%dma_wait3A_170 : memref<80x128xf32, #tpu.memory_space<vmem_shared>>) dst(%dma_wait3A_168 : memref<80x128xf32, #tpu.memory_space<hbm>>)
        tpu.yield
      }) : () -> ()
    }
    %scan3A_144 = arith.constant 4 : i32
    return
  }
}

#map = affine_map<(d0, d1) -> (0, 0)>
#map1 = affine_map<(d0, d1) -> (0)>
#map2 = affine_map<(d0, d1) -> (0, 0, 0)>
module attributes {stable_mosaic.version = 14 : i64} {
  func.func @pass_kernel(%arg0: i32, %arg1: i32, %arg2: memref<10000x128xf32, #tpu.memory_space<hbm>>, %arg3: memref<160000xi32, #tpu.memory_space<hbm>>, %arg4: memref<160000xi32, #tpu.memory_space<hbm>>, %arg5: memref<2x10240x128xf32, #tpu.memory_space<hbm>>, %arg6: memref<10000xi32, #tpu.memory_space<vmem>>, %arg7: memref<2x128xi32, #tpu.memory_space<vmem>>, %arg8: memref<2x128x128xf32, #tpu.memory_space<vmem>>, %arg9: memref<10240x128xf32, #tpu.memory_space<vmem_shared>>, %arg10: memref<!tpu.dma_semaphore, #tpu.memory_space<semaphore_mem>>, %arg11: memref<!tpu.dma_semaphore, #tpu.memory_space<semaphore_mem>>, %arg12: memref<!tpu.dma_semaphore, #tpu.memory_space<semaphore_mem>>, %arg13: memref<!tpu.dma_semaphore, #tpu.memory_space<semaphore_mem>>) attributes {dimension_semantics = [#tpu.dimension_semantics<core_parallel>, #tpu.dimension_semantics<subcore_parallel>], iteration_bounds = array<i64: 2, 16>, scalar_prefetch = 0 : i64, scratch_operands = 8 : i64, tpu.core_type = #tpu.core_type<sc_vector_subcore>, window_params = [{transform_indices = #map}, {transform_indices = #map1}, {transform_indices = #map1}, {transform_indices = #map2}]} {
    %mul3A = arith.constant 5000 : i32
    %mul3A_0 = arith.muli %arg0, %mul3A : i32
    %mul3A_1 = arith.constant 10000 : i32
    %mul3A_2 = arith.muli %arg1, %mul3A_1 : i32
    "tpu.region"() ({
      %run_scoped3A_145 = tpu.sem_alloc : memref<!tpu.dma_semaphore, #tpu.memory_space<semaphore_mem>>
      %dma_start3A_146 = tpu.memref_slice %arg3[%mul3A_2] : memref<160000xi32, #tpu.memory_space<hbm>> -> memref<10000xi32, #tpu.memory_space<hbm>>
      %dma_start3A_147 = tpu.memref_slice %arg3[%mul3A_2] : memref<160000xi32, #tpu.memory_space<hbm>> -> memref<10000xi32, #tpu.memory_space<hbm>>
      tpu.enqueue_dma source(%dma_start3A_147 : memref<10000xi32, #tpu.memory_space<hbm>>) target(%arg6 : memref<10000xi32, #tpu.memory_space<vmem>>) target_semaphore(%run_scoped3A_145 : memref<!tpu.dma_semaphore, #tpu.memory_space<semaphore_mem>>)
      %dma_wait3A_148 = tpu.memref_slice %arg3[%mul3A_2] : memref<160000xi32, #tpu.memory_space<hbm>> -> memref<10000xi32, #tpu.memory_space<hbm>>
      %dma_wait3A_149 = tpu.memref_slice %arg3[%mul3A_2] : memref<160000xi32, #tpu.memory_space<hbm>> -> memref<10000xi32, #tpu.memory_space<hbm>>
      tpu.wait_dma2 semaphore(%run_scoped3A_145 : memref<!tpu.dma_semaphore, #tpu.memory_space<semaphore_mem>>) src(%dma_wait3A_149 : memref<10000xi32, #tpu.memory_space<hbm>>) dst(%arg6 : memref<10000xi32, #tpu.memory_space<vmem>>)
      tpu.yield
    }) : () -> ()
    %scan3A = arith.constant 0 : i32
    %scan3A_3 = arith.constant 625 : i32
    %scan3A_4 = arith.addi %scan3A, %scan3A_3 : i32
    %scan3A_5 = arith.constant 1 : i32
    scf.for %scan3A_145 = %scan3A to %scan3A_4 step %scan3A_5  : i32 {
      %mul3A_146 = arith.constant 1 : i32
      %mul3A_147 = arith.muli %scan3A_145, %mul3A_146 : i32
      %add3A_148 = arith.constant 0 : i32
      %add3A_149 = arith.addi %add3A_148, %mul3A_147 : i32
      %mul3A_150 = arith.constant 16 : i32
      %mul3A_151 = arith.muli %add3A_149, %mul3A_150 : i32
      %get3A = arith.index_cast %mul3A_151 : i32 to index
      %get3A_152 = tpu.vector_load %arg6[%get3A] {strides = array<i32>} : memref<10000xi32, #tpu.memory_space<vmem>>, vector<16xi32>,
      %add3A_153 = vector.broadcast %mul3A_0 : i32 to vector<16xi32>
      %add3A_154 = arith.addi %get3A_152, %add3A_153 : vector<16xi32>
      %mul3A_155 = arith.constant 16 : i32
      %mul3A_156 = arith.muli %add3A_149, %mul3A_155 : i32
      %swap3A = arith.index_cast %mul3A_156 : i32 to index
      %swap3A_157 = tpu.vector_load %arg6[%swap3A] {strides = array<i32>} : memref<10000xi32, #tpu.memory_space<vmem>>, vector<16xi32>,
      tpu.vector_store %arg6[%swap3A], %add3A_154 {strides = array<i32>} : memref<10000xi32, #tpu.memory_space<vmem>>, vector<16xi32>,
    }
    %scan3A_6 = arith.constant 625 : i32
    %broadcast_in_dim3A = arith.constant 0.000000e+00 : f32
    %broadcast_in_dim3A_7 = vector.broadcast %broadcast_in_dim3A : f32 to vector<16xf32>
    %scan3A_8 = arith.constant 0 : i32
    %scan3A_9 = arith.constant 80 : i32
    %scan3A_10 = arith.addi %scan3A_8, %scan3A_9 : i32
    %scan3A_11 = arith.constant 1 : i32
    scf.for %scan3A_145 = %scan3A_8 to %scan3A_10 step %scan3A_11  : i32 {
      %mul3A_146 = arith.constant 1 : i32
      %mul3A_147 = arith.muli %scan3A_145, %mul3A_146 : i32
      %add3A_148 = arith.constant 0 : i32
      %add3A_149 = arith.addi %add3A_148, %mul3A_147 : i32
      %swap3A = arith.constant 0 : i32
      %swap3A_150 = arith.index_cast %swap3A : i32 to index
      %swap3A_151 = arith.index_cast %add3A_149 : i32 to index
      %swap3A_152 = arith.constant 0 : index
      %swap3A_153 = tpu.vector_load %arg8[%swap3A_150, %swap3A_151, %swap3A_152] {strides = array<i32>} : memref<2x128x128xf32, #tpu.memory_space<vmem>>, vector<16xf32>,
      tpu.vector_store %arg8[%swap3A_150, %swap3A_151, %swap3A_152], %broadcast_in_dim3A_7 {strides = array<i32>} : memref<2x128x128xf32, #tpu.memory_space<vmem>>, vector<16xf32>,
      %swap3A_154 = arith.constant 0 : i32
      %swap3A_155 = arith.index_cast %swap3A_154 : i32 to index
      %swap3A_156 = arith.index_cast %add3A_149 : i32 to index
      %swap3A_157 = arith.constant 16 : index
      %swap3A_158 = tpu.vector_load %arg8[%swap3A_155, %swap3A_156, %swap3A_157] {strides = array<i32>} : memref<2x128x128xf32, #tpu.memory_space<vmem>>, vector<16xf32>,
      tpu.vector_store %arg8[%swap3A_155, %swap3A_156, %swap3A_157], %broadcast_in_dim3A_7 {strides = array<i32>} : memref<2x128x128xf32, #tpu.memory_space<vmem>>, vector<16xf32>,
      %swap3A_159 = arith.constant 0 : i32
      %swap3A_160 = arith.index_cast %swap3A_159 : i32 to index
      %swap3A_161 = arith.index_cast %add3A_149 : i32 to index
      %swap3A_162 = arith.constant 32 : index
      %swap3A_163 = tpu.vector_load %arg8[%swap3A_160, %swap3A_161, %swap3A_162] {strides = array<i32>} : memref<2x128x128xf32, #tpu.memory_space<vmem>>, vector<16xf32>,
      tpu.vector_store %arg8[%swap3A_160, %swap3A_161, %swap3A_162], %broadcast_in_dim3A_7 {strides = array<i32>} : memref<2x128x128xf32, #tpu.memory_space<vmem>>, vector<16xf32>,
      %swap3A_164 = arith.constant 0 : i32
      %swap3A_165 = arith.index_cast %swap3A_164 : i32 to index
      %swap3A_166 = arith.index_cast %add3A_149 : i32 to index
      %swap3A_167 = arith.constant 48 : index
      %swap3A_168 = tpu.vector_load %arg8[%swap3A_165, %swap3A_166, %swap3A_167] {strides = array<i32>} : memref<2x128x128xf32, #tpu.memory_space<vmem>>, vector<16xf32>,
      tpu.vector_store %arg8[%swap3A_165, %swap3A_166, %swap3A_167], %broadcast_in_dim3A_7 {strides = array<i32>} : memref<2x128x128xf32, #tpu.memory_space<vmem>>, vector<16xf32>,
      %swap3A_169 = arith.constant 0 : i32
      %swap3A_170 = arith.index_cast %swap3A_169 : i32 to index
      %swap3A_171 = arith.index_cast %add3A_149 : i32 to index
      %swap3A_172 = arith.constant 64 : index
      %swap3A_173 = tpu.vector_load %arg8[%swap3A_170, %swap3A_171, %swap3A_172] {strides = array<i32>} : memref<2x128x128xf32, #tpu.memory_space<vmem>>, vector<16xf32>,
      tpu.vector_store %arg8[%swap3A_170, %swap3A_171, %swap3A_172], %broadcast_in_dim3A_7 {strides = array<i32>} : memref<2x128x128xf32, #tpu.memory_space<vmem>>, vector<16xf32>,
      %swap3A_174 = arith.constant 0 : i32
      %swap3A_175 = arith.index_cast %swap3A_174 : i32 to index
      %swap3A_176 = arith.index_cast %add3A_149 : i32 to index
      %swap3A_177 = arith.constant 80 : index
      %swap3A_178 = tpu.vector_load %arg8[%swap3A_175, %swap3A_176, %swap3A_177] {strides = array<i32>} : memref<2x128x128xf32, #tpu.memory_space<vmem>>, vector<16xf32>,
      tpu.vector_store %arg8[%swap3A_175, %swap3A_176, %swap3A_177], %broadcast_in_dim3A_7 {strides = array<i32>} : memref<2x128x128xf32, #tpu.memory_space<vmem>>, vector<16xf32>,
      %swap3A_179 = arith.constant 0 : i32
      %swap3A_180 = arith.index_cast %swap3A_179 : i32 to index
      %swap3A_181 = arith.index_cast %add3A_149 : i32 to index
      %swap3A_182 = arith.constant 96 : index
      %swap3A_183 = tpu.vector_load %arg8[%swap3A_180, %swap3A_181, %swap3A_182] {strides = array<i32>} : memref<2x128x128xf32, #tpu.memory_space<vmem>>, vector<16xf32>,
      tpu.vector_store %arg8[%swap3A_180, %swap3A_181, %swap3A_182], %broadcast_in_dim3A_7 {strides = array<i32>} : memref<2x128x128xf32, #tpu.memory_space<vmem>>, vector<16xf32>,
      %swap3A_184 = arith.constant 0 : i32
      %swap3A_185 = arith.index_cast %swap3A_184 : i32 to index
      %swap3A_186 = arith.index_cast %add3A_149 : i32 to index
      %swap3A_187 = arith.constant 112 : index
      %swap3A_188 = tpu.vector_load %arg8[%swap3A_185, %swap3A_186, %swap3A_187] {strides = array<i32>} : memref<2x128x128xf32, #tpu.memory_space<vmem>>, vector<16xf32>,
      tpu.vector_store %arg8[%swap3A_185, %swap3A_186, %swap3A_187], %broadcast_in_dim3A_7 {strides = array<i32>} : memref<2x128x128xf32, #tpu.memory_space<vmem>>, vector<16xf32>,
    }
    %scan3A_12 = arith.constant 80 : i32
    %scan3A_13 = arith.constant 0 : i32
    %scan3A_14 = arith.constant 8 : i32
    %scan3A_15 = arith.addi %scan3A_13, %scan3A_14 : i32
    %scan3A_16 = arith.constant 1 : i32
    scf.for %scan3A_145 = %scan3A_13 to %scan3A_15 step %scan3A_16  : i32 {
      %mul3A_146 = arith.constant 1 : i32
      %mul3A_147 = arith.muli %scan3A_145, %mul3A_146 : i32
      %add3A_148 = arith.constant 0 : i32
      %add3A_149 = arith.addi %add3A_148, %mul3A_147 : i32
      %mul3A_150 = arith.constant 640 : i32
      %mul3A_151 = arith.muli %arg1, %mul3A_150 : i32
      %mul3A_152 = arith.constant 80 : i32
      %mul3A_153 = arith.muli %add3A_149, %mul3A_152 : i32
      %add3A_154 = arith.addi %mul3A_151, %mul3A_153 : i32
      %run_scoped3A_155 = arith.constant 0 : i32
      "tpu.region"() ({
        %run_scoped3A_156 = tpu.sem_alloc : memref<!tpu.dma_semaphore, #tpu.memory_space<semaphore_mem>>
        %dma_start3A_157 = arith.constant 0 : i32
        %dma_start3A_158 = arith.constant 0 : i32
        %dma_start3A_159 = tpu.memref_slice %arg8[%run_scoped3A_155, %dma_start3A_157, %dma_start3A_158] : memref<2x128x128xf32, #tpu.memory_space<vmem>> -> memref<1x128x128xf32, #tpu.memory_space<vmem>>
        %dma_start3A_160 = tpu.memref_squeeze %dma_start3A_159 : memref<1x128x128xf32, #tpu.memory_space<vmem>> -> memref<128x128xf32, #tpu.memory_space<vmem>>
        %dma_start3A_161 = arith.constant 0 : i32
        %dma_start3A_162 = arith.constant 0 : i32
        %dma_start3A_163 = tpu.memref_slice %dma_start3A_160[%dma_start3A_161, %dma_start3A_162] : memref<128x128xf32, #tpu.memory_space<vmem>> -> memref<80x128xf32, #tpu.memory_space<vmem>>
        %dma_start3A_164 = arith.constant 0 : i32
        %dma_start3A_165 = tpu.memref_slice %arg9[%add3A_154, %dma_start3A_164] : memref<10240x128xf32, #tpu.memory_space<vmem_shared>> -> memref<80x128xf32, #tpu.memory_space<vmem_shared>>
        %dma_start3A_166 = arith.constant 0 : i32
        %dma_start3A_167 = tpu.memref_slice %arg9[%add3A_154, %dma_start3A_166] : memref<10240x128xf32, #tpu.memory_space<vmem_shared>> -> memref<80x128xf32, #tpu.memory_space<vmem_shared>>
        %dma_start3A_168 = arith.constant 0 : i32
        %dma_start3A_169 = arith.constant 0 : i32
        %dma_start3A_170 = tpu.memref_slice %arg8[%run_scoped3A_155, %dma_start3A_168, %dma_start3A_169] : memref<2x128x128xf32, #tpu.memory_space<vmem>> -> memref<1x128x128xf32, #tpu.memory_space<vmem>>
        %dma_start3A_171 = tpu.memref_squeeze %dma_start3A_170 : memref<1x128x128xf32, #tpu.memory_space<vmem>> -> memref<128x128xf32, #tpu.memory_space<vmem>>
        %dma_start3A_172 = arith.constant 0 : i32
        %dma_start3A_173 = arith.constant 0 : i32
        %dma_start3A_174 = tpu.memref_slice %dma_start3A_171[%dma_start3A_172, %dma_start3A_173] : memref<128x128xf32, #tpu.memory_space<vmem>> -> memref<80x128xf32, #tpu.memory_space<vmem>>
        tpu.enqueue_dma source(%dma_start3A_174 : memref<80x128xf32, #tpu.memory_space<vmem>>) target(%dma_start3A_167 : memref<80x128xf32, #tpu.memory_space<vmem_shared>>) target_semaphore(%run_scoped3A_156 : memref<!tpu.dma_semaphore, #tpu.memory_space<semaphore_mem>>)
        %dma_wait3A_175 = arith.constant 0 : i32
        %dma_wait3A_176 = arith.constant 0 : i32
        %dma_wait3A_177 = tpu.memref_slice %arg8[%run_scoped3A_155, %dma_wait3A_175, %dma_wait3A_176] : memref<2x128x128xf32, #tpu.memory_space<vmem>> -> memref<1x128x128xf32, #tpu.memory_space<vmem>>
        %dma_wait3A_178 = tpu.memref_squeeze %dma_wait3A_177 : memref<1x128x128xf32, #tpu.memory_space<vmem>> -> memref<128x128xf32, #tpu.memory_space<vmem>>
        %dma_wait3A_179 = arith.constant 0 : i32
        %dma_wait3A_180 = arith.constant 0 : i32
        %dma_wait3A_181 = tpu.memref_slice %dma_wait3A_178[%dma_wait3A_179, %dma_wait3A_180] : memref<128x128xf32, #tpu.memory_space<vmem>> -> memref<80x128xf32, #tpu.memory_space<vmem>>
        %dma_wait3A_182 = arith.constant 0 : i32
        %dma_wait3A_183 = tpu.memref_slice %arg9[%add3A_154, %dma_wait3A_182] : memref<10240x128xf32, #tpu.memory_space<vmem_shared>> -> memref<80x128xf32, #tpu.memory_space<vmem_shared>>
        %dma_wait3A_184 = arith.constant 0 : i32
        %dma_wait3A_185 = tpu.memref_slice %arg9[%add3A_154, %dma_wait3A_184] : memref<10240x128xf32, #tpu.memory_space<vmem_shared>> -> memref<80x128xf32, #tpu.memory_space<vmem_shared>>
        %dma_wait3A_186 = arith.constant 0 : i32
        %dma_wait3A_187 = arith.constant 0 : i32
        %dma_wait3A_188 = tpu.memref_slice %arg8[%run_scoped3A_155, %dma_wait3A_186, %dma_wait3A_187] : memref<2x128x128xf32, #tpu.memory_space<vmem>> -> memref<1x128x128xf32, #tpu.memory_space<vmem>>
        %dma_wait3A_189 = tpu.memref_squeeze %dma_wait3A_188 : memref<1x128x128xf32, #tpu.memory_space<vmem>> -> memref<128x128xf32, #tpu.memory_space<vmem>>
        %dma_wait3A_190 = arith.constant 0 : i32
        %dma_wait3A_191 = arith.constant 0 : i32
        %dma_wait3A_192 = tpu.memref_slice %dma_wait3A_189[%dma_wait3A_190, %dma_wait3A_191] : memref<128x128xf32, #tpu.memory_space<vmem>> -> memref<80x128xf32, #tpu.memory_space<vmem>>
        tpu.wait_dma2 semaphore(%run_scoped3A_156 : memref<!tpu.dma_semaphore, #tpu.memory_space<semaphore_mem>>) src(%dma_wait3A_192 : memref<80x128xf32, #tpu.memory_space<vmem>>) dst(%dma_wait3A_185 : memref<80x128xf32, #tpu.memory_space<vmem_shared>>)
        tpu.yield
      }) : () -> ()
    }
    %scan3A_17 = arith.constant 8 : i32
    %barrier3A = arith.constant 0 : index
    tpu.barrier barrier_id(%barrier3A)
    %mul3A_18 = arith.constant 10000 : i32
    %mul3A_19 = arith.muli %arg1, %mul3A_18 : i32
    %add3A = arith.constant 0 : i32
    %add3A_20 = arith.addi %mul3A_19, %add3A : i32
    %dma_start3A = arith.constant 0 : i32
    %dma_start3A_21 = arith.constant 0 : i32
    %dma_start3A_22 = tpu.memref_slice %arg7[%dma_start3A, %dma_start3A_21] : memref<2x128xi32, #tpu.memory_space<vmem>> -> memref<1x128xi32, #tpu.memory_space<vmem>>
    %dma_start3A_23 = tpu.memref_squeeze %dma_start3A_22 : memref<1x128xi32, #tpu.memory_space<vmem>> -> memref<128xi32, #tpu.memory_space<vmem>>
    %dma_start3A_24 = arith.constant 0 : i32
    %dma_start3A_25 = tpu.memref_slice %dma_start3A_23[%dma_start3A_24] : memref<128xi32, #tpu.memory_space<vmem>> -> memref<128xi32, #tpu.memory_space<vmem>>
    %dma_start3A_26 = tpu.memref_slice %arg4[%add3A_20] : memref<160000xi32, #tpu.memory_space<hbm>> -> memref<128xi32, #tpu.memory_space<hbm>>
    %dma_start3A_27 = arith.constant 0 : i32
    %dma_start3A_28 = tpu.memref_slice %arg7[%dma_start3A, %dma_start3A_27] : memref<2x128xi32, #tpu.memory_space<vmem>> -> memref<1x128xi32, #tpu.memory_space<vmem>>
    %dma_start3A_29 = tpu.memref_squeeze %dma_start3A_28 : memref<1x128xi32, #tpu.memory_space<vmem>> -> memref<128xi32, #tpu.memory_space<vmem>>
    %dma_start3A_30 = arith.constant 0 : i32
    %dma_start3A_31 = tpu.memref_slice %dma_start3A_29[%dma_start3A_30] : memref<128xi32, #tpu.memory_space<vmem>> -> memref<128xi32, #tpu.memory_space<vmem>>
    %dma_start3A_32 = tpu.memref_slice %arg4[%add3A_20] : memref<160000xi32, #tpu.memory_space<hbm>> -> memref<128xi32, #tpu.memory_space<hbm>>
    tpu.enqueue_dma source(%dma_start3A_32 : memref<128xi32, #tpu.memory_space<hbm>>) target(%dma_start3A_31 : memref<128xi32, #tpu.memory_space<vmem>>) target_semaphore(%arg12 : memref<!tpu.dma_semaphore, #tpu.memory_space<semaphore_mem>>)
    %dma_start3A_33 = arith.constant 0 : i32
    %dma_start3A_34 = arith.constant 0 : i32
    %dma_start3A_35 = arith.constant 0 : i32
    %dma_start3A_36 = tpu.memref_slice %arg8[%dma_start3A_33, %dma_start3A_34, %dma_start3A_35] : memref<2x128x128xf32, #tpu.memory_space<vmem>> -> memref<1x128x128xf32, #tpu.memory_space<vmem>>
    %dma_start3A_37 = tpu.memref_squeeze %dma_start3A_36 : memref<1x128x128xf32, #tpu.memory_space<vmem>> -> memref<128x128xf32, #tpu.memory_space<vmem>>
    %dma_start3A_38 = arith.constant 0 : i32
    %dma_start3A_39 = arith.constant 0 : i32
    %dma_start3A_40 = tpu.memref_slice %dma_start3A_37[%dma_start3A_38, %dma_start3A_39] : memref<128x128xf32, #tpu.memory_space<vmem>> -> memref<128x128xf32, #tpu.memory_space<vmem>>
    %dma_start3A_41 = arith.constant 0 : i32
    %dma_start3A_42 = tpu.memref_slice %arg6[%dma_start3A_41] : memref<10000xi32, #tpu.memory_space<vmem>> -> memref<128xi32, #tpu.memory_space<vmem>>
    %dma_start3A_43 = arith.constant 0 : i32
    %dma_start3A_44 = arith.constant 0 : i32
    %dma_start3A_45 = tpu.memref_slice %arg2[%dma_start3A_43, %dma_start3A_44] : memref<10000x128xf32, #tpu.memory_space<hbm>> -> memref<10000x128xf32, #tpu.memory_space<hbm>>
    tpu.enqueue_indirect_dma source(%dma_start3A_45 : memref<10000x128xf32, #tpu.memory_space<hbm>>) target(%dma_start3A_40 : memref<128x128xf32, #tpu.memory_space<vmem>>) offsets(%dma_start3A_42 : memref<128xi32, #tpu.memory_space<vmem>>) semaphore(%arg10 : memref<!tpu.dma_semaphore, #tpu.memory_space<semaphore_mem>>)
    %mul3A_46 = arith.constant 10000 : i32
    %mul3A_47 = arith.muli %arg1, %mul3A_46 : i32
    %add3A_48 = arith.constant 128 : i32
    %add3A_49 = arith.addi %mul3A_47, %add3A_48 : i32
    %dma_start3A_50 = arith.constant 1 : i32
    %dma_start3A_51 = arith.constant 0 : i32
    %dma_start3A_52 = tpu.memref_slice %arg7[%dma_start3A_50, %dma_start3A_51] : memref<2x128xi32, #tpu.memory_space<vmem>> -> memref<1x128xi32, #tpu.memory_space<vmem>>
    %dma_start3A_53 = tpu.memref_squeeze %dma_start3A_52 : memref<1x128xi32, #tpu.memory_space<vmem>> -> memref<128xi32, #tpu.memory_space<vmem>>
    %dma_start3A_54 = arith.constant 0 : i32
    %dma_start3A_55 = tpu.memref_slice %dma_start3A_53[%dma_start3A_54] : memref<128xi32, #tpu.memory_space<vmem>> -> memref<128xi32, #tpu.memory_space<vmem>>
    %dma_start3A_56 = tpu.memref_slice %arg4[%add3A_49] : memref<160000xi32, #tpu.memory_space<hbm>> -> memref<128xi32, #tpu.memory_space<hbm>>
    %dma_start3A_57 = arith.constant 0 : i32
    %dma_start3A_58 = tpu.memref_slice %arg7[%dma_start3A_50, %dma_start3A_57] : memref<2x128xi32, #tpu.memory_space<vmem>> -> memref<1x128xi32, #tpu.memory_space<vmem>>
    %dma_start3A_59 = tpu.memref_squeeze %dma_start3A_58 : memref<1x128xi32, #tpu.memory_space<vmem>> -> memref<128xi32, #tpu.memory_space<vmem>>
    %dma_start3A_60 = arith.constant 0 : i32
    %dma_start3A_61 = tpu.memref_slice %dma_start3A_59[%dma_start3A_60] : memref<128xi32, #tpu.memory_space<vmem>> -> memref<128xi32, #tpu.memory_space<vmem>>
    %dma_start3A_62 = tpu.memref_slice %arg4[%add3A_49] : memref<160000xi32, #tpu.memory_space<hbm>> -> memref<128xi32, #tpu.memory_space<hbm>>
    tpu.enqueue_dma source(%dma_start3A_62 : memref<128xi32, #tpu.memory_space<hbm>>) target(%dma_start3A_61 : memref<128xi32, #tpu.memory_space<vmem>>) target_semaphore(%arg13 : memref<!tpu.dma_semaphore, #tpu.memory_space<semaphore_mem>>)
    %dma_start3A_63 = arith.constant 1 : i32
    %dma_start3A_64 = arith.constant 0 : i32
    %dma_start3A_65 = arith.constant 0 : i32
    %dma_start3A_66 = tpu.memref_slice %arg8[%dma_start3A_63, %dma_start3A_64, %dma_start3A_65] : memref<2x128x128xf32, #tpu.memory_space<vmem>> -> memref<1x128x128xf32, #tpu.memory_space<vmem>>
    %dma_start3A_67 = tpu.memref_squeeze %dma_start3A_66 : memref<1x128x128xf32, #tpu.memory_space<vmem>> -> memref<128x128xf32, #tpu.memory_space<vmem>>
    %dma_start3A_68 = arith.constant 0 : i32
    %dma_start3A_69 = arith.constant 0 : i32
    %dma_start3A_70 = tpu.memref_slice %dma_start3A_67[%dma_start3A_68, %dma_start3A_69] : memref<128x128xf32, #tpu.memory_space<vmem>> -> memref<128x128xf32, #tpu.memory_space<vmem>>
    %dma_start3A_71 = arith.constant 128 : i32
    %dma_start3A_72 = tpu.memref_slice %arg6[%dma_start3A_71] : memref<10000xi32, #tpu.memory_space<vmem>> -> memref<128xi32, #tpu.memory_space<vmem>>
    %dma_start3A_73 = arith.constant 0 : i32
    %dma_start3A_74 = arith.constant 0 : i32
    %dma_start3A_75 = tpu.memref_slice %arg2[%dma_start3A_73, %dma_start3A_74] : memref<10000x128xf32, #tpu.memory_space<hbm>> -> memref<10000x128xf32, #tpu.memory_space<hbm>>
    tpu.enqueue_indirect_dma source(%dma_start3A_75 : memref<10000x128xf32, #tpu.memory_space<hbm>>) target(%dma_start3A_70 : memref<128x128xf32, #tpu.memory_space<vmem>>) offsets(%dma_start3A_72 : memref<128xi32, #tpu.memory_space<vmem>>) semaphore(%arg11 : memref<!tpu.dma_semaphore, #tpu.memory_space<semaphore_mem>>)
    %scan3A_76 = arith.constant 0 : i32
    %scan3A_77 = arith.constant 39 : i32
    %scan3A_78 = arith.addi %scan3A_76, %scan3A_77 : i32
    %scan3A_79 = arith.constant 1 : i32
    scf.for %scan3A_145 = %scan3A_76 to %scan3A_78 step %scan3A_79  : i32 {
      %mul3A_146 = arith.constant 1 : i32
      %mul3A_147 = arith.muli %scan3A_145, %mul3A_146 : i32
      %add3A_148 = arith.constant 0 : i32
      %add3A_149 = arith.addi %add3A_148, %mul3A_147 : i32
      %mul3A_150 = arith.constant 2 : i32
      %mul3A_151 = arith.muli %add3A_149, %mul3A_150 : i32
      %add3A_152 = arith.constant 0 : i32
      %add3A_153 = arith.addi %mul3A_151, %add3A_152 : i32
      %mul3A_154 = arith.constant 10000 : i32
      %mul3A_155 = arith.muli %arg1, %mul3A_154 : i32
      %dma_wait3A_156 = arith.constant 0 : i32
      %dma_wait3A_157 = arith.constant 0 : i32
      %dma_wait3A_158 = tpu.memref_slice %arg7[%dma_wait3A_156, %dma_wait3A_157] : memref<2x128xi32, #tpu.memory_space<vmem>> -> memref<1x128xi32, #tpu.memory_space<vmem>>
      %dma_wait3A_159 = tpu.memref_squeeze %dma_wait3A_158 : memref<1x128xi32, #tpu.memory_space<vmem>> -> memref<128xi32, #tpu.memory_space<vmem>>
      %dma_wait3A_160 = arith.constant 0 : i32
      %dma_wait3A_161 = tpu.memref_slice %dma_wait3A_159[%dma_wait3A_160] : memref<128xi32, #tpu.memory_space<vmem>> -> memref<128xi32, #tpu.memory_space<vmem>>
      %dma_wait3A_162 = tpu.memref_slice %arg4[%mul3A_155] : memref<160000xi32, #tpu.memory_space<hbm>> -> memref<128xi32, #tpu.memory_space<hbm>>
      %dma_wait3A_163 = arith.constant 0 : i32
      %dma_wait3A_164 = tpu.memref_slice %arg7[%dma_wait3A_156, %dma_wait3A_163] : memref<2x128xi32, #tpu.memory_space<vmem>> -> memref<1x128xi32, #tpu.memory_space<vmem>>
      %dma_wait3A_165 = tpu.memref_squeeze %dma_wait3A_164 : memref<1x128xi32, #tpu.memory_space<vmem>> -> memref<128xi32, #tpu.memory_space<vmem>>
      %dma_wait3A_166 = arith.constant 0 : i32
      %dma_wait3A_167 = tpu.memref_slice %dma_wait3A_165[%dma_wait3A_166] : memref<128xi32, #tpu.memory_space<vmem>> -> memref<128xi32, #tpu.memory_space<vmem>>
      %dma_wait3A_168 = tpu.memref_slice %arg4[%mul3A_155] : memref<160000xi32, #tpu.memory_space<hbm>> -> memref<128xi32, #tpu.memory_space<hbm>>
      tpu.wait_dma2 semaphore(%arg12 : memref<!tpu.dma_semaphore, #tpu.memory_space<semaphore_mem>>) src(%dma_wait3A_168 : memref<128xi32, #tpu.memory_space<hbm>>) dst(%dma_wait3A_167 : memref<128xi32, #tpu.memory_space<vmem>>)
      %dma_wait3A_169 = arith.constant 0 : i32
      %dma_wait3A_170 = arith.constant 0 : i32
      %dma_wait3A_171 = arith.constant 0 : i32
      %dma_wait3A_172 = tpu.memref_slice %arg8[%dma_wait3A_169, %dma_wait3A_170, %dma_wait3A_171] : memref<2x128x128xf32, #tpu.memory_space<vmem>> -> memref<1x128x128xf32, #tpu.memory_space<vmem>>
      %dma_wait3A_173 = tpu.memref_squeeze %dma_wait3A_172 : memref<1x128x128xf32, #tpu.memory_space<vmem>> -> memref<128x128xf32, #tpu.memory_space<vmem>>
      %dma_wait3A_174 = arith.constant 0 : i32
      %dma_wait3A_175 = arith.constant 0 : i32
      %dma_wait3A_176 = tpu.memref_slice %dma_wait3A_173[%dma_wait3A_174, %dma_wait3A_175] : memref<128x128xf32, #tpu.memory_space<vmem>> -> memref<128x128xf32, #tpu.memory_space<vmem>>
      %dma_wait3A_177 = arith.constant 0 : i32
      %dma_wait3A_178 = tpu.memref_slice %arg6[%dma_wait3A_177] : memref<10000xi32, #tpu.memory_space<vmem>> -> memref<128xi32, #tpu.memory_space<vmem>>
      %dma_wait3A_179 = arith.constant 0 : i32
      %dma_wait3A_180 = arith.constant 0 : i32
      %dma_wait3A_181 = tpu.memref_slice %arg2[%dma_wait3A_179, %dma_wait3A_180] : memref<10000x128xf32, #tpu.memory_space<hbm>> -> memref<10000x128xf32, #tpu.memory_space<hbm>>
      tpu.wait_indirect_dma semaphore(%arg10 : memref<!tpu.dma_semaphore, #tpu.memory_space<semaphore_mem>>) src(%dma_wait3A_181 : memref<10000x128xf32, #tpu.memory_space<hbm>>) dst(%dma_wait3A_176 : memref<128x128xf32, #tpu.memory_space<vmem>>)
      %run_scoped3A_182 = arith.constant 0 : i32
      %run_scoped3A_183 = arith.constant 0 : i32
      "tpu.region"() ({
        %run_scoped3A_229 = tpu.sem_alloc : memref<!tpu.dma_semaphore, #tpu.memory_space<semaphore_mem>>
        %dma_start3A_230 = arith.constant 0 : i32
        %dma_start3A_231 = arith.constant 0 : i32
        %dma_start3A_232 = tpu.memref_slice %arg8[%run_scoped3A_182, %dma_start3A_230, %dma_start3A_231] : memref<2x128x128xf32, #tpu.memory_space<vmem>> -> memref<1x128x128xf32, #tpu.memory_space<vmem>>
        %dma_start3A_233 = tpu.memref_squeeze %dma_start3A_232 : memref<1x128x128xf32, #tpu.memory_space<vmem>> -> memref<128x128xf32, #tpu.memory_space<vmem>>
        %dma_start3A_234 = arith.constant 0 : i32
        %dma_start3A_235 = arith.constant 0 : i32
        %dma_start3A_236 = tpu.memref_slice %dma_start3A_233[%dma_start3A_234, %dma_start3A_235] : memref<128x128xf32, #tpu.memory_space<vmem>> -> memref<128x128xf32, #tpu.memory_space<vmem>>
        %dma_start3A_237 = arith.constant 0 : i32
        %dma_start3A_238 = tpu.memref_slice %arg7[%run_scoped3A_183, %dma_start3A_237] : memref<2x128xi32, #tpu.memory_space<vmem>> -> memref<1x128xi32, #tpu.memory_space<vmem>>
        %dma_start3A_239 = tpu.memref_squeeze %dma_start3A_238 : memref<1x128xi32, #tpu.memory_space<vmem>> -> memref<128xi32, #tpu.memory_space<vmem>>
        %dma_start3A_240 = arith.constant 0 : i32
        %dma_start3A_241 = tpu.memref_slice %dma_start3A_239[%dma_start3A_240] : memref<128xi32, #tpu.memory_space<vmem>> -> memref<128xi32, #tpu.memory_space<vmem>>
        %dma_start3A_242 = arith.constant 0 : i32
        %dma_start3A_243 = arith.constant 0 : i32
        %dma_start3A_244 = tpu.memref_slice %arg9[%dma_start3A_242, %dma_start3A_243] : memref<10240x128xf32, #tpu.memory_space<vmem_shared>> -> memref<10240x128xf32, #tpu.memory_space<vmem_shared>>
        tpu.enqueue_indirect_dma source(%dma_start3A_236 : memref<128x128xf32, #tpu.memory_space<vmem>>) target(%dma_start3A_244 : memref<10240x128xf32, #tpu.memory_space<vmem_shared>>) offsets(%dma_start3A_241 : memref<128xi32, #tpu.memory_space<vmem>>) semaphore(%run_scoped3A_229 : memref<!tpu.dma_semaphore, #tpu.memory_space<semaphore_mem>>) {add = true}
        %dma_wait3A_245 = arith.constant 0 : i32
        %dma_wait3A_246 = arith.constant 0 : i32
        %dma_wait3A_247 = tpu.memref_slice %arg8[%run_scoped3A_182, %dma_wait3A_245, %dma_wait3A_246] : memref<2x128x128xf32, #tpu.memory_space<vmem>> -> memref<1x128x128xf32, #tpu.memory_space<vmem>>
        %dma_wait3A_248 = tpu.memref_squeeze %dma_wait3A_247 : memref<1x128x128xf32, #tpu.memory_space<vmem>> -> memref<128x128xf32, #tpu.memory_space<vmem>>
        %dma_wait3A_249 = arith.constant 0 : i32
        %dma_wait3A_250 = arith.constant 0 : i32
        %dma_wait3A_251 = tpu.memref_slice %dma_wait3A_248[%dma_wait3A_249, %dma_wait3A_250] : memref<128x128xf32, #tpu.memory_space<vmem>> -> memref<128x128xf32, #tpu.memory_space<vmem>>
        %dma_wait3A_252 = arith.constant 0 : i32
        %dma_wait3A_253 = tpu.memref_slice %arg7[%run_scoped3A_183, %dma_wait3A_252] : memref<2x128xi32, #tpu.memory_space<vmem>> -> memref<1x128xi32, #tpu.memory_space<vmem>>
        %dma_wait3A_254 = tpu.memref_squeeze %dma_wait3A_253 : memref<1x128xi32, #tpu.memory_space<vmem>> -> memref<128xi32, #tpu.memory_space<vmem>>
        %dma_wait3A_255 = arith.constant 0 : i32
        %dma_wait3A_256 = tpu.memref_slice %dma_wait3A_254[%dma_wait3A_255] : memref<128xi32, #tpu.memory_space<vmem>> -> memref<128xi32, #tpu.memory_space<vmem>>
        %dma_wait3A_257 = arith.constant 0 : i32
        %dma_wait3A_258 = arith.constant 0 : i32
        %dma_wait3A_259 = tpu.memref_slice %arg9[%dma_wait3A_257, %dma_wait3A_258] : memref<10240x128xf32, #tpu.memory_space<vmem_shared>> -> memref<10240x128xf32, #tpu.memory_space<vmem_shared>>
        tpu.wait_indirect_dma semaphore(%run_scoped3A_229 : memref<!tpu.dma_semaphore, #tpu.memory_space<semaphore_mem>>) src(%dma_wait3A_251 : memref<128x128xf32, #tpu.memory_space<vmem>>) dst(%dma_wait3A_259 : memref<10240x128xf32, #tpu.memory_space<vmem_shared>>)
        tpu.yield
      }) : () -> ()
      %add3A_184 = arith.constant 2 : i32
      %add3A_185 = arith.addi %add3A_153, %add3A_184 : i32
      %lt3A = arith.constant 78 : i32
      %lt3A_186 = arith.cmpi slt, %add3A_185, %lt3A : i32
      %convert_element_type3A = arith.extui %lt3A_186 : i1 to i32
      %cond3A = arith.constant 0 : i32
      %cond3A_187 = arith.cmpi ne, %convert_element_type3A, %cond3A : i32
      scf.if %cond3A_187 {
        %add3A_229 = arith.constant 2 : i32
        %add3A_230 = arith.addi %add3A_153, %add3A_229 : i32
        %mul3A_231 = arith.constant 10000 : i32
        %mul3A_232 = arith.muli %arg1, %mul3A_231 : i32
        %mul3A_233 = arith.constant 128 : i32
        %mul3A_234 = arith.muli %add3A_230, %mul3A_233 : i32
        %add3A_235 = arith.addi %mul3A_232, %mul3A_234 : i32
        %dma_start3A_236 = arith.constant 0 : i32
        %dma_start3A_237 = arith.constant 0 : i32
        %dma_start3A_238 = tpu.memref_slice %arg7[%dma_start3A_236, %dma_start3A_237] : memref<2x128xi32, #tpu.memory_space<vmem>> -> memref<1x128xi32, #tpu.memory_space<vmem>>
        %dma_start3A_239 = tpu.memref_squeeze %dma_start3A_238 : memref<1x128xi32, #tpu.memory_space<vmem>> -> memref<128xi32, #tpu.memory_space<vmem>>
        %dma_start3A_240 = arith.constant 0 : i32
        %dma_start3A_241 = tpu.memref_slice %dma_start3A_239[%dma_start3A_240] : memref<128xi32, #tpu.memory_space<vmem>> -> memref<128xi32, #tpu.memory_space<vmem>>
        %dma_start3A_242 = tpu.memref_slice %arg4[%add3A_235] : memref<160000xi32, #tpu.memory_space<hbm>> -> memref<128xi32, #tpu.memory_space<hbm>>
        %dma_start3A_243 = arith.constant 0 : i32
        %dma_start3A_244 = tpu.memref_slice %arg7[%dma_start3A_236, %dma_start3A_243] : memref<2x128xi32, #tpu.memory_space<vmem>> -> memref<1x128xi32, #tpu.memory_space<vmem>>
        %dma_start3A_245 = tpu.memref_squeeze %dma_start3A_244 : memref<1x128xi32, #tpu.memory_space<vmem>> -> memref<128xi32, #tpu.memory_space<vmem>>
        %dma_start3A_246 = arith.constant 0 : i32
        %dma_start3A_247 = tpu.memref_slice %dma_start3A_245[%dma_start3A_246] : memref<128xi32, #tpu.memory_space<vmem>> -> memref<128xi32, #tpu.memory_space<vmem>>
        %dma_start3A_248 = tpu.memref_slice %arg4[%add3A_235] : memref<160000xi32, #tpu.memory_space<hbm>> -> memref<128xi32, #tpu.memory_space<hbm>>
        tpu.enqueue_dma source(%dma_start3A_248 : memref<128xi32, #tpu.memory_space<hbm>>) target(%dma_start3A_247 : memref<128xi32, #tpu.memory_space<vmem>>) target_semaphore(%arg12 : memref<!tpu.dma_semaphore, #tpu.memory_space<semaphore_mem>>)
        %mul3A_249 = arith.constant 128 : i32
        %mul3A_250 = arith.muli %add3A_230, %mul3A_249 : i32
        %dma_start3A_251 = arith.constant 0 : i32
        %dma_start3A_252 = arith.constant 0 : i32
        %dma_start3A_253 = arith.constant 0 : i32
        %dma_start3A_254 = tpu.memref_slice %arg8[%dma_start3A_251, %dma_start3A_252, %dma_start3A_253] : memref<2x128x128xf32, #tpu.memory_space<vmem>> -> memref<1x128x128xf32, #tpu.memory_space<vmem>>
        %dma_start3A_255 = tpu.memref_squeeze %dma_start3A_254 : memref<1x128x128xf32, #tpu.memory_space<vmem>> -> memref<128x128xf32, #tpu.memory_space<vmem>>
        %dma_start3A_256 = arith.constant 0 : i32
        %dma_start3A_257 = arith.constant 0 : i32
        %dma_start3A_258 = tpu.memref_slice %dma_start3A_255[%dma_start3A_256, %dma_start3A_257] : memref<128x128xf32, #tpu.memory_space<vmem>> -> memref<128x128xf32, #tpu.memory_space<vmem>>
        %dma_start3A_259 = tpu.memref_slice %arg6[%mul3A_250] : memref<10000xi32, #tpu.memory_space<vmem>> -> memref<128xi32, #tpu.memory_space<vmem>>
        %dma_start3A_260 = arith.constant 0 : i32
        %dma_start3A_261 = arith.constant 0 : i32
        %dma_start3A_262 = tpu.memref_slice %arg2[%dma_start3A_260, %dma_start3A_261] : memref<10000x128xf32, #tpu.memory_space<hbm>> -> memref<10000x128xf32, #tpu.memory_space<hbm>>
        tpu.enqueue_indirect_dma source(%dma_start3A_262 : memref<10000x128xf32, #tpu.memory_space<hbm>>) target(%dma_start3A_258 : memref<128x128xf32, #tpu.memory_space<vmem>>) offsets(%dma_start3A_259 : memref<128xi32, #tpu.memory_space<vmem>>) semaphore(%arg10 : memref<!tpu.dma_semaphore, #tpu.memory_space<semaphore_mem>>)
      } else {
      }
      %mul3A_188 = arith.constant 2 : i32
      %mul3A_189 = arith.muli %add3A_149, %mul3A_188 : i32
      %add3A_190 = arith.constant 1 : i32
      %add3A_191 = arith.addi %mul3A_189, %add3A_190 : i32
      %mul3A_192 = arith.constant 10000 : i32
      %mul3A_193 = arith.muli %arg1, %mul3A_192 : i32
      %dma_wait3A_194 = arith.constant 1 : i32
      %dma_wait3A_195 = arith.constant 0 : i32
      %dma_wait3A_196 = tpu.memref_slice %arg7[%dma_wait3A_194, %dma_wait3A_195] : memref<2x128xi32, #tpu.memory_space<vmem>> -> memref<1x128xi32, #tpu.memory_space<vmem>>
      %dma_wait3A_197 = tpu.memref_squeeze %dma_wait3A_196 : memref<1x128xi32, #tpu.memory_space<vmem>> -> memref<128xi32, #tpu.memory_space<vmem>>
      %dma_wait3A_198 = arith.constant 0 : i32
      %dma_wait3A_199 = tpu.memref_slice %dma_wait3A_197[%dma_wait3A_198] : memref<128xi32, #tpu.memory_space<vmem>> -> memref<128xi32, #tpu.memory_space<vmem>>
      %dma_wait3A_200 = tpu.memref_slice %arg4[%mul3A_193] : memref<160000xi32, #tpu.memory_space<hbm>> -> memref<128xi32, #tpu.memory_space<hbm>>
      %dma_wait3A_201 = arith.constant 0 : i32
      %dma_wait3A_202 = tpu.memref_slice %arg7[%dma_wait3A_194, %dma_wait3A_201] : memref<2x128xi32, #tpu.memory_space<vmem>> -> memref<1x128xi32, #tpu.memory_space<vmem>>
      %dma_wait3A_203 = tpu.memref_squeeze %dma_wait3A_202 : memref<1x128xi32, #tpu.memory_space<vmem>> -> memref<128xi32, #tpu.memory_space<vmem>>
      %dma_wait3A_204 = arith.constant 0 : i32
      %dma_wait3A_205 = tpu.memref_slice %dma_wait3A_203[%dma_wait3A_204] : memref<128xi32, #tpu.memory_space<vmem>> -> memref<128xi32, #tpu.memory_space<vmem>>
      %dma_wait3A_206 = tpu.memref_slice %arg4[%mul3A_193] : memref<160000xi32, #tpu.memory_space<hbm>> -> memref<128xi32, #tpu.memory_space<hbm>>
      tpu.wait_dma2 semaphore(%arg13 : memref<!tpu.dma_semaphore, #tpu.memory_space<semaphore_mem>>) src(%dma_wait3A_206 : memref<128xi32, #tpu.memory_space<hbm>>) dst(%dma_wait3A_205 : memref<128xi32, #tpu.memory_space<vmem>>)
      %dma_wait3A_207 = arith.constant 1 : i32
      %dma_wait3A_208 = arith.constant 0 : i32
      %dma_wait3A_209 = arith.constant 0 : i32
      %dma_wait3A_210 = tpu.memref_slice %arg8[%dma_wait3A_207, %dma_wait3A_208, %dma_wait3A_209] : memref<2x128x128xf32, #tpu.memory_space<vmem>> -> memref<1x128x128xf32, #tpu.memory_space<vmem>>
      %dma_wait3A_211 = tpu.memref_squeeze %dma_wait3A_210 : memref<1x128x128xf32, #tpu.memory_space<vmem>> -> memref<128x128xf32, #tpu.memory_space<vmem>>
      %dma_wait3A_212 = arith.constant 0 : i32
      %dma_wait3A_213 = arith.constant 0 : i32
      %dma_wait3A_214 = tpu.memref_slice %dma_wait3A_211[%dma_wait3A_212, %dma_wait3A_213] : memref<128x128xf32, #tpu.memory_space<vmem>> -> memref<128x128xf32, #tpu.memory_space<vmem>>
      %dma_wait3A_215 = arith.constant 0 : i32
      %dma_wait3A_216 = tpu.memref_slice %arg6[%dma_wait3A_215] : memref<10000xi32, #tpu.memory_space<vmem>> -> memref<128xi32, #tpu.memory_space<vmem>>
      %dma_wait3A_217 = arith.constant 0 : i32
      %dma_wait3A_218 = arith.constant 0 : i32
      %dma_wait3A_219 = tpu.memref_slice %arg2[%dma_wait3A_217, %dma_wait3A_218] : memref<10000x128xf32, #tpu.memory_space<hbm>> -> memref<10000x128xf32, #tpu.memory_space<hbm>>
      tpu.wait_indirect_dma semaphore(%arg11 : memref<!tpu.dma_semaphore, #tpu.memory_space<semaphore_mem>>) src(%dma_wait3A_219 : memref<10000x128xf32, #tpu.memory_space<hbm>>) dst(%dma_wait3A_214 : memref<128x128xf32, #tpu.memory_space<vmem>>)
      %run_scoped3A_220 = arith.constant 1 : i32
      %run_scoped3A_221 = arith.constant 1 : i32
      "tpu.region"() ({
        %run_scoped3A_229 = tpu.sem_alloc : memref<!tpu.dma_semaphore, #tpu.memory_space<semaphore_mem>>
        %dma_start3A_230 = arith.constant 0 : i32
        %dma_start3A_231 = arith.constant 0 : i32
        %dma_start3A_232 = tpu.memref_slice %arg8[%run_scoped3A_220, %dma_start3A_230, %dma_start3A_231] : memref<2x128x128xf32, #tpu.memory_space<vmem>> -> memref<1x128x128xf32, #tpu.memory_space<vmem>>
        %dma_start3A_233 = tpu.memref_squeeze %dma_start3A_232 : memref<1x128x128xf32, #tpu.memory_space<vmem>> -> memref<128x128xf32, #tpu.memory_space<vmem>>
        %dma_start3A_234 = arith.constant 0 : i32
        %dma_start3A_235 = arith.constant 0 : i32
        %dma_start3A_236 = tpu.memref_slice %dma_start3A_233[%dma_start3A_234, %dma_start3A_235] : memref<128x128xf32, #tpu.memory_space<vmem>> -> memref<128x128xf32, #tpu.memory_space<vmem>>
        %dma_start3A_237 = arith.constant 0 : i32
        %dma_start3A_238 = tpu.memref_slice %arg7[%run_scoped3A_221, %dma_start3A_237] : memref<2x128xi32, #tpu.memory_space<vmem>> -> memref<1x128xi32, #tpu.memory_space<vmem>>
        %dma_start3A_239 = tpu.memref_squeeze %dma_start3A_238 : memref<1x128xi32, #tpu.memory_space<vmem>> -> memref<128xi32, #tpu.memory_space<vmem>>
        %dma_start3A_240 = arith.constant 0 : i32
        %dma_start3A_241 = tpu.memref_slice %dma_start3A_239[%dma_start3A_240] : memref<128xi32, #tpu.memory_space<vmem>> -> memref<128xi32, #tpu.memory_space<vmem>>
        %dma_start3A_242 = arith.constant 0 : i32
        %dma_start3A_243 = arith.constant 0 : i32
        %dma_start3A_244 = tpu.memref_slice %arg9[%dma_start3A_242, %dma_start3A_243] : memref<10240x128xf32, #tpu.memory_space<vmem_shared>> -> memref<10240x128xf32, #tpu.memory_space<vmem_shared>>
        tpu.enqueue_indirect_dma source(%dma_start3A_236 : memref<128x128xf32, #tpu.memory_space<vmem>>) target(%dma_start3A_244 : memref<10240x128xf32, #tpu.memory_space<vmem_shared>>) offsets(%dma_start3A_241 : memref<128xi32, #tpu.memory_space<vmem>>) semaphore(%run_scoped3A_229 : memref<!tpu.dma_semaphore, #tpu.memory_space<semaphore_mem>>) {add = true}
        %dma_wait3A_245 = arith.constant 0 : i32
        %dma_wait3A_246 = arith.constant 0 : i32
        %dma_wait3A_247 = tpu.memref_slice %arg8[%run_scoped3A_220, %dma_wait3A_245, %dma_wait3A_246] : memref<2x128x128xf32, #tpu.memory_space<vmem>> -> memref<1x128x128xf32, #tpu.memory_space<vmem>>
        %dma_wait3A_248 = tpu.memref_squeeze %dma_wait3A_247 : memref<1x128x128xf32, #tpu.memory_space<vmem>> -> memref<128x128xf32, #tpu.memory_space<vmem>>
        %dma_wait3A_249 = arith.constant 0 : i32
        %dma_wait3A_250 = arith.constant 0 : i32
        %dma_wait3A_251 = tpu.memref_slice %dma_wait3A_248[%dma_wait3A_249, %dma_wait3A_250] : memref<128x128xf32, #tpu.memory_space<vmem>> -> memref<128x128xf32, #tpu.memory_space<vmem>>
        %dma_wait3A_252 = arith.constant 0 : i32
        %dma_wait3A_253 = tpu.memref_slice %arg7[%run_scoped3A_221, %dma_wait3A_252] : memref<2x128xi32, #tpu.memory_space<vmem>> -> memref<1x128xi32, #tpu.memory_space<vmem>>
        %dma_wait3A_254 = tpu.memref_squeeze %dma_wait3A_253 : memref<1x128xi32, #tpu.memory_space<vmem>> -> memref<128xi32, #tpu.memory_space<vmem>>
        %dma_wait3A_255 = arith.constant 0 : i32
        %dma_wait3A_256 = tpu.memref_slice %dma_wait3A_254[%dma_wait3A_255] : memref<128xi32, #tpu.memory_space<vmem>> -> memref<128xi32, #tpu.memory_space<vmem>>
        %dma_wait3A_257 = arith.constant 0 : i32
        %dma_wait3A_258 = arith.constant 0 : i32
        %dma_wait3A_259 = tpu.memref_slice %arg9[%dma_wait3A_257, %dma_wait3A_258] : memref<10240x128xf32, #tpu.memory_space<vmem_shared>> -> memref<10240x128xf32, #tpu.memory_space<vmem_shared>>
        tpu.wait_indirect_dma semaphore(%run_scoped3A_229 : memref<!tpu.dma_semaphore, #tpu.memory_space<semaphore_mem>>) src(%dma_wait3A_251 : memref<128x128xf32, #tpu.memory_space<vmem>>) dst(%dma_wait3A_259 : memref<10240x128xf32, #tpu.memory_space<vmem_shared>>)
        tpu.yield
      }) : () -> ()
      %add3A_222 = arith.constant 2 : i32
      %add3A_223 = arith.addi %add3A_191, %add3A_222 : i32
      %lt3A_224 = arith.constant 78 : i32
      %lt3A_225 = arith.cmpi slt, %add3A_223, %lt3A_224 : i32
      %convert_element_type3A_226 = arith.extui %lt3A_225 : i1 to i32
      %cond3A_227 = arith.constant 0 : i32
      %cond3A_228 = arith.cmpi ne, %convert_element_type3A_226, %cond3A_227 : i32
      scf.if %cond3A_228 {
        %add3A_229 = arith.constant 2 : i32
        %add3A_230 = arith.addi %add3A_191, %add3A_229 : i32
        %mul3A_231 = arith.constant 10000 : i32
        %mul3A_232 = arith.muli %arg1, %mul3A_231 : i32
        %mul3A_233 = arith.constant 128 : i32
        %mul3A_234 = arith.muli %add3A_230, %mul3A_233 : i32
        %add3A_235 = arith.addi %mul3A_232, %mul3A_234 : i32
        %dma_start3A_236 = arith.constant 1 : i32
        %dma_start3A_237 = arith.constant 0 : i32
        %dma_start3A_238 = tpu.memref_slice %arg7[%dma_start3A_236, %dma_start3A_237] : memref<2x128xi32, #tpu.memory_space<vmem>> -> memref<1x128xi32, #tpu.memory_space<vmem>>
        %dma_start3A_239 = tpu.memref_squeeze %dma_start3A_238 : memref<1x128xi32, #tpu.memory_space<vmem>> -> memref<128xi32, #tpu.memory_space<vmem>>
        %dma_start3A_240 = arith.constant 0 : i32
        %dma_start3A_241 = tpu.memref_slice %dma_start3A_239[%dma_start3A_240] : memref<128xi32, #tpu.memory_space<vmem>> -> memref<128xi32, #tpu.memory_space<vmem>>
        %dma_start3A_242 = tpu.memref_slice %arg4[%add3A_235] : memref<160000xi32, #tpu.memory_space<hbm>> -> memref<128xi32, #tpu.memory_space<hbm>>
        %dma_start3A_243 = arith.constant 0 : i32
        %dma_start3A_244 = tpu.memref_slice %arg7[%dma_start3A_236, %dma_start3A_243] : memref<2x128xi32, #tpu.memory_space<vmem>> -> memref<1x128xi32, #tpu.memory_space<vmem>>
        %dma_start3A_245 = tpu.memref_squeeze %dma_start3A_244 : memref<1x128xi32, #tpu.memory_space<vmem>> -> memref<128xi32, #tpu.memory_space<vmem>>
        %dma_start3A_246 = arith.constant 0 : i32
        %dma_start3A_247 = tpu.memref_slice %dma_start3A_245[%dma_start3A_246] : memref<128xi32, #tpu.memory_space<vmem>> -> memref<128xi32, #tpu.memory_space<vmem>>
        %dma_start3A_248 = tpu.memref_slice %arg4[%add3A_235] : memref<160000xi32, #tpu.memory_space<hbm>> -> memref<128xi32, #tpu.memory_space<hbm>>
        tpu.enqueue_dma source(%dma_start3A_248 : memref<128xi32, #tpu.memory_space<hbm>>) target(%dma_start3A_247 : memref<128xi32, #tpu.memory_space<vmem>>) target_semaphore(%arg13 : memref<!tpu.dma_semaphore, #tpu.memory_space<semaphore_mem>>)
        %mul3A_249 = arith.constant 128 : i32
        %mul3A_250 = arith.muli %add3A_230, %mul3A_249 : i32
        %dma_start3A_251 = arith.constant 1 : i32
        %dma_start3A_252 = arith.constant 0 : i32
        %dma_start3A_253 = arith.constant 0 : i32
        %dma_start3A_254 = tpu.memref_slice %arg8[%dma_start3A_251, %dma_start3A_252, %dma_start3A_253] : memref<2x128x128xf32, #tpu.memory_space<vmem>> -> memref<1x128x128xf32, #tpu.memory_space<vmem>>
        %dma_start3A_255 = tpu.memref_squeeze %dma_start3A_254 : memref<1x128x128xf32, #tpu.memory_space<vmem>> -> memref<128x128xf32, #tpu.memory_space<vmem>>
        %dma_start3A_256 = arith.constant 0 : i32
        %dma_start3A_257 = arith.constant 0 : i32
        %dma_start3A_258 = tpu.memref_slice %dma_start3A_255[%dma_start3A_256, %dma_start3A_257] : memref<128x128xf32, #tpu.memory_space<vmem>> -> memref<128x128xf32, #tpu.memory_space<vmem>>
        %dma_start3A_259 = tpu.memref_slice %arg6[%mul3A_250] : memref<10000xi32, #tpu.memory_space<vmem>> -> memref<128xi32, #tpu.memory_space<vmem>>
        %dma_start3A_260 = arith.constant 0 : i32
        %dma_start3A_261 = arith.constant 0 : i32
        %dma_start3A_262 = tpu.memref_slice %arg2[%dma_start3A_260, %dma_start3A_261] : memref<10000x128xf32, #tpu.memory_space<hbm>> -> memref<10000x128xf32, #tpu.memory_space<hbm>>
        tpu.enqueue_indirect_dma source(%dma_start3A_262 : memref<10000x128xf32, #tpu.memory_space<hbm>>) target(%dma_start3A_258 : memref<128x128xf32, #tpu.memory_space<vmem>>) offsets(%dma_start3A_259 : memref<128xi32, #tpu.memory_space<vmem>>) semaphore(%arg11 : memref<!tpu.dma_semaphore, #tpu.memory_space<semaphore_mem>>)
      } else {
      }
    }
    %scan3A_80 = arith.constant 39 : i32
    %mul3A_81 = arith.constant 10000 : i32
    %mul3A_82 = arith.muli %arg1, %mul3A_81 : i32
    %add3A_83 = arith.constant 9984 : i32
    %add3A_84 = arith.addi %mul3A_82, %add3A_83 : i32
    %dma_start3A_85 = arith.constant 0 : i32
    %dma_start3A_86 = arith.constant 0 : i32
    %dma_start3A_87 = tpu.memref_slice %arg7[%dma_start3A_85, %dma_start3A_86] : memref<2x128xi32, #tpu.memory_space<vmem>> -> memref<1x128xi32, #tpu.memory_space<vmem>>
    %dma_start3A_88 = tpu.memref_squeeze %dma_start3A_87 : memref<1x128xi32, #tpu.memory_space<vmem>> -> memref<128xi32, #tpu.memory_space<vmem>>
    %dma_start3A_89 = arith.constant 0 : i32
    %dma_start3A_90 = tpu.memref_slice %dma_start3A_88[%dma_start3A_89] : memref<128xi32, #tpu.memory_space<vmem>> -> memref<16xi32, #tpu.memory_space<vmem>>
    %dma_start3A_91 = tpu.memref_slice %arg4[%add3A_84] : memref<160000xi32, #tpu.memory_space<hbm>> -> memref<16xi32, #tpu.memory_space<hbm>>
    %dma_start3A_92 = arith.constant 0 : i32
    %dma_start3A_93 = tpu.memref_slice %arg7[%dma_start3A_85, %dma_start3A_92] : memref<2x128xi32, #tpu.memory_space<vmem>> -> memref<1x128xi32, #tpu.memory_space<vmem>>
    %dma_start3A_94 = tpu.memref_squeeze %dma_start3A_93 : memref<1x128xi32, #tpu.memory_space<vmem>> -> memref<128xi32, #tpu.memory_space<vmem>>
    %dma_start3A_95 = arith.constant 0 : i32
    %dma_start3A_96 = tpu.memref_slice %dma_start3A_94[%dma_start3A_95] : memref<128xi32, #tpu.memory_space<vmem>> -> memref<16xi32, #tpu.memory_space<vmem>>
    %dma_start3A_97 = tpu.memref_slice %arg4[%add3A_84] : memref<160000xi32, #tpu.memory_space<hbm>> -> memref<16xi32, #tpu.memory_space<hbm>>
    tpu.enqueue_dma source(%dma_start3A_97 : memref<16xi32, #tpu.memory_space<hbm>>) target(%dma_start3A_96 : memref<16xi32, #tpu.memory_space<vmem>>) target_semaphore(%arg12 : memref<!tpu.dma_semaphore, #tpu.memory_space<semaphore_mem>>)
    %dma_start3A_98 = arith.constant 0 : i32
    %dma_start3A_99 = arith.constant 0 : i32
    %dma_start3A_100 = arith.constant 0 : i32
    %dma_start3A_101 = tpu.memref_slice %arg8[%dma_start3A_98, %dma_start3A_99, %dma_start3A_100] : memref<2x128x128xf32, #tpu.memory_space<vmem>> -> memref<1x128x128xf32, #tpu.memory_space<vmem>>
    %dma_start3A_102 = tpu.memref_squeeze %dma_start3A_101 : memref<1x128x128xf32, #tpu.memory_space<vmem>> -> memref<128x128xf32, #tpu.memory_space<vmem>>
    %dma_start3A_103 = arith.constant 0 : i32
    %dma_start3A_104 = arith.constant 0 : i32
    %dma_start3A_105 = tpu.memref_slice %dma_start3A_102[%dma_start3A_103, %dma_start3A_104] : memref<128x128xf32, #tpu.memory_space<vmem>> -> memref<16x128xf32, #tpu.memory_space<vmem>>
    %dma_start3A_106 = arith.constant 9984 : i32
    %dma_start3A_107 = tpu.memref_slice %arg6[%dma_start3A_106] : memref<10000xi32, #tpu.memory_space<vmem>> -> memref<16xi32, #tpu.memory_space<vmem>>
    %dma_start3A_108 = arith.constant 0 : i32
    %dma_start3A_109 = arith.constant 0 : i32
    %dma_start3A_110 = tpu.memref_slice %arg2[%dma_start3A_108, %dma_start3A_109] : memref<10000x128xf32, #tpu.memory_space<hbm>> -> memref<10000x128xf32, #tpu.memory_space<hbm>>
    tpu.enqueue_indirect_dma source(%dma_start3A_110 : memref<10000x128xf32, #tpu.memory_space<hbm>>) target(%dma_start3A_105 : memref<16x128xf32, #tpu.memory_space<vmem>>) offsets(%dma_start3A_107 : memref<16xi32, #tpu.memory_space<vmem>>) semaphore(%arg10 : memref<!tpu.dma_semaphore, #tpu.memory_space<semaphore_mem>>)
    %mul3A_111 = arith.constant 10000 : i32
    %mul3A_112 = arith.muli %arg1, %mul3A_111 : i32
    %dma_wait3A = arith.constant 0 : i32
    %dma_wait3A_113 = arith.constant 0 : i32
    %dma_wait3A_114 = tpu.memref_slice %arg7[%dma_wait3A, %dma_wait3A_113] : memref<2x128xi32, #tpu.memory_space<vmem>> -> memref<1x128xi32, #tpu.memory_space<vmem>>
    %dma_wait3A_115 = tpu.memref_squeeze %dma_wait3A_114 : memref<1x128xi32, #tpu.memory_space<vmem>> -> memref<128xi32, #tpu.memory_space<vmem>>
    %dma_wait3A_116 = arith.constant 0 : i32
    %dma_wait3A_117 = tpu.memref_slice %dma_wait3A_115[%dma_wait3A_116] : memref<128xi32, #tpu.memory_space<vmem>> -> memref<16xi32, #tpu.memory_space<vmem>>
    %dma_wait3A_118 = tpu.memref_slice %arg4[%mul3A_112] : memref<160000xi32, #tpu.memory_space<hbm>> -> memref<16xi32, #tpu.memory_space<hbm>>
    %dma_wait3A_119 = arith.constant 0 : i32
    %dma_wait3A_120 = tpu.memref_slice %arg7[%dma_wait3A, %dma_wait3A_119] : memref<2x128xi32, #tpu.memory_space<vmem>> -> memref<1x128xi32, #tpu.memory_space<vmem>>
    %dma_wait3A_121 = tpu.memref_squeeze %dma_wait3A_120 : memref<1x128xi32, #tpu.memory_space<vmem>> -> memref<128xi32, #tpu.memory_space<vmem>>
    %dma_wait3A_122 = arith.constant 0 : i32
    %dma_wait3A_123 = tpu.memref_slice %dma_wait3A_121[%dma_wait3A_122] : memref<128xi32, #tpu.memory_space<vmem>> -> memref<16xi32, #tpu.memory_space<vmem>>
    %dma_wait3A_124 = tpu.memref_slice %arg4[%mul3A_112] : memref<160000xi32, #tpu.memory_space<hbm>> -> memref<16xi32, #tpu.memory_space<hbm>>
    tpu.wait_dma2 semaphore(%arg12 : memref<!tpu.dma_semaphore, #tpu.memory_space<semaphore_mem>>) src(%dma_wait3A_124 : memref<16xi32, #tpu.memory_space<hbm>>) dst(%dma_wait3A_123 : memref<16xi32, #tpu.memory_space<vmem>>)
    %dma_wait3A_125 = arith.constant 0 : i32
    %dma_wait3A_126 = arith.constant 0 : i32
    %dma_wait3A_127 = arith.constant 0 : i32
    %dma_wait3A_128 = tpu.memref_slice %arg8[%dma_wait3A_125, %dma_wait3A_126, %dma_wait3A_127] : memref<2x128x128xf32, #tpu.memory_space<vmem>> -> memref<1x128x128xf32, #tpu.memory_space<vmem>>
    %dma_wait3A_129 = tpu.memref_squeeze %dma_wait3A_128 : memref<1x128x128xf32, #tpu.memory_space<vmem>> -> memref<128x128xf32, #tpu.memory_space<vmem>>
    %dma_wait3A_130 = arith.constant 0 : i32
    %dma_wait3A_131 = arith.constant 0 : i32
    %dma_wait3A_132 = tpu.memref_slice %dma_wait3A_129[%dma_wait3A_130, %dma_wait3A_131] : memref<128x128xf32, #tpu.memory_space<vmem>> -> memref<16x128xf32, #tpu.memory_space<vmem>>
    %dma_wait3A_133 = arith.constant 0 : i32
    %dma_wait3A_134 = tpu.memref_slice %arg6[%dma_wait3A_133] : memref<10000xi32, #tpu.memory_space<vmem>> -> memref<16xi32, #tpu.memory_space<vmem>>
    %dma_wait3A_135 = arith.constant 0 : i32
    %dma_wait3A_136 = arith.constant 0 : i32
    %dma_wait3A_137 = tpu.memref_slice %arg2[%dma_wait3A_135, %dma_wait3A_136] : memref<10000x128xf32, #tpu.memory_space<hbm>> -> memref<10000x128xf32, #tpu.memory_space<hbm>>
    tpu.wait_indirect_dma semaphore(%arg10 : memref<!tpu.dma_semaphore, #tpu.memory_space<semaphore_mem>>) src(%dma_wait3A_137 : memref<10000x128xf32, #tpu.memory_space<hbm>>) dst(%dma_wait3A_132 : memref<16x128xf32, #tpu.memory_space<vmem>>)
    %run_scoped3A = arith.constant 0 : i32
    %run_scoped3A_138 = arith.constant 0 : i32
    "tpu.region"() ({
      %run_scoped3A_145 = tpu.sem_alloc : memref<!tpu.dma_semaphore, #tpu.memory_space<semaphore_mem>>
      %dma_start3A_146 = arith.constant 0 : i32
      %dma_start3A_147 = arith.constant 0 : i32
      %dma_start3A_148 = tpu.memref_slice %arg8[%run_scoped3A, %dma_start3A_146, %dma_start3A_147] : memref<2x128x128xf32, #tpu.memory_space<vmem>> -> memref<1x128x128xf32, #tpu.memory_space<vmem>>
      %dma_start3A_149 = tpu.memref_squeeze %dma_start3A_148 : memref<1x128x128xf32, #tpu.memory_space<vmem>> -> memref<128x128xf32, #tpu.memory_space<vmem>>
      %dma_start3A_150 = arith.constant 0 : i32
      %dma_start3A_151 = arith.constant 0 : i32
      %dma_start3A_152 = tpu.memref_slice %dma_start3A_149[%dma_start3A_150, %dma_start3A_151] : memref<128x128xf32, #tpu.memory_space<vmem>> -> memref<16x128xf32, #tpu.memory_space<vmem>>
      %dma_start3A_153 = arith.constant 0 : i32
      %dma_start3A_154 = tpu.memref_slice %arg7[%run_scoped3A_138, %dma_start3A_153] : memref<2x128xi32, #tpu.memory_space<vmem>> -> memref<1x128xi32, #tpu.memory_space<vmem>>
      %dma_start3A_155 = tpu.memref_squeeze %dma_start3A_154 : memref<1x128xi32, #tpu.memory_space<vmem>> -> memref<128xi32, #tpu.memory_space<vmem>>
      %dma_start3A_156 = arith.constant 0 : i32
      %dma_start3A_157 = tpu.memref_slice %dma_start3A_155[%dma_start3A_156] : memref<128xi32, #tpu.memory_space<vmem>> -> memref<16xi32, #tpu.memory_space<vmem>>
      %dma_start3A_158 = arith.constant 0 : i32
      %dma_start3A_159 = arith.constant 0 : i32
      %dma_start3A_160 = tpu.memref_slice %arg9[%dma_start3A_158, %dma_start3A_159] : memref<10240x128xf32, #tpu.memory_space<vmem_shared>> -> memref<10240x128xf32, #tpu.memory_space<vmem_shared>>
      tpu.enqueue_indirect_dma source(%dma_start3A_152 : memref<16x128xf32, #tpu.memory_space<vmem>>) target(%dma_start3A_160 : memref<10240x128xf32, #tpu.memory_space<vmem_shared>>) offsets(%dma_start3A_157 : memref<16xi32, #tpu.memory_space<vmem>>) semaphore(%run_scoped3A_145 : memref<!tpu.dma_semaphore, #tpu.memory_space<semaphore_mem>>) {add = true}
      %dma_wait3A_161 = arith.constant 0 : i32
      %dma_wait3A_162 = arith.constant 0 : i32
      %dma_wait3A_163 = tpu.memref_slice %arg8[%run_scoped3A, %dma_wait3A_161, %dma_wait3A_162] : memref<2x128x128xf32, #tpu.memory_space<vmem>> -> memref<1x128x128xf32, #tpu.memory_space<vmem>>
      %dma_wait3A_164 = tpu.memref_squeeze %dma_wait3A_163 : memref<1x128x128xf32, #tpu.memory_space<vmem>> -> memref<128x128xf32, #tpu.memory_space<vmem>>
      %dma_wait3A_165 = arith.constant 0 : i32
      %dma_wait3A_166 = arith.constant 0 : i32
      %dma_wait3A_167 = tpu.memref_slice %dma_wait3A_164[%dma_wait3A_165, %dma_wait3A_166] : memref<128x128xf32, #tpu.memory_space<vmem>> -> memref<16x128xf32, #tpu.memory_space<vmem>>
      %dma_wait3A_168 = arith.constant 0 : i32
      %dma_wait3A_169 = tpu.memref_slice %arg7[%run_scoped3A_138, %dma_wait3A_168] : memref<2x128xi32, #tpu.memory_space<vmem>> -> memref<1x128xi32, #tpu.memory_space<vmem>>
      %dma_wait3A_170 = tpu.memref_squeeze %dma_wait3A_169 : memref<1x128xi32, #tpu.memory_space<vmem>> -> memref<128xi32, #tpu.memory_space<vmem>>
      %dma_wait3A_171 = arith.constant 0 : i32
      %dma_wait3A_172 = tpu.memref_slice %dma_wait3A_170[%dma_wait3A_171] : memref<128xi32, #tpu.memory_space<vmem>> -> memref<16xi32, #tpu.memory_space<vmem>>
      %dma_wait3A_173 = arith.constant 0 : i32
      %dma_wait3A_174 = arith.constant 0 : i32
      %dma_wait3A_175 = tpu.memref_slice %arg9[%dma_wait3A_173, %dma_wait3A_174] : memref<10240x128xf32, #tpu.memory_space<vmem_shared>> -> memref<10240x128xf32, #tpu.memory_space<vmem_shared>>
      tpu.wait_indirect_dma semaphore(%run_scoped3A_145 : memref<!tpu.dma_semaphore, #tpu.memory_space<semaphore_mem>>) src(%dma_wait3A_167 : memref<16x128xf32, #tpu.memory_space<vmem>>) dst(%dma_wait3A_175 : memref<10240x128xf32, #tpu.memory_space<vmem_shared>>)
      tpu.yield
    }) : () -> ()
    %barrier3A_139 = arith.constant 0 : index
    tpu.barrier barrier_id(%barrier3A_139)
    %scan3A_140 = arith.constant 0 : i32
    %scan3A_141 = arith.constant 8 : i32
    %scan3A_142 = arith.addi %scan3A_140, %scan3A_141 : i32
    %scan3A_143 = arith.constant 1 : i32
    scf.for %scan3A_145 = %scan3A_140 to %scan3A_142 step %scan3A_143  : i32 {
      %mul3A_146 = arith.constant 1 : i32
      %mul3A_147 = arith.muli %scan3A_145, %mul3A_146 : i32
      %add3A_148 = arith.constant 0 : i32
      %add3A_149 = arith.addi %add3A_148, %mul3A_147 : i32
      %mul3A_150 = arith.constant 640 : i32
      %mul3A_151 = arith.muli %arg1, %mul3A_150 : i32
      %mul3A_152 = arith.constant 80 : i32
      %mul3A_153 = arith.muli %add3A_149, %mul3A_152 : i32
      %add3A_154 = arith.addi %mul3A_151, %mul3A_153 : i32
      %mul3A_155 = arith.constant 640 : i32
      %mul3A_156 = arith.muli %arg1, %mul3A_155 : i32
      %mul3A_157 = arith.constant 80 : i32
      %mul3A_158 = arith.muli %add3A_149, %mul3A_157 : i32
      %add3A_159 = arith.addi %mul3A_156, %mul3A_158 : i32
      "tpu.region"() ({
        %run_scoped3A_160 = tpu.sem_alloc : memref<!tpu.dma_semaphore, #tpu.memory_space<semaphore_mem>>
        %dma_start3A_161 = arith.constant 0 : i32
        %dma_start3A_162 = tpu.memref_slice %arg5[%arg0, %add3A_159, %dma_start3A_161] : memref<2x10240x128xf32, #tpu.memory_space<hbm>> -> memref<1x80x128xf32, #tpu.memory_space<hbm>>
        %dma_start3A_163 = tpu.memref_squeeze %dma_start3A_162 : memref<1x80x128xf32, #tpu.memory_space<hbm>> -> memref<80x128xf32, #tpu.memory_space<hbm>>
        %dma_start3A_164 = arith.constant 0 : i32
        %dma_start3A_165 = tpu.memref_slice %arg9[%add3A_154, %dma_start3A_164] : memref<10240x128xf32, #tpu.memory_space<vmem_shared>> -> memref<80x128xf32, #tpu.memory_space<vmem_shared>>
        tpu.enqueue_dma source(%dma_start3A_165 : memref<80x128xf32, #tpu.memory_space<vmem_shared>>) target(%dma_start3A_163 : memref<80x128xf32, #tpu.memory_space<hbm>>) target_semaphore(%run_scoped3A_160 : memref<!tpu.dma_semaphore, #tpu.memory_space<semaphore_mem>>)
        %dma_wait3A_166 = arith.constant 0 : i32
        %dma_wait3A_167 = tpu.memref_slice %arg5[%arg0, %add3A_159, %dma_wait3A_166] : memref<2x10240x128xf32, #tpu.memory_space<hbm>> -> memref<1x80x128xf32, #tpu.memory_space<hbm>>
        %dma_wait3A_168 = tpu.memref_squeeze %dma_wait3A_167 : memref<1x80x128xf32, #tpu.memory_space<hbm>> -> memref<80x128xf32, #tpu.memory_space<hbm>>
        %dma_wait3A_169 = arith.constant 0 : i32
        %dma_wait3A_170 = tpu.memref_slice %arg9[%add3A_154, %dma_wait3A_169] : memref<10240x128xf32, #tpu.memory_space<vmem_shared>> -> memref<80x128xf32, #tpu.memory_space<vmem_shared>>
        tpu.wait_dma2 semaphore(%run_scoped3A_160 : memref<!tpu.dma_semaphore, #tpu.memory_space<semaphore_mem>>) src(%dma_wait3A_170 : memref<80x128xf32, #tpu.memory_space<vmem_shared>>) dst(%dma_wait3A_168 : memref<80x128xf32, #tpu.memory_space<hbm>>)
        tpu.yield
      }) : () -> ()
    }
    %scan3A_144 = arith.constant 8 : i32
    return
  }
}

#map = affine_map<(d0, d1) -> (0)>
#map1 = affine_map<(d0, d1) -> (0, 0)>
module attributes {stable_mosaic.version = 14 : i64} {
  func.func @deg_kernel(%arg0: i32, %arg1: i32, %arg2: memref<160000xi32, #tpu.memory_space<hbm>>, %arg3: memref<160000xi32, #tpu.memory_space<hbm>>, %arg4: memref<32x10000xf32, #tpu.memory_space<hbm>>, %arg5: memref<32x5000xf32, #tpu.memory_space<hbm>>, %arg6: memref<5008xi32, #tpu.memory_space<vmem>>, %arg7: memref<5008xi32, #tpu.memory_space<vmem>>, %arg8: memref<10000xf32, #tpu.memory_space<vmem>>, %arg9: memref<5000xf32, #tpu.memory_space<vmem>>) attributes {dimension_semantics = [#tpu.dimension_semantics<core_parallel>, #tpu.dimension_semantics<subcore_parallel>], iteration_bounds = array<i64: 2, 16>, scalar_prefetch = 0 : i64, scratch_operands = 4 : i64, tpu.core_type = #tpu.core_type<sc_vector_subcore>, window_params = [{transform_indices = #map}, {transform_indices = #map}, {transform_indices = #map1}, {transform_indices = #map1}]} {
    %mul3A = arith.constant 16 : i32
    %mul3A_0 = arith.muli %arg0, %mul3A : i32
    %add3A = arith.addi %mul3A_0, %arg1 : i32
    %mul3A_1 = arith.constant 5000 : i32
    %mul3A_2 = arith.muli %add3A, %mul3A_1 : i32
    %broadcast_in_dim3A = arith.constant 0 : i32
    %broadcast_in_dim3A_3 = vector.broadcast %broadcast_in_dim3A : i32 to vector<16xi32>
    %swap3A = arith.constant 4992 : index
    %swap3A_4 = tpu.vector_load %arg6[%swap3A] {strides = array<i32>} : memref<5008xi32, #tpu.memory_space<vmem>>, vector<16xi32>,
    tpu.vector_store %arg6[%swap3A], %broadcast_in_dim3A_3 {strides = array<i32>} : memref<5008xi32, #tpu.memory_space<vmem>>, vector<16xi32>,
    %swap3A_5 = arith.constant 4992 : index
    %swap3A_6 = tpu.vector_load %arg7[%swap3A_5] {strides = array<i32>} : memref<5008xi32, #tpu.memory_space<vmem>>, vector<16xi32>,
    tpu.vector_store %arg7[%swap3A_5], %broadcast_in_dim3A_3 {strides = array<i32>} : memref<5008xi32, #tpu.memory_space<vmem>>, vector<16xi32>,
    "tpu.region"() ({
      %run_scoped3A = tpu.sem_alloc : memref<!tpu.dma_semaphore, #tpu.memory_space<semaphore_mem>>
      %dma_start3A = arith.constant 0 : i32
      %dma_start3A_30 = tpu.memref_slice %arg6[%dma_start3A] : memref<5008xi32, #tpu.memory_space<vmem>> -> memref<5000xi32, #tpu.memory_space<vmem>>
      %dma_start3A_31 = tpu.memref_slice %arg2[%mul3A_2] : memref<160000xi32, #tpu.memory_space<hbm>> -> memref<5000xi32, #tpu.memory_space<hbm>>
      %dma_start3A_32 = arith.constant 0 : i32
      %dma_start3A_33 = tpu.memref_slice %arg6[%dma_start3A_32] : memref<5008xi32, #tpu.memory_space<vmem>> -> memref<5000xi32, #tpu.memory_space<vmem>>
      %dma_start3A_34 = tpu.memref_slice %arg2[%mul3A_2] : memref<160000xi32, #tpu.memory_space<hbm>> -> memref<5000xi32, #tpu.memory_space<hbm>>
      tpu.enqueue_dma source(%dma_start3A_34 : memref<5000xi32, #tpu.memory_space<hbm>>) target(%dma_start3A_33 : memref<5000xi32, #tpu.memory_space<vmem>>) target_semaphore(%run_scoped3A : memref<!tpu.dma_semaphore, #tpu.memory_space<semaphore_mem>>)
      %dma_wait3A = arith.constant 0 : i32
      %dma_wait3A_35 = tpu.memref_slice %arg6[%dma_wait3A] : memref<5008xi32, #tpu.memory_space<vmem>> -> memref<5000xi32, #tpu.memory_space<vmem>>
      %dma_wait3A_36 = tpu.memref_slice %arg2[%mul3A_2] : memref<160000xi32, #tpu.memory_space<hbm>> -> memref<5000xi32, #tpu.memory_space<hbm>>
      %dma_wait3A_37 = arith.constant 0 : i32
      %dma_wait3A_38 = tpu.memref_slice %arg6[%dma_wait3A_37] : memref<5008xi32, #tpu.memory_space<vmem>> -> memref<5000xi32, #tpu.memory_space<vmem>>
      %dma_wait3A_39 = tpu.memref_slice %arg2[%mul3A_2] : memref<160000xi32, #tpu.memory_space<hbm>> -> memref<5000xi32, #tpu.memory_space<hbm>>
      tpu.wait_dma2 semaphore(%run_scoped3A : memref<!tpu.dma_semaphore, #tpu.memory_space<semaphore_mem>>) src(%dma_wait3A_39 : memref<5000xi32, #tpu.memory_space<hbm>>) dst(%dma_wait3A_38 : memref<5000xi32, #tpu.memory_space<vmem>>)
      tpu.yield
    }) : () -> ()
    "tpu.region"() ({
      %run_scoped3A = tpu.sem_alloc : memref<!tpu.dma_semaphore, #tpu.memory_space<semaphore_mem>>
      %dma_start3A = arith.constant 0 : i32
      %dma_start3A_30 = tpu.memref_slice %arg7[%dma_start3A] : memref<5008xi32, #tpu.memory_space<vmem>> -> memref<5000xi32, #tpu.memory_space<vmem>>
      %dma_start3A_31 = tpu.memref_slice %arg3[%mul3A_2] : memref<160000xi32, #tpu.memory_space<hbm>> -> memref<5000xi32, #tpu.memory_space<hbm>>
      %dma_start3A_32 = arith.constant 0 : i32
      %dma_start3A_33 = tpu.memref_slice %arg7[%dma_start3A_32] : memref<5008xi32, #tpu.memory_space<vmem>> -> memref<5000xi32, #tpu.memory_space<vmem>>
      %dma_start3A_34 = tpu.memref_slice %arg3[%mul3A_2] : memref<160000xi32, #tpu.memory_space<hbm>> -> memref<5000xi32, #tpu.memory_space<hbm>>
      tpu.enqueue_dma source(%dma_start3A_34 : memref<5000xi32, #tpu.memory_space<hbm>>) target(%dma_start3A_33 : memref<5000xi32, #tpu.memory_space<vmem>>) target_semaphore(%run_scoped3A : memref<!tpu.dma_semaphore, #tpu.memory_space<semaphore_mem>>)
      %dma_wait3A = arith.constant 0 : i32
      %dma_wait3A_35 = tpu.memref_slice %arg7[%dma_wait3A] : memref<5008xi32, #tpu.memory_space<vmem>> -> memref<5000xi32, #tpu.memory_space<vmem>>
      %dma_wait3A_36 = tpu.memref_slice %arg3[%mul3A_2] : memref<160000xi32, #tpu.memory_space<hbm>> -> memref<5000xi32, #tpu.memory_space<hbm>>
      %dma_wait3A_37 = arith.constant 0 : i32
      %dma_wait3A_38 = tpu.memref_slice %arg7[%dma_wait3A_37] : memref<5008xi32, #tpu.memory_space<vmem>> -> memref<5000xi32, #tpu.memory_space<vmem>>
      %dma_wait3A_39 = tpu.memref_slice %arg3[%mul3A_2] : memref<160000xi32, #tpu.memory_space<hbm>> -> memref<5000xi32, #tpu.memory_space<hbm>>
      tpu.wait_dma2 semaphore(%run_scoped3A : memref<!tpu.dma_semaphore, #tpu.memory_space<semaphore_mem>>) src(%dma_wait3A_39 : memref<5000xi32, #tpu.memory_space<hbm>>) dst(%dma_wait3A_38 : memref<5000xi32, #tpu.memory_space<vmem>>)
      tpu.yield
    }) : () -> ()
    %broadcast_in_dim3A_7 = arith.constant 0.000000e+00 : f32
    %broadcast_in_dim3A_8 = vector.broadcast %broadcast_in_dim3A_7 : f32 to vector<16xf32>
    %scan3A = arith.constant 0 : i32
    %scan3A_9 = arith.constant 625 : i32
    %scan3A_10 = arith.addi %scan3A, %scan3A_9 : i32
    %scan3A_11 = arith.constant 1 : i32
    scf.for %scan3A_30 = %scan3A to %scan3A_10 step %scan3A_11  : i32 {
      %mul3A_31 = arith.constant 1 : i32
      %mul3A_32 = arith.muli %scan3A_30, %mul3A_31 : i32
      %add3A_33 = arith.constant 0 : i32
      %add3A_34 = arith.addi %add3A_33, %mul3A_32 : i32
      %mul3A_35 = arith.constant 16 : i32
      %mul3A_36 = arith.muli %add3A_34, %mul3A_35 : i32
      %swap3A_37 = arith.index_cast %mul3A_36 : i32 to index
      %swap3A_38 = tpu.vector_load %arg8[%swap3A_37] {strides = array<i32>} : memref<10000xf32, #tpu.memory_space<vmem>>, vector<16xf32>,
      tpu.vector_store %arg8[%swap3A_37], %broadcast_in_dim3A_8 {strides = array<i32>} : memref<10000xf32, #tpu.memory_space<vmem>>, vector<16xf32>,
    }
    %scan3A_12 = arith.constant 625 : i32
    %scan3A_13 = arith.constant 0 : i32
    %scan3A_14 = arith.constant 312 : i32
    %scan3A_15 = arith.addi %scan3A_13, %scan3A_14 : i32
    %scan3A_16 = arith.constant 1 : i32
    scf.for %scan3A_30 = %scan3A_13 to %scan3A_15 step %scan3A_16  : i32 {
      %mul3A_31 = arith.constant 1 : i32
      %mul3A_32 = arith.muli %scan3A_30, %mul3A_31 : i32
      %add3A_33 = arith.constant 0 : i32
      %add3A_34 = arith.addi %add3A_33, %mul3A_32 : i32
      %mul3A_35 = arith.constant 16 : i32
      %mul3A_36 = arith.muli %add3A_34, %mul3A_35 : i32
      %swap3A_37 = arith.index_cast %mul3A_36 : i32 to index
      %swap3A_38 = tpu.vector_load %arg9[%swap3A_37] {strides = array<i32>} : memref<5000xf32, #tpu.memory_space<vmem>>, vector<16xf32>,
      tpu.vector_store %arg9[%swap3A_37], %broadcast_in_dim3A_8 {strides = array<i32>} : memref<5000xf32, #tpu.memory_space<vmem>>, vector<16xf32>,
    }
    %scan3A_17 = arith.constant 312 : i32
    %broadcast_in_dim3A_18 = arith.constant 1.000000e+00 : f32
    %broadcast_in_dim3A_19 = vector.broadcast %broadcast_in_dim3A_18 : f32 to vector<16xf32>
    %scan3A_20 = arith.constant 0 : i32
    %scan3A_21 = arith.constant 312 : i32
    %scan3A_22 = arith.addi %scan3A_20, %scan3A_21 : i32
    %scan3A_23 = arith.constant 1 : i32
    scf.for %scan3A_30 = %scan3A_20 to %scan3A_22 step %scan3A_23  : i32 {
      %mul3A_31 = arith.constant 1 : i32
      %mul3A_32 = arith.muli %scan3A_30, %mul3A_31 : i32
      %add3A_33 = arith.constant 0 : i32
      %add3A_34 = arith.addi %add3A_33, %mul3A_32 : i32
      %mul3A_35 = arith.constant 16 : i32
      %mul3A_36 = arith.muli %add3A_34, %mul3A_35 : i32
      %get3A_37 = arith.index_cast %mul3A_36 : i32 to index
      %get3A_38 = tpu.vector_load %arg6[%get3A_37] {strides = array<i32>} : memref<5008xi32, #tpu.memory_space<vmem>>, vector<16xi32>,
      %mul3A_39 = arith.constant 16 : i32
      %mul3A_40 = arith.muli %add3A_34, %mul3A_39 : i32
      %get3A_41 = arith.index_cast %mul3A_40 : i32 to index
      %get3A_42 = tpu.vector_load %arg7[%get3A_41] {strides = array<i32>} : memref<5008xi32, #tpu.memory_space<vmem>>, vector<16xi32>,
      tpu.vector_store_idx %arg8[%get3A_38], %broadcast_in_dim3A_19 {add = true} : memref<10000xf32, #tpu.memory_space<vmem>>[vector<16xi32>], vector<16xf32>,
      tpu.vector_store_idx %arg9[%get3A_42], %broadcast_in_dim3A_19 {add = true} : memref<5000xf32, #tpu.memory_space<vmem>>[vector<16xi32>], vector<16xf32>,
    }
    %scan3A_24 = arith.constant 312 : i32
    %iota3A = tpu.iota {dimensions = array<i32: 0>} : vector<16xi32>
    %lt3A = arith.constant 8 : i32
    %lt3A_25 = vector.broadcast %lt3A : i32 to vector<16xi32>
    %lt3A_26 = arith.cmpi slt, %iota3A, %lt3A_25 : vector<16xi32>
    %get3A = arith.constant 4992 : index
    %get3A_27 = tpu.vector_load %arg6[%get3A] {strides = array<i32>} : memref<5008xi32, #tpu.memory_space<vmem>>, vector<16xi32>,
    %get3A_28 = arith.constant 4992 : index
    %get3A_29 = tpu.vector_load %arg7[%get3A_28] {strides = array<i32>} : memref<5008xi32, #tpu.memory_space<vmem>>, vector<16xi32>,
    tpu.vector_store_idx %arg8[%get3A_27], %broadcast_in_dim3A_19 masked %lt3A_26 {add = true} : memref<10000xf32, #tpu.memory_space<vmem>>[vector<16xi32>], vector<16xf32>, vector<16xi1>
    tpu.vector_store_idx %arg9[%get3A_29], %broadcast_in_dim3A_19 masked %lt3A_26 {add = true} : memref<5000xf32, #tpu.memory_space<vmem>>[vector<16xi32>], vector<16xf32>, vector<16xi1>
    "tpu.region"() ({
      %run_scoped3A = tpu.sem_alloc : memref<!tpu.dma_semaphore, #tpu.memory_space<semaphore_mem>>
      %dma_start3A = arith.constant 0 : i32
      %dma_start3A_30 = tpu.memref_slice %arg4[%add3A, %dma_start3A] : memref<32x10000xf32, #tpu.memory_space<hbm>> -> memref<1x10000xf32, #tpu.memory_space<hbm>>
      %dma_start3A_31 = tpu.memref_squeeze %dma_start3A_30 : memref<1x10000xf32, #tpu.memory_space<hbm>> -> memref<10000xf32, #tpu.memory_space<hbm>>
      %dma_start3A_32 = arith.constant 0 : i32
      %dma_start3A_33 = tpu.memref_slice %arg4[%add3A, %dma_start3A_32] : memref<32x10000xf32, #tpu.memory_space<hbm>> -> memref<1x10000xf32, #tpu.memory_space<hbm>>
      %dma_start3A_34 = tpu.memref_squeeze %dma_start3A_33 : memref<1x10000xf32, #tpu.memory_space<hbm>> -> memref<10000xf32, #tpu.memory_space<hbm>>
      tpu.enqueue_dma source(%arg8 : memref<10000xf32, #tpu.memory_space<vmem>>) target(%dma_start3A_34 : memref<10000xf32, #tpu.memory_space<hbm>>) target_semaphore(%run_scoped3A : memref<!tpu.dma_semaphore, #tpu.memory_space<semaphore_mem>>)
      %dma_wait3A = arith.constant 0 : i32
      %dma_wait3A_35 = tpu.memref_slice %arg4[%add3A, %dma_wait3A] : memref<32x10000xf32, #tpu.memory_space<hbm>> -> memref<1x10000xf32, #tpu.memory_space<hbm>>
      %dma_wait3A_36 = tpu.memref_squeeze %dma_wait3A_35 : memref<1x10000xf32, #tpu.memory_space<hbm>> -> memref<10000xf32, #tpu.memory_space<hbm>>
      %dma_wait3A_37 = arith.constant 0 : i32
      %dma_wait3A_38 = tpu.memref_slice %arg4[%add3A, %dma_wait3A_37] : memref<32x10000xf32, #tpu.memory_space<hbm>> -> memref<1x10000xf32, #tpu.memory_space<hbm>>
      %dma_wait3A_39 = tpu.memref_squeeze %dma_wait3A_38 : memref<1x10000xf32, #tpu.memory_space<hbm>> -> memref<10000xf32, #tpu.memory_space<hbm>>
      tpu.wait_dma2 semaphore(%run_scoped3A : memref<!tpu.dma_semaphore, #tpu.memory_space<semaphore_mem>>) src(%arg8 : memref<10000xf32, #tpu.memory_space<vmem>>) dst(%dma_wait3A_39 : memref<10000xf32, #tpu.memory_space<hbm>>)
      tpu.yield
    }) : () -> ()
    "tpu.region"() ({
      %run_scoped3A = tpu.sem_alloc : memref<!tpu.dma_semaphore, #tpu.memory_space<semaphore_mem>>
      %dma_start3A = arith.constant 0 : i32
      %dma_start3A_30 = tpu.memref_slice %arg5[%add3A, %dma_start3A] : memref<32x5000xf32, #tpu.memory_space<hbm>> -> memref<1x5000xf32, #tpu.memory_space<hbm>>
      %dma_start3A_31 = tpu.memref_squeeze %dma_start3A_30 : memref<1x5000xf32, #tpu.memory_space<hbm>> -> memref<5000xf32, #tpu.memory_space<hbm>>
      %dma_start3A_32 = arith.constant 0 : i32
      %dma_start3A_33 = tpu.memref_slice %arg5[%add3A, %dma_start3A_32] : memref<32x5000xf32, #tpu.memory_space<hbm>> -> memref<1x5000xf32, #tpu.memory_space<hbm>>
      %dma_start3A_34 = tpu.memref_squeeze %dma_start3A_33 : memref<1x5000xf32, #tpu.memory_space<hbm>> -> memref<5000xf32, #tpu.memory_space<hbm>>
      tpu.enqueue_dma source(%arg9 : memref<5000xf32, #tpu.memory_space<vmem>>) target(%dma_start3A_34 : memref<5000xf32, #tpu.memory_space<hbm>>) target_semaphore(%run_scoped3A : memref<!tpu.dma_semaphore, #tpu.memory_space<semaphore_mem>>)
      %dma_wait3A = arith.constant 0 : i32
      %dma_wait3A_35 = tpu.memref_slice %arg5[%add3A, %dma_wait3A] : memref<32x5000xf32, #tpu.memory_space<hbm>> -> memref<1x5000xf32, #tpu.memory_space<hbm>>
      %dma_wait3A_36 = tpu.memref_squeeze %dma_wait3A_35 : memref<1x5000xf32, #tpu.memory_space<hbm>> -> memref<5000xf32, #tpu.memory_space<hbm>>
      %dma_wait3A_37 = arith.constant 0 : i32
      %dma_wait3A_38 = tpu.memref_slice %arg5[%add3A, %dma_wait3A_37] : memref<32x5000xf32, #tpu.memory_space<hbm>> -> memref<1x5000xf32, #tpu.memory_space<hbm>>
      %dma_wait3A_39 = tpu.memref_squeeze %dma_wait3A_38 : memref<1x5000xf32, #tpu.memory_space<hbm>> -> memref<5000xf32, #tpu.memory_space<hbm>>
      tpu.wait_dma2 semaphore(%run_scoped3A : memref<!tpu.dma_semaphore, #tpu.memory_space<semaphore_mem>>) src(%arg9 : memref<5000xf32, #tpu.memory_space<vmem>>) dst(%dma_wait3A_39 : memref<5000xf32, #tpu.memory_space<hbm>>)
      tpu.yield
    }) : () -> ()
    return
  }
}

#map = affine_map<(d0, d1) -> (0)>
#map1 = affine_map<(d0, d1) -> (0, 0)>
module attributes {stable_mosaic.version = 14 : i64} {
  func.func @norm_kernel(%arg0: i32, %arg1: i32, %arg2: memref<160000xi32, #tpu.memory_space<hbm>>, %arg3: memref<160000xi32, #tpu.memory_space<hbm>>, %arg4: memref<10000xf32, #tpu.memory_space<hbm>>, %arg5: memref<5000xf32, #tpu.memory_space<hbm>>, %arg6: memref<32x10000xf32, #tpu.memory_space<hbm>>, %arg7: memref<32x5000xf32, #tpu.memory_space<hbm>>, %arg8: memref<5008xi32, #tpu.memory_space<vmem>>, %arg9: memref<5008xi32, #tpu.memory_space<vmem>>, %arg10: memref<10000xf32, #tpu.memory_space<vmem>>, %arg11: memref<5000xf32, #tpu.memory_space<vmem>>, %arg12: memref<10000xf32, #tpu.memory_space<vmem>>, %arg13: memref<5000xf32, #tpu.memory_space<vmem>>) attributes {dimension_semantics = [#tpu.dimension_semantics<core_parallel>, #tpu.dimension_semantics<subcore_parallel>], iteration_bounds = array<i64: 2, 16>, scalar_prefetch = 0 : i64, scratch_operands = 6 : i64, tpu.core_type = #tpu.core_type<sc_vector_subcore>, window_params = [{transform_indices = #map}, {transform_indices = #map}, {transform_indices = #map}, {transform_indices = #map}, {transform_indices = #map1}, {transform_indices = #map1}]} {
    %mul3A = arith.constant 16 : i32
    %mul3A_0 = arith.muli %arg0, %mul3A : i32
    %add3A = arith.addi %mul3A_0, %arg1 : i32
    %mul3A_1 = arith.constant 5000 : i32
    %mul3A_2 = arith.muli %add3A, %mul3A_1 : i32
    %broadcast_in_dim3A = arith.constant 0 : i32
    %broadcast_in_dim3A_3 = vector.broadcast %broadcast_in_dim3A : i32 to vector<16xi32>
    %swap3A = arith.constant 4992 : index
    %swap3A_4 = tpu.vector_load %arg8[%swap3A] {strides = array<i32>} : memref<5008xi32, #tpu.memory_space<vmem>>, vector<16xi32>,
    tpu.vector_store %arg8[%swap3A], %broadcast_in_dim3A_3 {strides = array<i32>} : memref<5008xi32, #tpu.memory_space<vmem>>, vector<16xi32>,
    %swap3A_5 = arith.constant 4992 : index
    %swap3A_6 = tpu.vector_load %arg9[%swap3A_5] {strides = array<i32>} : memref<5008xi32, #tpu.memory_space<vmem>>, vector<16xi32>,
    tpu.vector_store %arg9[%swap3A_5], %broadcast_in_dim3A_3 {strides = array<i32>} : memref<5008xi32, #tpu.memory_space<vmem>>, vector<16xi32>,
    "tpu.region"() ({
      %run_scoped3A = tpu.sem_alloc : memref<!tpu.dma_semaphore, #tpu.memory_space<semaphore_mem>>
      %dma_start3A = arith.constant 0 : i32
      %dma_start3A_29 = tpu.memref_slice %arg8[%dma_start3A] : memref<5008xi32, #tpu.memory_space<vmem>> -> memref<5000xi32, #tpu.memory_space<vmem>>
      %dma_start3A_30 = tpu.memref_slice %arg2[%mul3A_2] : memref<160000xi32, #tpu.memory_space<hbm>> -> memref<5000xi32, #tpu.memory_space<hbm>>
      %dma_start3A_31 = arith.constant 0 : i32
      %dma_start3A_32 = tpu.memref_slice %arg8[%dma_start3A_31] : memref<5008xi32, #tpu.memory_space<vmem>> -> memref<5000xi32, #tpu.memory_space<vmem>>
      %dma_start3A_33 = tpu.memref_slice %arg2[%mul3A_2] : memref<160000xi32, #tpu.memory_space<hbm>> -> memref<5000xi32, #tpu.memory_space<hbm>>
      tpu.enqueue_dma source(%dma_start3A_33 : memref<5000xi32, #tpu.memory_space<hbm>>) target(%dma_start3A_32 : memref<5000xi32, #tpu.memory_space<vmem>>) target_semaphore(%run_scoped3A : memref<!tpu.dma_semaphore, #tpu.memory_space<semaphore_mem>>)
      %dma_wait3A = arith.constant 0 : i32
      %dma_wait3A_34 = tpu.memref_slice %arg8[%dma_wait3A] : memref<5008xi32, #tpu.memory_space<vmem>> -> memref<5000xi32, #tpu.memory_space<vmem>>
      %dma_wait3A_35 = tpu.memref_slice %arg2[%mul3A_2] : memref<160000xi32, #tpu.memory_space<hbm>> -> memref<5000xi32, #tpu.memory_space<hbm>>
      %dma_wait3A_36 = arith.constant 0 : i32
      %dma_wait3A_37 = tpu.memref_slice %arg8[%dma_wait3A_36] : memref<5008xi32, #tpu.memory_space<vmem>> -> memref<5000xi32, #tpu.memory_space<vmem>>
      %dma_wait3A_38 = tpu.memref_slice %arg2[%mul3A_2] : memref<160000xi32, #tpu.memory_space<hbm>> -> memref<5000xi32, #tpu.memory_space<hbm>>
      tpu.wait_dma2 semaphore(%run_scoped3A : memref<!tpu.dma_semaphore, #tpu.memory_space<semaphore_mem>>) src(%dma_wait3A_38 : memref<5000xi32, #tpu.memory_space<hbm>>) dst(%dma_wait3A_37 : memref<5000xi32, #tpu.memory_space<vmem>>)
      tpu.yield
    }) : () -> ()
    "tpu.region"() ({
      %run_scoped3A = tpu.sem_alloc : memref<!tpu.dma_semaphore, #tpu.memory_space<semaphore_mem>>
      %dma_start3A = arith.constant 0 : i32
      %dma_start3A_29 = tpu.memref_slice %arg9[%dma_start3A] : memref<5008xi32, #tpu.memory_space<vmem>> -> memref<5000xi32, #tpu.memory_space<vmem>>
      %dma_start3A_30 = tpu.memref_slice %arg3[%mul3A_2] : memref<160000xi32, #tpu.memory_space<hbm>> -> memref<5000xi32, #tpu.memory_space<hbm>>
      %dma_start3A_31 = arith.constant 0 : i32
      %dma_start3A_32 = tpu.memref_slice %arg9[%dma_start3A_31] : memref<5008xi32, #tpu.memory_space<vmem>> -> memref<5000xi32, #tpu.memory_space<vmem>>
      %dma_start3A_33 = tpu.memref_slice %arg3[%mul3A_2] : memref<160000xi32, #tpu.memory_space<hbm>> -> memref<5000xi32, #tpu.memory_space<hbm>>
      tpu.enqueue_dma source(%dma_start3A_33 : memref<5000xi32, #tpu.memory_space<hbm>>) target(%dma_start3A_32 : memref<5000xi32, #tpu.memory_space<vmem>>) target_semaphore(%run_scoped3A : memref<!tpu.dma_semaphore, #tpu.memory_space<semaphore_mem>>)
      %dma_wait3A = arith.constant 0 : i32
      %dma_wait3A_34 = tpu.memref_slice %arg9[%dma_wait3A] : memref<5008xi32, #tpu.memory_space<vmem>> -> memref<5000xi32, #tpu.memory_space<vmem>>
      %dma_wait3A_35 = tpu.memref_slice %arg3[%mul3A_2] : memref<160000xi32, #tpu.memory_space<hbm>> -> memref<5000xi32, #tpu.memory_space<hbm>>
      %dma_wait3A_36 = arith.constant 0 : i32
      %dma_wait3A_37 = tpu.memref_slice %arg9[%dma_wait3A_36] : memref<5008xi32, #tpu.memory_space<vmem>> -> memref<5000xi32, #tpu.memory_space<vmem>>
      %dma_wait3A_38 = tpu.memref_slice %arg3[%mul3A_2] : memref<160000xi32, #tpu.memory_space<hbm>> -> memref<5000xi32, #tpu.memory_space<hbm>>
      tpu.wait_dma2 semaphore(%run_scoped3A : memref<!tpu.dma_semaphore, #tpu.memory_space<semaphore_mem>>) src(%dma_wait3A_38 : memref<5000xi32, #tpu.memory_space<hbm>>) dst(%dma_wait3A_37 : memref<5000xi32, #tpu.memory_space<vmem>>)
      tpu.yield
    }) : () -> ()
    "tpu.region"() ({
      %run_scoped3A = tpu.sem_alloc : memref<!tpu.dma_semaphore, #tpu.memory_space<semaphore_mem>>
      tpu.enqueue_dma source(%arg4 : memref<10000xf32, #tpu.memory_space<hbm>>) target(%arg10 : memref<10000xf32, #tpu.memory_space<vmem>>) target_semaphore(%run_scoped3A : memref<!tpu.dma_semaphore, #tpu.memory_space<semaphore_mem>>)
      tpu.wait_dma2 semaphore(%run_scoped3A : memref<!tpu.dma_semaphore, #tpu.memory_space<semaphore_mem>>) src(%arg4 : memref<10000xf32, #tpu.memory_space<hbm>>) dst(%arg10 : memref<10000xf32, #tpu.memory_space<vmem>>)
      tpu.yield
    }) : () -> ()
    "tpu.region"() ({
      %run_scoped3A = tpu.sem_alloc : memref<!tpu.dma_semaphore, #tpu.memory_space<semaphore_mem>>
      tpu.enqueue_dma source(%arg5 : memref<5000xf32, #tpu.memory_space<hbm>>) target(%arg11 : memref<5000xf32, #tpu.memory_space<vmem>>) target_semaphore(%run_scoped3A : memref<!tpu.dma_semaphore, #tpu.memory_space<semaphore_mem>>)
      tpu.wait_dma2 semaphore(%run_scoped3A : memref<!tpu.dma_semaphore, #tpu.memory_space<semaphore_mem>>) src(%arg5 : memref<5000xf32, #tpu.memory_space<hbm>>) dst(%arg11 : memref<5000xf32, #tpu.memory_space<vmem>>)
      tpu.yield
    }) : () -> ()
    %broadcast_in_dim3A_7 = arith.constant 0.000000e+00 : f32
    %broadcast_in_dim3A_8 = vector.broadcast %broadcast_in_dim3A_7 : f32 to vector<16xf32>
    %scan3A = arith.constant 0 : i32
    %scan3A_9 = arith.constant 625 : i32
    %scan3A_10 = arith.addi %scan3A, %scan3A_9 : i32
    %scan3A_11 = arith.constant 1 : i32
    scf.for %scan3A_29 = %scan3A to %scan3A_10 step %scan3A_11  : i32 {
      %mul3A_30 = arith.constant 1 : i32
      %mul3A_31 = arith.muli %scan3A_29, %mul3A_30 : i32
      %add3A_32 = arith.constant 0 : i32
      %add3A_33 = arith.addi %add3A_32, %mul3A_31 : i32
      %mul3A_34 = arith.constant 16 : i32
      %mul3A_35 = arith.muli %add3A_33, %mul3A_34 : i32
      %swap3A_36 = arith.index_cast %mul3A_35 : i32 to index
      %swap3A_37 = tpu.vector_load %arg12[%swap3A_36] {strides = array<i32>} : memref<10000xf32, #tpu.memory_space<vmem>>, vector<16xf32>,
      tpu.vector_store %arg12[%swap3A_36], %broadcast_in_dim3A_8 {strides = array<i32>} : memref<10000xf32, #tpu.memory_space<vmem>>, vector<16xf32>,
    }
    %scan3A_12 = arith.constant 625 : i32
    %scan3A_13 = arith.constant 0 : i32
    %scan3A_14 = arith.constant 312 : i32
    %scan3A_15 = arith.addi %scan3A_13, %scan3A_14 : i32
    %scan3A_16 = arith.constant 1 : i32
    scf.for %scan3A_29 = %scan3A_13 to %scan3A_15 step %scan3A_16  : i32 {
      %mul3A_30 = arith.constant 1 : i32
      %mul3A_31 = arith.muli %scan3A_29, %mul3A_30 : i32
      %add3A_32 = arith.constant 0 : i32
      %add3A_33 = arith.addi %add3A_32, %mul3A_31 : i32
      %mul3A_34 = arith.constant 16 : i32
      %mul3A_35 = arith.muli %add3A_33, %mul3A_34 : i32
      %swap3A_36 = arith.index_cast %mul3A_35 : i32 to index
      %swap3A_37 = tpu.vector_load %arg13[%swap3A_36] {strides = array<i32>} : memref<5000xf32, #tpu.memory_space<vmem>>, vector<16xf32>,
      tpu.vector_store %arg13[%swap3A_36], %broadcast_in_dim3A_8 {strides = array<i32>} : memref<5000xf32, #tpu.memory_space<vmem>>, vector<16xf32>,
    }
    %scan3A_17 = arith.constant 312 : i32
    %scan3A_18 = arith.constant 0 : i32
    %scan3A_19 = arith.constant 312 : i32
    %scan3A_20 = arith.addi %scan3A_18, %scan3A_19 : i32
    %scan3A_21 = arith.constant 1 : i32
    scf.for %scan3A_29 = %scan3A_18 to %scan3A_20 step %scan3A_21  : i32 {
      %mul3A_30 = arith.constant 1 : i32
      %mul3A_31 = arith.muli %scan3A_29, %mul3A_30 : i32
      %add3A_32 = arith.constant 0 : i32
      %add3A_33 = arith.addi %add3A_32, %mul3A_31 : i32
      %mul3A_34 = arith.constant 16 : i32
      %mul3A_35 = arith.muli %add3A_33, %mul3A_34 : i32
      %get3A_36 = arith.index_cast %mul3A_35 : i32 to index
      %get3A_37 = tpu.vector_load %arg8[%get3A_36] {strides = array<i32>} : memref<5008xi32, #tpu.memory_space<vmem>>, vector<16xi32>,
      %mul3A_38 = arith.constant 16 : i32
      %mul3A_39 = arith.muli %add3A_33, %mul3A_38 : i32
      %get3A_40 = arith.index_cast %mul3A_39 : i32 to index
      %get3A_41 = tpu.vector_load %arg9[%get3A_40] {strides = array<i32>} : memref<5008xi32, #tpu.memory_space<vmem>>, vector<16xi32>,
      %gather3A_42 = tpu.vector_load_idx %arg11[%get3A_41] : memref<5000xf32, #tpu.memory_space<vmem>>[vector<16xi32>], vector<16xf32>,
      tpu.vector_store_idx %arg12[%get3A_37], %gather3A_42 {add = true} : memref<10000xf32, #tpu.memory_space<vmem>>[vector<16xi32>], vector<16xf32>,
      %gather3A_43 = tpu.vector_load_idx %arg10[%get3A_37] : memref<10000xf32, #tpu.memory_space<vmem>>[vector<16xi32>], vector<16xf32>,
      tpu.vector_store_idx %arg13[%get3A_41], %gather3A_43 {add = true} : memref<5000xf32, #tpu.memory_space<vmem>>[vector<16xi32>], vector<16xf32>,
    }
    %scan3A_22 = arith.constant 312 : i32
    %iota3A = tpu.iota {dimensions = array<i32: 0>} : vector<16xi32>
    %lt3A = arith.constant 8 : i32
    %lt3A_23 = vector.broadcast %lt3A : i32 to vector<16xi32>
    %lt3A_24 = arith.cmpi slt, %iota3A, %lt3A_23 : vector<16xi32>
    %get3A = arith.constant 4992 : index
    %get3A_25 = tpu.vector_load %arg8[%get3A] {strides = array<i32>} : memref<5008xi32, #tpu.memory_space<vmem>>, vector<16xi32>,
    %get3A_26 = arith.constant 4992 : index
    %get3A_27 = tpu.vector_load %arg9[%get3A_26] {strides = array<i32>} : memref<5008xi32, #tpu.memory_space<vmem>>, vector<16xi32>,
    %gather3A = tpu.vector_load_idx %arg11[%get3A_27] masked %lt3A_24 : memref<5000xf32, #tpu.memory_space<vmem>>[vector<16xi32>], vector<16xf32>, vector<16xi1>
    tpu.vector_store_idx %arg12[%get3A_25], %gather3A masked %lt3A_24 {add = true} : memref<10000xf32, #tpu.memory_space<vmem>>[vector<16xi32>], vector<16xf32>, vector<16xi1>
    %gather3A_28 = tpu.vector_load_idx %arg10[%get3A_25] masked %lt3A_24 : memref<10000xf32, #tpu.memory_space<vmem>>[vector<16xi32>], vector<16xf32>, vector<16xi1>
    tpu.vector_store_idx %arg13[%get3A_27], %gather3A_28 masked %lt3A_24 {add = true} : memref<5000xf32, #tpu.memory_space<vmem>>[vector<16xi32>], vector<16xf32>, vector<16xi1>
    "tpu.region"() ({
      %run_scoped3A = tpu.sem_alloc : memref<!tpu.dma_semaphore, #tpu.memory_space<semaphore_mem>>
      %dma_start3A = arith.constant 0 : i32
      %dma_start3A_29 = tpu.memref_slice %arg6[%add3A, %dma_start3A] : memref<32x10000xf32, #tpu.memory_space<hbm>> -> memref<1x10000xf32, #tpu.memory_space<hbm>>
      %dma_start3A_30 = tpu.memref_squeeze %dma_start3A_29 : memref<1x10000xf32, #tpu.memory_space<hbm>> -> memref<10000xf32, #tpu.memory_space<hbm>>
      %dma_start3A_31 = arith.constant 0 : i32
      %dma_start3A_32 = tpu.memref_slice %arg6[%add3A, %dma_start3A_31] : memref<32x10000xf32, #tpu.memory_space<hbm>> -> memref<1x10000xf32, #tpu.memory_space<hbm>>
      %dma_start3A_33 = tpu.memref_squeeze %dma_start3A_32 : memref<1x10000xf32, #tpu.memory_space<hbm>> -> memref<10000xf32, #tpu.memory_space<hbm>>
      tpu.enqueue_dma source(%arg12 : memref<10000xf32, #tpu.memory_space<vmem>>) target(%dma_start3A_33 : memref<10000xf32, #tpu.memory_space<hbm>>) target_semaphore(%run_scoped3A : memref<!tpu.dma_semaphore, #tpu.memory_space<semaphore_mem>>)
      %dma_wait3A = arith.constant 0 : i32
      %dma_wait3A_34 = tpu.memref_slice %arg6[%add3A, %dma_wait3A] : memref<32x10000xf32, #tpu.memory_space<hbm>> -> memref<1x10000xf32, #tpu.memory_space<hbm>>
      %dma_wait3A_35 = tpu.memref_squeeze %dma_wait3A_34 : memref<1x10000xf32, #tpu.memory_space<hbm>> -> memref<10000xf32, #tpu.memory_space<hbm>>
      %dma_wait3A_36 = arith.constant 0 : i32
      %dma_wait3A_37 = tpu.memref_slice %arg6[%add3A, %dma_wait3A_36] : memref<32x10000xf32, #tpu.memory_space<hbm>> -> memref<1x10000xf32, #tpu.memory_space<hbm>>
      %dma_wait3A_38 = tpu.memref_squeeze %dma_wait3A_37 : memref<1x10000xf32, #tpu.memory_space<hbm>> -> memref<10000xf32, #tpu.memory_space<hbm>>
      tpu.wait_dma2 semaphore(%run_scoped3A : memref<!tpu.dma_semaphore, #tpu.memory_space<semaphore_mem>>) src(%arg12 : memref<10000xf32, #tpu.memory_space<vmem>>) dst(%dma_wait3A_38 : memref<10000xf32, #tpu.memory_space<hbm>>)
      tpu.yield
    }) : () -> ()
    "tpu.region"() ({
      %run_scoped3A = tpu.sem_alloc : memref<!tpu.dma_semaphore, #tpu.memory_space<semaphore_mem>>
      %dma_start3A = arith.constant 0 : i32
      %dma_start3A_29 = tpu.memref_slice %arg7[%add3A, %dma_start3A] : memref<32x5000xf32, #tpu.memory_space<hbm>> -> memref<1x5000xf32, #tpu.memory_space<hbm>>
      %dma_start3A_30 = tpu.memref_squeeze %dma_start3A_29 : memref<1x5000xf32, #tpu.memory_space<hbm>> -> memref<5000xf32, #tpu.memory_space<hbm>>
      %dma_start3A_31 = arith.constant 0 : i32
      %dma_start3A_32 = tpu.memref_slice %arg7[%add3A, %dma_start3A_31] : memref<32x5000xf32, #tpu.memory_space<hbm>> -> memref<1x5000xf32, #tpu.memory_space<hbm>>
      %dma_start3A_33 = tpu.memref_squeeze %dma_start3A_32 : memref<1x5000xf32, #tpu.memory_space<hbm>> -> memref<5000xf32, #tpu.memory_space<hbm>>
      tpu.enqueue_dma source(%arg13 : memref<5000xf32, #tpu.memory_space<vmem>>) target(%dma_start3A_33 : memref<5000xf32, #tpu.memory_space<hbm>>) target_semaphore(%run_scoped3A : memref<!tpu.dma_semaphore, #tpu.memory_space<semaphore_mem>>)
      %dma_wait3A = arith.constant 0 : i32
      %dma_wait3A_34 = tpu.memref_slice %arg7[%add3A, %dma_wait3A] : memref<32x5000xf32, #tpu.memory_space<hbm>> -> memref<1x5000xf32, #tpu.memory_space<hbm>>
      %dma_wait3A_35 = tpu.memref_squeeze %dma_wait3A_34 : memref<1x5000xf32, #tpu.memory_space<hbm>> -> memref<5000xf32, #tpu.memory_space<hbm>>
      %dma_wait3A_36 = arith.constant 0 : i32
      %dma_wait3A_37 = tpu.memref_slice %arg7[%add3A, %dma_wait3A_36] : memref<32x5000xf32, #tpu.memory_space<hbm>> -> memref<1x5000xf32, #tpu.memory_space<hbm>>
      %dma_wait3A_38 = tpu.memref_squeeze %dma_wait3A_37 : memref<1x5000xf32, #tpu.memory_space<hbm>> -> memref<5000xf32, #tpu.memory_space<hbm>>
      tpu.wait_dma2 semaphore(%run_scoped3A : memref<!tpu.dma_semaphore, #tpu.memory_space<semaphore_mem>>) src(%arg13 : memref<5000xf32, #tpu.memory_space<vmem>>) dst(%dma_wait3A_38 : memref<5000xf32, #tpu.memory_space<hbm>>)
      tpu.yield
    }) : () -> ()
    return
  }
}

#map = affine_map<(d0, d1) -> (0, 0)>
#map1 = affine_map<(d0, d1) -> (0)>
#map2 = affine_map<(d0, d1) -> (0, 0, 0)>
module attributes {stable_mosaic.version = 14 : i64} {
  func.func @pass_kernel(%arg0: i32, %arg1: i32, %arg2: memref<20000x128xf32, #tpu.memory_space<hbm>>, %arg3: memref<160000xi32, #tpu.memory_space<hbm>>, %arg4: memref<160000xi32, #tpu.memory_space<hbm>>, %arg5: memref<2x5120x128xf32, #tpu.memory_space<hbm>>, %arg6: memref<10000xi32, #tpu.memory_space<vmem>>, %arg7: memref<2x128xi32, #tpu.memory_space<vmem>>, %arg8: memref<2x128x128xf32, #tpu.memory_space<vmem>>, %arg9: memref<5120x128xf32, #tpu.memory_space<vmem_shared>>, %arg10: memref<!tpu.dma_semaphore, #tpu.memory_space<semaphore_mem>>, %arg11: memref<!tpu.dma_semaphore, #tpu.memory_space<semaphore_mem>>, %arg12: memref<!tpu.dma_semaphore, #tpu.memory_space<semaphore_mem>>, %arg13: memref<!tpu.dma_semaphore, #tpu.memory_space<semaphore_mem>>) attributes {dimension_semantics = [#tpu.dimension_semantics<core_parallel>, #tpu.dimension_semantics<subcore_parallel>], iteration_bounds = array<i64: 2, 16>, scalar_prefetch = 0 : i64, scratch_operands = 8 : i64, tpu.core_type = #tpu.core_type<sc_vector_subcore>, window_params = [{transform_indices = #map}, {transform_indices = #map1}, {transform_indices = #map1}, {transform_indices = #map2}]} {
    %mul3A = arith.constant 10000 : i32
    %mul3A_0 = arith.muli %arg0, %mul3A : i32
    %mul3A_1 = arith.constant 10000 : i32
    %mul3A_2 = arith.muli %arg1, %mul3A_1 : i32
    "tpu.region"() ({
      %run_scoped3A_145 = tpu.sem_alloc : memref<!tpu.dma_semaphore, #tpu.memory_space<semaphore_mem>>
      %dma_start3A_146 = tpu.memref_slice %arg3[%mul3A_2] : memref<160000xi32, #tpu.memory_space<hbm>> -> memref<10000xi32, #tpu.memory_space<hbm>>
      %dma_start3A_147 = tpu.memref_slice %arg3[%mul3A_2] : memref<160000xi32, #tpu.memory_space<hbm>> -> memref<10000xi32, #tpu.memory_space<hbm>>
      tpu.enqueue_dma source(%dma_start3A_147 : memref<10000xi32, #tpu.memory_space<hbm>>) target(%arg6 : memref<10000xi32, #tpu.memory_space<vmem>>) target_semaphore(%run_scoped3A_145 : memref<!tpu.dma_semaphore, #tpu.memory_space<semaphore_mem>>)
      %dma_wait3A_148 = tpu.memref_slice %arg3[%mul3A_2] : memref<160000xi32, #tpu.memory_space<hbm>> -> memref<10000xi32, #tpu.memory_space<hbm>>
      %dma_wait3A_149 = tpu.memref_slice %arg3[%mul3A_2] : memref<160000xi32, #tpu.memory_space<hbm>> -> memref<10000xi32, #tpu.memory_space<hbm>>
      tpu.wait_dma2 semaphore(%run_scoped3A_145 : memref<!tpu.dma_semaphore, #tpu.memory_space<semaphore_mem>>) src(%dma_wait3A_149 : memref<10000xi32, #tpu.memory_space<hbm>>) dst(%arg6 : memref<10000xi32, #tpu.memory_space<vmem>>)
      tpu.yield
    }) : () -> ()
    %scan3A = arith.constant 0 : i32
    %scan3A_3 = arith.constant 625 : i32
    %scan3A_4 = arith.addi %scan3A, %scan3A_3 : i32
    %scan3A_5 = arith.constant 1 : i32
    scf.for %scan3A_145 = %scan3A to %scan3A_4 step %scan3A_5  : i32 {
      %mul3A_146 = arith.constant 1 : i32
      %mul3A_147 = arith.muli %scan3A_145, %mul3A_146 : i32
      %add3A_148 = arith.constant 0 : i32
      %add3A_149 = arith.addi %add3A_148, %mul3A_147 : i32
      %mul3A_150 = arith.constant 16 : i32
      %mul3A_151 = arith.muli %add3A_149, %mul3A_150 : i32
      %get3A = arith.index_cast %mul3A_151 : i32 to index
      %get3A_152 = tpu.vector_load %arg6[%get3A] {strides = array<i32>} : memref<10000xi32, #tpu.memory_space<vmem>>, vector<16xi32>,
      %add3A_153 = vector.broadcast %mul3A_0 : i32 to vector<16xi32>
      %add3A_154 = arith.addi %get3A_152, %add3A_153 : vector<16xi32>
      %mul3A_155 = arith.constant 16 : i32
      %mul3A_156 = arith.muli %add3A_149, %mul3A_155 : i32
      %swap3A = arith.index_cast %mul3A_156 : i32 to index
      %swap3A_157 = tpu.vector_load %arg6[%swap3A] {strides = array<i32>} : memref<10000xi32, #tpu.memory_space<vmem>>, vector<16xi32>,
      tpu.vector_store %arg6[%swap3A], %add3A_154 {strides = array<i32>} : memref<10000xi32, #tpu.memory_space<vmem>>, vector<16xi32>,
    }
    %scan3A_6 = arith.constant 625 : i32
    %broadcast_in_dim3A = arith.constant 0.000000e+00 : f32
    %broadcast_in_dim3A_7 = vector.broadcast %broadcast_in_dim3A : f32 to vector<16xf32>
    %scan3A_8 = arith.constant 0 : i32
    %scan3A_9 = arith.constant 80 : i32
    %scan3A_10 = arith.addi %scan3A_8, %scan3A_9 : i32
    %scan3A_11 = arith.constant 1 : i32
    scf.for %scan3A_145 = %scan3A_8 to %scan3A_10 step %scan3A_11  : i32 {
      %mul3A_146 = arith.constant 1 : i32
      %mul3A_147 = arith.muli %scan3A_145, %mul3A_146 : i32
      %add3A_148 = arith.constant 0 : i32
      %add3A_149 = arith.addi %add3A_148, %mul3A_147 : i32
      %swap3A = arith.constant 0 : i32
      %swap3A_150 = arith.index_cast %swap3A : i32 to index
      %swap3A_151 = arith.index_cast %add3A_149 : i32 to index
      %swap3A_152 = arith.constant 0 : index
      %swap3A_153 = tpu.vector_load %arg8[%swap3A_150, %swap3A_151, %swap3A_152] {strides = array<i32>} : memref<2x128x128xf32, #tpu.memory_space<vmem>>, vector<16xf32>,
      tpu.vector_store %arg8[%swap3A_150, %swap3A_151, %swap3A_152], %broadcast_in_dim3A_7 {strides = array<i32>} : memref<2x128x128xf32, #tpu.memory_space<vmem>>, vector<16xf32>,
      %swap3A_154 = arith.constant 0 : i32
      %swap3A_155 = arith.index_cast %swap3A_154 : i32 to index
      %swap3A_156 = arith.index_cast %add3A_149 : i32 to index
      %swap3A_157 = arith.constant 16 : index
      %swap3A_158 = tpu.vector_load %arg8[%swap3A_155, %swap3A_156, %swap3A_157] {strides = array<i32>} : memref<2x128x128xf32, #tpu.memory_space<vmem>>, vector<16xf32>,
      tpu.vector_store %arg8[%swap3A_155, %swap3A_156, %swap3A_157], %broadcast_in_dim3A_7 {strides = array<i32>} : memref<2x128x128xf32, #tpu.memory_space<vmem>>, vector<16xf32>,
      %swap3A_159 = arith.constant 0 : i32
      %swap3A_160 = arith.index_cast %swap3A_159 : i32 to index
      %swap3A_161 = arith.index_cast %add3A_149 : i32 to index
      %swap3A_162 = arith.constant 32 : index
      %swap3A_163 = tpu.vector_load %arg8[%swap3A_160, %swap3A_161, %swap3A_162] {strides = array<i32>} : memref<2x128x128xf32, #tpu.memory_space<vmem>>, vector<16xf32>,
      tpu.vector_store %arg8[%swap3A_160, %swap3A_161, %swap3A_162], %broadcast_in_dim3A_7 {strides = array<i32>} : memref<2x128x128xf32, #tpu.memory_space<vmem>>, vector<16xf32>,
      %swap3A_164 = arith.constant 0 : i32
      %swap3A_165 = arith.index_cast %swap3A_164 : i32 to index
      %swap3A_166 = arith.index_cast %add3A_149 : i32 to index
      %swap3A_167 = arith.constant 48 : index
      %swap3A_168 = tpu.vector_load %arg8[%swap3A_165, %swap3A_166, %swap3A_167] {strides = array<i32>} : memref<2x128x128xf32, #tpu.memory_space<vmem>>, vector<16xf32>,
      tpu.vector_store %arg8[%swap3A_165, %swap3A_166, %swap3A_167], %broadcast_in_dim3A_7 {strides = array<i32>} : memref<2x128x128xf32, #tpu.memory_space<vmem>>, vector<16xf32>,
      %swap3A_169 = arith.constant 0 : i32
      %swap3A_170 = arith.index_cast %swap3A_169 : i32 to index
      %swap3A_171 = arith.index_cast %add3A_149 : i32 to index
      %swap3A_172 = arith.constant 64 : index
      %swap3A_173 = tpu.vector_load %arg8[%swap3A_170, %swap3A_171, %swap3A_172] {strides = array<i32>} : memref<2x128x128xf32, #tpu.memory_space<vmem>>, vector<16xf32>,
      tpu.vector_store %arg8[%swap3A_170, %swap3A_171, %swap3A_172], %broadcast_in_dim3A_7 {strides = array<i32>} : memref<2x128x128xf32, #tpu.memory_space<vmem>>, vector<16xf32>,
      %swap3A_174 = arith.constant 0 : i32
      %swap3A_175 = arith.index_cast %swap3A_174 : i32 to index
      %swap3A_176 = arith.index_cast %add3A_149 : i32 to index
      %swap3A_177 = arith.constant 80 : index
      %swap3A_178 = tpu.vector_load %arg8[%swap3A_175, %swap3A_176, %swap3A_177] {strides = array<i32>} : memref<2x128x128xf32, #tpu.memory_space<vmem>>, vector<16xf32>,
      tpu.vector_store %arg8[%swap3A_175, %swap3A_176, %swap3A_177], %broadcast_in_dim3A_7 {strides = array<i32>} : memref<2x128x128xf32, #tpu.memory_space<vmem>>, vector<16xf32>,
      %swap3A_179 = arith.constant 0 : i32
      %swap3A_180 = arith.index_cast %swap3A_179 : i32 to index
      %swap3A_181 = arith.index_cast %add3A_149 : i32 to index
      %swap3A_182 = arith.constant 96 : index
      %swap3A_183 = tpu.vector_load %arg8[%swap3A_180, %swap3A_181, %swap3A_182] {strides = array<i32>} : memref<2x128x128xf32, #tpu.memory_space<vmem>>, vector<16xf32>,
      tpu.vector_store %arg8[%swap3A_180, %swap3A_181, %swap3A_182], %broadcast_in_dim3A_7 {strides = array<i32>} : memref<2x128x128xf32, #tpu.memory_space<vmem>>, vector<16xf32>,
      %swap3A_184 = arith.constant 0 : i32
      %swap3A_185 = arith.index_cast %swap3A_184 : i32 to index
      %swap3A_186 = arith.index_cast %add3A_149 : i32 to index
      %swap3A_187 = arith.constant 112 : index
      %swap3A_188 = tpu.vector_load %arg8[%swap3A_185, %swap3A_186, %swap3A_187] {strides = array<i32>} : memref<2x128x128xf32, #tpu.memory_space<vmem>>, vector<16xf32>,
      tpu.vector_store %arg8[%swap3A_185, %swap3A_186, %swap3A_187], %broadcast_in_dim3A_7 {strides = array<i32>} : memref<2x128x128xf32, #tpu.memory_space<vmem>>, vector<16xf32>,
    }
    %scan3A_12 = arith.constant 80 : i32
    %scan3A_13 = arith.constant 0 : i32
    %scan3A_14 = arith.constant 4 : i32
    %scan3A_15 = arith.addi %scan3A_13, %scan3A_14 : i32
    %scan3A_16 = arith.constant 1 : i32
    scf.for %scan3A_145 = %scan3A_13 to %scan3A_15 step %scan3A_16  : i32 {
      %mul3A_146 = arith.constant 1 : i32
      %mul3A_147 = arith.muli %scan3A_145, %mul3A_146 : i32
      %add3A_148 = arith.constant 0 : i32
      %add3A_149 = arith.addi %add3A_148, %mul3A_147 : i32
      %mul3A_150 = arith.constant 320 : i32
      %mul3A_151 = arith.muli %arg1, %mul3A_150 : i32
      %mul3A_152 = arith.constant 80 : i32
      %mul3A_153 = arith.muli %add3A_149, %mul3A_152 : i32
      %add3A_154 = arith.addi %mul3A_151, %mul3A_153 : i32
      %run_scoped3A_155 = arith.constant 0 : i32
      "tpu.region"() ({
        %run_scoped3A_156 = tpu.sem_alloc : memref<!tpu.dma_semaphore, #tpu.memory_space<semaphore_mem>>
        %dma_start3A_157 = arith.constant 0 : i32
        %dma_start3A_158 = arith.constant 0 : i32
        %dma_start3A_159 = tpu.memref_slice %arg8[%run_scoped3A_155, %dma_start3A_157, %dma_start3A_158] : memref<2x128x128xf32, #tpu.memory_space<vmem>> -> memref<1x128x128xf32, #tpu.memory_space<vmem>>
        %dma_start3A_160 = tpu.memref_squeeze %dma_start3A_159 : memref<1x128x128xf32, #tpu.memory_space<vmem>> -> memref<128x128xf32, #tpu.memory_space<vmem>>
        %dma_start3A_161 = arith.constant 0 : i32
        %dma_start3A_162 = arith.constant 0 : i32
        %dma_start3A_163 = tpu.memref_slice %dma_start3A_160[%dma_start3A_161, %dma_start3A_162] : memref<128x128xf32, #tpu.memory_space<vmem>> -> memref<80x128xf32, #tpu.memory_space<vmem>>
        %dma_start3A_164 = arith.constant 0 : i32
        %dma_start3A_165 = tpu.memref_slice %arg9[%add3A_154, %dma_start3A_164] : memref<5120x128xf32, #tpu.memory_space<vmem_shared>> -> memref<80x128xf32, #tpu.memory_space<vmem_shared>>
        %dma_start3A_166 = arith.constant 0 : i32
        %dma_start3A_167 = tpu.memref_slice %arg9[%add3A_154, %dma_start3A_166] : memref<5120x128xf32, #tpu.memory_space<vmem_shared>> -> memref<80x128xf32, #tpu.memory_space<vmem_shared>>
        %dma_start3A_168 = arith.constant 0 : i32
        %dma_start3A_169 = arith.constant 0 : i32
        %dma_start3A_170 = tpu.memref_slice %arg8[%run_scoped3A_155, %dma_start3A_168, %dma_start3A_169] : memref<2x128x128xf32, #tpu.memory_space<vmem>> -> memref<1x128x128xf32, #tpu.memory_space<vmem>>
        %dma_start3A_171 = tpu.memref_squeeze %dma_start3A_170 : memref<1x128x128xf32, #tpu.memory_space<vmem>> -> memref<128x128xf32, #tpu.memory_space<vmem>>
        %dma_start3A_172 = arith.constant 0 : i32
        %dma_start3A_173 = arith.constant 0 : i32
        %dma_start3A_174 = tpu.memref_slice %dma_start3A_171[%dma_start3A_172, %dma_start3A_173] : memref<128x128xf32, #tpu.memory_space<vmem>> -> memref<80x128xf32, #tpu.memory_space<vmem>>
        tpu.enqueue_dma source(%dma_start3A_174 : memref<80x128xf32, #tpu.memory_space<vmem>>) target(%dma_start3A_167 : memref<80x128xf32, #tpu.memory_space<vmem_shared>>) target_semaphore(%run_scoped3A_156 : memref<!tpu.dma_semaphore, #tpu.memory_space<semaphore_mem>>)
        %dma_wait3A_175 = arith.constant 0 : i32
        %dma_wait3A_176 = arith.constant 0 : i32
        %dma_wait3A_177 = tpu.memref_slice %arg8[%run_scoped3A_155, %dma_wait3A_175, %dma_wait3A_176] : memref<2x128x128xf32, #tpu.memory_space<vmem>> -> memref<1x128x128xf32, #tpu.memory_space<vmem>>
        %dma_wait3A_178 = tpu.memref_squeeze %dma_wait3A_177 : memref<1x128x128xf32, #tpu.memory_space<vmem>> -> memref<128x128xf32, #tpu.memory_space<vmem>>
        %dma_wait3A_179 = arith.constant 0 : i32
        %dma_wait3A_180 = arith.constant 0 : i32
        %dma_wait3A_181 = tpu.memref_slice %dma_wait3A_178[%dma_wait3A_179, %dma_wait3A_180] : memref<128x128xf32, #tpu.memory_space<vmem>> -> memref<80x128xf32, #tpu.memory_space<vmem>>
        %dma_wait3A_182 = arith.constant 0 : i32
        %dma_wait3A_183 = tpu.memref_slice %arg9[%add3A_154, %dma_wait3A_182] : memref<5120x128xf32, #tpu.memory_space<vmem_shared>> -> memref<80x128xf32, #tpu.memory_space<vmem_shared>>
        %dma_wait3A_184 = arith.constant 0 : i32
        %dma_wait3A_185 = tpu.memref_slice %arg9[%add3A_154, %dma_wait3A_184] : memref<5120x128xf32, #tpu.memory_space<vmem_shared>> -> memref<80x128xf32, #tpu.memory_space<vmem_shared>>
        %dma_wait3A_186 = arith.constant 0 : i32
        %dma_wait3A_187 = arith.constant 0 : i32
        %dma_wait3A_188 = tpu.memref_slice %arg8[%run_scoped3A_155, %dma_wait3A_186, %dma_wait3A_187] : memref<2x128x128xf32, #tpu.memory_space<vmem>> -> memref<1x128x128xf32, #tpu.memory_space<vmem>>
        %dma_wait3A_189 = tpu.memref_squeeze %dma_wait3A_188 : memref<1x128x128xf32, #tpu.memory_space<vmem>> -> memref<128x128xf32, #tpu.memory_space<vmem>>
        %dma_wait3A_190 = arith.constant 0 : i32
        %dma_wait3A_191 = arith.constant 0 : i32
        %dma_wait3A_192 = tpu.memref_slice %dma_wait3A_189[%dma_wait3A_190, %dma_wait3A_191] : memref<128x128xf32, #tpu.memory_space<vmem>> -> memref<80x128xf32, #tpu.memory_space<vmem>>
        tpu.wait_dma2 semaphore(%run_scoped3A_156 : memref<!tpu.dma_semaphore, #tpu.memory_space<semaphore_mem>>) src(%dma_wait3A_192 : memref<80x128xf32, #tpu.memory_space<vmem>>) dst(%dma_wait3A_185 : memref<80x128xf32, #tpu.memory_space<vmem_shared>>)
        tpu.yield
      }) : () -> ()
    }
    %scan3A_17 = arith.constant 4 : i32
    %barrier3A = arith.constant 0 : index
    tpu.barrier barrier_id(%barrier3A)
    %mul3A_18 = arith.constant 10000 : i32
    %mul3A_19 = arith.muli %arg1, %mul3A_18 : i32
    %add3A = arith.constant 0 : i32
    %add3A_20 = arith.addi %mul3A_19, %add3A : i32
    %dma_start3A = arith.constant 0 : i32
    %dma_start3A_21 = arith.constant 0 : i32
    %dma_start3A_22 = tpu.memref_slice %arg7[%dma_start3A, %dma_start3A_21] : memref<2x128xi32, #tpu.memory_space<vmem>> -> memref<1x128xi32, #tpu.memory_space<vmem>>
    %dma_start3A_23 = tpu.memref_squeeze %dma_start3A_22 : memref<1x128xi32, #tpu.memory_space<vmem>> -> memref<128xi32, #tpu.memory_space<vmem>>
    %dma_start3A_24 = arith.constant 0 : i32
    %dma_start3A_25 = tpu.memref_slice %dma_start3A_23[%dma_start3A_24] : memref<128xi32, #tpu.memory_space<vmem>> -> memref<128xi32, #tpu.memory_space<vmem>>
    %dma_start3A_26 = tpu.memref_slice %arg4[%add3A_20] : memref<160000xi32, #tpu.memory_space<hbm>> -> memref<128xi32, #tpu.memory_space<hbm>>
    %dma_start3A_27 = arith.constant 0 : i32
    %dma_start3A_28 = tpu.memref_slice %arg7[%dma_start3A, %dma_start3A_27] : memref<2x128xi32, #tpu.memory_space<vmem>> -> memref<1x128xi32, #tpu.memory_space<vmem>>
    %dma_start3A_29 = tpu.memref_squeeze %dma_start3A_28 : memref<1x128xi32, #tpu.memory_space<vmem>> -> memref<128xi32, #tpu.memory_space<vmem>>
    %dma_start3A_30 = arith.constant 0 : i32
    %dma_start3A_31 = tpu.memref_slice %dma_start3A_29[%dma_start3A_30] : memref<128xi32, #tpu.memory_space<vmem>> -> memref<128xi32, #tpu.memory_space<vmem>>
    %dma_start3A_32 = tpu.memref_slice %arg4[%add3A_20] : memref<160000xi32, #tpu.memory_space<hbm>> -> memref<128xi32, #tpu.memory_space<hbm>>
    tpu.enqueue_dma source(%dma_start3A_32 : memref<128xi32, #tpu.memory_space<hbm>>) target(%dma_start3A_31 : memref<128xi32, #tpu.memory_space<vmem>>) target_semaphore(%arg12 : memref<!tpu.dma_semaphore, #tpu.memory_space<semaphore_mem>>)
    %dma_start3A_33 = arith.constant 0 : i32
    %dma_start3A_34 = arith.constant 0 : i32
    %dma_start3A_35 = arith.constant 0 : i32
    %dma_start3A_36 = tpu.memref_slice %arg8[%dma_start3A_33, %dma_start3A_34, %dma_start3A_35] : memref<2x128x128xf32, #tpu.memory_space<vmem>> -> memref<1x128x128xf32, #tpu.memory_space<vmem>>
    %dma_start3A_37 = tpu.memref_squeeze %dma_start3A_36 : memref<1x128x128xf32, #tpu.memory_space<vmem>> -> memref<128x128xf32, #tpu.memory_space<vmem>>
    %dma_start3A_38 = arith.constant 0 : i32
    %dma_start3A_39 = arith.constant 0 : i32
    %dma_start3A_40 = tpu.memref_slice %dma_start3A_37[%dma_start3A_38, %dma_start3A_39] : memref<128x128xf32, #tpu.memory_space<vmem>> -> memref<128x128xf32, #tpu.memory_space<vmem>>
    %dma_start3A_41 = arith.constant 0 : i32
    %dma_start3A_42 = tpu.memref_slice %arg6[%dma_start3A_41] : memref<10000xi32, #tpu.memory_space<vmem>> -> memref<128xi32, #tpu.memory_space<vmem>>
    %dma_start3A_43 = arith.constant 0 : i32
    %dma_start3A_44 = arith.constant 0 : i32
    %dma_start3A_45 = tpu.memref_slice %arg2[%dma_start3A_43, %dma_start3A_44] : memref<20000x128xf32, #tpu.memory_space<hbm>> -> memref<20000x128xf32, #tpu.memory_space<hbm>>
    tpu.enqueue_indirect_dma source(%dma_start3A_45 : memref<20000x128xf32, #tpu.memory_space<hbm>>) target(%dma_start3A_40 : memref<128x128xf32, #tpu.memory_space<vmem>>) offsets(%dma_start3A_42 : memref<128xi32, #tpu.memory_space<vmem>>) semaphore(%arg10 : memref<!tpu.dma_semaphore, #tpu.memory_space<semaphore_mem>>)
    %mul3A_46 = arith.constant 10000 : i32
    %mul3A_47 = arith.muli %arg1, %mul3A_46 : i32
    %add3A_48 = arith.constant 128 : i32
    %add3A_49 = arith.addi %mul3A_47, %add3A_48 : i32
    %dma_start3A_50 = arith.constant 1 : i32
    %dma_start3A_51 = arith.constant 0 : i32
    %dma_start3A_52 = tpu.memref_slice %arg7[%dma_start3A_50, %dma_start3A_51] : memref<2x128xi32, #tpu.memory_space<vmem>> -> memref<1x128xi32, #tpu.memory_space<vmem>>
    %dma_start3A_53 = tpu.memref_squeeze %dma_start3A_52 : memref<1x128xi32, #tpu.memory_space<vmem>> -> memref<128xi32, #tpu.memory_space<vmem>>
    %dma_start3A_54 = arith.constant 0 : i32
    %dma_start3A_55 = tpu.memref_slice %dma_start3A_53[%dma_start3A_54] : memref<128xi32, #tpu.memory_space<vmem>> -> memref<128xi32, #tpu.memory_space<vmem>>
    %dma_start3A_56 = tpu.memref_slice %arg4[%add3A_49] : memref<160000xi32, #tpu.memory_space<hbm>> -> memref<128xi32, #tpu.memory_space<hbm>>
    %dma_start3A_57 = arith.constant 0 : i32
    %dma_start3A_58 = tpu.memref_slice %arg7[%dma_start3A_50, %dma_start3A_57] : memref<2x128xi32, #tpu.memory_space<vmem>> -> memref<1x128xi32, #tpu.memory_space<vmem>>
    %dma_start3A_59 = tpu.memref_squeeze %dma_start3A_58 : memref<1x128xi32, #tpu.memory_space<vmem>> -> memref<128xi32, #tpu.memory_space<vmem>>
    %dma_start3A_60 = arith.constant 0 : i32
    %dma_start3A_61 = tpu.memref_slice %dma_start3A_59[%dma_start3A_60] : memref<128xi32, #tpu.memory_space<vmem>> -> memref<128xi32, #tpu.memory_space<vmem>>
    %dma_start3A_62 = tpu.memref_slice %arg4[%add3A_49] : memref<160000xi32, #tpu.memory_space<hbm>> -> memref<128xi32, #tpu.memory_space<hbm>>
    tpu.enqueue_dma source(%dma_start3A_62 : memref<128xi32, #tpu.memory_space<hbm>>) target(%dma_start3A_61 : memref<128xi32, #tpu.memory_space<vmem>>) target_semaphore(%arg13 : memref<!tpu.dma_semaphore, #tpu.memory_space<semaphore_mem>>)
    %dma_start3A_63 = arith.constant 1 : i32
    %dma_start3A_64 = arith.constant 0 : i32
    %dma_start3A_65 = arith.constant 0 : i32
    %dma_start3A_66 = tpu.memref_slice %arg8[%dma_start3A_63, %dma_start3A_64, %dma_start3A_65] : memref<2x128x128xf32, #tpu.memory_space<vmem>> -> memref<1x128x128xf32, #tpu.memory_space<vmem>>
    %dma_start3A_67 = tpu.memref_squeeze %dma_start3A_66 : memref<1x128x128xf32, #tpu.memory_space<vmem>> -> memref<128x128xf32, #tpu.memory_space<vmem>>
    %dma_start3A_68 = arith.constant 0 : i32
    %dma_start3A_69 = arith.constant 0 : i32
    %dma_start3A_70 = tpu.memref_slice %dma_start3A_67[%dma_start3A_68, %dma_start3A_69] : memref<128x128xf32, #tpu.memory_space<vmem>> -> memref<128x128xf32, #tpu.memory_space<vmem>>
    %dma_start3A_71 = arith.constant 128 : i32
    %dma_start3A_72 = tpu.memref_slice %arg6[%dma_start3A_71] : memref<10000xi32, #tpu.memory_space<vmem>> -> memref<128xi32, #tpu.memory_space<vmem>>
    %dma_start3A_73 = arith.constant 0 : i32
    %dma_start3A_74 = arith.constant 0 : i32
    %dma_start3A_75 = tpu.memref_slice %arg2[%dma_start3A_73, %dma_start3A_74] : memref<20000x128xf32, #tpu.memory_space<hbm>> -> memref<20000x128xf32, #tpu.memory_space<hbm>>
    tpu.enqueue_indirect_dma source(%dma_start3A_75 : memref<20000x128xf32, #tpu.memory_space<hbm>>) target(%dma_start3A_70 : memref<128x128xf32, #tpu.memory_space<vmem>>) offsets(%dma_start3A_72 : memref<128xi32, #tpu.memory_space<vmem>>) semaphore(%arg11 : memref<!tpu.dma_semaphore, #tpu.memory_space<semaphore_mem>>)
    %scan3A_76 = arith.constant 0 : i32
    %scan3A_77 = arith.constant 39 : i32
    %scan3A_78 = arith.addi %scan3A_76, %scan3A_77 : i32
    %scan3A_79 = arith.constant 1 : i32
    scf.for %scan3A_145 = %scan3A_76 to %scan3A_78 step %scan3A_79  : i32 {
      %mul3A_146 = arith.constant 1 : i32
      %mul3A_147 = arith.muli %scan3A_145, %mul3A_146 : i32
      %add3A_148 = arith.constant 0 : i32
      %add3A_149 = arith.addi %add3A_148, %mul3A_147 : i32
      %mul3A_150 = arith.constant 2 : i32
      %mul3A_151 = arith.muli %add3A_149, %mul3A_150 : i32
      %add3A_152 = arith.constant 0 : i32
      %add3A_153 = arith.addi %mul3A_151, %add3A_152 : i32
      %mul3A_154 = arith.constant 10000 : i32
      %mul3A_155 = arith.muli %arg1, %mul3A_154 : i32
      %dma_wait3A_156 = arith.constant 0 : i32
      %dma_wait3A_157 = arith.constant 0 : i32
      %dma_wait3A_158 = tpu.memref_slice %arg7[%dma_wait3A_156, %dma_wait3A_157] : memref<2x128xi32, #tpu.memory_space<vmem>> -> memref<1x128xi32, #tpu.memory_space<vmem>>
      %dma_wait3A_159 = tpu.memref_squeeze %dma_wait3A_158 : memref<1x128xi32, #tpu.memory_space<vmem>> -> memref<128xi32, #tpu.memory_space<vmem>>
      %dma_wait3A_160 = arith.constant 0 : i32
      %dma_wait3A_161 = tpu.memref_slice %dma_wait3A_159[%dma_wait3A_160] : memref<128xi32, #tpu.memory_space<vmem>> -> memref<128xi32, #tpu.memory_space<vmem>>
      %dma_wait3A_162 = tpu.memref_slice %arg4[%mul3A_155] : memref<160000xi32, #tpu.memory_space<hbm>> -> memref<128xi32, #tpu.memory_space<hbm>>
      %dma_wait3A_163 = arith.constant 0 : i32
      %dma_wait3A_164 = tpu.memref_slice %arg7[%dma_wait3A_156, %dma_wait3A_163] : memref<2x128xi32, #tpu.memory_space<vmem>> -> memref<1x128xi32, #tpu.memory_space<vmem>>
      %dma_wait3A_165 = tpu.memref_squeeze %dma_wait3A_164 : memref<1x128xi32, #tpu.memory_space<vmem>> -> memref<128xi32, #tpu.memory_space<vmem>>
      %dma_wait3A_166 = arith.constant 0 : i32
      %dma_wait3A_167 = tpu.memref_slice %dma_wait3A_165[%dma_wait3A_166] : memref<128xi32, #tpu.memory_space<vmem>> -> memref<128xi32, #tpu.memory_space<vmem>>
      %dma_wait3A_168 = tpu.memref_slice %arg4[%mul3A_155] : memref<160000xi32, #tpu.memory_space<hbm>> -> memref<128xi32, #tpu.memory_space<hbm>>
      tpu.wait_dma2 semaphore(%arg12 : memref<!tpu.dma_semaphore, #tpu.memory_space<semaphore_mem>>) src(%dma_wait3A_168 : memref<128xi32, #tpu.memory_space<hbm>>) dst(%dma_wait3A_167 : memref<128xi32, #tpu.memory_space<vmem>>)
      %dma_wait3A_169 = arith.constant 0 : i32
      %dma_wait3A_170 = arith.constant 0 : i32
      %dma_wait3A_171 = arith.constant 0 : i32
      %dma_wait3A_172 = tpu.memref_slice %arg8[%dma_wait3A_169, %dma_wait3A_170, %dma_wait3A_171] : memref<2x128x128xf32, #tpu.memory_space<vmem>> -> memref<1x128x128xf32, #tpu.memory_space<vmem>>
      %dma_wait3A_173 = tpu.memref_squeeze %dma_wait3A_172 : memref<1x128x128xf32, #tpu.memory_space<vmem>> -> memref<128x128xf32, #tpu.memory_space<vmem>>
      %dma_wait3A_174 = arith.constant 0 : i32
      %dma_wait3A_175 = arith.constant 0 : i32
      %dma_wait3A_176 = tpu.memref_slice %dma_wait3A_173[%dma_wait3A_174, %dma_wait3A_175] : memref<128x128xf32, #tpu.memory_space<vmem>> -> memref<128x128xf32, #tpu.memory_space<vmem>>
      %dma_wait3A_177 = arith.constant 0 : i32
      %dma_wait3A_178 = tpu.memref_slice %arg6[%dma_wait3A_177] : memref<10000xi32, #tpu.memory_space<vmem>> -> memref<128xi32, #tpu.memory_space<vmem>>
      %dma_wait3A_179 = arith.constant 0 : i32
      %dma_wait3A_180 = arith.constant 0 : i32
      %dma_wait3A_181 = tpu.memref_slice %arg2[%dma_wait3A_179, %dma_wait3A_180] : memref<20000x128xf32, #tpu.memory_space<hbm>> -> memref<20000x128xf32, #tpu.memory_space<hbm>>
      tpu.wait_indirect_dma semaphore(%arg10 : memref<!tpu.dma_semaphore, #tpu.memory_space<semaphore_mem>>) src(%dma_wait3A_181 : memref<20000x128xf32, #tpu.memory_space<hbm>>) dst(%dma_wait3A_176 : memref<128x128xf32, #tpu.memory_space<vmem>>)
      %run_scoped3A_182 = arith.constant 0 : i32
      %run_scoped3A_183 = arith.constant 0 : i32
      "tpu.region"() ({
        %run_scoped3A_229 = tpu.sem_alloc : memref<!tpu.dma_semaphore, #tpu.memory_space<semaphore_mem>>
        %dma_start3A_230 = arith.constant 0 : i32
        %dma_start3A_231 = arith.constant 0 : i32
        %dma_start3A_232 = tpu.memref_slice %arg8[%run_scoped3A_182, %dma_start3A_230, %dma_start3A_231] : memref<2x128x128xf32, #tpu.memory_space<vmem>> -> memref<1x128x128xf32, #tpu.memory_space<vmem>>
        %dma_start3A_233 = tpu.memref_squeeze %dma_start3A_232 : memref<1x128x128xf32, #tpu.memory_space<vmem>> -> memref<128x128xf32, #tpu.memory_space<vmem>>
        %dma_start3A_234 = arith.constant 0 : i32
        %dma_start3A_235 = arith.constant 0 : i32
        %dma_start3A_236 = tpu.memref_slice %dma_start3A_233[%dma_start3A_234, %dma_start3A_235] : memref<128x128xf32, #tpu.memory_space<vmem>> -> memref<128x128xf32, #tpu.memory_space<vmem>>
        %dma_start3A_237 = arith.constant 0 : i32
        %dma_start3A_238 = tpu.memref_slice %arg7[%run_scoped3A_183, %dma_start3A_237] : memref<2x128xi32, #tpu.memory_space<vmem>> -> memref<1x128xi32, #tpu.memory_space<vmem>>
        %dma_start3A_239 = tpu.memref_squeeze %dma_start3A_238 : memref<1x128xi32, #tpu.memory_space<vmem>> -> memref<128xi32, #tpu.memory_space<vmem>>
        %dma_start3A_240 = arith.constant 0 : i32
        %dma_start3A_241 = tpu.memref_slice %dma_start3A_239[%dma_start3A_240] : memref<128xi32, #tpu.memory_space<vmem>> -> memref<128xi32, #tpu.memory_space<vmem>>
        %dma_start3A_242 = arith.constant 0 : i32
        %dma_start3A_243 = arith.constant 0 : i32
        %dma_start3A_244 = tpu.memref_slice %arg9[%dma_start3A_242, %dma_start3A_243] : memref<5120x128xf32, #tpu.memory_space<vmem_shared>> -> memref<5120x128xf32, #tpu.memory_space<vmem_shared>>
        tpu.enqueue_indirect_dma source(%dma_start3A_236 : memref<128x128xf32, #tpu.memory_space<vmem>>) target(%dma_start3A_244 : memref<5120x128xf32, #tpu.memory_space<vmem_shared>>) offsets(%dma_start3A_241 : memref<128xi32, #tpu.memory_space<vmem>>) semaphore(%run_scoped3A_229 : memref<!tpu.dma_semaphore, #tpu.memory_space<semaphore_mem>>) {add = true}
        %dma_wait3A_245 = arith.constant 0 : i32
        %dma_wait3A_246 = arith.constant 0 : i32
        %dma_wait3A_247 = tpu.memref_slice %arg8[%run_scoped3A_182, %dma_wait3A_245, %dma_wait3A_246] : memref<2x128x128xf32, #tpu.memory_space<vmem>> -> memref<1x128x128xf32, #tpu.memory_space<vmem>>
        %dma_wait3A_248 = tpu.memref_squeeze %dma_wait3A_247 : memref<1x128x128xf32, #tpu.memory_space<vmem>> -> memref<128x128xf32, #tpu.memory_space<vmem>>
        %dma_wait3A_249 = arith.constant 0 : i32
        %dma_wait3A_250 = arith.constant 0 : i32
        %dma_wait3A_251 = tpu.memref_slice %dma_wait3A_248[%dma_wait3A_249, %dma_wait3A_250] : memref<128x128xf32, #tpu.memory_space<vmem>> -> memref<128x128xf32, #tpu.memory_space<vmem>>
        %dma_wait3A_252 = arith.constant 0 : i32
        %dma_wait3A_253 = tpu.memref_slice %arg7[%run_scoped3A_183, %dma_wait3A_252] : memref<2x128xi32, #tpu.memory_space<vmem>> -> memref<1x128xi32, #tpu.memory_space<vmem>>
        %dma_wait3A_254 = tpu.memref_squeeze %dma_wait3A_253 : memref<1x128xi32, #tpu.memory_space<vmem>> -> memref<128xi32, #tpu.memory_space<vmem>>
        %dma_wait3A_255 = arith.constant 0 : i32
        %dma_wait3A_256 = tpu.memref_slice %dma_wait3A_254[%dma_wait3A_255] : memref<128xi32, #tpu.memory_space<vmem>> -> memref<128xi32, #tpu.memory_space<vmem>>
        %dma_wait3A_257 = arith.constant 0 : i32
        %dma_wait3A_258 = arith.constant 0 : i32
        %dma_wait3A_259 = tpu.memref_slice %arg9[%dma_wait3A_257, %dma_wait3A_258] : memref<5120x128xf32, #tpu.memory_space<vmem_shared>> -> memref<5120x128xf32, #tpu.memory_space<vmem_shared>>
        tpu.wait_indirect_dma semaphore(%run_scoped3A_229 : memref<!tpu.dma_semaphore, #tpu.memory_space<semaphore_mem>>) src(%dma_wait3A_251 : memref<128x128xf32, #tpu.memory_space<vmem>>) dst(%dma_wait3A_259 : memref<5120x128xf32, #tpu.memory_space<vmem_shared>>)
        tpu.yield
      }) : () -> ()
      %add3A_184 = arith.constant 2 : i32
      %add3A_185 = arith.addi %add3A_153, %add3A_184 : i32
      %lt3A = arith.constant 78 : i32
      %lt3A_186 = arith.cmpi slt, %add3A_185, %lt3A : i32
      %convert_element_type3A = arith.extui %lt3A_186 : i1 to i32
      %cond3A = arith.constant 0 : i32
      %cond3A_187 = arith.cmpi ne, %convert_element_type3A, %cond3A : i32
      scf.if %cond3A_187 {
        %add3A_229 = arith.constant 2 : i32
        %add3A_230 = arith.addi %add3A_153, %add3A_229 : i32
        %mul3A_231 = arith.constant 10000 : i32
        %mul3A_232 = arith.muli %arg1, %mul3A_231 : i32
        %mul3A_233 = arith.constant 128 : i32
        %mul3A_234 = arith.muli %add3A_230, %mul3A_233 : i32
        %add3A_235 = arith.addi %mul3A_232, %mul3A_234 : i32
        %dma_start3A_236 = arith.constant 0 : i32
        %dma_start3A_237 = arith.constant 0 : i32
        %dma_start3A_238 = tpu.memref_slice %arg7[%dma_start3A_236, %dma_start3A_237] : memref<2x128xi32, #tpu.memory_space<vmem>> -> memref<1x128xi32, #tpu.memory_space<vmem>>
        %dma_start3A_239 = tpu.memref_squeeze %dma_start3A_238 : memref<1x128xi32, #tpu.memory_space<vmem>> -> memref<128xi32, #tpu.memory_space<vmem>>
        %dma_start3A_240 = arith.constant 0 : i32
        %dma_start3A_241 = tpu.memref_slice %dma_start3A_239[%dma_start3A_240] : memref<128xi32, #tpu.memory_space<vmem>> -> memref<128xi32, #tpu.memory_space<vmem>>
        %dma_start3A_242 = tpu.memref_slice %arg4[%add3A_235] : memref<160000xi32, #tpu.memory_space<hbm>> -> memref<128xi32, #tpu.memory_space<hbm>>
        %dma_start3A_243 = arith.constant 0 : i32
        %dma_start3A_244 = tpu.memref_slice %arg7[%dma_start3A_236, %dma_start3A_243] : memref<2x128xi32, #tpu.memory_space<vmem>> -> memref<1x128xi32, #tpu.memory_space<vmem>>
        %dma_start3A_245 = tpu.memref_squeeze %dma_start3A_244 : memref<1x128xi32, #tpu.memory_space<vmem>> -> memref<128xi32, #tpu.memory_space<vmem>>
        %dma_start3A_246 = arith.constant 0 : i32
        %dma_start3A_247 = tpu.memref_slice %dma_start3A_245[%dma_start3A_246] : memref<128xi32, #tpu.memory_space<vmem>> -> memref<128xi32, #tpu.memory_space<vmem>>
        %dma_start3A_248 = tpu.memref_slice %arg4[%add3A_235] : memref<160000xi32, #tpu.memory_space<hbm>> -> memref<128xi32, #tpu.memory_space<hbm>>
        tpu.enqueue_dma source(%dma_start3A_248 : memref<128xi32, #tpu.memory_space<hbm>>) target(%dma_start3A_247 : memref<128xi32, #tpu.memory_space<vmem>>) target_semaphore(%arg12 : memref<!tpu.dma_semaphore, #tpu.memory_space<semaphore_mem>>)
        %mul3A_249 = arith.constant 128 : i32
        %mul3A_250 = arith.muli %add3A_230, %mul3A_249 : i32
        %dma_start3A_251 = arith.constant 0 : i32
        %dma_start3A_252 = arith.constant 0 : i32
        %dma_start3A_253 = arith.constant 0 : i32
        %dma_start3A_254 = tpu.memref_slice %arg8[%dma_start3A_251, %dma_start3A_252, %dma_start3A_253] : memref<2x128x128xf32, #tpu.memory_space<vmem>> -> memref<1x128x128xf32, #tpu.memory_space<vmem>>
        %dma_start3A_255 = tpu.memref_squeeze %dma_start3A_254 : memref<1x128x128xf32, #tpu.memory_space<vmem>> -> memref<128x128xf32, #tpu.memory_space<vmem>>
        %dma_start3A_256 = arith.constant 0 : i32
        %dma_start3A_257 = arith.constant 0 : i32
        %dma_start3A_258 = tpu.memref_slice %dma_start3A_255[%dma_start3A_256, %dma_start3A_257] : memref<128x128xf32, #tpu.memory_space<vmem>> -> memref<128x128xf32, #tpu.memory_space<vmem>>
        %dma_start3A_259 = tpu.memref_slice %arg6[%mul3A_250] : memref<10000xi32, #tpu.memory_space<vmem>> -> memref<128xi32, #tpu.memory_space<vmem>>
        %dma_start3A_260 = arith.constant 0 : i32
        %dma_start3A_261 = arith.constant 0 : i32
        %dma_start3A_262 = tpu.memref_slice %arg2[%dma_start3A_260, %dma_start3A_261] : memref<20000x128xf32, #tpu.memory_space<hbm>> -> memref<20000x128xf32, #tpu.memory_space<hbm>>
        tpu.enqueue_indirect_dma source(%dma_start3A_262 : memref<20000x128xf32, #tpu.memory_space<hbm>>) target(%dma_start3A_258 : memref<128x128xf32, #tpu.memory_space<vmem>>) offsets(%dma_start3A_259 : memref<128xi32, #tpu.memory_space<vmem>>) semaphore(%arg10 : memref<!tpu.dma_semaphore, #tpu.memory_space<semaphore_mem>>)
      } else {
      }
      %mul3A_188 = arith.constant 2 : i32
      %mul3A_189 = arith.muli %add3A_149, %mul3A_188 : i32
      %add3A_190 = arith.constant 1 : i32
      %add3A_191 = arith.addi %mul3A_189, %add3A_190 : i32
      %mul3A_192 = arith.constant 10000 : i32
      %mul3A_193 = arith.muli %arg1, %mul3A_192 : i32
      %dma_wait3A_194 = arith.constant 1 : i32
      %dma_wait3A_195 = arith.constant 0 : i32
      %dma_wait3A_196 = tpu.memref_slice %arg7[%dma_wait3A_194, %dma_wait3A_195] : memref<2x128xi32, #tpu.memory_space<vmem>> -> memref<1x128xi32, #tpu.memory_space<vmem>>
      %dma_wait3A_197 = tpu.memref_squeeze %dma_wait3A_196 : memref<1x128xi32, #tpu.memory_space<vmem>> -> memref<128xi32, #tpu.memory_space<vmem>>
      %dma_wait3A_198 = arith.constant 0 : i32
      %dma_wait3A_199 = tpu.memref_slice %dma_wait3A_197[%dma_wait3A_198] : memref<128xi32, #tpu.memory_space<vmem>> -> memref<128xi32, #tpu.memory_space<vmem>>
      %dma_wait3A_200 = tpu.memref_slice %arg4[%mul3A_193] : memref<160000xi32, #tpu.memory_space<hbm>> -> memref<128xi32, #tpu.memory_space<hbm>>
      %dma_wait3A_201 = arith.constant 0 : i32
      %dma_wait3A_202 = tpu.memref_slice %arg7[%dma_wait3A_194, %dma_wait3A_201] : memref<2x128xi32, #tpu.memory_space<vmem>> -> memref<1x128xi32, #tpu.memory_space<vmem>>
      %dma_wait3A_203 = tpu.memref_squeeze %dma_wait3A_202 : memref<1x128xi32, #tpu.memory_space<vmem>> -> memref<128xi32, #tpu.memory_space<vmem>>
      %dma_wait3A_204 = arith.constant 0 : i32
      %dma_wait3A_205 = tpu.memref_slice %dma_wait3A_203[%dma_wait3A_204] : memref<128xi32, #tpu.memory_space<vmem>> -> memref<128xi32, #tpu.memory_space<vmem>>
      %dma_wait3A_206 = tpu.memref_slice %arg4[%mul3A_193] : memref<160000xi32, #tpu.memory_space<hbm>> -> memref<128xi32, #tpu.memory_space<hbm>>
      tpu.wait_dma2 semaphore(%arg13 : memref<!tpu.dma_semaphore, #tpu.memory_space<semaphore_mem>>) src(%dma_wait3A_206 : memref<128xi32, #tpu.memory_space<hbm>>) dst(%dma_wait3A_205 : memref<128xi32, #tpu.memory_space<vmem>>)
      %dma_wait3A_207 = arith.constant 1 : i32
      %dma_wait3A_208 = arith.constant 0 : i32
      %dma_wait3A_209 = arith.constant 0 : i32
      %dma_wait3A_210 = tpu.memref_slice %arg8[%dma_wait3A_207, %dma_wait3A_208, %dma_wait3A_209] : memref<2x128x128xf32, #tpu.memory_space<vmem>> -> memref<1x128x128xf32, #tpu.memory_space<vmem>>
      %dma_wait3A_211 = tpu.memref_squeeze %dma_wait3A_210 : memref<1x128x128xf32, #tpu.memory_space<vmem>> -> memref<128x128xf32, #tpu.memory_space<vmem>>
      %dma_wait3A_212 = arith.constant 0 : i32
      %dma_wait3A_213 = arith.constant 0 : i32
      %dma_wait3A_214 = tpu.memref_slice %dma_wait3A_211[%dma_wait3A_212, %dma_wait3A_213] : memref<128x128xf32, #tpu.memory_space<vmem>> -> memref<128x128xf32, #tpu.memory_space<vmem>>
      %dma_wait3A_215 = arith.constant 0 : i32
      %dma_wait3A_216 = tpu.memref_slice %arg6[%dma_wait3A_215] : memref<10000xi32, #tpu.memory_space<vmem>> -> memref<128xi32, #tpu.memory_space<vmem>>
      %dma_wait3A_217 = arith.constant 0 : i32
      %dma_wait3A_218 = arith.constant 0 : i32
      %dma_wait3A_219 = tpu.memref_slice %arg2[%dma_wait3A_217, %dma_wait3A_218] : memref<20000x128xf32, #tpu.memory_space<hbm>> -> memref<20000x128xf32, #tpu.memory_space<hbm>>
      tpu.wait_indirect_dma semaphore(%arg11 : memref<!tpu.dma_semaphore, #tpu.memory_space<semaphore_mem>>) src(%dma_wait3A_219 : memref<20000x128xf32, #tpu.memory_space<hbm>>) dst(%dma_wait3A_214 : memref<128x128xf32, #tpu.memory_space<vmem>>)
      %run_scoped3A_220 = arith.constant 1 : i32
      %run_scoped3A_221 = arith.constant 1 : i32
      "tpu.region"() ({
        %run_scoped3A_229 = tpu.sem_alloc : memref<!tpu.dma_semaphore, #tpu.memory_space<semaphore_mem>>
        %dma_start3A_230 = arith.constant 0 : i32
        %dma_start3A_231 = arith.constant 0 : i32
        %dma_start3A_232 = tpu.memref_slice %arg8[%run_scoped3A_220, %dma_start3A_230, %dma_start3A_231] : memref<2x128x128xf32, #tpu.memory_space<vmem>> -> memref<1x128x128xf32, #tpu.memory_space<vmem>>
        %dma_start3A_233 = tpu.memref_squeeze %dma_start3A_232 : memref<1x128x128xf32, #tpu.memory_space<vmem>> -> memref<128x128xf32, #tpu.memory_space<vmem>>
        %dma_start3A_234 = arith.constant 0 : i32
        %dma_start3A_235 = arith.constant 0 : i32
        %dma_start3A_236 = tpu.memref_slice %dma_start3A_233[%dma_start3A_234, %dma_start3A_235] : memref<128x128xf32, #tpu.memory_space<vmem>> -> memref<128x128xf32, #tpu.memory_space<vmem>>
        %dma_start3A_237 = arith.constant 0 : i32
        %dma_start3A_238 = tpu.memref_slice %arg7[%run_scoped3A_221, %dma_start3A_237] : memref<2x128xi32, #tpu.memory_space<vmem>> -> memref<1x128xi32, #tpu.memory_space<vmem>>
        %dma_start3A_239 = tpu.memref_squeeze %dma_start3A_238 : memref<1x128xi32, #tpu.memory_space<vmem>> -> memref<128xi32, #tpu.memory_space<vmem>>
        %dma_start3A_240 = arith.constant 0 : i32
        %dma_start3A_241 = tpu.memref_slice %dma_start3A_239[%dma_start3A_240] : memref<128xi32, #tpu.memory_space<vmem>> -> memref<128xi32, #tpu.memory_space<vmem>>
        %dma_start3A_242 = arith.constant 0 : i32
        %dma_start3A_243 = arith.constant 0 : i32
        %dma_start3A_244 = tpu.memref_slice %arg9[%dma_start3A_242, %dma_start3A_243] : memref<5120x128xf32, #tpu.memory_space<vmem_shared>> -> memref<5120x128xf32, #tpu.memory_space<vmem_shared>>
        tpu.enqueue_indirect_dma source(%dma_start3A_236 : memref<128x128xf32, #tpu.memory_space<vmem>>) target(%dma_start3A_244 : memref<5120x128xf32, #tpu.memory_space<vmem_shared>>) offsets(%dma_start3A_241 : memref<128xi32, #tpu.memory_space<vmem>>) semaphore(%run_scoped3A_229 : memref<!tpu.dma_semaphore, #tpu.memory_space<semaphore_mem>>) {add = true}
        %dma_wait3A_245 = arith.constant 0 : i32
        %dma_wait3A_246 = arith.constant 0 : i32
        %dma_wait3A_247 = tpu.memref_slice %arg8[%run_scoped3A_220, %dma_wait3A_245, %dma_wait3A_246] : memref<2x128x128xf32, #tpu.memory_space<vmem>> -> memref<1x128x128xf32, #tpu.memory_space<vmem>>
        %dma_wait3A_248 = tpu.memref_squeeze %dma_wait3A_247 : memref<1x128x128xf32, #tpu.memory_space<vmem>> -> memref<128x128xf32, #tpu.memory_space<vmem>>
        %dma_wait3A_249 = arith.constant 0 : i32
        %dma_wait3A_250 = arith.constant 0 : i32
        %dma_wait3A_251 = tpu.memref_slice %dma_wait3A_248[%dma_wait3A_249, %dma_wait3A_250] : memref<128x128xf32, #tpu.memory_space<vmem>> -> memref<128x128xf32, #tpu.memory_space<vmem>>
        %dma_wait3A_252 = arith.constant 0 : i32
        %dma_wait3A_253 = tpu.memref_slice %arg7[%run_scoped3A_221, %dma_wait3A_252] : memref<2x128xi32, #tpu.memory_space<vmem>> -> memref<1x128xi32, #tpu.memory_space<vmem>>
        %dma_wait3A_254 = tpu.memref_squeeze %dma_wait3A_253 : memref<1x128xi32, #tpu.memory_space<vmem>> -> memref<128xi32, #tpu.memory_space<vmem>>
        %dma_wait3A_255 = arith.constant 0 : i32
        %dma_wait3A_256 = tpu.memref_slice %dma_wait3A_254[%dma_wait3A_255] : memref<128xi32, #tpu.memory_space<vmem>> -> memref<128xi32, #tpu.memory_space<vmem>>
        %dma_wait3A_257 = arith.constant 0 : i32
        %dma_wait3A_258 = arith.constant 0 : i32
        %dma_wait3A_259 = tpu.memref_slice %arg9[%dma_wait3A_257, %dma_wait3A_258] : memref<5120x128xf32, #tpu.memory_space<vmem_shared>> -> memref<5120x128xf32, #tpu.memory_space<vmem_shared>>
        tpu.wait_indirect_dma semaphore(%run_scoped3A_229 : memref<!tpu.dma_semaphore, #tpu.memory_space<semaphore_mem>>) src(%dma_wait3A_251 : memref<128x128xf32, #tpu.memory_space<vmem>>) dst(%dma_wait3A_259 : memref<5120x128xf32, #tpu.memory_space<vmem_shared>>)
        tpu.yield
      }) : () -> ()
      %add3A_222 = arith.constant 2 : i32
      %add3A_223 = arith.addi %add3A_191, %add3A_222 : i32
      %lt3A_224 = arith.constant 78 : i32
      %lt3A_225 = arith.cmpi slt, %add3A_223, %lt3A_224 : i32
      %convert_element_type3A_226 = arith.extui %lt3A_225 : i1 to i32
      %cond3A_227 = arith.constant 0 : i32
      %cond3A_228 = arith.cmpi ne, %convert_element_type3A_226, %cond3A_227 : i32
      scf.if %cond3A_228 {
        %add3A_229 = arith.constant 2 : i32
        %add3A_230 = arith.addi %add3A_191, %add3A_229 : i32
        %mul3A_231 = arith.constant 10000 : i32
        %mul3A_232 = arith.muli %arg1, %mul3A_231 : i32
        %mul3A_233 = arith.constant 128 : i32
        %mul3A_234 = arith.muli %add3A_230, %mul3A_233 : i32
        %add3A_235 = arith.addi %mul3A_232, %mul3A_234 : i32
        %dma_start3A_236 = arith.constant 1 : i32
        %dma_start3A_237 = arith.constant 0 : i32
        %dma_start3A_238 = tpu.memref_slice %arg7[%dma_start3A_236, %dma_start3A_237] : memref<2x128xi32, #tpu.memory_space<vmem>> -> memref<1x128xi32, #tpu.memory_space<vmem>>
        %dma_start3A_239 = tpu.memref_squeeze %dma_start3A_238 : memref<1x128xi32, #tpu.memory_space<vmem>> -> memref<128xi32, #tpu.memory_space<vmem>>
        %dma_start3A_240 = arith.constant 0 : i32
        %dma_start3A_241 = tpu.memref_slice %dma_start3A_239[%dma_start3A_240] : memref<128xi32, #tpu.memory_space<vmem>> -> memref<128xi32, #tpu.memory_space<vmem>>
        %dma_start3A_242 = tpu.memref_slice %arg4[%add3A_235] : memref<160000xi32, #tpu.memory_space<hbm>> -> memref<128xi32, #tpu.memory_space<hbm>>
        %dma_start3A_243 = arith.constant 0 : i32
        %dma_start3A_244 = tpu.memref_slice %arg7[%dma_start3A_236, %dma_start3A_243] : memref<2x128xi32, #tpu.memory_space<vmem>> -> memref<1x128xi32, #tpu.memory_space<vmem>>
        %dma_start3A_245 = tpu.memref_squeeze %dma_start3A_244 : memref<1x128xi32, #tpu.memory_space<vmem>> -> memref<128xi32, #tpu.memory_space<vmem>>
        %dma_start3A_246 = arith.constant 0 : i32
        %dma_start3A_247 = tpu.memref_slice %dma_start3A_245[%dma_start3A_246] : memref<128xi32, #tpu.memory_space<vmem>> -> memref<128xi32, #tpu.memory_space<vmem>>
        %dma_start3A_248 = tpu.memref_slice %arg4[%add3A_235] : memref<160000xi32, #tpu.memory_space<hbm>> -> memref<128xi32, #tpu.memory_space<hbm>>
        tpu.enqueue_dma source(%dma_start3A_248 : memref<128xi32, #tpu.memory_space<hbm>>) target(%dma_start3A_247 : memref<128xi32, #tpu.memory_space<vmem>>) target_semaphore(%arg13 : memref<!tpu.dma_semaphore, #tpu.memory_space<semaphore_mem>>)
        %mul3A_249 = arith.constant 128 : i32
        %mul3A_250 = arith.muli %add3A_230, %mul3A_249 : i32
        %dma_start3A_251 = arith.constant 1 : i32
        %dma_start3A_252 = arith.constant 0 : i32
        %dma_start3A_253 = arith.constant 0 : i32
        %dma_start3A_254 = tpu.memref_slice %arg8[%dma_start3A_251, %dma_start3A_252, %dma_start3A_253] : memref<2x128x128xf32, #tpu.memory_space<vmem>> -> memref<1x128x128xf32, #tpu.memory_space<vmem>>
        %dma_start3A_255 = tpu.memref_squeeze %dma_start3A_254 : memref<1x128x128xf32, #tpu.memory_space<vmem>> -> memref<128x128xf32, #tpu.memory_space<vmem>>
        %dma_start3A_256 = arith.constant 0 : i32
        %dma_start3A_257 = arith.constant 0 : i32
        %dma_start3A_258 = tpu.memref_slice %dma_start3A_255[%dma_start3A_256, %dma_start3A_257] : memref<128x128xf32, #tpu.memory_space<vmem>> -> memref<128x128xf32, #tpu.memory_space<vmem>>
        %dma_start3A_259 = tpu.memref_slice %arg6[%mul3A_250] : memref<10000xi32, #tpu.memory_space<vmem>> -> memref<128xi32, #tpu.memory_space<vmem>>
        %dma_start3A_260 = arith.constant 0 : i32
        %dma_start3A_261 = arith.constant 0 : i32
        %dma_start3A_262 = tpu.memref_slice %arg2[%dma_start3A_260, %dma_start3A_261] : memref<20000x128xf32, #tpu.memory_space<hbm>> -> memref<20000x128xf32, #tpu.memory_space<hbm>>
        tpu.enqueue_indirect_dma source(%dma_start3A_262 : memref<20000x128xf32, #tpu.memory_space<hbm>>) target(%dma_start3A_258 : memref<128x128xf32, #tpu.memory_space<vmem>>) offsets(%dma_start3A_259 : memref<128xi32, #tpu.memory_space<vmem>>) semaphore(%arg11 : memref<!tpu.dma_semaphore, #tpu.memory_space<semaphore_mem>>)
      } else {
      }
    }
    %scan3A_80 = arith.constant 39 : i32
    %mul3A_81 = arith.constant 10000 : i32
    %mul3A_82 = arith.muli %arg1, %mul3A_81 : i32
    %add3A_83 = arith.constant 9984 : i32
    %add3A_84 = arith.addi %mul3A_82, %add3A_83 : i32
    %dma_start3A_85 = arith.constant 0 : i32
    %dma_start3A_86 = arith.constant 0 : i32
    %dma_start3A_87 = tpu.memref_slice %arg7[%dma_start3A_85, %dma_start3A_86] : memref<2x128xi32, #tpu.memory_space<vmem>> -> memref<1x128xi32, #tpu.memory_space<vmem>>
    %dma_start3A_88 = tpu.memref_squeeze %dma_start3A_87 : memref<1x128xi32, #tpu.memory_space<vmem>> -> memref<128xi32, #tpu.memory_space<vmem>>
    %dma_start3A_89 = arith.constant 0 : i32
    %dma_start3A_90 = tpu.memref_slice %dma_start3A_88[%dma_start3A_89] : memref<128xi32, #tpu.memory_space<vmem>> -> memref<16xi32, #tpu.memory_space<vmem>>
    %dma_start3A_91 = tpu.memref_slice %arg4[%add3A_84] : memref<160000xi32, #tpu.memory_space<hbm>> -> memref<16xi32, #tpu.memory_space<hbm>>
    %dma_start3A_92 = arith.constant 0 : i32
    %dma_start3A_93 = tpu.memref_slice %arg7[%dma_start3A_85, %dma_start3A_92] : memref<2x128xi32, #tpu.memory_space<vmem>> -> memref<1x128xi32, #tpu.memory_space<vmem>>
    %dma_start3A_94 = tpu.memref_squeeze %dma_start3A_93 : memref<1x128xi32, #tpu.memory_space<vmem>> -> memref<128xi32, #tpu.memory_space<vmem>>
    %dma_start3A_95 = arith.constant 0 : i32
    %dma_start3A_96 = tpu.memref_slice %dma_start3A_94[%dma_start3A_95] : memref<128xi32, #tpu.memory_space<vmem>> -> memref<16xi32, #tpu.memory_space<vmem>>
    %dma_start3A_97 = tpu.memref_slice %arg4[%add3A_84] : memref<160000xi32, #tpu.memory_space<hbm>> -> memref<16xi32, #tpu.memory_space<hbm>>
    tpu.enqueue_dma source(%dma_start3A_97 : memref<16xi32, #tpu.memory_space<hbm>>) target(%dma_start3A_96 : memref<16xi32, #tpu.memory_space<vmem>>) target_semaphore(%arg12 : memref<!tpu.dma_semaphore, #tpu.memory_space<semaphore_mem>>)
    %dma_start3A_98 = arith.constant 0 : i32
    %dma_start3A_99 = arith.constant 0 : i32
    %dma_start3A_100 = arith.constant 0 : i32
    %dma_start3A_101 = tpu.memref_slice %arg8[%dma_start3A_98, %dma_start3A_99, %dma_start3A_100] : memref<2x128x128xf32, #tpu.memory_space<vmem>> -> memref<1x128x128xf32, #tpu.memory_space<vmem>>
    %dma_start3A_102 = tpu.memref_squeeze %dma_start3A_101 : memref<1x128x128xf32, #tpu.memory_space<vmem>> -> memref<128x128xf32, #tpu.memory_space<vmem>>
    %dma_start3A_103 = arith.constant 0 : i32
    %dma_start3A_104 = arith.constant 0 : i32
    %dma_start3A_105 = tpu.memref_slice %dma_start3A_102[%dma_start3A_103, %dma_start3A_104] : memref<128x128xf32, #tpu.memory_space<vmem>> -> memref<16x128xf32, #tpu.memory_space<vmem>>
    %dma_start3A_106 = arith.constant 9984 : i32
    %dma_start3A_107 = tpu.memref_slice %arg6[%dma_start3A_106] : memref<10000xi32, #tpu.memory_space<vmem>> -> memref<16xi32, #tpu.memory_space<vmem>>
    %dma_start3A_108 = arith.constant 0 : i32
    %dma_start3A_109 = arith.constant 0 : i32
    %dma_start3A_110 = tpu.memref_slice %arg2[%dma_start3A_108, %dma_start3A_109] : memref<20000x128xf32, #tpu.memory_space<hbm>> -> memref<20000x128xf32, #tpu.memory_space<hbm>>
    tpu.enqueue_indirect_dma source(%dma_start3A_110 : memref<20000x128xf32, #tpu.memory_space<hbm>>) target(%dma_start3A_105 : memref<16x128xf32, #tpu.memory_space<vmem>>) offsets(%dma_start3A_107 : memref<16xi32, #tpu.memory_space<vmem>>) semaphore(%arg10 : memref<!tpu.dma_semaphore, #tpu.memory_space<semaphore_mem>>)
    %mul3A_111 = arith.constant 10000 : i32
    %mul3A_112 = arith.muli %arg1, %mul3A_111 : i32
    %dma_wait3A = arith.constant 0 : i32
    %dma_wait3A_113 = arith.constant 0 : i32
    %dma_wait3A_114 = tpu.memref_slice %arg7[%dma_wait3A, %dma_wait3A_113] : memref<2x128xi32, #tpu.memory_space<vmem>> -> memref<1x128xi32, #tpu.memory_space<vmem>>
    %dma_wait3A_115 = tpu.memref_squeeze %dma_wait3A_114 : memref<1x128xi32, #tpu.memory_space<vmem>> -> memref<128xi32, #tpu.memory_space<vmem>>
    %dma_wait3A_116 = arith.constant 0 : i32
    %dma_wait3A_117 = tpu.memref_slice %dma_wait3A_115[%dma_wait3A_116] : memref<128xi32, #tpu.memory_space<vmem>> -> memref<16xi32, #tpu.memory_space<vmem>>
    %dma_wait3A_118 = tpu.memref_slice %arg4[%mul3A_112] : memref<160000xi32, #tpu.memory_space<hbm>> -> memref<16xi32, #tpu.memory_space<hbm>>
    %dma_wait3A_119 = arith.constant 0 : i32
    %dma_wait3A_120 = tpu.memref_slice %arg7[%dma_wait3A, %dma_wait3A_119] : memref<2x128xi32, #tpu.memory_space<vmem>> -> memref<1x128xi32, #tpu.memory_space<vmem>>
    %dma_wait3A_121 = tpu.memref_squeeze %dma_wait3A_120 : memref<1x128xi32, #tpu.memory_space<vmem>> -> memref<128xi32, #tpu.memory_space<vmem>>
    %dma_wait3A_122 = arith.constant 0 : i32
    %dma_wait3A_123 = tpu.memref_slice %dma_wait3A_121[%dma_wait3A_122] : memref<128xi32, #tpu.memory_space<vmem>> -> memref<16xi32, #tpu.memory_space<vmem>>
    %dma_wait3A_124 = tpu.memref_slice %arg4[%mul3A_112] : memref<160000xi32, #tpu.memory_space<hbm>> -> memref<16xi32, #tpu.memory_space<hbm>>
    tpu.wait_dma2 semaphore(%arg12 : memref<!tpu.dma_semaphore, #tpu.memory_space<semaphore_mem>>) src(%dma_wait3A_124 : memref<16xi32, #tpu.memory_space<hbm>>) dst(%dma_wait3A_123 : memref<16xi32, #tpu.memory_space<vmem>>)
    %dma_wait3A_125 = arith.constant 0 : i32
    %dma_wait3A_126 = arith.constant 0 : i32
    %dma_wait3A_127 = arith.constant 0 : i32
    %dma_wait3A_128 = tpu.memref_slice %arg8[%dma_wait3A_125, %dma_wait3A_126, %dma_wait3A_127] : memref<2x128x128xf32, #tpu.memory_space<vmem>> -> memref<1x128x128xf32, #tpu.memory_space<vmem>>
    %dma_wait3A_129 = tpu.memref_squeeze %dma_wait3A_128 : memref<1x128x128xf32, #tpu.memory_space<vmem>> -> memref<128x128xf32, #tpu.memory_space<vmem>>
    %dma_wait3A_130 = arith.constant 0 : i32
    %dma_wait3A_131 = arith.constant 0 : i32
    %dma_wait3A_132 = tpu.memref_slice %dma_wait3A_129[%dma_wait3A_130, %dma_wait3A_131] : memref<128x128xf32, #tpu.memory_space<vmem>> -> memref<16x128xf32, #tpu.memory_space<vmem>>
    %dma_wait3A_133 = arith.constant 0 : i32
    %dma_wait3A_134 = tpu.memref_slice %arg6[%dma_wait3A_133] : memref<10000xi32, #tpu.memory_space<vmem>> -> memref<16xi32, #tpu.memory_space<vmem>>
    %dma_wait3A_135 = arith.constant 0 : i32
    %dma_wait3A_136 = arith.constant 0 : i32
    %dma_wait3A_137 = tpu.memref_slice %arg2[%dma_wait3A_135, %dma_wait3A_136] : memref<20000x128xf32, #tpu.memory_space<hbm>> -> memref<20000x128xf32, #tpu.memory_space<hbm>>
    tpu.wait_indirect_dma semaphore(%arg10 : memref<!tpu.dma_semaphore, #tpu.memory_space<semaphore_mem>>) src(%dma_wait3A_137 : memref<20000x128xf32, #tpu.memory_space<hbm>>) dst(%dma_wait3A_132 : memref<16x128xf32, #tpu.memory_space<vmem>>)
    %run_scoped3A = arith.constant 0 : i32
    %run_scoped3A_138 = arith.constant 0 : i32
    "tpu.region"() ({
      %run_scoped3A_145 = tpu.sem_alloc : memref<!tpu.dma_semaphore, #tpu.memory_space<semaphore_mem>>
      %dma_start3A_146 = arith.constant 0 : i32
      %dma_start3A_147 = arith.constant 0 : i32
      %dma_start3A_148 = tpu.memref_slice %arg8[%run_scoped3A, %dma_start3A_146, %dma_start3A_147] : memref<2x128x128xf32, #tpu.memory_space<vmem>> -> memref<1x128x128xf32, #tpu.memory_space<vmem>>
      %dma_start3A_149 = tpu.memref_squeeze %dma_start3A_148 : memref<1x128x128xf32, #tpu.memory_space<vmem>> -> memref<128x128xf32, #tpu.memory_space<vmem>>
      %dma_start3A_150 = arith.constant 0 : i32
      %dma_start3A_151 = arith.constant 0 : i32
      %dma_start3A_152 = tpu.memref_slice %dma_start3A_149[%dma_start3A_150, %dma_start3A_151] : memref<128x128xf32, #tpu.memory_space<vmem>> -> memref<16x128xf32, #tpu.memory_space<vmem>>
      %dma_start3A_153 = arith.constant 0 : i32
      %dma_start3A_154 = tpu.memref_slice %arg7[%run_scoped3A_138, %dma_start3A_153] : memref<2x128xi32, #tpu.memory_space<vmem>> -> memref<1x128xi32, #tpu.memory_space<vmem>>
      %dma_start3A_155 = tpu.memref_squeeze %dma_start3A_154 : memref<1x128xi32, #tpu.memory_space<vmem>> -> memref<128xi32, #tpu.memory_space<vmem>>
      %dma_start3A_156 = arith.constant 0 : i32
      %dma_start3A_157 = tpu.memref_slice %dma_start3A_155[%dma_start3A_156] : memref<128xi32, #tpu.memory_space<vmem>> -> memref<16xi32, #tpu.memory_space<vmem>>
      %dma_start3A_158 = arith.constant 0 : i32
      %dma_start3A_159 = arith.constant 0 : i32
      %dma_start3A_160 = tpu.memref_slice %arg9[%dma_start3A_158, %dma_start3A_159] : memref<5120x128xf32, #tpu.memory_space<vmem_shared>> -> memref<5120x128xf32, #tpu.memory_space<vmem_shared>>
      tpu.enqueue_indirect_dma source(%dma_start3A_152 : memref<16x128xf32, #tpu.memory_space<vmem>>) target(%dma_start3A_160 : memref<5120x128xf32, #tpu.memory_space<vmem_shared>>) offsets(%dma_start3A_157 : memref<16xi32, #tpu.memory_space<vmem>>) semaphore(%run_scoped3A_145 : memref<!tpu.dma_semaphore, #tpu.memory_space<semaphore_mem>>) {add = true}
      %dma_wait3A_161 = arith.constant 0 : i32
      %dma_wait3A_162 = arith.constant 0 : i32
      %dma_wait3A_163 = tpu.memref_slice %arg8[%run_scoped3A, %dma_wait3A_161, %dma_wait3A_162] : memref<2x128x128xf32, #tpu.memory_space<vmem>> -> memref<1x128x128xf32, #tpu.memory_space<vmem>>
      %dma_wait3A_164 = tpu.memref_squeeze %dma_wait3A_163 : memref<1x128x128xf32, #tpu.memory_space<vmem>> -> memref<128x128xf32, #tpu.memory_space<vmem>>
      %dma_wait3A_165 = arith.constant 0 : i32
      %dma_wait3A_166 = arith.constant 0 : i32
      %dma_wait3A_167 = tpu.memref_slice %dma_wait3A_164[%dma_wait3A_165, %dma_wait3A_166] : memref<128x128xf32, #tpu.memory_space<vmem>> -> memref<16x128xf32, #tpu.memory_space<vmem>>
      %dma_wait3A_168 = arith.constant 0 : i32
      %dma_wait3A_169 = tpu.memref_slice %arg7[%run_scoped3A_138, %dma_wait3A_168] : memref<2x128xi32, #tpu.memory_space<vmem>> -> memref<1x128xi32, #tpu.memory_space<vmem>>
      %dma_wait3A_170 = tpu.memref_squeeze %dma_wait3A_169 : memref<1x128xi32, #tpu.memory_space<vmem>> -> memref<128xi32, #tpu.memory_space<vmem>>
      %dma_wait3A_171 = arith.constant 0 : i32
      %dma_wait3A_172 = tpu.memref_slice %dma_wait3A_170[%dma_wait3A_171] : memref<128xi32, #tpu.memory_space<vmem>> -> memref<16xi32, #tpu.memory_space<vmem>>
      %dma_wait3A_173 = arith.constant 0 : i32
      %dma_wait3A_174 = arith.constant 0 : i32
      %dma_wait3A_175 = tpu.memref_slice %arg9[%dma_wait3A_173, %dma_wait3A_174] : memref<5120x128xf32, #tpu.memory_space<vmem_shared>> -> memref<5120x128xf32, #tpu.memory_space<vmem_shared>>
      tpu.wait_indirect_dma semaphore(%run_scoped3A_145 : memref<!tpu.dma_semaphore, #tpu.memory_space<semaphore_mem>>) src(%dma_wait3A_167 : memref<16x128xf32, #tpu.memory_space<vmem>>) dst(%dma_wait3A_175 : memref<5120x128xf32, #tpu.memory_space<vmem_shared>>)
      tpu.yield
    }) : () -> ()
    %barrier3A_139 = arith.constant 0 : index
    tpu.barrier barrier_id(%barrier3A_139)
    %scan3A_140 = arith.constant 0 : i32
    %scan3A_141 = arith.constant 4 : i32
    %scan3A_142 = arith.addi %scan3A_140, %scan3A_141 : i32
    %scan3A_143 = arith.constant 1 : i32
    scf.for %scan3A_145 = %scan3A_140 to %scan3A_142 step %scan3A_143  : i32 {
      %mul3A_146 = arith.constant 1 : i32
      %mul3A_147 = arith.muli %scan3A_145, %mul3A_146 : i32
      %add3A_148 = arith.constant 0 : i32
      %add3A_149 = arith.addi %add3A_148, %mul3A_147 : i32
      %mul3A_150 = arith.constant 320 : i32
      %mul3A_151 = arith.muli %arg1, %mul3A_150 : i32
      %mul3A_152 = arith.constant 80 : i32
      %mul3A_153 = arith.muli %add3A_149, %mul3A_152 : i32
      %add3A_154 = arith.addi %mul3A_151, %mul3A_153 : i32
      %mul3A_155 = arith.constant 320 : i32
      %mul3A_156 = arith.muli %arg1, %mul3A_155 : i32
      %mul3A_157 = arith.constant 80 : i32
      %mul3A_158 = arith.muli %add3A_149, %mul3A_157 : i32
      %add3A_159 = arith.addi %mul3A_156, %mul3A_158 : i32
      "tpu.region"() ({
        %run_scoped3A_160 = tpu.sem_alloc : memref<!tpu.dma_semaphore, #tpu.memory_space<semaphore_mem>>
        %dma_start3A_161 = arith.constant 0 : i32
        %dma_start3A_162 = tpu.memref_slice %arg5[%arg0, %add3A_159, %dma_start3A_161] : memref<2x5120x128xf32, #tpu.memory_space<hbm>> -> memref<1x80x128xf32, #tpu.memory_space<hbm>>
        %dma_start3A_163 = tpu.memref_squeeze %dma_start3A_162 : memref<1x80x128xf32, #tpu.memory_space<hbm>> -> memref<80x128xf32, #tpu.memory_space<hbm>>
        %dma_start3A_164 = arith.constant 0 : i32
        %dma_start3A_165 = tpu.memref_slice %arg9[%add3A_154, %dma_start3A_164] : memref<5120x128xf32, #tpu.memory_space<vmem_shared>> -> memref<80x128xf32, #tpu.memory_space<vmem_shared>>
        tpu.enqueue_dma source(%dma_start3A_165 : memref<80x128xf32, #tpu.memory_space<vmem_shared>>) target(%dma_start3A_163 : memref<80x128xf32, #tpu.memory_space<hbm>>) target_semaphore(%run_scoped3A_160 : memref<!tpu.dma_semaphore, #tpu.memory_space<semaphore_mem>>)
        %dma_wait3A_166 = arith.constant 0 : i32
        %dma_wait3A_167 = tpu.memref_slice %arg5[%arg0, %add3A_159, %dma_wait3A_166] : memref<2x5120x128xf32, #tpu.memory_space<hbm>> -> memref<1x80x128xf32, #tpu.memory_space<hbm>>
        %dma_wait3A_168 = tpu.memref_squeeze %dma_wait3A_167 : memref<1x80x128xf32, #tpu.memory_space<hbm>> -> memref<80x128xf32, #tpu.memory_space<hbm>>
        %dma_wait3A_169 = arith.constant 0 : i32
        %dma_wait3A_170 = tpu.memref_slice %arg9[%add3A_154, %dma_wait3A_169] : memref<5120x128xf32, #tpu.memory_space<vmem_shared>> -> memref<80x128xf32, #tpu.memory_space<vmem_shared>>
        tpu.wait_dma2 semaphore(%run_scoped3A_160 : memref<!tpu.dma_semaphore, #tpu.memory_space<semaphore_mem>>) src(%dma_wait3A_170 : memref<80x128xf32, #tpu.memory_space<vmem_shared>>) dst(%dma_wait3A_168 : memref<80x128xf32, #tpu.memory_space<hbm>>)
        tpu.yield
      }) : () -> ()
    }
    %scan3A_144 = arith.constant 4 : i32
    return
  }
}

#map = affine_map<(d0, d1) -> (0, 0)>
#map1 = affine_map<(d0, d1) -> (0)>
#map2 = affine_map<(d0, d1) -> (0, 0, 0)>
module attributes {stable_mosaic.version = 14 : i64} {
  func.func @pass_kernel(%arg0: i32, %arg1: i32, %arg2: memref<10000x128xf32, #tpu.memory_space<hbm>>, %arg3: memref<160000xi32, #tpu.memory_space<hbm>>, %arg4: memref<160000xi32, #tpu.memory_space<hbm>>, %arg5: memref<2x10240x128xf32, #tpu.memory_space<hbm>>, %arg6: memref<10000xi32, #tpu.memory_space<vmem>>, %arg7: memref<2x128xi32, #tpu.memory_space<vmem>>, %arg8: memref<2x128x128xf32, #tpu.memory_space<vmem>>, %arg9: memref<10240x128xf32, #tpu.memory_space<vmem_shared>>, %arg10: memref<!tpu.dma_semaphore, #tpu.memory_space<semaphore_mem>>, %arg11: memref<!tpu.dma_semaphore, #tpu.memory_space<semaphore_mem>>, %arg12: memref<!tpu.dma_semaphore, #tpu.memory_space<semaphore_mem>>, %arg13: memref<!tpu.dma_semaphore, #tpu.memory_space<semaphore_mem>>) attributes {dimension_semantics = [#tpu.dimension_semantics<core_parallel>, #tpu.dimension_semantics<subcore_parallel>], iteration_bounds = array<i64: 2, 16>, scalar_prefetch = 0 : i64, scratch_operands = 8 : i64, tpu.core_type = #tpu.core_type<sc_vector_subcore>, window_params = [{transform_indices = #map}, {transform_indices = #map1}, {transform_indices = #map1}, {transform_indices = #map2}]} {
    %mul3A = arith.constant 5000 : i32
    %mul3A_0 = arith.muli %arg0, %mul3A : i32
    %mul3A_1 = arith.constant 10000 : i32
    %mul3A_2 = arith.muli %arg1, %mul3A_1 : i32
    "tpu.region"() ({
      %run_scoped3A_145 = tpu.sem_alloc : memref<!tpu.dma_semaphore, #tpu.memory_space<semaphore_mem>>
      %dma_start3A_146 = tpu.memref_slice %arg3[%mul3A_2] : memref<160000xi32, #tpu.memory_space<hbm>> -> memref<10000xi32, #tpu.memory_space<hbm>>
      %dma_start3A_147 = tpu.memref_slice %arg3[%mul3A_2] : memref<160000xi32, #tpu.memory_space<hbm>> -> memref<10000xi32, #tpu.memory_space<hbm>>
      tpu.enqueue_dma source(%dma_start3A_147 : memref<10000xi32, #tpu.memory_space<hbm>>) target(%arg6 : memref<10000xi32, #tpu.memory_space<vmem>>) target_semaphore(%run_scoped3A_145 : memref<!tpu.dma_semaphore, #tpu.memory_space<semaphore_mem>>)
      %dma_wait3A_148 = tpu.memref_slice %arg3[%mul3A_2] : memref<160000xi32, #tpu.memory_space<hbm>> -> memref<10000xi32, #tpu.memory_space<hbm>>
      %dma_wait3A_149 = tpu.memref_slice %arg3[%mul3A_2] : memref<160000xi32, #tpu.memory_space<hbm>> -> memref<10000xi32, #tpu.memory_space<hbm>>
      tpu.wait_dma2 semaphore(%run_scoped3A_145 : memref<!tpu.dma_semaphore, #tpu.memory_space<semaphore_mem>>) src(%dma_wait3A_149 : memref<10000xi32, #tpu.memory_space<hbm>>) dst(%arg6 : memref<10000xi32, #tpu.memory_space<vmem>>)
      tpu.yield
    }) : () -> ()
    %scan3A = arith.constant 0 : i32
    %scan3A_3 = arith.constant 625 : i32
    %scan3A_4 = arith.addi %scan3A, %scan3A_3 : i32
    %scan3A_5 = arith.constant 1 : i32
    scf.for %scan3A_145 = %scan3A to %scan3A_4 step %scan3A_5  : i32 {
      %mul3A_146 = arith.constant 1 : i32
      %mul3A_147 = arith.muli %scan3A_145, %mul3A_146 : i32
      %add3A_148 = arith.constant 0 : i32
      %add3A_149 = arith.addi %add3A_148, %mul3A_147 : i32
      %mul3A_150 = arith.constant 16 : i32
      %mul3A_151 = arith.muli %add3A_149, %mul3A_150 : i32
      %get3A = arith.index_cast %mul3A_151 : i32 to index
      %get3A_152 = tpu.vector_load %arg6[%get3A] {strides = array<i32>} : memref<10000xi32, #tpu.memory_space<vmem>>, vector<16xi32>,
      %add3A_153 = vector.broadcast %mul3A_0 : i32 to vector<16xi32>
      %add3A_154 = arith.addi %get3A_152, %add3A_153 : vector<16xi32>
      %mul3A_155 = arith.constant 16 : i32
      %mul3A_156 = arith.muli %add3A_149, %mul3A_155 : i32
      %swap3A = arith.index_cast %mul3A_156 : i32 to index
      %swap3A_157 = tpu.vector_load %arg6[%swap3A] {strides = array<i32>} : memref<10000xi32, #tpu.memory_space<vmem>>, vector<16xi32>,
      tpu.vector_store %arg6[%swap3A], %add3A_154 {strides = array<i32>} : memref<10000xi32, #tpu.memory_space<vmem>>, vector<16xi32>,
    }
    %scan3A_6 = arith.constant 625 : i32
    %broadcast_in_dim3A = arith.constant 0.000000e+00 : f32
    %broadcast_in_dim3A_7 = vector.broadcast %broadcast_in_dim3A : f32 to vector<16xf32>
    %scan3A_8 = arith.constant 0 : i32
    %scan3A_9 = arith.constant 80 : i32
    %scan3A_10 = arith.addi %scan3A_8, %scan3A_9 : i32
    %scan3A_11 = arith.constant 1 : i32
    scf.for %scan3A_145 = %scan3A_8 to %scan3A_10 step %scan3A_11  : i32 {
      %mul3A_146 = arith.constant 1 : i32
      %mul3A_147 = arith.muli %scan3A_145, %mul3A_146 : i32
      %add3A_148 = arith.constant 0 : i32
      %add3A_149 = arith.addi %add3A_148, %mul3A_147 : i32
      %swap3A = arith.constant 0 : i32
      %swap3A_150 = arith.index_cast %swap3A : i32 to index
      %swap3A_151 = arith.index_cast %add3A_149 : i32 to index
      %swap3A_152 = arith.constant 0 : index
      %swap3A_153 = tpu.vector_load %arg8[%swap3A_150, %swap3A_151, %swap3A_152] {strides = array<i32>} : memref<2x128x128xf32, #tpu.memory_space<vmem>>, vector<16xf32>,
      tpu.vector_store %arg8[%swap3A_150, %swap3A_151, %swap3A_152], %broadcast_in_dim3A_7 {strides = array<i32>} : memref<2x128x128xf32, #tpu.memory_space<vmem>>, vector<16xf32>,
      %swap3A_154 = arith.constant 0 : i32
      %swap3A_155 = arith.index_cast %swap3A_154 : i32 to index
      %swap3A_156 = arith.index_cast %add3A_149 : i32 to index
      %swap3A_157 = arith.constant 16 : index
      %swap3A_158 = tpu.vector_load %arg8[%swap3A_155, %swap3A_156, %swap3A_157] {strides = array<i32>} : memref<2x128x128xf32, #tpu.memory_space<vmem>>, vector<16xf32>,
      tpu.vector_store %arg8[%swap3A_155, %swap3A_156, %swap3A_157], %broadcast_in_dim3A_7 {strides = array<i32>} : memref<2x128x128xf32, #tpu.memory_space<vmem>>, vector<16xf32>,
      %swap3A_159 = arith.constant 0 : i32
      %swap3A_160 = arith.index_cast %swap3A_159 : i32 to index
      %swap3A_161 = arith.index_cast %add3A_149 : i32 to index
      %swap3A_162 = arith.constant 32 : index
      %swap3A_163 = tpu.vector_load %arg8[%swap3A_160, %swap3A_161, %swap3A_162] {strides = array<i32>} : memref<2x128x128xf32, #tpu.memory_space<vmem>>, vector<16xf32>,
      tpu.vector_store %arg8[%swap3A_160, %swap3A_161, %swap3A_162], %broadcast_in_dim3A_7 {strides = array<i32>} : memref<2x128x128xf32, #tpu.memory_space<vmem>>, vector<16xf32>,
      %swap3A_164 = arith.constant 0 : i32
      %swap3A_165 = arith.index_cast %swap3A_164 : i32 to index
      %swap3A_166 = arith.index_cast %add3A_149 : i32 to index
      %swap3A_167 = arith.constant 48 : index
      %swap3A_168 = tpu.vector_load %arg8[%swap3A_165, %swap3A_166, %swap3A_167] {strides = array<i32>} : memref<2x128x128xf32, #tpu.memory_space<vmem>>, vector<16xf32>,
      tpu.vector_store %arg8[%swap3A_165, %swap3A_166, %swap3A_167], %broadcast_in_dim3A_7 {strides = array<i32>} : memref<2x128x128xf32, #tpu.memory_space<vmem>>, vector<16xf32>,
      %swap3A_169 = arith.constant 0 : i32
      %swap3A_170 = arith.index_cast %swap3A_169 : i32 to index
      %swap3A_171 = arith.index_cast %add3A_149 : i32 to index
      %swap3A_172 = arith.constant 64 : index
      %swap3A_173 = tpu.vector_load %arg8[%swap3A_170, %swap3A_171, %swap3A_172] {strides = array<i32>} : memref<2x128x128xf32, #tpu.memory_space<vmem>>, vector<16xf32>,
      tpu.vector_store %arg8[%swap3A_170, %swap3A_171, %swap3A_172], %broadcast_in_dim3A_7 {strides = array<i32>} : memref<2x128x128xf32, #tpu.memory_space<vmem>>, vector<16xf32>,
      %swap3A_174 = arith.constant 0 : i32
      %swap3A_175 = arith.index_cast %swap3A_174 : i32 to index
      %swap3A_176 = arith.index_cast %add3A_149 : i32 to index
      %swap3A_177 = arith.constant 80 : index
      %swap3A_178 = tpu.vector_load %arg8[%swap3A_175, %swap3A_176, %swap3A_177] {strides = array<i32>} : memref<2x128x128xf32, #tpu.memory_space<vmem>>, vector<16xf32>,
      tpu.vector_store %arg8[%swap3A_175, %swap3A_176, %swap3A_177], %broadcast_in_dim3A_7 {strides = array<i32>} : memref<2x128x128xf32, #tpu.memory_space<vmem>>, vector<16xf32>,
      %swap3A_179 = arith.constant 0 : i32
      %swap3A_180 = arith.index_cast %swap3A_179 : i32 to index
      %swap3A_181 = arith.index_cast %add3A_149 : i32 to index
      %swap3A_182 = arith.constant 96 : index
      %swap3A_183 = tpu.vector_load %arg8[%swap3A_180, %swap3A_181, %swap3A_182] {strides = array<i32>} : memref<2x128x128xf32, #tpu.memory_space<vmem>>, vector<16xf32>,
      tpu.vector_store %arg8[%swap3A_180, %swap3A_181, %swap3A_182], %broadcast_in_dim3A_7 {strides = array<i32>} : memref<2x128x128xf32, #tpu.memory_space<vmem>>, vector<16xf32>,
      %swap3A_184 = arith.constant 0 : i32
      %swap3A_185 = arith.index_cast %swap3A_184 : i32 to index
      %swap3A_186 = arith.index_cast %add3A_149 : i32 to index
      %swap3A_187 = arith.constant 112 : index
      %swap3A_188 = tpu.vector_load %arg8[%swap3A_185, %swap3A_186, %swap3A_187] {strides = array<i32>} : memref<2x128x128xf32, #tpu.memory_space<vmem>>, vector<16xf32>,
      tpu.vector_store %arg8[%swap3A_185, %swap3A_186, %swap3A_187], %broadcast_in_dim3A_7 {strides = array<i32>} : memref<2x128x128xf32, #tpu.memory_space<vmem>>, vector<16xf32>,
    }
    %scan3A_12 = arith.constant 80 : i32
    %scan3A_13 = arith.constant 0 : i32
    %scan3A_14 = arith.constant 8 : i32
    %scan3A_15 = arith.addi %scan3A_13, %scan3A_14 : i32
    %scan3A_16 = arith.constant 1 : i32
    scf.for %scan3A_145 = %scan3A_13 to %scan3A_15 step %scan3A_16  : i32 {
      %mul3A_146 = arith.constant 1 : i32
      %mul3A_147 = arith.muli %scan3A_145, %mul3A_146 : i32
      %add3A_148 = arith.constant 0 : i32
      %add3A_149 = arith.addi %add3A_148, %mul3A_147 : i32
      %mul3A_150 = arith.constant 640 : i32
      %mul3A_151 = arith.muli %arg1, %mul3A_150 : i32
      %mul3A_152 = arith.constant 80 : i32
      %mul3A_153 = arith.muli %add3A_149, %mul3A_152 : i32
      %add3A_154 = arith.addi %mul3A_151, %mul3A_153 : i32
      %run_scoped3A_155 = arith.constant 0 : i32
      "tpu.region"() ({
        %run_scoped3A_156 = tpu.sem_alloc : memref<!tpu.dma_semaphore, #tpu.memory_space<semaphore_mem>>
        %dma_start3A_157 = arith.constant 0 : i32
        %dma_start3A_158 = arith.constant 0 : i32
        %dma_start3A_159 = tpu.memref_slice %arg8[%run_scoped3A_155, %dma_start3A_157, %dma_start3A_158] : memref<2x128x128xf32, #tpu.memory_space<vmem>> -> memref<1x128x128xf32, #tpu.memory_space<vmem>>
        %dma_start3A_160 = tpu.memref_squeeze %dma_start3A_159 : memref<1x128x128xf32, #tpu.memory_space<vmem>> -> memref<128x128xf32, #tpu.memory_space<vmem>>
        %dma_start3A_161 = arith.constant 0 : i32
        %dma_start3A_162 = arith.constant 0 : i32
        %dma_start3A_163 = tpu.memref_slice %dma_start3A_160[%dma_start3A_161, %dma_start3A_162] : memref<128x128xf32, #tpu.memory_space<vmem>> -> memref<80x128xf32, #tpu.memory_space<vmem>>
        %dma_start3A_164 = arith.constant 0 : i32
        %dma_start3A_165 = tpu.memref_slice %arg9[%add3A_154, %dma_start3A_164] : memref<10240x128xf32, #tpu.memory_space<vmem_shared>> -> memref<80x128xf32, #tpu.memory_space<vmem_shared>>
        %dma_start3A_166 = arith.constant 0 : i32
        %dma_start3A_167 = tpu.memref_slice %arg9[%add3A_154, %dma_start3A_166] : memref<10240x128xf32, #tpu.memory_space<vmem_shared>> -> memref<80x128xf32, #tpu.memory_space<vmem_shared>>
        %dma_start3A_168 = arith.constant 0 : i32
        %dma_start3A_169 = arith.constant 0 : i32
        %dma_start3A_170 = tpu.memref_slice %arg8[%run_scoped3A_155, %dma_start3A_168, %dma_start3A_169] : memref<2x128x128xf32, #tpu.memory_space<vmem>> -> memref<1x128x128xf32, #tpu.memory_space<vmem>>
        %dma_start3A_171 = tpu.memref_squeeze %dma_start3A_170 : memref<1x128x128xf32, #tpu.memory_space<vmem>> -> memref<128x128xf32, #tpu.memory_space<vmem>>
        %dma_start3A_172 = arith.constant 0 : i32
        %dma_start3A_173 = arith.constant 0 : i32
        %dma_start3A_174 = tpu.memref_slice %dma_start3A_171[%dma_start3A_172, %dma_start3A_173] : memref<128x128xf32, #tpu.memory_space<vmem>> -> memref<80x128xf32, #tpu.memory_space<vmem>>
        tpu.enqueue_dma source(%dma_start3A_174 : memref<80x128xf32, #tpu.memory_space<vmem>>) target(%dma_start3A_167 : memref<80x128xf32, #tpu.memory_space<vmem_shared>>) target_semaphore(%run_scoped3A_156 : memref<!tpu.dma_semaphore, #tpu.memory_space<semaphore_mem>>)
        %dma_wait3A_175 = arith.constant 0 : i32
        %dma_wait3A_176 = arith.constant 0 : i32
        %dma_wait3A_177 = tpu.memref_slice %arg8[%run_scoped3A_155, %dma_wait3A_175, %dma_wait3A_176] : memref<2x128x128xf32, #tpu.memory_space<vmem>> -> memref<1x128x128xf32, #tpu.memory_space<vmem>>
        %dma_wait3A_178 = tpu.memref_squeeze %dma_wait3A_177 : memref<1x128x128xf32, #tpu.memory_space<vmem>> -> memref<128x128xf32, #tpu.memory_space<vmem>>
        %dma_wait3A_179 = arith.constant 0 : i32
        %dma_wait3A_180 = arith.constant 0 : i32
        %dma_wait3A_181 = tpu.memref_slice %dma_wait3A_178[%dma_wait3A_179, %dma_wait3A_180] : memref<128x128xf32, #tpu.memory_space<vmem>> -> memref<80x128xf32, #tpu.memory_space<vmem>>
        %dma_wait3A_182 = arith.constant 0 : i32
        %dma_wait3A_183 = tpu.memref_slice %arg9[%add3A_154, %dma_wait3A_182] : memref<10240x128xf32, #tpu.memory_space<vmem_shared>> -> memref<80x128xf32, #tpu.memory_space<vmem_shared>>
        %dma_wait3A_184 = arith.constant 0 : i32
        %dma_wait3A_185 = tpu.memref_slice %arg9[%add3A_154, %dma_wait3A_184] : memref<10240x128xf32, #tpu.memory_space<vmem_shared>> -> memref<80x128xf32, #tpu.memory_space<vmem_shared>>
        %dma_wait3A_186 = arith.constant 0 : i32
        %dma_wait3A_187 = arith.constant 0 : i32
        %dma_wait3A_188 = tpu.memref_slice %arg8[%run_scoped3A_155, %dma_wait3A_186, %dma_wait3A_187] : memref<2x128x128xf32, #tpu.memory_space<vmem>> -> memref<1x128x128xf32, #tpu.memory_space<vmem>>
        %dma_wait3A_189 = tpu.memref_squeeze %dma_wait3A_188 : memref<1x128x128xf32, #tpu.memory_space<vmem>> -> memref<128x128xf32, #tpu.memory_space<vmem>>
        %dma_wait3A_190 = arith.constant 0 : i32
        %dma_wait3A_191 = arith.constant 0 : i32
        %dma_wait3A_192 = tpu.memref_slice %dma_wait3A_189[%dma_wait3A_190, %dma_wait3A_191] : memref<128x128xf32, #tpu.memory_space<vmem>> -> memref<80x128xf32, #tpu.memory_space<vmem>>
        tpu.wait_dma2 semaphore(%run_scoped3A_156 : memref<!tpu.dma_semaphore, #tpu.memory_space<semaphore_mem>>) src(%dma_wait3A_192 : memref<80x128xf32, #tpu.memory_space<vmem>>) dst(%dma_wait3A_185 : memref<80x128xf32, #tpu.memory_space<vmem_shared>>)
        tpu.yield
      }) : () -> ()
    }
    %scan3A_17 = arith.constant 8 : i32
    %barrier3A = arith.constant 0 : index
    tpu.barrier barrier_id(%barrier3A)
    %mul3A_18 = arith.constant 10000 : i32
    %mul3A_19 = arith.muli %arg1, %mul3A_18 : i32
    %add3A = arith.constant 0 : i32
    %add3A_20 = arith.addi %mul3A_19, %add3A : i32
    %dma_start3A = arith.constant 0 : i32
    %dma_start3A_21 = arith.constant 0 : i32
    %dma_start3A_22 = tpu.memref_slice %arg7[%dma_start3A, %dma_start3A_21] : memref<2x128xi32, #tpu.memory_space<vmem>> -> memref<1x128xi32, #tpu.memory_space<vmem>>
    %dma_start3A_23 = tpu.memref_squeeze %dma_start3A_22 : memref<1x128xi32, #tpu.memory_space<vmem>> -> memref<128xi32, #tpu.memory_space<vmem>>
    %dma_start3A_24 = arith.constant 0 : i32
    %dma_start3A_25 = tpu.memref_slice %dma_start3A_23[%dma_start3A_24] : memref<128xi32, #tpu.memory_space<vmem>> -> memref<128xi32, #tpu.memory_space<vmem>>
    %dma_start3A_26 = tpu.memref_slice %arg4[%add3A_20] : memref<160000xi32, #tpu.memory_space<hbm>> -> memref<128xi32, #tpu.memory_space<hbm>>
    %dma_start3A_27 = arith.constant 0 : i32
    %dma_start3A_28 = tpu.memref_slice %arg7[%dma_start3A, %dma_start3A_27] : memref<2x128xi32, #tpu.memory_space<vmem>> -> memref<1x128xi32, #tpu.memory_space<vmem>>
    %dma_start3A_29 = tpu.memref_squeeze %dma_start3A_28 : memref<1x128xi32, #tpu.memory_space<vmem>> -> memref<128xi32, #tpu.memory_space<vmem>>
    %dma_start3A_30 = arith.constant 0 : i32
    %dma_start3A_31 = tpu.memref_slice %dma_start3A_29[%dma_start3A_30] : memref<128xi32, #tpu.memory_space<vmem>> -> memref<128xi32, #tpu.memory_space<vmem>>
    %dma_start3A_32 = tpu.memref_slice %arg4[%add3A_20] : memref<160000xi32, #tpu.memory_space<hbm>> -> memref<128xi32, #tpu.memory_space<hbm>>
    tpu.enqueue_dma source(%dma_start3A_32 : memref<128xi32, #tpu.memory_space<hbm>>) target(%dma_start3A_31 : memref<128xi32, #tpu.memory_space<vmem>>) target_semaphore(%arg12 : memref<!tpu.dma_semaphore, #tpu.memory_space<semaphore_mem>>)
    %dma_start3A_33 = arith.constant 0 : i32
    %dma_start3A_34 = arith.constant 0 : i32
    %dma_start3A_35 = arith.constant 0 : i32
    %dma_start3A_36 = tpu.memref_slice %arg8[%dma_start3A_33, %dma_start3A_34, %dma_start3A_35] : memref<2x128x128xf32, #tpu.memory_space<vmem>> -> memref<1x128x128xf32, #tpu.memory_space<vmem>>
    %dma_start3A_37 = tpu.memref_squeeze %dma_start3A_36 : memref<1x128x128xf32, #tpu.memory_space<vmem>> -> memref<128x128xf32, #tpu.memory_space<vmem>>
    %dma_start3A_38 = arith.constant 0 : i32
    %dma_start3A_39 = arith.constant 0 : i32
    %dma_start3A_40 = tpu.memref_slice %dma_start3A_37[%dma_start3A_38, %dma_start3A_39] : memref<128x128xf32, #tpu.memory_space<vmem>> -> memref<128x128xf32, #tpu.memory_space<vmem>>
    %dma_start3A_41 = arith.constant 0 : i32
    %dma_start3A_42 = tpu.memref_slice %arg6[%dma_start3A_41] : memref<10000xi32, #tpu.memory_space<vmem>> -> memref<128xi32, #tpu.memory_space<vmem>>
    %dma_start3A_43 = arith.constant 0 : i32
    %dma_start3A_44 = arith.constant 0 : i32
    %dma_start3A_45 = tpu.memref_slice %arg2[%dma_start3A_43, %dma_start3A_44] : memref<10000x128xf32, #tpu.memory_space<hbm>> -> memref<10000x128xf32, #tpu.memory_space<hbm>>
    tpu.enqueue_indirect_dma source(%dma_start3A_45 : memref<10000x128xf32, #tpu.memory_space<hbm>>) target(%dma_start3A_40 : memref<128x128xf32, #tpu.memory_space<vmem>>) offsets(%dma_start3A_42 : memref<128xi32, #tpu.memory_space<vmem>>) semaphore(%arg10 : memref<!tpu.dma_semaphore, #tpu.memory_space<semaphore_mem>>)
    %mul3A_46 = arith.constant 10000 : i32
    %mul3A_47 = arith.muli %arg1, %mul3A_46 : i32
    %add3A_48 = arith.constant 128 : i32
    %add3A_49 = arith.addi %mul3A_47, %add3A_48 : i32
    %dma_start3A_50 = arith.constant 1 : i32
    %dma_start3A_51 = arith.constant 0 : i32
    %dma_start3A_52 = tpu.memref_slice %arg7[%dma_start3A_50, %dma_start3A_51] : memref<2x128xi32, #tpu.memory_space<vmem>> -> memref<1x128xi32, #tpu.memory_space<vmem>>
    %dma_start3A_53 = tpu.memref_squeeze %dma_start3A_52 : memref<1x128xi32, #tpu.memory_space<vmem>> -> memref<128xi32, #tpu.memory_space<vmem>>
    %dma_start3A_54 = arith.constant 0 : i32
    %dma_start3A_55 = tpu.memref_slice %dma_start3A_53[%dma_start3A_54] : memref<128xi32, #tpu.memory_space<vmem>> -> memref<128xi32, #tpu.memory_space<vmem>>
    %dma_start3A_56 = tpu.memref_slice %arg4[%add3A_49] : memref<160000xi32, #tpu.memory_space<hbm>> -> memref<128xi32, #tpu.memory_space<hbm>>
    %dma_start3A_57 = arith.constant 0 : i32
    %dma_start3A_58 = tpu.memref_slice %arg7[%dma_start3A_50, %dma_start3A_57] : memref<2x128xi32, #tpu.memory_space<vmem>> -> memref<1x128xi32, #tpu.memory_space<vmem>>
    %dma_start3A_59 = tpu.memref_squeeze %dma_start3A_58 : memref<1x128xi32, #tpu.memory_space<vmem>> -> memref<128xi32, #tpu.memory_space<vmem>>
    %dma_start3A_60 = arith.constant 0 : i32
    %dma_start3A_61 = tpu.memref_slice %dma_start3A_59[%dma_start3A_60] : memref<128xi32, #tpu.memory_space<vmem>> -> memref<128xi32, #tpu.memory_space<vmem>>
    %dma_start3A_62 = tpu.memref_slice %arg4[%add3A_49] : memref<160000xi32, #tpu.memory_space<hbm>> -> memref<128xi32, #tpu.memory_space<hbm>>
    tpu.enqueue_dma source(%dma_start3A_62 : memref<128xi32, #tpu.memory_space<hbm>>) target(%dma_start3A_61 : memref<128xi32, #tpu.memory_space<vmem>>) target_semaphore(%arg13 : memref<!tpu.dma_semaphore, #tpu.memory_space<semaphore_mem>>)
    %dma_start3A_63 = arith.constant 1 : i32
    %dma_start3A_64 = arith.constant 0 : i32
    %dma_start3A_65 = arith.constant 0 : i32
    %dma_start3A_66 = tpu.memref_slice %arg8[%dma_start3A_63, %dma_start3A_64, %dma_start3A_65] : memref<2x128x128xf32, #tpu.memory_space<vmem>> -> memref<1x128x128xf32, #tpu.memory_space<vmem>>
    %dma_start3A_67 = tpu.memref_squeeze %dma_start3A_66 : memref<1x128x128xf32, #tpu.memory_space<vmem>> -> memref<128x128xf32, #tpu.memory_space<vmem>>
    %dma_start3A_68 = arith.constant 0 : i32
    %dma_start3A_69 = arith.constant 0 : i32
    %dma_start3A_70 = tpu.memref_slice %dma_start3A_67[%dma_start3A_68, %dma_start3A_69] : memref<128x128xf32, #tpu.memory_space<vmem>> -> memref<128x128xf32, #tpu.memory_space<vmem>>
    %dma_start3A_71 = arith.constant 128 : i32
    %dma_start3A_72 = tpu.memref_slice %arg6[%dma_start3A_71] : memref<10000xi32, #tpu.memory_space<vmem>> -> memref<128xi32, #tpu.memory_space<vmem>>
    %dma_start3A_73 = arith.constant 0 : i32
    %dma_start3A_74 = arith.constant 0 : i32
    %dma_start3A_75 = tpu.memref_slice %arg2[%dma_start3A_73, %dma_start3A_74] : memref<10000x128xf32, #tpu.memory_space<hbm>> -> memref<10000x128xf32, #tpu.memory_space<hbm>>
    tpu.enqueue_indirect_dma source(%dma_start3A_75 : memref<10000x128xf32, #tpu.memory_space<hbm>>) target(%dma_start3A_70 : memref<128x128xf32, #tpu.memory_space<vmem>>) offsets(%dma_start3A_72 : memref<128xi32, #tpu.memory_space<vmem>>) semaphore(%arg11 : memref<!tpu.dma_semaphore, #tpu.memory_space<semaphore_mem>>)
    %scan3A_76 = arith.constant 0 : i32
    %scan3A_77 = arith.constant 39 : i32
    %scan3A_78 = arith.addi %scan3A_76, %scan3A_77 : i32
    %scan3A_79 = arith.constant 1 : i32
    scf.for %scan3A_145 = %scan3A_76 to %scan3A_78 step %scan3A_79  : i32 {
      %mul3A_146 = arith.constant 1 : i32
      %mul3A_147 = arith.muli %scan3A_145, %mul3A_146 : i32
      %add3A_148 = arith.constant 0 : i32
      %add3A_149 = arith.addi %add3A_148, %mul3A_147 : i32
      %mul3A_150 = arith.constant 2 : i32
      %mul3A_151 = arith.muli %add3A_149, %mul3A_150 : i32
      %add3A_152 = arith.constant 0 : i32
      %add3A_153 = arith.addi %mul3A_151, %add3A_152 : i32
      %mul3A_154 = arith.constant 10000 : i32
      %mul3A_155 = arith.muli %arg1, %mul3A_154 : i32
      %dma_wait3A_156 = arith.constant 0 : i32
      %dma_wait3A_157 = arith.constant 0 : i32
      %dma_wait3A_158 = tpu.memref_slice %arg7[%dma_wait3A_156, %dma_wait3A_157] : memref<2x128xi32, #tpu.memory_space<vmem>> -> memref<1x128xi32, #tpu.memory_space<vmem>>
      %dma_wait3A_159 = tpu.memref_squeeze %dma_wait3A_158 : memref<1x128xi32, #tpu.memory_space<vmem>> -> memref<128xi32, #tpu.memory_space<vmem>>
      %dma_wait3A_160 = arith.constant 0 : i32
      %dma_wait3A_161 = tpu.memref_slice %dma_wait3A_159[%dma_wait3A_160] : memref<128xi32, #tpu.memory_space<vmem>> -> memref<128xi32, #tpu.memory_space<vmem>>
      %dma_wait3A_162 = tpu.memref_slice %arg4[%mul3A_155] : memref<160000xi32, #tpu.memory_space<hbm>> -> memref<128xi32, #tpu.memory_space<hbm>>
      %dma_wait3A_163 = arith.constant 0 : i32
      %dma_wait3A_164 = tpu.memref_slice %arg7[%dma_wait3A_156, %dma_wait3A_163] : memref<2x128xi32, #tpu.memory_space<vmem>> -> memref<1x128xi32, #tpu.memory_space<vmem>>
      %dma_wait3A_165 = tpu.memref_squeeze %dma_wait3A_164 : memref<1x128xi32, #tpu.memory_space<vmem>> -> memref<128xi32, #tpu.memory_space<vmem>>
      %dma_wait3A_166 = arith.constant 0 : i32
      %dma_wait3A_167 = tpu.memref_slice %dma_wait3A_165[%dma_wait3A_166] : memref<128xi32, #tpu.memory_space<vmem>> -> memref<128xi32, #tpu.memory_space<vmem>>
      %dma_wait3A_168 = tpu.memref_slice %arg4[%mul3A_155] : memref<160000xi32, #tpu.memory_space<hbm>> -> memref<128xi32, #tpu.memory_space<hbm>>
      tpu.wait_dma2 semaphore(%arg12 : memref<!tpu.dma_semaphore, #tpu.memory_space<semaphore_mem>>) src(%dma_wait3A_168 : memref<128xi32, #tpu.memory_space<hbm>>) dst(%dma_wait3A_167 : memref<128xi32, #tpu.memory_space<vmem>>)
      %dma_wait3A_169 = arith.constant 0 : i32
      %dma_wait3A_170 = arith.constant 0 : i32
      %dma_wait3A_171 = arith.constant 0 : i32
      %dma_wait3A_172 = tpu.memref_slice %arg8[%dma_wait3A_169, %dma_wait3A_170, %dma_wait3A_171] : memref<2x128x128xf32, #tpu.memory_space<vmem>> -> memref<1x128x128xf32, #tpu.memory_space<vmem>>
      %dma_wait3A_173 = tpu.memref_squeeze %dma_wait3A_172 : memref<1x128x128xf32, #tpu.memory_space<vmem>> -> memref<128x128xf32, #tpu.memory_space<vmem>>
      %dma_wait3A_174 = arith.constant 0 : i32
      %dma_wait3A_175 = arith.constant 0 : i32
      %dma_wait3A_176 = tpu.memref_slice %dma_wait3A_173[%dma_wait3A_174, %dma_wait3A_175] : memref<128x128xf32, #tpu.memory_space<vmem>> -> memref<128x128xf32, #tpu.memory_space<vmem>>
      %dma_wait3A_177 = arith.constant 0 : i32
      %dma_wait3A_178 = tpu.memref_slice %arg6[%dma_wait3A_177] : memref<10000xi32, #tpu.memory_space<vmem>> -> memref<128xi32, #tpu.memory_space<vmem>>
      %dma_wait3A_179 = arith.constant 0 : i32
      %dma_wait3A_180 = arith.constant 0 : i32
      %dma_wait3A_181 = tpu.memref_slice %arg2[%dma_wait3A_179, %dma_wait3A_180] : memref<10000x128xf32, #tpu.memory_space<hbm>> -> memref<10000x128xf32, #tpu.memory_space<hbm>>
      tpu.wait_indirect_dma semaphore(%arg10 : memref<!tpu.dma_semaphore, #tpu.memory_space<semaphore_mem>>) src(%dma_wait3A_181 : memref<10000x128xf32, #tpu.memory_space<hbm>>) dst(%dma_wait3A_176 : memref<128x128xf32, #tpu.memory_space<vmem>>)
      %run_scoped3A_182 = arith.constant 0 : i32
      %run_scoped3A_183 = arith.constant 0 : i32
      "tpu.region"() ({
        %run_scoped3A_229 = tpu.sem_alloc : memref<!tpu.dma_semaphore, #tpu.memory_space<semaphore_mem>>
        %dma_start3A_230 = arith.constant 0 : i32
        %dma_start3A_231 = arith.constant 0 : i32
        %dma_start3A_232 = tpu.memref_slice %arg8[%run_scoped3A_182, %dma_start3A_230, %dma_start3A_231] : memref<2x128x128xf32, #tpu.memory_space<vmem>> -> memref<1x128x128xf32, #tpu.memory_space<vmem>>
        %dma_start3A_233 = tpu.memref_squeeze %dma_start3A_232 : memref<1x128x128xf32, #tpu.memory_space<vmem>> -> memref<128x128xf32, #tpu.memory_space<vmem>>
        %dma_start3A_234 = arith.constant 0 : i32
        %dma_start3A_235 = arith.constant 0 : i32
        %dma_start3A_236 = tpu.memref_slice %dma_start3A_233[%dma_start3A_234, %dma_start3A_235] : memref<128x128xf32, #tpu.memory_space<vmem>> -> memref<128x128xf32, #tpu.memory_space<vmem>>
        %dma_start3A_237 = arith.constant 0 : i32
        %dma_start3A_238 = tpu.memref_slice %arg7[%run_scoped3A_183, %dma_start3A_237] : memref<2x128xi32, #tpu.memory_space<vmem>> -> memref<1x128xi32, #tpu.memory_space<vmem>>
        %dma_start3A_239 = tpu.memref_squeeze %dma_start3A_238 : memref<1x128xi32, #tpu.memory_space<vmem>> -> memref<128xi32, #tpu.memory_space<vmem>>
        %dma_start3A_240 = arith.constant 0 : i32
        %dma_start3A_241 = tpu.memref_slice %dma_start3A_239[%dma_start3A_240] : memref<128xi32, #tpu.memory_space<vmem>> -> memref<128xi32, #tpu.memory_space<vmem>>
        %dma_start3A_242 = arith.constant 0 : i32
        %dma_start3A_243 = arith.constant 0 : i32
        %dma_start3A_244 = tpu.memref_slice %arg9[%dma_start3A_242, %dma_start3A_243] : memref<10240x128xf32, #tpu.memory_space<vmem_shared>> -> memref<10240x128xf32, #tpu.memory_space<vmem_shared>>
        tpu.enqueue_indirect_dma source(%dma_start3A_236 : memref<128x128xf32, #tpu.memory_space<vmem>>) target(%dma_start3A_244 : memref<10240x128xf32, #tpu.memory_space<vmem_shared>>) offsets(%dma_start3A_241 : memref<128xi32, #tpu.memory_space<vmem>>) semaphore(%run_scoped3A_229 : memref<!tpu.dma_semaphore, #tpu.memory_space<semaphore_mem>>) {add = true}
        %dma_wait3A_245 = arith.constant 0 : i32
        %dma_wait3A_246 = arith.constant 0 : i32
        %dma_wait3A_247 = tpu.memref_slice %arg8[%run_scoped3A_182, %dma_wait3A_245, %dma_wait3A_246] : memref<2x128x128xf32, #tpu.memory_space<vmem>> -> memref<1x128x128xf32, #tpu.memory_space<vmem>>
        %dma_wait3A_248 = tpu.memref_squeeze %dma_wait3A_247 : memref<1x128x128xf32, #tpu.memory_space<vmem>> -> memref<128x128xf32, #tpu.memory_space<vmem>>
        %dma_wait3A_249 = arith.constant 0 : i32
        %dma_wait3A_250 = arith.constant 0 : i32
        %dma_wait3A_251 = tpu.memref_slice %dma_wait3A_248[%dma_wait3A_249, %dma_wait3A_250] : memref<128x128xf32, #tpu.memory_space<vmem>> -> memref<128x128xf32, #tpu.memory_space<vmem>>
        %dma_wait3A_252 = arith.constant 0 : i32
        %dma_wait3A_253 = tpu.memref_slice %arg7[%run_scoped3A_183, %dma_wait3A_252] : memref<2x128xi32, #tpu.memory_space<vmem>> -> memref<1x128xi32, #tpu.memory_space<vmem>>
        %dma_wait3A_254 = tpu.memref_squeeze %dma_wait3A_253 : memref<1x128xi32, #tpu.memory_space<vmem>> -> memref<128xi32, #tpu.memory_space<vmem>>
        %dma_wait3A_255 = arith.constant 0 : i32
        %dma_wait3A_256 = tpu.memref_slice %dma_wait3A_254[%dma_wait3A_255] : memref<128xi32, #tpu.memory_space<vmem>> -> memref<128xi32, #tpu.memory_space<vmem>>
        %dma_wait3A_257 = arith.constant 0 : i32
        %dma_wait3A_258 = arith.constant 0 : i32
        %dma_wait3A_259 = tpu.memref_slice %arg9[%dma_wait3A_257, %dma_wait3A_258] : memref<10240x128xf32, #tpu.memory_space<vmem_shared>> -> memref<10240x128xf32, #tpu.memory_space<vmem_shared>>
        tpu.wait_indirect_dma semaphore(%run_scoped3A_229 : memref<!tpu.dma_semaphore, #tpu.memory_space<semaphore_mem>>) src(%dma_wait3A_251 : memref<128x128xf32, #tpu.memory_space<vmem>>) dst(%dma_wait3A_259 : memref<10240x128xf32, #tpu.memory_space<vmem_shared>>)
        tpu.yield
      }) : () -> ()
      %add3A_184 = arith.constant 2 : i32
      %add3A_185 = arith.addi %add3A_153, %add3A_184 : i32
      %lt3A = arith.constant 78 : i32
      %lt3A_186 = arith.cmpi slt, %add3A_185, %lt3A : i32
      %convert_element_type3A = arith.extui %lt3A_186 : i1 to i32
      %cond3A = arith.constant 0 : i32
      %cond3A_187 = arith.cmpi ne, %convert_element_type3A, %cond3A : i32
      scf.if %cond3A_187 {
        %add3A_229 = arith.constant 2 : i32
        %add3A_230 = arith.addi %add3A_153, %add3A_229 : i32
        %mul3A_231 = arith.constant 10000 : i32
        %mul3A_232 = arith.muli %arg1, %mul3A_231 : i32
        %mul3A_233 = arith.constant 128 : i32
        %mul3A_234 = arith.muli %add3A_230, %mul3A_233 : i32
        %add3A_235 = arith.addi %mul3A_232, %mul3A_234 : i32
        %dma_start3A_236 = arith.constant 0 : i32
        %dma_start3A_237 = arith.constant 0 : i32
        %dma_start3A_238 = tpu.memref_slice %arg7[%dma_start3A_236, %dma_start3A_237] : memref<2x128xi32, #tpu.memory_space<vmem>> -> memref<1x128xi32, #tpu.memory_space<vmem>>
        %dma_start3A_239 = tpu.memref_squeeze %dma_start3A_238 : memref<1x128xi32, #tpu.memory_space<vmem>> -> memref<128xi32, #tpu.memory_space<vmem>>
        %dma_start3A_240 = arith.constant 0 : i32
        %dma_start3A_241 = tpu.memref_slice %dma_start3A_239[%dma_start3A_240] : memref<128xi32, #tpu.memory_space<vmem>> -> memref<128xi32, #tpu.memory_space<vmem>>
        %dma_start3A_242 = tpu.memref_slice %arg4[%add3A_235] : memref<160000xi32, #tpu.memory_space<hbm>> -> memref<128xi32, #tpu.memory_space<hbm>>
        %dma_start3A_243 = arith.constant 0 : i32
        %dma_start3A_244 = tpu.memref_slice %arg7[%dma_start3A_236, %dma_start3A_243] : memref<2x128xi32, #tpu.memory_space<vmem>> -> memref<1x128xi32, #tpu.memory_space<vmem>>
        %dma_start3A_245 = tpu.memref_squeeze %dma_start3A_244 : memref<1x128xi32, #tpu.memory_space<vmem>> -> memref<128xi32, #tpu.memory_space<vmem>>
        %dma_start3A_246 = arith.constant 0 : i32
        %dma_start3A_247 = tpu.memref_slice %dma_start3A_245[%dma_start3A_246] : memref<128xi32, #tpu.memory_space<vmem>> -> memref<128xi32, #tpu.memory_space<vmem>>
        %dma_start3A_248 = tpu.memref_slice %arg4[%add3A_235] : memref<160000xi32, #tpu.memory_space<hbm>> -> memref<128xi32, #tpu.memory_space<hbm>>
        tpu.enqueue_dma source(%dma_start3A_248 : memref<128xi32, #tpu.memory_space<hbm>>) target(%dma_start3A_247 : memref<128xi32, #tpu.memory_space<vmem>>) target_semaphore(%arg12 : memref<!tpu.dma_semaphore, #tpu.memory_space<semaphore_mem>>)
        %mul3A_249 = arith.constant 128 : i32
        %mul3A_250 = arith.muli %add3A_230, %mul3A_249 : i32
        %dma_start3A_251 = arith.constant 0 : i32
        %dma_start3A_252 = arith.constant 0 : i32
        %dma_start3A_253 = arith.constant 0 : i32
        %dma_start3A_254 = tpu.memref_slice %arg8[%dma_start3A_251, %dma_start3A_252, %dma_start3A_253] : memref<2x128x128xf32, #tpu.memory_space<vmem>> -> memref<1x128x128xf32, #tpu.memory_space<vmem>>
        %dma_start3A_255 = tpu.memref_squeeze %dma_start3A_254 : memref<1x128x128xf32, #tpu.memory_space<vmem>> -> memref<128x128xf32, #tpu.memory_space<vmem>>
        %dma_start3A_256 = arith.constant 0 : i32
        %dma_start3A_257 = arith.constant 0 : i32
        %dma_start3A_258 = tpu.memref_slice %dma_start3A_255[%dma_start3A_256, %dma_start3A_257] : memref<128x128xf32, #tpu.memory_space<vmem>> -> memref<128x128xf32, #tpu.memory_space<vmem>>
        %dma_start3A_259 = tpu.memref_slice %arg6[%mul3A_250] : memref<10000xi32, #tpu.memory_space<vmem>> -> memref<128xi32, #tpu.memory_space<vmem>>
        %dma_start3A_260 = arith.constant 0 : i32
        %dma_start3A_261 = arith.constant 0 : i32
        %dma_start3A_262 = tpu.memref_slice %arg2[%dma_start3A_260, %dma_start3A_261] : memref<10000x128xf32, #tpu.memory_space<hbm>> -> memref<10000x128xf32, #tpu.memory_space<hbm>>
        tpu.enqueue_indirect_dma source(%dma_start3A_262 : memref<10000x128xf32, #tpu.memory_space<hbm>>) target(%dma_start3A_258 : memref<128x128xf32, #tpu.memory_space<vmem>>) offsets(%dma_start3A_259 : memref<128xi32, #tpu.memory_space<vmem>>) semaphore(%arg10 : memref<!tpu.dma_semaphore, #tpu.memory_space<semaphore_mem>>)
      } else {
      }
      %mul3A_188 = arith.constant 2 : i32
      %mul3A_189 = arith.muli %add3A_149, %mul3A_188 : i32
      %add3A_190 = arith.constant 1 : i32
      %add3A_191 = arith.addi %mul3A_189, %add3A_190 : i32
      %mul3A_192 = arith.constant 10000 : i32
      %mul3A_193 = arith.muli %arg1, %mul3A_192 : i32
      %dma_wait3A_194 = arith.constant 1 : i32
      %dma_wait3A_195 = arith.constant 0 : i32
      %dma_wait3A_196 = tpu.memref_slice %arg7[%dma_wait3A_194, %dma_wait3A_195] : memref<2x128xi32, #tpu.memory_space<vmem>> -> memref<1x128xi32, #tpu.memory_space<vmem>>
      %dma_wait3A_197 = tpu.memref_squeeze %dma_wait3A_196 : memref<1x128xi32, #tpu.memory_space<vmem>> -> memref<128xi32, #tpu.memory_space<vmem>>
      %dma_wait3A_198 = arith.constant 0 : i32
      %dma_wait3A_199 = tpu.memref_slice %dma_wait3A_197[%dma_wait3A_198] : memref<128xi32, #tpu.memory_space<vmem>> -> memref<128xi32, #tpu.memory_space<vmem>>
      %dma_wait3A_200 = tpu.memref_slice %arg4[%mul3A_193] : memref<160000xi32, #tpu.memory_space<hbm>> -> memref<128xi32, #tpu.memory_space<hbm>>
      %dma_wait3A_201 = arith.constant 0 : i32
      %dma_wait3A_202 = tpu.memref_slice %arg7[%dma_wait3A_194, %dma_wait3A_201] : memref<2x128xi32, #tpu.memory_space<vmem>> -> memref<1x128xi32, #tpu.memory_space<vmem>>
      %dma_wait3A_203 = tpu.memref_squeeze %dma_wait3A_202 : memref<1x128xi32, #tpu.memory_space<vmem>> -> memref<128xi32, #tpu.memory_space<vmem>>
      %dma_wait3A_204 = arith.constant 0 : i32
      %dma_wait3A_205 = tpu.memref_slice %dma_wait3A_203[%dma_wait3A_204] : memref<128xi32, #tpu.memory_space<vmem>> -> memref<128xi32, #tpu.memory_space<vmem>>
      %dma_wait3A_206 = tpu.memref_slice %arg4[%mul3A_193] : memref<160000xi32, #tpu.memory_space<hbm>> -> memref<128xi32, #tpu.memory_space<hbm>>
      tpu.wait_dma2 semaphore(%arg13 : memref<!tpu.dma_semaphore, #tpu.memory_space<semaphore_mem>>) src(%dma_wait3A_206 : memref<128xi32, #tpu.memory_space<hbm>>) dst(%dma_wait3A_205 : memref<128xi32, #tpu.memory_space<vmem>>)
      %dma_wait3A_207 = arith.constant 1 : i32
      %dma_wait3A_208 = arith.constant 0 : i32
      %dma_wait3A_209 = arith.constant 0 : i32
      %dma_wait3A_210 = tpu.memref_slice %arg8[%dma_wait3A_207, %dma_wait3A_208, %dma_wait3A_209] : memref<2x128x128xf32, #tpu.memory_space<vmem>> -> memref<1x128x128xf32, #tpu.memory_space<vmem>>
      %dma_wait3A_211 = tpu.memref_squeeze %dma_wait3A_210 : memref<1x128x128xf32, #tpu.memory_space<vmem>> -> memref<128x128xf32, #tpu.memory_space<vmem>>
      %dma_wait3A_212 = arith.constant 0 : i32
      %dma_wait3A_213 = arith.constant 0 : i32
      %dma_wait3A_214 = tpu.memref_slice %dma_wait3A_211[%dma_wait3A_212, %dma_wait3A_213] : memref<128x128xf32, #tpu.memory_space<vmem>> -> memref<128x128xf32, #tpu.memory_space<vmem>>
      %dma_wait3A_215 = arith.constant 0 : i32
      %dma_wait3A_216 = tpu.memref_slice %arg6[%dma_wait3A_215] : memref<10000xi32, #tpu.memory_space<vmem>> -> memref<128xi32, #tpu.memory_space<vmem>>
      %dma_wait3A_217 = arith.constant 0 : i32
      %dma_wait3A_218 = arith.constant 0 : i32
      %dma_wait3A_219 = tpu.memref_slice %arg2[%dma_wait3A_217, %dma_wait3A_218] : memref<10000x128xf32, #tpu.memory_space<hbm>> -> memref<10000x128xf32, #tpu.memory_space<hbm>>
      tpu.wait_indirect_dma semaphore(%arg11 : memref<!tpu.dma_semaphore, #tpu.memory_space<semaphore_mem>>) src(%dma_wait3A_219 : memref<10000x128xf32, #tpu.memory_space<hbm>>) dst(%dma_wait3A_214 : memref<128x128xf32, #tpu.memory_space<vmem>>)
      %run_scoped3A_220 = arith.constant 1 : i32
      %run_scoped3A_221 = arith.constant 1 : i32
      "tpu.region"() ({
        %run_scoped3A_229 = tpu.sem_alloc : memref<!tpu.dma_semaphore, #tpu.memory_space<semaphore_mem>>
        %dma_start3A_230 = arith.constant 0 : i32
        %dma_start3A_231 = arith.constant 0 : i32
        %dma_start3A_232 = tpu.memref_slice %arg8[%run_scoped3A_220, %dma_start3A_230, %dma_start3A_231] : memref<2x128x128xf32, #tpu.memory_space<vmem>> -> memref<1x128x128xf32, #tpu.memory_space<vmem>>
        %dma_start3A_233 = tpu.memref_squeeze %dma_start3A_232 : memref<1x128x128xf32, #tpu.memory_space<vmem>> -> memref<128x128xf32, #tpu.memory_space<vmem>>
        %dma_start3A_234 = arith.constant 0 : i32
        %dma_start3A_235 = arith.constant 0 : i32
        %dma_start3A_236 = tpu.memref_slice %dma_start3A_233[%dma_start3A_234, %dma_start3A_235] : memref<128x128xf32, #tpu.memory_space<vmem>> -> memref<128x128xf32, #tpu.memory_space<vmem>>
        %dma_start3A_237 = arith.constant 0 : i32
        %dma_start3A_238 = tpu.memref_slice %arg7[%run_scoped3A_221, %dma_start3A_237] : memref<2x128xi32, #tpu.memory_space<vmem>> -> memref<1x128xi32, #tpu.memory_space<vmem>>
        %dma_start3A_239 = tpu.memref_squeeze %dma_start3A_238 : memref<1x128xi32, #tpu.memory_space<vmem>> -> memref<128xi32, #tpu.memory_space<vmem>>
        %dma_start3A_240 = arith.constant 0 : i32
        %dma_start3A_241 = tpu.memref_slice %dma_start3A_239[%dma_start3A_240] : memref<128xi32, #tpu.memory_space<vmem>> -> memref<128xi32, #tpu.memory_space<vmem>>
        %dma_start3A_242 = arith.constant 0 : i32
        %dma_start3A_243 = arith.constant 0 : i32
        %dma_start3A_244 = tpu.memref_slice %arg9[%dma_start3A_242, %dma_start3A_243] : memref<10240x128xf32, #tpu.memory_space<vmem_shared>> -> memref<10240x128xf32, #tpu.memory_space<vmem_shared>>
        tpu.enqueue_indirect_dma source(%dma_start3A_236 : memref<128x128xf32, #tpu.memory_space<vmem>>) target(%dma_start3A_244 : memref<10240x128xf32, #tpu.memory_space<vmem_shared>>) offsets(%dma_start3A_241 : memref<128xi32, #tpu.memory_space<vmem>>) semaphore(%run_scoped3A_229 : memref<!tpu.dma_semaphore, #tpu.memory_space<semaphore_mem>>) {add = true}
        %dma_wait3A_245 = arith.constant 0 : i32
        %dma_wait3A_246 = arith.constant 0 : i32
        %dma_wait3A_247 = tpu.memref_slice %arg8[%run_scoped3A_220, %dma_wait3A_245, %dma_wait3A_246] : memref<2x128x128xf32, #tpu.memory_space<vmem>> -> memref<1x128x128xf32, #tpu.memory_space<vmem>>
        %dma_wait3A_248 = tpu.memref_squeeze %dma_wait3A_247 : memref<1x128x128xf32, #tpu.memory_space<vmem>> -> memref<128x128xf32, #tpu.memory_space<vmem>>
        %dma_wait3A_249 = arith.constant 0 : i32
        %dma_wait3A_250 = arith.constant 0 : i32
        %dma_wait3A_251 = tpu.memref_slice %dma_wait3A_248[%dma_wait3A_249, %dma_wait3A_250] : memref<128x128xf32, #tpu.memory_space<vmem>> -> memref<128x128xf32, #tpu.memory_space<vmem>>
        %dma_wait3A_252 = arith.constant 0 : i32
        %dma_wait3A_253 = tpu.memref_slice %arg7[%run_scoped3A_221, %dma_wait3A_252] : memref<2x128xi32, #tpu.memory_space<vmem>> -> memref<1x128xi32, #tpu.memory_space<vmem>>
        %dma_wait3A_254 = tpu.memref_squeeze %dma_wait3A_253 : memref<1x128xi32, #tpu.memory_space<vmem>> -> memref<128xi32, #tpu.memory_space<vmem>>
        %dma_wait3A_255 = arith.constant 0 : i32
        %dma_wait3A_256 = tpu.memref_slice %dma_wait3A_254[%dma_wait3A_255] : memref<128xi32, #tpu.memory_space<vmem>> -> memref<128xi32, #tpu.memory_space<vmem>>
        %dma_wait3A_257 = arith.constant 0 : i32
        %dma_wait3A_258 = arith.constant 0 : i32
        %dma_wait3A_259 = tpu.memref_slice %arg9[%dma_wait3A_257, %dma_wait3A_258] : memref<10240x128xf32, #tpu.memory_space<vmem_shared>> -> memref<10240x128xf32, #tpu.memory_space<vmem_shared>>
        tpu.wait_indirect_dma semaphore(%run_scoped3A_229 : memref<!tpu.dma_semaphore, #tpu.memory_space<semaphore_mem>>) src(%dma_wait3A_251 : memref<128x128xf32, #tpu.memory_space<vmem>>) dst(%dma_wait3A_259 : memref<10240x128xf32, #tpu.memory_space<vmem_shared>>)
        tpu.yield
      }) : () -> ()
      %add3A_222 = arith.constant 2 : i32
      %add3A_223 = arith.addi %add3A_191, %add3A_222 : i32
      %lt3A_224 = arith.constant 78 : i32
      %lt3A_225 = arith.cmpi slt, %add3A_223, %lt3A_224 : i32
      %convert_element_type3A_226 = arith.extui %lt3A_225 : i1 to i32
      %cond3A_227 = arith.constant 0 : i32
      %cond3A_228 = arith.cmpi ne, %convert_element_type3A_226, %cond3A_227 : i32
      scf.if %cond3A_228 {
        %add3A_229 = arith.constant 2 : i32
        %add3A_230 = arith.addi %add3A_191, %add3A_229 : i32
        %mul3A_231 = arith.constant 10000 : i32
        %mul3A_232 = arith.muli %arg1, %mul3A_231 : i32
        %mul3A_233 = arith.constant 128 : i32
        %mul3A_234 = arith.muli %add3A_230, %mul3A_233 : i32
        %add3A_235 = arith.addi %mul3A_232, %mul3A_234 : i32
        %dma_start3A_236 = arith.constant 1 : i32
        %dma_start3A_237 = arith.constant 0 : i32
        %dma_start3A_238 = tpu.memref_slice %arg7[%dma_start3A_236, %dma_start3A_237] : memref<2x128xi32, #tpu.memory_space<vmem>> -> memref<1x128xi32, #tpu.memory_space<vmem>>
        %dma_start3A_239 = tpu.memref_squeeze %dma_start3A_238 : memref<1x128xi32, #tpu.memory_space<vmem>> -> memref<128xi32, #tpu.memory_space<vmem>>
        %dma_start3A_240 = arith.constant 0 : i32
        %dma_start3A_241 = tpu.memref_slice %dma_start3A_239[%dma_start3A_240] : memref<128xi32, #tpu.memory_space<vmem>> -> memref<128xi32, #tpu.memory_space<vmem>>
        %dma_start3A_242 = tpu.memref_slice %arg4[%add3A_235] : memref<160000xi32, #tpu.memory_space<hbm>> -> memref<128xi32, #tpu.memory_space<hbm>>
        %dma_start3A_243 = arith.constant 0 : i32
        %dma_start3A_244 = tpu.memref_slice %arg7[%dma_start3A_236, %dma_start3A_243] : memref<2x128xi32, #tpu.memory_space<vmem>> -> memref<1x128xi32, #tpu.memory_space<vmem>>
        %dma_start3A_245 = tpu.memref_squeeze %dma_start3A_244 : memref<1x128xi32, #tpu.memory_space<vmem>> -> memref<128xi32, #tpu.memory_space<vmem>>
        %dma_start3A_246 = arith.constant 0 : i32
        %dma_start3A_247 = tpu.memref_slice %dma_start3A_245[%dma_start3A_246] : memref<128xi32, #tpu.memory_space<vmem>> -> memref<128xi32, #tpu.memory_space<vmem>>
        %dma_start3A_248 = tpu.memref_slice %arg4[%add3A_235] : memref<160000xi32, #tpu.memory_space<hbm>> -> memref<128xi32, #tpu.memory_space<hbm>>
        tpu.enqueue_dma source(%dma_start3A_248 : memref<128xi32, #tpu.memory_space<hbm>>) target(%dma_start3A_247 : memref<128xi32, #tpu.memory_space<vmem>>) target_semaphore(%arg13 : memref<!tpu.dma_semaphore, #tpu.memory_space<semaphore_mem>>)
        %mul3A_249 = arith.constant 128 : i32
        %mul3A_250 = arith.muli %add3A_230, %mul3A_249 : i32
        %dma_start3A_251 = arith.constant 1 : i32
        %dma_start3A_252 = arith.constant 0 : i32
        %dma_start3A_253 = arith.constant 0 : i32
        %dma_start3A_254 = tpu.memref_slice %arg8[%dma_start3A_251, %dma_start3A_252, %dma_start3A_253] : memref<2x128x128xf32, #tpu.memory_space<vmem>> -> memref<1x128x128xf32, #tpu.memory_space<vmem>>
        %dma_start3A_255 = tpu.memref_squeeze %dma_start3A_254 : memref<1x128x128xf32, #tpu.memory_space<vmem>> -> memref<128x128xf32, #tpu.memory_space<vmem>>
        %dma_start3A_256 = arith.constant 0 : i32
        %dma_start3A_257 = arith.constant 0 : i32
        %dma_start3A_258 = tpu.memref_slice %dma_start3A_255[%dma_start3A_256, %dma_start3A_257] : memref<128x128xf32, #tpu.memory_space<vmem>> -> memref<128x128xf32, #tpu.memory_space<vmem>>
        %dma_start3A_259 = tpu.memref_slice %arg6[%mul3A_250] : memref<10000xi32, #tpu.memory_space<vmem>> -> memref<128xi32, #tpu.memory_space<vmem>>
        %dma_start3A_260 = arith.constant 0 : i32
        %dma_start3A_261 = arith.constant 0 : i32
        %dma_start3A_262 = tpu.memref_slice %arg2[%dma_start3A_260, %dma_start3A_261] : memref<10000x128xf32, #tpu.memory_space<hbm>> -> memref<10000x128xf32, #tpu.memory_space<hbm>>
        tpu.enqueue_indirect_dma source(%dma_start3A_262 : memref<10000x128xf32, #tpu.memory_space<hbm>>) target(%dma_start3A_258 : memref<128x128xf32, #tpu.memory_space<vmem>>) offsets(%dma_start3A_259 : memref<128xi32, #tpu.memory_space<vmem>>) semaphore(%arg11 : memref<!tpu.dma_semaphore, #tpu.memory_space<semaphore_mem>>)
      } else {
      }
    }
    %scan3A_80 = arith.constant 39 : i32
    %mul3A_81 = arith.constant 10000 : i32
    %mul3A_82 = arith.muli %arg1, %mul3A_81 : i32
    %add3A_83 = arith.constant 9984 : i32
    %add3A_84 = arith.addi %mul3A_82, %add3A_83 : i32
    %dma_start3A_85 = arith.constant 0 : i32
    %dma_start3A_86 = arith.constant 0 : i32
    %dma_start3A_87 = tpu.memref_slice %arg7[%dma_start3A_85, %dma_start3A_86] : memref<2x128xi32, #tpu.memory_space<vmem>> -> memref<1x128xi32, #tpu.memory_space<vmem>>
    %dma_start3A_88 = tpu.memref_squeeze %dma_start3A_87 : memref<1x128xi32, #tpu.memory_space<vmem>> -> memref<128xi32, #tpu.memory_space<vmem>>
    %dma_start3A_89 = arith.constant 0 : i32
    %dma_start3A_90 = tpu.memref_slice %dma_start3A_88[%dma_start3A_89] : memref<128xi32, #tpu.memory_space<vmem>> -> memref<16xi32, #tpu.memory_space<vmem>>
    %dma_start3A_91 = tpu.memref_slice %arg4[%add3A_84] : memref<160000xi32, #tpu.memory_space<hbm>> -> memref<16xi32, #tpu.memory_space<hbm>>
    %dma_start3A_92 = arith.constant 0 : i32
    %dma_start3A_93 = tpu.memref_slice %arg7[%dma_start3A_85, %dma_start3A_92] : memref<2x128xi32, #tpu.memory_space<vmem>> -> memref<1x128xi32, #tpu.memory_space<vmem>>
    %dma_start3A_94 = tpu.memref_squeeze %dma_start3A_93 : memref<1x128xi32, #tpu.memory_space<vmem>> -> memref<128xi32, #tpu.memory_space<vmem>>
    %dma_start3A_95 = arith.constant 0 : i32
    %dma_start3A_96 = tpu.memref_slice %dma_start3A_94[%dma_start3A_95] : memref<128xi32, #tpu.memory_space<vmem>> -> memref<16xi32, #tpu.memory_space<vmem>>
    %dma_start3A_97 = tpu.memref_slice %arg4[%add3A_84] : memref<160000xi32, #tpu.memory_space<hbm>> -> memref<16xi32, #tpu.memory_space<hbm>>
    tpu.enqueue_dma source(%dma_start3A_97 : memref<16xi32, #tpu.memory_space<hbm>>) target(%dma_start3A_96 : memref<16xi32, #tpu.memory_space<vmem>>) target_semaphore(%arg12 : memref<!tpu.dma_semaphore, #tpu.memory_space<semaphore_mem>>)
    %dma_start3A_98 = arith.constant 0 : i32
    %dma_start3A_99 = arith.constant 0 : i32
    %dma_start3A_100 = arith.constant 0 : i32
    %dma_start3A_101 = tpu.memref_slice %arg8[%dma_start3A_98, %dma_start3A_99, %dma_start3A_100] : memref<2x128x128xf32, #tpu.memory_space<vmem>> -> memref<1x128x128xf32, #tpu.memory_space<vmem>>
    %dma_start3A_102 = tpu.memref_squeeze %dma_start3A_101 : memref<1x128x128xf32, #tpu.memory_space<vmem>> -> memref<128x128xf32, #tpu.memory_space<vmem>>
    %dma_start3A_103 = arith.constant 0 : i32
    %dma_start3A_104 = arith.constant 0 : i32
    %dma_start3A_105 = tpu.memref_slice %dma_start3A_102[%dma_start3A_103, %dma_start3A_104] : memref<128x128xf32, #tpu.memory_space<vmem>> -> memref<16x128xf32, #tpu.memory_space<vmem>>
    %dma_start3A_106 = arith.constant 9984 : i32
    %dma_start3A_107 = tpu.memref_slice %arg6[%dma_start3A_106] : memref<10000xi32, #tpu.memory_space<vmem>> -> memref<16xi32, #tpu.memory_space<vmem>>
    %dma_start3A_108 = arith.constant 0 : i32
    %dma_start3A_109 = arith.constant 0 : i32
    %dma_start3A_110 = tpu.memref_slice %arg2[%dma_start3A_108, %dma_start3A_109] : memref<10000x128xf32, #tpu.memory_space<hbm>> -> memref<10000x128xf32, #tpu.memory_space<hbm>>
    tpu.enqueue_indirect_dma source(%dma_start3A_110 : memref<10000x128xf32, #tpu.memory_space<hbm>>) target(%dma_start3A_105 : memref<16x128xf32, #tpu.memory_space<vmem>>) offsets(%dma_start3A_107 : memref<16xi32, #tpu.memory_space<vmem>>) semaphore(%arg10 : memref<!tpu.dma_semaphore, #tpu.memory_space<semaphore_mem>>)
    %mul3A_111 = arith.constant 10000 : i32
    %mul3A_112 = arith.muli %arg1, %mul3A_111 : i32
    %dma_wait3A = arith.constant 0 : i32
    %dma_wait3A_113 = arith.constant 0 : i32
    %dma_wait3A_114 = tpu.memref_slice %arg7[%dma_wait3A, %dma_wait3A_113] : memref<2x128xi32, #tpu.memory_space<vmem>> -> memref<1x128xi32, #tpu.memory_space<vmem>>
    %dma_wait3A_115 = tpu.memref_squeeze %dma_wait3A_114 : memref<1x128xi32, #tpu.memory_space<vmem>> -> memref<128xi32, #tpu.memory_space<vmem>>
    %dma_wait3A_116 = arith.constant 0 : i32
    %dma_wait3A_117 = tpu.memref_slice %dma_wait3A_115[%dma_wait3A_116] : memref<128xi32, #tpu.memory_space<vmem>> -> memref<16xi32, #tpu.memory_space<vmem>>
    %dma_wait3A_118 = tpu.memref_slice %arg4[%mul3A_112] : memref<160000xi32, #tpu.memory_space<hbm>> -> memref<16xi32, #tpu.memory_space<hbm>>
    %dma_wait3A_119 = arith.constant 0 : i32
    %dma_wait3A_120 = tpu.memref_slice %arg7[%dma_wait3A, %dma_wait3A_119] : memref<2x128xi32, #tpu.memory_space<vmem>> -> memref<1x128xi32, #tpu.memory_space<vmem>>
    %dma_wait3A_121 = tpu.memref_squeeze %dma_wait3A_120 : memref<1x128xi32, #tpu.memory_space<vmem>> -> memref<128xi32, #tpu.memory_space<vmem>>
    %dma_wait3A_122 = arith.constant 0 : i32
    %dma_wait3A_123 = tpu.memref_slice %dma_wait3A_121[%dma_wait3A_122] : memref<128xi32, #tpu.memory_space<vmem>> -> memref<16xi32, #tpu.memory_space<vmem>>
    %dma_wait3A_124 = tpu.memref_slice %arg4[%mul3A_112] : memref<160000xi32, #tpu.memory_space<hbm>> -> memref<16xi32, #tpu.memory_space<hbm>>
    tpu.wait_dma2 semaphore(%arg12 : memref<!tpu.dma_semaphore, #tpu.memory_space<semaphore_mem>>) src(%dma_wait3A_124 : memref<16xi32, #tpu.memory_space<hbm>>) dst(%dma_wait3A_123 : memref<16xi32, #tpu.memory_space<vmem>>)
    %dma_wait3A_125 = arith.constant 0 : i32
    %dma_wait3A_126 = arith.constant 0 : i32
    %dma_wait3A_127 = arith.constant 0 : i32
    %dma_wait3A_128 = tpu.memref_slice %arg8[%dma_wait3A_125, %dma_wait3A_126, %dma_wait3A_127] : memref<2x128x128xf32, #tpu.memory_space<vmem>> -> memref<1x128x128xf32, #tpu.memory_space<vmem>>
    %dma_wait3A_129 = tpu.memref_squeeze %dma_wait3A_128 : memref<1x128x128xf32, #tpu.memory_space<vmem>> -> memref<128x128xf32, #tpu.memory_space<vmem>>
    %dma_wait3A_130 = arith.constant 0 : i32
    %dma_wait3A_131 = arith.constant 0 : i32
    %dma_wait3A_132 = tpu.memref_slice %dma_wait3A_129[%dma_wait3A_130, %dma_wait3A_131] : memref<128x128xf32, #tpu.memory_space<vmem>> -> memref<16x128xf32, #tpu.memory_space<vmem>>
    %dma_wait3A_133 = arith.constant 0 : i32
    %dma_wait3A_134 = tpu.memref_slice %arg6[%dma_wait3A_133] : memref<10000xi32, #tpu.memory_space<vmem>> -> memref<16xi32, #tpu.memory_space<vmem>>
    %dma_wait3A_135 = arith.constant 0 : i32
    %dma_wait3A_136 = arith.constant 0 : i32
    %dma_wait3A_137 = tpu.memref_slice %arg2[%dma_wait3A_135, %dma_wait3A_136] : memref<10000x128xf32, #tpu.memory_space<hbm>> -> memref<10000x128xf32, #tpu.memory_space<hbm>>
    tpu.wait_indirect_dma semaphore(%arg10 : memref<!tpu.dma_semaphore, #tpu.memory_space<semaphore_mem>>) src(%dma_wait3A_137 : memref<10000x128xf32, #tpu.memory_space<hbm>>) dst(%dma_wait3A_132 : memref<16x128xf32, #tpu.memory_space<vmem>>)
    %run_scoped3A = arith.constant 0 : i32
    %run_scoped3A_138 = arith.constant 0 : i32
    "tpu.region"() ({
      %run_scoped3A_145 = tpu.sem_alloc : memref<!tpu.dma_semaphore, #tpu.memory_space<semaphore_mem>>
      %dma_start3A_146 = arith.constant 0 : i32
      %dma_start3A_147 = arith.constant 0 : i32
      %dma_start3A_148 = tpu.memref_slice %arg8[%run_scoped3A, %dma_start3A_146, %dma_start3A_147] : memref<2x128x128xf32, #tpu.memory_space<vmem>> -> memref<1x128x128xf32, #tpu.memory_space<vmem>>
      %dma_start3A_149 = tpu.memref_squeeze %dma_start3A_148 : memref<1x128x128xf32, #tpu.memory_space<vmem>> -> memref<128x128xf32, #tpu.memory_space<vmem>>
      %dma_start3A_150 = arith.constant 0 : i32
      %dma_start3A_151 = arith.constant 0 : i32
      %dma_start3A_152 = tpu.memref_slice %dma_start3A_149[%dma_start3A_150, %dma_start3A_151] : memref<128x128xf32, #tpu.memory_space<vmem>> -> memref<16x128xf32, #tpu.memory_space<vmem>>
      %dma_start3A_153 = arith.constant 0 : i32
      %dma_start3A_154 = tpu.memref_slice %arg7[%run_scoped3A_138, %dma_start3A_153] : memref<2x128xi32, #tpu.memory_space<vmem>> -> memref<1x128xi32, #tpu.memory_space<vmem>>
      %dma_start3A_155 = tpu.memref_squeeze %dma_start3A_154 : memref<1x128xi32, #tpu.memory_space<vmem>> -> memref<128xi32, #tpu.memory_space<vmem>>
      %dma_start3A_156 = arith.constant 0 : i32
      %dma_start3A_157 = tpu.memref_slice %dma_start3A_155[%dma_start3A_156] : memref<128xi32, #tpu.memory_space<vmem>> -> memref<16xi32, #tpu.memory_space<vmem>>
      %dma_start3A_158 = arith.constant 0 : i32
      %dma_start3A_159 = arith.constant 0 : i32
      %dma_start3A_160 = tpu.memref_slice %arg9[%dma_start3A_158, %dma_start3A_159] : memref<10240x128xf32, #tpu.memory_space<vmem_shared>> -> memref<10240x128xf32, #tpu.memory_space<vmem_shared>>
      tpu.enqueue_indirect_dma source(%dma_start3A_152 : memref<16x128xf32, #tpu.memory_space<vmem>>) target(%dma_start3A_160 : memref<10240x128xf32, #tpu.memory_space<vmem_shared>>) offsets(%dma_start3A_157 : memref<16xi32, #tpu.memory_space<vmem>>) semaphore(%run_scoped3A_145 : memref<!tpu.dma_semaphore, #tpu.memory_space<semaphore_mem>>) {add = true}
      %dma_wait3A_161 = arith.constant 0 : i32
      %dma_wait3A_162 = arith.constant 0 : i32
      %dma_wait3A_163 = tpu.memref_slice %arg8[%run_scoped3A, %dma_wait3A_161, %dma_wait3A_162] : memref<2x128x128xf32, #tpu.memory_space<vmem>> -> memref<1x128x128xf32, #tpu.memory_space<vmem>>
      %dma_wait3A_164 = tpu.memref_squeeze %dma_wait3A_163 : memref<1x128x128xf32, #tpu.memory_space<vmem>> -> memref<128x128xf32, #tpu.memory_space<vmem>>
      %dma_wait3A_165 = arith.constant 0 : i32
      %dma_wait3A_166 = arith.constant 0 : i32
      %dma_wait3A_167 = tpu.memref_slice %dma_wait3A_164[%dma_wait3A_165, %dma_wait3A_166] : memref<128x128xf32, #tpu.memory_space<vmem>> -> memref<16x128xf32, #tpu.memory_space<vmem>>
      %dma_wait3A_168 = arith.constant 0 : i32
      %dma_wait3A_169 = tpu.memref_slice %arg7[%run_scoped3A_138, %dma_wait3A_168] : memref<2x128xi32, #tpu.memory_space<vmem>> -> memref<1x128xi32, #tpu.memory_space<vmem>>
      %dma_wait3A_170 = tpu.memref_squeeze %dma_wait3A_169 : memref<1x128xi32, #tpu.memory_space<vmem>> -> memref<128xi32, #tpu.memory_space<vmem>>
      %dma_wait3A_171 = arith.constant 0 : i32
      %dma_wait3A_172 = tpu.memref_slice %dma_wait3A_170[%dma_wait3A_171] : memref<128xi32, #tpu.memory_space<vmem>> -> memref<16xi32, #tpu.memory_space<vmem>>
      %dma_wait3A_173 = arith.constant 0 : i32
      %dma_wait3A_174 = arith.constant 0 : i32
      %dma_wait3A_175 = tpu.memref_slice %arg9[%dma_wait3A_173, %dma_wait3A_174] : memref<10240x128xf32, #tpu.memory_space<vmem_shared>> -> memref<10240x128xf32, #tpu.memory_space<vmem_shared>>
      tpu.wait_indirect_dma semaphore(%run_scoped3A_145 : memref<!tpu.dma_semaphore, #tpu.memory_space<semaphore_mem>>) src(%dma_wait3A_167 : memref<16x128xf32, #tpu.memory_space<vmem>>) dst(%dma_wait3A_175 : memref<10240x128xf32, #tpu.memory_space<vmem_shared>>)
      tpu.yield
    }) : () -> ()
    %barrier3A_139 = arith.constant 0 : index
    tpu.barrier barrier_id(%barrier3A_139)
    %scan3A_140 = arith.constant 0 : i32
    %scan3A_141 = arith.constant 8 : i32
    %scan3A_142 = arith.addi %scan3A_140, %scan3A_141 : i32
    %scan3A_143 = arith.constant 1 : i32
    scf.for %scan3A_145 = %scan3A_140 to %scan3A_142 step %scan3A_143  : i32 {
      %mul3A_146 = arith.constant 1 : i32
      %mul3A_147 = arith.muli %scan3A_145, %mul3A_146 : i32
      %add3A_148 = arith.constant 0 : i32
      %add3A_149 = arith.addi %add3A_148, %mul3A_147 : i32
      %mul3A_150 = arith.constant 640 : i32
      %mul3A_151 = arith.muli %arg1, %mul3A_150 : i32
      %mul3A_152 = arith.constant 80 : i32
      %mul3A_153 = arith.muli %add3A_149, %mul3A_152 : i32
      %add3A_154 = arith.addi %mul3A_151, %mul3A_153 : i32
      %mul3A_155 = arith.constant 640 : i32
      %mul3A_156 = arith.muli %arg1, %mul3A_155 : i32
      %mul3A_157 = arith.constant 80 : i32
      %mul3A_158 = arith.muli %add3A_149, %mul3A_157 : i32
      %add3A_159 = arith.addi %mul3A_156, %mul3A_158 : i32
      "tpu.region"() ({
        %run_scoped3A_160 = tpu.sem_alloc : memref<!tpu.dma_semaphore, #tpu.memory_space<semaphore_mem>>
        %dma_start3A_161 = arith.constant 0 : i32
        %dma_start3A_162 = tpu.memref_slice %arg5[%arg0, %add3A_159, %dma_start3A_161] : memref<2x10240x128xf32, #tpu.memory_space<hbm>> -> memref<1x80x128xf32, #tpu.memory_space<hbm>>
        %dma_start3A_163 = tpu.memref_squeeze %dma_start3A_162 : memref<1x80x128xf32, #tpu.memory_space<hbm>> -> memref<80x128xf32, #tpu.memory_space<hbm>>
        %dma_start3A_164 = arith.constant 0 : i32
        %dma_start3A_165 = tpu.memref_slice %arg9[%add3A_154, %dma_start3A_164] : memref<10240x128xf32, #tpu.memory_space<vmem_shared>> -> memref<80x128xf32, #tpu.memory_space<vmem_shared>>
        tpu.enqueue_dma source(%dma_start3A_165 : memref<80x128xf32, #tpu.memory_space<vmem_shared>>) target(%dma_start3A_163 : memref<80x128xf32, #tpu.memory_space<hbm>>) target_semaphore(%run_scoped3A_160 : memref<!tpu.dma_semaphore, #tpu.memory_space<semaphore_mem>>)
        %dma_wait3A_166 = arith.constant 0 : i32
        %dma_wait3A_167 = tpu.memref_slice %arg5[%arg0, %add3A_159, %dma_wait3A_166] : memref<2x10240x128xf32, #tpu.memory_space<hbm>> -> memref<1x80x128xf32, #tpu.memory_space<hbm>>
        %dma_wait3A_168 = tpu.memref_squeeze %dma_wait3A_167 : memref<1x80x128xf32, #tpu.memory_space<hbm>> -> memref<80x128xf32, #tpu.memory_space<hbm>>
        %dma_wait3A_169 = arith.constant 0 : i32
        %dma_wait3A_170 = tpu.memref_slice %arg9[%add3A_154, %dma_wait3A_169] : memref<10240x128xf32, #tpu.memory_space<vmem_shared>> -> memref<80x128xf32, #tpu.memory_space<vmem_shared>>
        tpu.wait_dma2 semaphore(%run_scoped3A_160 : memref<!tpu.dma_semaphore, #tpu.memory_space<semaphore_mem>>) src(%dma_wait3A_170 : memref<80x128xf32, #tpu.memory_space<vmem_shared>>) dst(%dma_wait3A_168 : memref<80x128xf32, #tpu.memory_space<hbm>>)
        tpu.yield
      }) : () -> ()
    }
    %scan3A_144 = arith.constant 8 : i32
    return
  }
}

module attributes {stable_mosaic.version = 14 : i64} {
  func.func @body(%arg0: i32, %arg1: memref<2000x128xf32, #tpu.memory_space<vmem>>, %arg2: memref<128x256xf32, #tpu.memory_space<vmem>>, %arg3: memref<2000x1xf32, #tpu.memory_space<vmem>>, %arg4: memref<2x2000x128xf32, #tpu.memory_space<vmem>>) attributes {dimension_semantics = [#tpu.dimension_semantics<arbitrary>], iteration_bounds = array<i64: 5>, scalar_prefetch = 0 : i64, scratch_operands = 0 : i64, tpu.core_type = #tpu.core_type<tc>, window_params = [{transform_indices = @transform_0, window_bounds = array<i64: 2000, 128>}, {pipeline_mode = #tpu.pipeline_mode<synchronous>, transform_indices = @transform_1, window_bounds = array<i64: 128, 256>}, {transform_indices = @transform_2, window_bounds = array<i64: 2000, 1>}, {transform_indices = @transform_3, window_bounds = array<i64: 2, 2000, 128>}]} {
    %get3A = arith.constant 0 : index
    %get3A_0 = arith.constant 0 : index
    %get3A_1 = vector.load %arg1[%get3A, %get3A_0] : memref<2000x128xf32, #tpu.memory_space<vmem>>, vector<2000x128xf32>
    %get3A_2 = arith.constant 0 : index
    %get3A_3 = arith.constant 0 : index
    %get3A_4 = vector.load %arg2[%get3A_2, %get3A_3] : memref<128x256xf32, #tpu.memory_space<vmem>>, vector<128x256xf32>
    %dot_general3A = arith.constant dense<0.000000e+00> : vector<2000x256xf32>
    %dot_general3A_5 = tpu.matmul %get3A_1, %get3A_4, %dot_general3A {dimension_numbers = #tpu.dot_dimension_numbers<[1], [0], [0], [1], [0, 0, 1, 1], [], []>, precision = #tpu.contract_precision<fp32>, transpose_lhs_hint = false} : vector<2000x128xf32>, vector<128x256xf32>, vector<2000x256xf32> -> vector<2000x256xf32>
    %get3A_6 = arith.constant 0 : index
    %get3A_7 = arith.constant 0 : index
    %get3A_8 = vector.load %arg3[%get3A_6, %get3A_7] : memref<2000x1xf32, #tpu.memory_space<vmem>>, vector<2000x1xf32>
    %mul3A = vector.broadcast %get3A_8 : vector<2000x1xf32> to vector<2000x256xf32>
    %mul3A_9 = arith.mulf %dot_general3A_5, %mul3A : vector<2000x256xf32>
    %slice3A = vector.extract_strided_slice %mul3A_9 {offsets = [0, 0], sizes = [2000, 128], strides = [1, 1]} : vector<2000x256xf32> to vector<2000x128xf32>
    %swap3A = arith.constant 0 : index
    %swap3A_10 = arith.constant 0 : index
    %swap3A_11 = arith.constant 0 : index
    %swap3A_12 = vector.load %arg4[%swap3A, %swap3A_10, %swap3A_11] : memref<2x2000x128xf32, #tpu.memory_space<vmem>>, vector<1x2000x128xf32>
    %swap3A_13 = vector.shape_cast %swap3A_12 : vector<1x2000x128xf32> to vector<2000x128xf32>
    %swap3A_14 = vector.shape_cast %slice3A : vector<2000x128xf32> to vector<1x2000x128xf32>
    tpu.vector_store %arg4[%swap3A, %swap3A_10, %swap3A_11], %swap3A_14 {strides = array<i32>} : memref<2x2000x128xf32, #tpu.memory_space<vmem>>, vector<1x2000x128xf32>,
    %slice3A_15 = vector.extract_strided_slice %mul3A_9 {offsets = [0, 128], sizes = [2000, 128], strides = [1, 1]} : vector<2000x256xf32> to vector<2000x128xf32>
    %swap3A_16 = arith.constant 1 : index
    %swap3A_17 = arith.constant 0 : index
    %swap3A_18 = arith.constant 0 : index
    %swap3A_19 = vector.load %arg4[%swap3A_16, %swap3A_17, %swap3A_18] : memref<2x2000x128xf32, #tpu.memory_space<vmem>>, vector<1x2000x128xf32>
    %swap3A_20 = vector.shape_cast %swap3A_19 : vector<1x2000x128xf32> to vector<2000x128xf32>
    %swap3A_21 = vector.shape_cast %slice3A_15 : vector<2000x128xf32> to vector<1x2000x128xf32>
    tpu.vector_store %arg4[%swap3A_16, %swap3A_17, %swap3A_18], %swap3A_21 {strides = array<i32>} : memref<2x2000x128xf32, #tpu.memory_space<vmem>>, vector<1x2000x128xf32>,
    return
  }
  func.func @transform_0(%arg0: i32) -> (i32, i32) {
    %c0_i32 = arith.constant 0 : i32
    %c0_i32_0 = arith.constant 0 : i32
    return %arg0, %c0_i32 : i32, i32
  }
  func.func @transform_1(%arg0: i32) -> (i32, i32) {
    %c0_i32 = arith.constant 0 : i32
    %c0_i32_0 = arith.constant 0 : i32
    %c0_i32_1 = arith.constant 0 : i32
    return %c0_i32, %c0_i32_0 : i32, i32
  }
  func.func @transform_2(%arg0: i32) -> (i32, i32) {
    %c0_i32 = arith.constant 0 : i32
    %c0_i32_0 = arith.constant 0 : i32
    return %arg0, %c0_i32 : i32, i32
  }
  func.func @transform_3(%arg0: i32) -> (i32, i32, i32) {
    %c0_i32 = arith.constant 0 : i32
    %c0_i32_0 = arith.constant 0 : i32
    %c0_i32_1 = arith.constant 0 : i32
    return %c0_i32, %arg0, %c0_i32_0 : i32, i32, i32
  }
}

module attributes {stable_mosaic.version = 14 : i64} {
  func.func @body(%arg0: memref<32x10000xf32, #tpu.memory_space<vmem>>, %arg1: memref<32x5000xf32, #tpu.memory_space<vmem>>, %arg2: memref<1x10000xf32, #tpu.memory_space<vmem>>, %arg3: memref<1x5000xf32, #tpu.memory_space<vmem>>) attributes {dimension_semantics = [], scalar_prefetch = 0 : i64, scratch_operands = 0 : i64, tpu.core_type = #tpu.core_type<tc>} {
    %get3A = arith.constant 0 : index
    %get3A_0 = arith.constant 0 : index
    %get3A_1 = vector.load %arg0[%get3A, %get3A_0] : memref<32x10000xf32, #tpu.memory_space<vmem>>, vector<32x10000xf32>
    %reduce_sum3A = arith.constant dense<0.000000e+00> : vector<10000xf32>
    %reduce_sum3A_2 = vector.multi_reduction <add>, %get3A_1, %reduce_sum3A [0] : vector<32x10000xf32> to vector<10000xf32>
    %broadcast_in_dim3A = vector.shape_cast %reduce_sum3A_2 : vector<10000xf32> to vector<1x10000xf32>
    %get3A_3 = arith.constant 0 : index
    %get3A_4 = arith.constant 0 : index
    %get3A_5 = vector.load %arg1[%get3A_3, %get3A_4] : memref<32x5000xf32, #tpu.memory_space<vmem>>, vector<32x5000xf32>
    %reduce_sum3A_6 = arith.constant dense<0.000000e+00> : vector<5000xf32>
    %reduce_sum3A_7 = vector.multi_reduction <add>, %get3A_5, %reduce_sum3A_6 [0] : vector<32x5000xf32> to vector<5000xf32>
    %broadcast_in_dim3A_8 = vector.shape_cast %reduce_sum3A_7 : vector<5000xf32> to vector<1x5000xf32>
    %gt3A = arith.constant 0.000000e+00 : f32
    %gt3A_9 = vector.broadcast %gt3A : f32 to vector<1x10000xf32>
    %gt3A_10 = arith.cmpf ogt, %broadcast_in_dim3A, %gt3A_9 : vector<1x10000xf32>
    %jit3A = arith.constant 1.000000e+00 : f32
    %broadcast_in_dim3A_11 = vector.broadcast %jit3A : f32 to vector<1x10000xf32>
    %select_n3A = arith.select %gt3A_10, %broadcast_in_dim3A, %broadcast_in_dim3A_11 : vector<1x10000xi1>, vector<1x10000xf32>
    %gt3A_12 = arith.constant 0.000000e+00 : f32
    %gt3A_13 = vector.broadcast %gt3A_12 : f32 to vector<1x5000xf32>
    %gt3A_14 = arith.cmpf ogt, %broadcast_in_dim3A_8, %gt3A_13 : vector<1x5000xf32>
    %jit3A_15 = arith.constant 1.000000e+00 : f32
    %broadcast_in_dim3A_16 = vector.broadcast %jit3A_15 : f32 to vector<1x5000xf32>
    %select_n3A_17 = arith.select %gt3A_14, %broadcast_in_dim3A_8, %broadcast_in_dim3A_16 : vector<1x5000xi1>, vector<1x5000xf32>
    %rsqrt3A = math.rsqrt %select_n3A : vector<1x10000xf32>
    %swap3A = arith.constant 0 : index
    %swap3A_18 = arith.constant 0 : index
    %swap3A_19 = vector.load %arg2[%swap3A, %swap3A_18] : memref<1x10000xf32, #tpu.memory_space<vmem>>, vector<1x10000xf32>
    tpu.vector_store %arg2[%swap3A, %swap3A_18], %rsqrt3A {strides = array<i32>} : memref<1x10000xf32, #tpu.memory_space<vmem>>, vector<1x10000xf32>,
    %rsqrt3A_20 = math.rsqrt %select_n3A_17 : vector<1x5000xf32>
    %mul3A = arith.mulf %rsqrt3A_20, %rsqrt3A_20 : vector<1x5000xf32>
    %mul3A_21 = arith.mulf %mul3A, %rsqrt3A_20 : vector<1x5000xf32>
    %swap3A_22 = arith.constant 0 : index
    %swap3A_23 = arith.constant 0 : index
    %swap3A_24 = vector.load %arg3[%swap3A_22, %swap3A_23] : memref<1x5000xf32, #tpu.memory_space<vmem>>, vector<1x5000xf32>
    tpu.vector_store %arg3[%swap3A_22, %swap3A_23], %mul3A_21 {strides = array<i32>} : memref<1x5000xf32, #tpu.memory_space<vmem>>, vector<1x5000xf32>,
    return
  }
}

module attributes {stable_mosaic.version = 14 : i64} {
  func.func @body(%arg0: memref<32x10000xf32, #tpu.memory_space<vmem>>, %arg1: memref<32x5000xf32, #tpu.memory_space<vmem>>, %arg2: memref<1x10000xf32, #tpu.memory_space<vmem>>, %arg3: memref<1x5000xf32, #tpu.memory_space<vmem>>) attributes {dimension_semantics = [], scalar_prefetch = 0 : i64, scratch_operands = 0 : i64, tpu.core_type = #tpu.core_type<tc>} {
    %get3A = arith.constant 0 : index
    %get3A_0 = arith.constant 0 : index
    %get3A_1 = vector.load %arg0[%get3A, %get3A_0] : memref<32x10000xf32, #tpu.memory_space<vmem>>, vector<32x10000xf32>
    %reduce_sum3A = arith.constant dense<0.000000e+00> : vector<10000xf32>
    %reduce_sum3A_2 = vector.multi_reduction <add>, %get3A_1, %reduce_sum3A [0] : vector<32x10000xf32> to vector<10000xf32>
    %broadcast_in_dim3A = vector.shape_cast %reduce_sum3A_2 : vector<10000xf32> to vector<1x10000xf32>
    %get3A_3 = arith.constant 0 : index
    %get3A_4 = arith.constant 0 : index
    %get3A_5 = vector.load %arg1[%get3A_3, %get3A_4] : memref<32x5000xf32, #tpu.memory_space<vmem>>, vector<32x5000xf32>
    %reduce_sum3A_6 = arith.constant dense<0.000000e+00> : vector<5000xf32>
    %reduce_sum3A_7 = vector.multi_reduction <add>, %get3A_5, %reduce_sum3A_6 [0] : vector<32x5000xf32> to vector<5000xf32>
    %broadcast_in_dim3A_8 = vector.shape_cast %reduce_sum3A_7 : vector<5000xf32> to vector<1x5000xf32>
    %gt3A = arith.constant 0.000000e+00 : f32
    %gt3A_9 = vector.broadcast %gt3A : f32 to vector<1x10000xf32>
    %gt3A_10 = arith.cmpf ogt, %broadcast_in_dim3A, %gt3A_9 : vector<1x10000xf32>
    %gt3A_11 = arith.constant 0.000000e+00 : f32
    %gt3A_12 = vector.broadcast %gt3A_11 : f32 to vector<1x10000xf32>
    %gt3A_13 = arith.cmpf ogt, %broadcast_in_dim3A, %gt3A_12 : vector<1x10000xf32>
    %jit3A = arith.constant 1.000000e+00 : f32
    %broadcast_in_dim3A_14 = vector.broadcast %jit3A : f32 to vector<1x10000xf32>
    %select_n3A = arith.select %gt3A_13, %broadcast_in_dim3A, %broadcast_in_dim3A_14 : vector<1x10000xi1>, vector<1x10000xf32>
    %div3A = arith.constant 1.000000e+00 : f32
    %div3A_15 = vector.broadcast %div3A : f32 to vector<1x10000xf32>
    %div3A_16 = arith.divf %div3A_15, %select_n3A : vector<1x10000xf32>
    %jit3A_17 = arith.constant 0.000000e+00 : f32
    %broadcast_in_dim3A_18 = vector.broadcast %jit3A_17 : f32 to vector<1x10000xf32>
    %select_n3A_19 = arith.select %gt3A_10, %div3A_16, %broadcast_in_dim3A_18 : vector<1x10000xi1>, vector<1x10000xf32>
    %swap3A = arith.constant 0 : index
    %swap3A_20 = arith.constant 0 : index
    %swap3A_21 = vector.load %arg2[%swap3A, %swap3A_20] : memref<1x10000xf32, #tpu.memory_space<vmem>>, vector<1x10000xf32>
    tpu.vector_store %arg2[%swap3A, %swap3A_20], %select_n3A_19 {strides = array<i32>} : memref<1x10000xf32, #tpu.memory_space<vmem>>, vector<1x10000xf32>,
    %gt3A_22 = arith.constant 0.000000e+00 : f32
    %gt3A_23 = vector.broadcast %gt3A_22 : f32 to vector<1x5000xf32>
    %gt3A_24 = arith.cmpf ogt, %broadcast_in_dim3A_8, %gt3A_23 : vector<1x5000xf32>
    %gt3A_25 = arith.constant 0.000000e+00 : f32
    %gt3A_26 = vector.broadcast %gt3A_25 : f32 to vector<1x5000xf32>
    %gt3A_27 = arith.cmpf ogt, %broadcast_in_dim3A_8, %gt3A_26 : vector<1x5000xf32>
    %jit3A_28 = arith.constant 1.000000e+00 : f32
    %broadcast_in_dim3A_29 = vector.broadcast %jit3A_28 : f32 to vector<1x5000xf32>
    %select_n3A_30 = arith.select %gt3A_27, %broadcast_in_dim3A_8, %broadcast_in_dim3A_29 : vector<1x5000xi1>, vector<1x5000xf32>
    %div3A_31 = arith.constant 1.000000e+00 : f32
    %div3A_32 = vector.broadcast %div3A_31 : f32 to vector<1x5000xf32>
    %div3A_33 = arith.divf %div3A_32, %select_n3A_30 : vector<1x5000xf32>
    %jit3A_34 = arith.constant 0.000000e+00 : f32
    %broadcast_in_dim3A_35 = vector.broadcast %jit3A_34 : f32 to vector<1x5000xf32>
    %select_n3A_36 = arith.select %gt3A_24, %div3A_33, %broadcast_in_dim3A_35 : vector<1x5000xi1>, vector<1x5000xf32>
    %swap3A_37 = arith.constant 0 : index
    %swap3A_38 = arith.constant 0 : index
    %swap3A_39 = vector.load %arg3[%swap3A_37, %swap3A_38] : memref<1x5000xf32, #tpu.memory_space<vmem>>, vector<1x5000xf32>
    tpu.vector_store %arg3[%swap3A_37, %swap3A_38], %select_n3A_36 {strides = array<i32>} : memref<1x5000xf32, #tpu.memory_space<vmem>>, vector<1x5000xf32>,
    return
  }
}

module attributes {stable_mosaic.version = 14 : i64} {
  func.func @body(%arg0: i32, %arg1: memref<1x1000x128xf32, #tpu.memory_space<vmem>>, %arg2: memref<1x1000x128xf32, #tpu.memory_space<vmem>>, %arg3: memref<1000x1xf32, #tpu.memory_space<vmem>>, %arg4: memref<1x256xf32, #tpu.memory_space<vmem>>, %arg5: memref<256x256xf32, #tpu.memory_space<vmem>>, %arg6: memref<1000x1xf32, #tpu.memory_space<vmem>>, %arg7: memref<2x1000x128xf32, #tpu.memory_space<vmem>>) attributes {dimension_semantics = [#tpu.dimension_semantics<arbitrary>], iteration_bounds = array<i64: 5>, scalar_prefetch = 0 : i64, scratch_operands = 0 : i64, tpu.core_type = #tpu.core_type<tc>, window_params = [{transform_indices = @transform_0, window_bounds = array<i64: 1, 1000, 128>}, {transform_indices = @transform_1, window_bounds = array<i64: 1, 1000, 128>}, {transform_indices = @transform_2, window_bounds = array<i64: 1000, 1>}, {pipeline_mode = #tpu.pipeline_mode<synchronous>, transform_indices = @transform_3, window_bounds = array<i64: 1, 256>}, {pipeline_mode = #tpu.pipeline_mode<synchronous>, transform_indices = @transform_4, window_bounds = array<i64: 256, 256>}, {transform_indices = @transform_5, window_bounds = array<i64: 1000, 1>}, {transform_indices = @transform_6, window_bounds = array<i64: 2, 1000, 128>}]} {
    %get3A = arith.constant 0 : index
    %get3A_0 = arith.constant 0 : index
    %get3A_1 = arith.constant 0 : index
    %get3A_2 = vector.load %arg1[%get3A, %get3A_0, %get3A_1] : memref<1x1000x128xf32, #tpu.memory_space<vmem>>, vector<1x1000x128xf32>
    %get3A_3 = vector.shape_cast %get3A_2 : vector<1x1000x128xf32> to vector<1000x128xf32>
    %get3A_4 = arith.constant 0 : index
    %get3A_5 = arith.constant 0 : index
    %get3A_6 = arith.constant 0 : index
    %get3A_7 = vector.load %arg2[%get3A_4, %get3A_5, %get3A_6] : memref<1x1000x128xf32, #tpu.memory_space<vmem>>, vector<1x1000x128xf32>
    %get3A_8 = vector.shape_cast %get3A_7 : vector<1x1000x128xf32> to vector<1000x128xf32>
    %concatenate3A = tpu.concatenate %get3A_3, %get3A_8 in 1 : vector<1000x128xf32>, vector<1000x128xf32> -> vector<1000x256xf32>
    %get3A_9 = arith.constant 0 : index
    %get3A_10 = arith.constant 0 : index
    %get3A_11 = vector.load %arg3[%get3A_9, %get3A_10] : memref<1000x1xf32, #tpu.memory_space<vmem>>, vector<1000x1xf32>
    %mul3A = vector.broadcast %get3A_11 : vector<1000x1xf32> to vector<1000x256xf32>
    %mul3A_12 = arith.mulf %concatenate3A, %mul3A : vector<1000x256xf32>
    %get3A_13 = arith.constant 0 : index
    %get3A_14 = arith.constant 0 : index
    %get3A_15 = vector.load %arg4[%get3A_13, %get3A_14] : memref<1x256xf32, #tpu.memory_space<vmem>>, vector<1x256xf32>
    %add3A = vector.broadcast %get3A_15 : vector<1x256xf32> to vector<1000x256xf32>
    %add3A_16 = arith.addf %mul3A_12, %add3A : vector<1000x256xf32>
    %logistic3A = arith.negf %add3A_16 : vector<1000x256xf32>
    %logistic3A_17 = math.exp %logistic3A : vector<1000x256xf32>
    %logistic3A_18 = arith.constant 1.000000e+00 : f32
    %logistic3A_19 = vector.broadcast %logistic3A_18 : f32 to vector<1000x256xf32>
    %logistic3A_20 = arith.addf %logistic3A_19, %logistic3A_17 : vector<1000x256xf32>
    %logistic3A_21 = arith.divf %logistic3A_19, %logistic3A_20 : vector<1000x256xf32>
    %get3A_22 = arith.constant 0 : index
    %get3A_23 = arith.constant 0 : index
    %get3A_24 = vector.load %arg5[%get3A_22, %get3A_23] : memref<256x256xf32, #tpu.memory_space<vmem>>, vector<256x256xf32>
    %dot_general3A = arith.constant dense<0.000000e+00> : vector<1000x256xf32>
    %dot_general3A_25 = tpu.matmul %logistic3A_21, %get3A_24, %dot_general3A {dimension_numbers = #tpu.dot_dimension_numbers<[1], [0], [0], [1], [0, 0, 1, 1], [], []>, precision = #tpu.contract_precision<fp32>, transpose_lhs_hint = false} : vector<1000x256xf32>, vector<256x256xf32>, vector<1000x256xf32> -> vector<1000x256xf32>
    %get3A_26 = arith.constant 0 : index
    %get3A_27 = arith.constant 0 : index
    %get3A_28 = vector.load %arg6[%get3A_26, %get3A_27] : memref<1000x1xf32, #tpu.memory_space<vmem>>, vector<1000x1xf32>
    %mul3A_29 = vector.broadcast %get3A_28 : vector<1000x1xf32> to vector<1000x256xf32>
    %mul3A_30 = arith.mulf %dot_general3A_25, %mul3A_29 : vector<1000x256xf32>
    %slice3A = vector.extract_strided_slice %mul3A_30 {offsets = [0, 0], sizes = [1000, 128], strides = [1, 1]} : vector<1000x256xf32> to vector<1000x128xf32>
    %swap3A = arith.constant 0 : index
    %swap3A_31 = arith.constant 0 : index
    %swap3A_32 = arith.constant 0 : index
    %swap3A_33 = vector.load %arg7[%swap3A, %swap3A_31, %swap3A_32] : memref<2x1000x128xf32, #tpu.memory_space<vmem>>, vector<1x1000x128xf32>
    %swap3A_34 = vector.shape_cast %swap3A_33 : vector<1x1000x128xf32> to vector<1000x128xf32>
    %swap3A_35 = vector.shape_cast %slice3A : vector<1000x128xf32> to vector<1x1000x128xf32>
    tpu.vector_store %arg7[%swap3A, %swap3A_31, %swap3A_32], %swap3A_35 {strides = array<i32>} : memref<2x1000x128xf32, #tpu.memory_space<vmem>>, vector<1x1000x128xf32>,
    %slice3A_36 = vector.extract_strided_slice %mul3A_30 {offsets = [0, 128], sizes = [1000, 128], strides = [1, 1]} : vector<1000x256xf32> to vector<1000x128xf32>
    %swap3A_37 = arith.constant 1 : index
    %swap3A_38 = arith.constant 0 : index
    %swap3A_39 = arith.constant 0 : index
    %swap3A_40 = vector.load %arg7[%swap3A_37, %swap3A_38, %swap3A_39] : memref<2x1000x128xf32, #tpu.memory_space<vmem>>, vector<1x1000x128xf32>
    %swap3A_41 = vector.shape_cast %swap3A_40 : vector<1x1000x128xf32> to vector<1000x128xf32>
    %swap3A_42 = vector.shape_cast %slice3A_36 : vector<1000x128xf32> to vector<1x1000x128xf32>
    tpu.vector_store %arg7[%swap3A_37, %swap3A_38, %swap3A_39], %swap3A_42 {strides = array<i32>} : memref<2x1000x128xf32, #tpu.memory_space<vmem>>, vector<1x1000x128xf32>,
    return
  }
  func.func @transform_0(%arg0: i32) -> (i32, i32, i32) {
    %c0_i32 = arith.constant 0 : i32
    %c0_i32_0 = arith.constant 0 : i32
    %c0_i32_1 = arith.constant 0 : i32
    return %c0_i32, %arg0, %c0_i32_0 : i32, i32, i32
  }
  func.func @transform_1(%arg0: i32) -> (i32, i32, i32) {
    %c1_i32 = arith.constant 1 : i32
    %c0_i32 = arith.constant 0 : i32
    %c0_i32_0 = arith.constant 0 : i32
    return %c1_i32, %arg0, %c0_i32 : i32, i32, i32
  }
  func.func @transform_2(%arg0: i32) -> (i32, i32) {
    %c0_i32 = arith.constant 0 : i32
    %c0_i32_0 = arith.constant 0 : i32
    return %arg0, %c0_i32 : i32, i32
  }
  func.func @transform_3(%arg0: i32) -> (i32, i32) {
    %c0_i32 = arith.constant 0 : i32
    %c0_i32_0 = arith.constant 0 : i32
    %c0_i32_1 = arith.constant 0 : i32
    return %c0_i32, %c0_i32_0 : i32, i32
  }
  func.func @transform_4(%arg0: i32) -> (i32, i32) {
    %c0_i32 = arith.constant 0 : i32
    %c0_i32_0 = arith.constant 0 : i32
    %c0_i32_1 = arith.constant 0 : i32
    return %c0_i32, %c0_i32_0 : i32, i32
  }
  func.func @transform_5(%arg0: i32) -> (i32, i32) {
    %c0_i32 = arith.constant 0 : i32
    %c0_i32_0 = arith.constant 0 : i32
    return %arg0, %c0_i32 : i32, i32
  }
  func.func @transform_6(%arg0: i32) -> (i32, i32, i32) {
    %c0_i32 = arith.constant 0 : i32
    %c0_i32_0 = arith.constant 0 : i32
    %c0_i32_1 = arith.constant 0 : i32
    return %c0_i32, %arg0, %c0_i32_0 : i32, i32, i32
  }
}

module attributes {stable_mosaic.version = 14 : i64} {
  func.func @body(%arg0: i32, %arg1: memref<1x2000x128xf32, #tpu.memory_space<vmem>>, %arg2: memref<1x2000x128xf32, #tpu.memory_space<vmem>>, %arg3: memref<2000x1xf32, #tpu.memory_space<vmem>>, %arg4: memref<1x256xf32, #tpu.memory_space<vmem>>, %arg5: memref<256x256xf32, #tpu.memory_space<vmem>>, %arg6: memref<2000x1xf32, #tpu.memory_space<vmem>>, %arg7: memref<2x2000x128xf32, #tpu.memory_space<vmem>>) attributes {dimension_semantics = [#tpu.dimension_semantics<arbitrary>], iteration_bounds = array<i64: 5>, scalar_prefetch = 0 : i64, scratch_operands = 0 : i64, tpu.core_type = #tpu.core_type<tc>, window_params = [{transform_indices = @transform_0, window_bounds = array<i64: 1, 2000, 128>}, {transform_indices = @transform_1, window_bounds = array<i64: 1, 2000, 128>}, {transform_indices = @transform_2, window_bounds = array<i64: 2000, 1>}, {pipeline_mode = #tpu.pipeline_mode<synchronous>, transform_indices = @transform_3, window_bounds = array<i64: 1, 256>}, {pipeline_mode = #tpu.pipeline_mode<synchronous>, transform_indices = @transform_4, window_bounds = array<i64: 256, 256>}, {transform_indices = @transform_5, window_bounds = array<i64: 2000, 1>}, {transform_indices = @transform_6, window_bounds = array<i64: 2, 2000, 128>}]} {
    %get3A = arith.constant 0 : index
    %get3A_0 = arith.constant 0 : index
    %get3A_1 = arith.constant 0 : index
    %get3A_2 = vector.load %arg1[%get3A, %get3A_0, %get3A_1] : memref<1x2000x128xf32, #tpu.memory_space<vmem>>, vector<1x2000x128xf32>
    %get3A_3 = vector.shape_cast %get3A_2 : vector<1x2000x128xf32> to vector<2000x128xf32>
    %get3A_4 = arith.constant 0 : index
    %get3A_5 = arith.constant 0 : index
    %get3A_6 = arith.constant 0 : index
    %get3A_7 = vector.load %arg2[%get3A_4, %get3A_5, %get3A_6] : memref<1x2000x128xf32, #tpu.memory_space<vmem>>, vector<1x2000x128xf32>
    %get3A_8 = vector.shape_cast %get3A_7 : vector<1x2000x128xf32> to vector<2000x128xf32>
    %concatenate3A = tpu.concatenate %get3A_3, %get3A_8 in 1 : vector<2000x128xf32>, vector<2000x128xf32> -> vector<2000x256xf32>
    %get3A_9 = arith.constant 0 : index
    %get3A_10 = arith.constant 0 : index
    %get3A_11 = vector.load %arg3[%get3A_9, %get3A_10] : memref<2000x1xf32, #tpu.memory_space<vmem>>, vector<2000x1xf32>
    %mul3A = vector.broadcast %get3A_11 : vector<2000x1xf32> to vector<2000x256xf32>
    %mul3A_12 = arith.mulf %concatenate3A, %mul3A : vector<2000x256xf32>
    %get3A_13 = arith.constant 0 : index
    %get3A_14 = arith.constant 0 : index
    %get3A_15 = vector.load %arg4[%get3A_13, %get3A_14] : memref<1x256xf32, #tpu.memory_space<vmem>>, vector<1x256xf32>
    %add3A = vector.broadcast %get3A_15 : vector<1x256xf32> to vector<2000x256xf32>
    %add3A_16 = arith.addf %mul3A_12, %add3A : vector<2000x256xf32>
    %logistic3A = arith.negf %add3A_16 : vector<2000x256xf32>
    %logistic3A_17 = math.exp %logistic3A : vector<2000x256xf32>
    %logistic3A_18 = arith.constant 1.000000e+00 : f32
    %logistic3A_19 = vector.broadcast %logistic3A_18 : f32 to vector<2000x256xf32>
    %logistic3A_20 = arith.addf %logistic3A_19, %logistic3A_17 : vector<2000x256xf32>
    %logistic3A_21 = arith.divf %logistic3A_19, %logistic3A_20 : vector<2000x256xf32>
    %get3A_22 = arith.constant 0 : index
    %get3A_23 = arith.constant 0 : index
    %get3A_24 = vector.load %arg5[%get3A_22, %get3A_23] : memref<256x256xf32, #tpu.memory_space<vmem>>, vector<256x256xf32>
    %dot_general3A = arith.constant dense<0.000000e+00> : vector<2000x256xf32>
    %dot_general3A_25 = tpu.matmul %logistic3A_21, %get3A_24, %dot_general3A {dimension_numbers = #tpu.dot_dimension_numbers<[1], [0], [0], [1], [0, 0, 1, 1], [], []>, precision = #tpu.contract_precision<fp32>, transpose_lhs_hint = false} : vector<2000x256xf32>, vector<256x256xf32>, vector<2000x256xf32> -> vector<2000x256xf32>
    %get3A_26 = arith.constant 0 : index
    %get3A_27 = arith.constant 0 : index
    %get3A_28 = vector.load %arg6[%get3A_26, %get3A_27] : memref<2000x1xf32, #tpu.memory_space<vmem>>, vector<2000x1xf32>
    %mul3A_29 = vector.broadcast %get3A_28 : vector<2000x1xf32> to vector<2000x256xf32>
    %mul3A_30 = arith.mulf %dot_general3A_25, %mul3A_29 : vector<2000x256xf32>
    %slice3A = vector.extract_strided_slice %mul3A_30 {offsets = [0, 0], sizes = [2000, 128], strides = [1, 1]} : vector<2000x256xf32> to vector<2000x128xf32>
    %swap3A = arith.constant 0 : index
    %swap3A_31 = arith.constant 0 : index
    %swap3A_32 = arith.constant 0 : index
    %swap3A_33 = vector.load %arg7[%swap3A, %swap3A_31, %swap3A_32] : memref<2x2000x128xf32, #tpu.memory_space<vmem>>, vector<1x2000x128xf32>
    %swap3A_34 = vector.shape_cast %swap3A_33 : vector<1x2000x128xf32> to vector<2000x128xf32>
    %swap3A_35 = vector.shape_cast %slice3A : vector<2000x128xf32> to vector<1x2000x128xf32>
    tpu.vector_store %arg7[%swap3A, %swap3A_31, %swap3A_32], %swap3A_35 {strides = array<i32>} : memref<2x2000x128xf32, #tpu.memory_space<vmem>>, vector<1x2000x128xf32>,
    %slice3A_36 = vector.extract_strided_slice %mul3A_30 {offsets = [0, 128], sizes = [2000, 128], strides = [1, 1]} : vector<2000x256xf32> to vector<2000x128xf32>
    %swap3A_37 = arith.constant 1 : index
    %swap3A_38 = arith.constant 0 : index
    %swap3A_39 = arith.constant 0 : index
    %swap3A_40 = vector.load %arg7[%swap3A_37, %swap3A_38, %swap3A_39] : memref<2x2000x128xf32, #tpu.memory_space<vmem>>, vector<1x2000x128xf32>
    %swap3A_41 = vector.shape_cast %swap3A_40 : vector<1x2000x128xf32> to vector<2000x128xf32>
    %swap3A_42 = vector.shape_cast %slice3A_36 : vector<2000x128xf32> to vector<1x2000x128xf32>
    tpu.vector_store %arg7[%swap3A_37, %swap3A_38, %swap3A_39], %swap3A_42 {strides = array<i32>} : memref<2x2000x128xf32, #tpu.memory_space<vmem>>, vector<1x2000x128xf32>,
    return
  }
  func.func @transform_0(%arg0: i32) -> (i32, i32, i32) {
    %c0_i32 = arith.constant 0 : i32
    %c0_i32_0 = arith.constant 0 : i32
    %c0_i32_1 = arith.constant 0 : i32
    return %c0_i32, %arg0, %c0_i32_0 : i32, i32, i32
  }
  func.func @transform_1(%arg0: i32) -> (i32, i32, i32) {
    %c1_i32 = arith.constant 1 : i32
    %c0_i32 = arith.constant 0 : i32
    %c0_i32_0 = arith.constant 0 : i32
    return %c1_i32, %arg0, %c0_i32 : i32, i32, i32
  }
  func.func @transform_2(%arg0: i32) -> (i32, i32) {
    %c0_i32 = arith.constant 0 : i32
    %c0_i32_0 = arith.constant 0 : i32
    return %arg0, %c0_i32 : i32, i32
  }
  func.func @transform_3(%arg0: i32) -> (i32, i32) {
    %c0_i32 = arith.constant 0 : i32
    %c0_i32_0 = arith.constant 0 : i32
    %c0_i32_1 = arith.constant 0 : i32
    return %c0_i32, %c0_i32_0 : i32, i32
  }
  func.func @transform_4(%arg0: i32) -> (i32, i32) {
    %c0_i32 = arith.constant 0 : i32
    %c0_i32_0 = arith.constant 0 : i32
    %c0_i32_1 = arith.constant 0 : i32
    return %c0_i32, %c0_i32_0 : i32, i32
  }
  func.func @transform_5(%arg0: i32) -> (i32, i32) {
    %c0_i32 = arith.constant 0 : i32
    %c0_i32_0 = arith.constant 0 : i32
    return %arg0, %c0_i32 : i32, i32
  }
  func.func @transform_6(%arg0: i32) -> (i32, i32, i32) {
    %c0_i32 = arith.constant 0 : i32
    %c0_i32_0 = arith.constant 0 : i32
    %c0_i32_1 = arith.constant 0 : i32
    return %c0_i32, %arg0, %c0_i32_0 : i32, i32, i32
  }
}

module attributes {stable_mosaic.version = 14 : i64} {
  func.func @body(%arg0: i32, %arg1: memref<1x2000x128xf32, #tpu.memory_space<vmem>>, %arg2: memref<1x2000x128xf32, #tpu.memory_space<vmem>>, %arg3: memref<2000x1xf32, #tpu.memory_space<vmem>>, %arg4: memref<1x256xf32, #tpu.memory_space<vmem>>, %arg5: memref<256x1xf32, #tpu.memory_space<vmem>>, %arg6: memref<1x1xf32, #tpu.memory_space<vmem>>, %arg7: memref<1x1xf32, #tpu.memory_space<vmem>>, %arg8: memref<1x256xf32, #tpu.memory_space<vmem>>) attributes {dimension_semantics = [#tpu.dimension_semantics<arbitrary>], iteration_bounds = array<i64: 5>, scalar_prefetch = 0 : i64, scratch_operands = 1 : i64, tpu.core_type = #tpu.core_type<tc>, window_params = [{transform_indices = @transform_0, window_bounds = array<i64: 1, 2000, 128>}, {transform_indices = @transform_1, window_bounds = array<i64: 1, 2000, 128>}, {transform_indices = @transform_2, window_bounds = array<i64: 2000, 1>}, {pipeline_mode = #tpu.pipeline_mode<synchronous>, transform_indices = @transform_3, window_bounds = array<i64: 1, 256>}, {pipeline_mode = #tpu.pipeline_mode<synchronous>, transform_indices = @transform_4, window_bounds = array<i64: 256, 1>}, {pipeline_mode = #tpu.pipeline_mode<synchronous>, transform_indices = @transform_5, window_bounds = array<i64: 1, 1>}, {pipeline_mode = #tpu.pipeline_mode<synchronous>, transform_indices = @transform_6, window_bounds = array<i64: 1, 1>}]} {
    %get3A = arith.constant 0 : index
    %get3A_0 = arith.constant 0 : index
    %get3A_1 = arith.constant 0 : index
    %get3A_2 = vector.load %arg1[%get3A, %get3A_0, %get3A_1] : memref<1x2000x128xf32, #tpu.memory_space<vmem>>, vector<1x2000x128xf32>
    %get3A_3 = vector.shape_cast %get3A_2 : vector<1x2000x128xf32> to vector<2000x128xf32>
    %get3A_4 = arith.constant 0 : index
    %get3A_5 = arith.constant 0 : index
    %get3A_6 = arith.constant 0 : index
    %get3A_7 = vector.load %arg2[%get3A_4, %get3A_5, %get3A_6] : memref<1x2000x128xf32, #tpu.memory_space<vmem>>, vector<1x2000x128xf32>
    %get3A_8 = vector.shape_cast %get3A_7 : vector<1x2000x128xf32> to vector<2000x128xf32>
    %concatenate3A = tpu.concatenate %get3A_3, %get3A_8 in 1 : vector<2000x128xf32>, vector<2000x128xf32> -> vector<2000x256xf32>
    %get3A_9 = arith.constant 0 : index
    %get3A_10 = arith.constant 0 : index
    %get3A_11 = vector.load %arg3[%get3A_9, %get3A_10] : memref<2000x1xf32, #tpu.memory_space<vmem>>, vector<2000x1xf32>
    %mul3A = vector.broadcast %get3A_11 : vector<2000x1xf32> to vector<2000x256xf32>
    %mul3A_12 = arith.mulf %concatenate3A, %mul3A : vector<2000x256xf32>
    %get3A_13 = arith.constant 0 : index
    %get3A_14 = arith.constant 0 : index
    %get3A_15 = vector.load %arg4[%get3A_13, %get3A_14] : memref<1x256xf32, #tpu.memory_space<vmem>>, vector<1x256xf32>
    %add3A = vector.broadcast %get3A_15 : vector<1x256xf32> to vector<2000x256xf32>
    %add3A_16 = arith.addf %mul3A_12, %add3A : vector<2000x256xf32>
    %logistic3A = arith.negf %add3A_16 : vector<2000x256xf32>
    %logistic3A_17 = math.exp %logistic3A : vector<2000x256xf32>
    %logistic3A_18 = arith.constant 1.000000e+00 : f32
    %logistic3A_19 = vector.broadcast %logistic3A_18 : f32 to vector<2000x256xf32>
    %logistic3A_20 = arith.addf %logistic3A_19, %logistic3A_17 : vector<2000x256xf32>
    %logistic3A_21 = arith.divf %logistic3A_19, %logistic3A_20 : vector<2000x256xf32>
    %reduce_max3A = arith.constant dense<0xFF800000> : vector<256xf32>
    %reduce_max3A_22 = vector.multi_reduction <maximumf>, %logistic3A_21, %reduce_max3A [0] : vector<2000x256xf32> to vector<256xf32>
    %broadcast_in_dim3A = vector.shape_cast %reduce_max3A_22 : vector<256xf32> to vector<1x256xf32>
    %eq3A = arith.constant 0 : i32
    %eq3A_23 = arith.cmpi eq, %arg0, %eq3A : i32
    %convert_element_type3A = arith.extui %eq3A_23 : i1 to i32
    %cond3A = arith.constant 0 : i32
    %cond3A_24 = arith.cmpi ne, %convert_element_type3A, %cond3A : i32
    scf.if %cond3A_24 {
      %swap3A = arith.constant 0 : index
      %swap3A_34 = arith.constant 0 : index
      %swap3A_35 = vector.load %arg8[%swap3A, %swap3A_34] : memref<1x256xf32, #tpu.memory_space<vmem>>, vector<1x256xf32>
      tpu.vector_store %arg8[%swap3A, %swap3A_34], %broadcast_in_dim3A {strides = array<i32>} : memref<1x256xf32, #tpu.memory_space<vmem>>, vector<1x256xf32>,
    } else {
    }
    %gt3A = arith.constant 0 : i32
    %gt3A_25 = arith.cmpi sgt, %arg0, %gt3A : i32
    %convert_element_type3A_26 = arith.extui %gt3A_25 : i1 to i32
    %cond3A_27 = arith.constant 0 : i32
    %cond3A_28 = arith.cmpi ne, %convert_element_type3A_26, %cond3A_27 : i32
    scf.if %cond3A_28 {
      %get3A_34 = arith.constant 0 : index
      %get3A_35 = arith.constant 0 : index
      %get3A_36 = vector.load %arg8[%get3A_34, %get3A_35] : memref<1x256xf32, #tpu.memory_space<vmem>>, vector<1x256xf32>
      %max3A = arith.maximumf %get3A_36, %broadcast_in_dim3A : vector<1x256xf32>
      %swap3A = arith.constant 0 : index
      %swap3A_37 = arith.constant 0 : index
      %swap3A_38 = vector.load %arg8[%swap3A, %swap3A_37] : memref<1x256xf32, #tpu.memory_space<vmem>>, vector<1x256xf32>
      tpu.vector_store %arg8[%swap3A, %swap3A_37], %max3A {strides = array<i32>} : memref<1x256xf32, #tpu.memory_space<vmem>>, vector<1x256xf32>,
    } else {
    }
    %eq3A_29 = arith.constant 4 : i32
    %eq3A_30 = arith.cmpi eq, %arg0, %eq3A_29 : i32
    %convert_element_type3A_31 = arith.extui %eq3A_30 : i1 to i32
    %cond3A_32 = arith.constant 0 : i32
    %cond3A_33 = arith.cmpi ne, %convert_element_type3A_31, %cond3A_32 : i32
    scf.if %cond3A_33 {
      %get3A_34 = arith.constant 0 : index
      %get3A_35 = arith.constant 0 : index
      %get3A_36 = vector.load %arg8[%get3A_34, %get3A_35] : memref<1x256xf32, #tpu.memory_space<vmem>>, vector<1x256xf32>
      %get3A_37 = arith.constant 0 : index
      %get3A_38 = arith.constant 0 : index
      %get3A_39 = vector.load %arg5[%get3A_37, %get3A_38] : memref<256x1xf32, #tpu.memory_space<vmem>>, vector<256x1xf32>
      %dot_general3A = arith.constant dense<0.000000e+00> : vector<1x1xf32>
      %dot_general3A_40 = tpu.matmul %get3A_36, %get3A_39, %dot_general3A {dimension_numbers = #tpu.dot_dimension_numbers<[1], [0], [0], [1], [0, 0, 1, 1], [], []>, precision = #tpu.contract_precision<fp32>, transpose_lhs_hint = false} : vector<1x256xf32>, vector<256x1xf32>, vector<1x1xf32> -> vector<1x1xf32>
      %get3A_41 = arith.constant 0 : index
      %get3A_42 = arith.constant 0 : index
      %get3A_43 = vector.load %arg6[%get3A_41, %get3A_42] : memref<1x1xf32, #tpu.memory_space<vmem>>, vector<1x1xf32>
      %add3A_44 = arith.addf %dot_general3A_40, %get3A_43 : vector<1x1xf32>
      %swap3A = arith.constant 0 : index
      %swap3A_45 = arith.constant 0 : index
      %swap3A_46 = vector.load %arg7[%swap3A, %swap3A_45] : memref<1x1xf32, #tpu.memory_space<vmem>>, vector<1x1xf32>
      tpu.vector_store %arg7[%swap3A, %swap3A_45], %add3A_44 {strides = array<i32>} : memref<1x1xf32, #tpu.memory_space<vmem>>, vector<1x1xf32>,
    } else {
    }
    return
  }
  func.func @transform_0(%arg0: i32) -> (i32, i32, i32) {
    %c0_i32 = arith.constant 0 : i32
    %c0_i32_0 = arith.constant 0 : i32
    %c0_i32_1 = arith.constant 0 : i32
    return %c0_i32, %arg0, %c0_i32_0 : i32, i32, i32
  }
  func.func @transform_1(%arg0: i32) -> (i32, i32, i32) {
    %c1_i32 = arith.constant 1 : i32
    %c0_i32 = arith.constant 0 : i32
    %c0_i32_0 = arith.constant 0 : i32
    return %c1_i32, %arg0, %c0_i32 : i32, i32, i32
  }
  func.func @transform_2(%arg0: i32) -> (i32, i32) {
    %c0_i32 = arith.constant 0 : i32
    %c0_i32_0 = arith.constant 0 : i32
    return %arg0, %c0_i32 : i32, i32
  }
  func.func @transform_3(%arg0: i32) -> (i32, i32) {
    %c0_i32 = arith.constant 0 : i32
    %c0_i32_0 = arith.constant 0 : i32
    %c0_i32_1 = arith.constant 0 : i32
    return %c0_i32, %c0_i32_0 : i32, i32
  }
  func.func @transform_4(%arg0: i32) -> (i32, i32) {
    %c0_i32 = arith.constant 0 : i32
    %c0_i32_0 = arith.constant 0 : i32
    %c0_i32_1 = arith.constant 0 : i32
    return %c0_i32, %c0_i32_0 : i32, i32
  }
  func.func @transform_5(%arg0: i32) -> (i32, i32) {
    %c0_i32 = arith.constant 0 : i32
    %c0_i32_0 = arith.constant 0 : i32
    %c0_i32_1 = arith.constant 0 : i32
    return %c0_i32, %c0_i32_0 : i32, i32
  }
  func.func @transform_6(%arg0: i32) -> (i32, i32) {
    %c0_i32 = arith.constant 0 : i32
    %c0_i32_0 = arith.constant 0 : i32
    %c0_i32_1 = arith.constant 0 : i32
    return %c0_i32, %c0_i32_0 : i32, i32
  }
}

</mosaic_0001>

<sc_bundles>
// kernel: kernel.15.cloned.1.call-start
scs
__scs_entry_jumppad:
0x0: {  	(pc) =	sbr.rel $0x88, $3  }
0x1: {  	(tag) =	ssettag $0x0;
	lr =	simm.s32 $0x1  }
0x2: {  	[smem:$0x3F94] =	sst lr;
	_ =	strace $0xD0000000  }
0x3: {  	_ = 	snop  }
0x4: {  	_ = 	snop  }
0x5: {  	_ = 	snop  }
0x6: {  	_ = 	snop  }
0x7: {  	_ = 	snop  }
__scs_overlays_trampoline_lowered:
0x8: {  	[smem:$0x3FA3] =	sst s0  }
0x9: {  	[smem:$0x3FA4] =	sst s1  }
0xa: {  	[smem:$0x3FA5] =	sst s2  }
0xb: {  	[smem:$0x3FA6] =	sst s3  }
0xc: {  	[smem:$0x3FA7] =	sst s4  }
0xd: {  	[smem:$0x3FA8] =	sst s5  }
0xe: {  	[smem:$0x3FA9] =	sst s6  }
0xf: {  	[smem:$0x3FAA] =	sst s7  }
0x10: {  	[smem:$0x3FAB] =	sst s8  }
0x11: {  	[smem:$0x3FAC] =	sst s9;
	s0 =	simm.s32 @!p0 $0x0  }
0x12: {  	s1 =	sld [smem:$0x3F92];
	s0 =	simm.s32 @p0 $0x1  }
0x13: {  	[smem:$0x3FAD] =	sst s0;
	s0 =	simm.s32 @!p1 $0x0  }
0x14: {  	s2 =	sld [smem:$0x3F91];
	s0 =	simm.s32 @p1 $0x1  }
0x15: {  	[smem:$0x3FAE] =	sst s0;
	s0 =	simm.s32 @!p2 $0x0  }
0x16: {  	s3 =	sld [smem:$0x3FDB];
	s0 =	simm.s32 @p2 $0x1  }
0x17: {  	s4 =	simm.s32 $0x1BF5;
	[smem:$0x3FB0] =	sst s0  }
0x18: {  	s0 =	sld [smem:$0x3F93];
	_ =	swait.ge [sflag:s4], $0x0  }
0x19: {  	s7 =	sld [smem:$0x3F94]  }
0x1a: {  	s8 =	sadd.s32 $0xFFFFE003, lr  }
0x1b: {  	s9 =	sadd.s32 $0xFFFFFEF7, lr;
	s5 =	simm.s32 $0xFFFFFFFF;
	p2 =	slt.u32 s8, $0xFFFFF086  }
0x1c: {  	p1 =	slt.u32 s9, $0xF7A;
	s5 =	simm.s32 @!p2 $0x0  }
0x1d: {  	s5 =	simm.s32 @p1 $0x1;
	p0 =	seq.s32 s7, s2  }
0x1e: {  	s7 =	smul.u32 @!p0 $0xF7A, s2;
	p2 =	seq.s32 @!p0 s5, $0x0  }
0x1f: {  	s9 =	smul.u32 $0xF7A, s1;
	s8 =	simm.s32 @!p0 $0x1BF5;
	p2 =	por !p2, p0  }
0x20: {  	[sflag:s8] =	ssyncset.s32 @!p0 $0xFFFFF086;
	s6 =	sadd.s32 @!p0 s3, s7;
	s7 =	simm.s32 @!p0 $0x108  }
0x21: {  	s3 =	sadd.s32 s3, s9;
	s6 =	sadd.s32 @!p0 $0x88, s6;
	s7 =	simm.s32 @p2 $0x1082  }
0x22: {  	[simem:s7], [sflag:s8] =	dma.local @!p0 [hbm:s6], $0xF7A  }
0x23: {  	s9 =	sor.u32 $0xD0000000, s2;
	s6 =	simm.s32 $0x108;
	_ =	swait.ge @!p0 [sflag:s8], $0x0  }
0x24: {  	s3 =	sadd.s32 $0x88, s3;
	s6 =	simm.s32 @!p1 $0x1082;
	[sflag:s4] =	ssyncset.s32 $0xFFFFF086  }
0x25: {  	[simem:s6], [sflag:s4] =	dma.local [hbm:s3], $0xF7A  }
0x26: {  	[smem:$0x3F94] =	sst s1;
	(tag) =	ssettag s2;
	_ =	strace s9  }
0x27: {  	s1 =	sld [smem:$0x3FA4]  }
0x28: {  	s2 =	sld [smem:$0x3FA5]  }
0x29: {  	s4 =	sld [smem:$0x3FA7]  }
0x2a: {  	p0 =	seq.s32 s5, $0x0;
	s5 =	sld [smem:$0x3FA8]  }
0x2b: {  	s6 =	sld [smem:$0x3FA9]  }
0x2c: {  	s7 =	sld [smem:$0x3FAA]  }
0x2d: {  	s3 =	simm.s32 $0x108;
	s8 =	sld [smem:$0x3FAB]  }
0x2e: {  	s3 =	simm.s32 @!p0 $0x1082;
	s9 =	sld [smem:$0x3FAC]  }
0x2f: {  	lr =	sadd.s32 s0, s3;
	s0 =	sld [smem:$0x3FA3]  }
0x30: {  	s3 =	sld [smem:$0x3FA6]  }
0x31: {  	[smem:$0x3FAF] =	sst s10  }
0x32: {  	s10 =	sld [smem:$0x3FAD];
	_ =	sdelay $0x3  }
0x33: {  	p0 =	seq.s32 s10, $0x1;
	s10 =	sld [smem:$0x3FAF];
	_ =	sdelay $0x3  }
0x34: {  	[smem:$0x3FAF] =	sst s10  }
0x35: {  	s10 =	sld [smem:$0x3FAE];
	_ =	sdelay $0x3  }
0x36: {  	p1 =	seq.s32 s10, $0x1;
	s10 =	sld [smem:$0x3FAF];
	_ =	sdelay $0x3  }
0x37: {  	[smem:$0x3FAF] =	sst s10  }
0x38: {  	s10 =	sld [smem:$0x3FB0]  }
0x39: {  	_ = 	snop;
	(pc) =	sbr.ind lr, $3  }
0x3a: {  	_ = 	snop  }
0x3b: {  	_ = 	snop  }
0x3c: {  	p2 =	seq.s32 s10, $0x1;
	s10 =	sld [smem:$0x3FAF]  }
0x3d: {  	_ =	shalt  }
0x3e: {  	_ =	shalt  }
0x3f: {  	_ =	shalt  }
0x40: {  	_ =	shalt  }
0x41: {  	_ =	shalt  }
0x42: {  	_ =	shalt  }
0x43: {  	_ =	shalt  }
0x44: {  	_ =	shalt  }
0x45: {  	_ =	shalt  }
0x46: {  	_ =	shalt  }
0x47: {  	_ =	shalt  }
0x48: {  	_ =	shalt  }
0x49: {  	_ =	shalt  }
0x4a: {  	_ =	shalt  }
0x4b: {  	_ =	shalt  }
0x4c: {  	_ =	shalt  }
0x4d: {  	_ =	shalt  }
0x4e: {  	_ =	shalt  }
0x4f: {  	_ =	shalt  }
0x50: {  	_ =	shalt  }
0x51: {  	_ =	shalt  }
0x52: {  	_ =	shalt  }
0x53: {  	_ =	shalt  }
0x54: {  	_ =	shalt  }
0x55: {  	_ =	shalt  }
0x56: {  	_ =	shalt  }
0x57: {  	_ =	shalt  }
0x58: {  	_ =	shalt  }
0x59: {  	_ =	shalt  }
0x5a: {  	_ =	shalt  }
0x5b: {  	_ =	shalt  }
0x5c: {  	_ =	shalt  }
0x5d: {  	_ =	shalt  }
0x5e: {  	_ =	shalt  }
0x5f: {  	_ =	shalt  }
0x60: {  	_ =	shalt  }
0x61: {  	_ =	shalt  }
0x62: {  	_ =	shalt  }
0x63: {  	_ =	shalt  }
0x64: {  	_ =	shalt  }
0x65: {  	_ =	shalt  }
0x66: {  	_ =	shalt  }
0x67: {  	_ =	shalt  }
0x68: {  	_ =	shalt  }
0x69: {  	_ =	shalt  }
0x6a: {  	_ =	shalt  }
0x6b: {  	_ =	shalt  }
0x6c: {  	_ =	shalt  }
0x6d: {  	_ =	shalt  }
0x6e: {  	_ =	shalt  }
0x6f: {  	_ =	shalt  }
0x70: {  	_ =	shalt  }
0x71: {  	_ =	shalt  }
0x72: {  	_ =	shalt  }
0x73: {  	_ =	shalt  }
0x74: {  	_ =	shalt  }
0x75: {  	_ =	shalt  }
0x76: {  	_ =	shalt  }
0x77: {  	_ =	shalt  }
0x78: {  	_ =	shalt  }
0x79: {  	_ =	shalt  }
0x7a: {  	_ =	shalt  }
0x7b: {  	_ =	shalt  }
0x7c: {  	_ =	shalt  }
0x7d: {  	_ =	shalt  }
0x7e: {  	_ =	shalt  }
0x7f: {  	_ =	shalt  }
0x80: {  	_ =	shalt  }
0x81: {  	_ =	shalt  }
0x82: {  	_ =	shalt  }
0x83: {  	_ =	shalt  }
0x84: {  	_ =	shalt  }
0x85: {  	_ =	shalt  }
0x86: {  	_ =	shalt  }
0x87: {  	_ =	shalt  }
.Lfunc_end0:
.L_simem_size_0:
called_computation_lowered:
.L_overlay_start_0:
0x88: {  	s2 =	sld [smem:$0x3FD9]  }
0x89: {  	s3 =	sld [smem:$0x3FFE];
	_ =	sdelay $0x1  }
0x8a: {  	s1 =	srdreg.scid  }
0x8b: {  	s0 =	sand.u32 $0x1, s1  }
0x8c: {  	s17 =	sshll.u32 s0, $0xA;
	s2 =	sadd.s32 s3, s2  }
0x8d: {  	s2 =	sadd.s32 s2, s17  }
0x8e: {  	[smem:$0x3FBB] =	sst s2  }
0x8f: {  	_ = 	snop  }
0x90: {  	s2 =	sld [smem:$0x3FC8]  }
0x91: {  	s18 =	sld [smem:$0x3FC7];
	(tm) =	ssettm $0x1  }
0x92: {  	s4 =	sld [smem:$0x3FFB];
	_ =	sdelay $0x3  }
0x93: {  	_ =	strace s4  }
0x94: {  	s4 =	sld [smem:$0x3FFC];
	_ =	sdelay $0x3  }
0x95: {  	_ =	strace s4  }
0x96: {  	s4 =	sld [smem:$0x3FFD];
	_ =	sdelay $0x3  }
0x97: {  	_ =	strace s4  }
0x98: {  	_ =	strace $0x8FFFFFFF  }
0x99: {  	s19 =	sld [smem:$0x3FDB];
	_ =	sdelay $0x1  }
0x9a: {  	s5 =	simm.s32 $_scs_section_size  }
0x9b: {  	s6 =	simm.s32 $_size__tile_overlayer_lowered;
	s7 =	simm.s32 $_tile_overlayer_lowered  }
0x9c: {  	s22 =	simm.s32 $0x1BFF;
	s21 =	sshll.u32 s7, $0x1;
	s4 =	sadd.s32 s5, s19  }
0x9d: {  	s8 =	simm.s32 $0x0;
	s20 =	sshll.u32 s6, $0x1;
	s6 =	sadd.s32 s21, s4  }
0x9e: {  	[timem:s8], [sflag:s22] =	dma.local [hbm:s6], s20  }
0x9f: {  	_ =	swait.ge [sflag:s22], s20  }
0xa0: {  	s5 =	ssub.s32 $0x0, s20;
	[sflag:s22] =	ssyncset.done $0x0  }
0xa1: {  	[sflag:s22] =	ssyncadd.s32 s5;
	_ =	sdelay $0x1  }
0xa2: {  	s23 =	simm.s32 $0x1B8B  }
0xa3: {  	_ =	swait.ge [sflag:s23], $0x1  }
0xa4: {  	[sflag:s23] =	ssyncset.done $0x0  }
0xa5: {  	s25 =	simm.s32 $0x1B8E;
	s24 =	sld [smem:$0x3FFE];
	[sflag:s23] =	ssyncadd.s32 $0xFFFFFFFF  }
0xa6: {  	s26 =	simm.s32 $execute0_lowered;
	[smem:$0x3FD2] =	sst s25  }
0xa7: {  	s6 =	sshll.u32 s26, $0x1;
	_ =	strace $0x80000046;
	[dreg:$0x1] =	wrdreg $0xFFFFFFFF  }
0xa8: {  	s28 =	simm.s32 $_size_execute0_lowered;
	s4 =	sadd.s32 s4, s6;
	[dreg:$0x0] =	wrdreg $0x0  }
0xa9: {  	s6 =	sshll.u32 s28, $0x1;
	[dreg:$0x2] =	wrdreg s4  }
0xaa: {  	[dreg:$0x3] =	wrdreg s6  }
0xab: {  	[dreg:$0x4] =	wrdreg $0xC0  }
0xac: {  	_ =	task [dreg:s8], $0x5FFFF  }
0xad: {  	[dreg:$0x1] =	wrdreg $0xFFFFFFFF  }
0xae: {  	[dreg:$0x0] =	wrdreg $0x60  }
0xaf: {  	[dreg:$0x2] =	wrdreg s2  }
0xb0: {  	[dreg:$0x3] =	wrdreg s18  }
0xb1: {  	[dreg:$0x4] =	wrdreg s24  }
0xb2: {  	[dreg:$0x5] =	wrdreg $0x9  }
0xb3: {  	_ =	task.clear_ibuf [dreg:s8], $0x6FFFF;
	_ =	strace $0x90000046  }
0xb4: {  	s29 =	simm.s32 $0x9;
	_ =	strace $0x80000048  }
0xb5: {  	_ =	swait.ge [sflag:s29], $0x1  }
0xb6: {  	[sflag:s29] =	ssyncadd.s32 $0xFFFFFFFF  }
0xb7: {  	_ =	strace $0x90000048  }
0xb8: {  	_ =	sfence  }
0xb9: {  	s30 =	sld [smem:$0x0];
	_ =	sdelay $0x2  }
0xba: {  	s31 =	sshll.u32 s1, $0xD;
	s1 =	sshrl.u32 s1, $0x2  }
0xbb: {  	s3 =	sand.u32 $0x4000, s31;
	s1 =	sadd.s32 s1, s30  }
0xbc: {  	s0 =	sor.u32 s3, s0;
	s1 =	sshll.u32 s1, $0x11  }
0xbd: {  	s0 =	sor.u32 s1, s0  }
0xbe: {  	s0 =	sadd.s32 $0x8F2B, s0  }
0xbf: {  	[sflag:s0] =	ssyncadd.remote.s32 $0x1  }
0xc0: {  	_ =	sfence.sel $0xFFFF  }
0xc1: {  	[dreg:$0x0] =	wrdreg $0xFFFFFFFF;
	(pc) =	sbr.abs _section_cstart, $3  }
0xc2: {  	[dreg:$0x1] =	wrdreg $0xFFFFFFFF  }
0xc3: {  	_ =	task.clear_ibuf [dreg:s8], $0x2FFFF;
	_ =	strace $0x9FFFFFFF  }
0xc4: {  	(tm) =	ssettm $0x7FFFFFFF  }
0xc5: {  	_ =	shalt  }
tec
execute0_lowered:
.L_overlay_start_1:
0x0: {  	(tag) =	ssettag $0x1  }
0x1: {  	s3 =	rddreg [dreg:$0x0]  }
0x2: {  	s0 =	srdreg.scid;
	s5 =	rddreg [dreg:$0x1]  }
0x3: {  	s6 =	rddreg [dreg:$0x2];
	s2 =	simm.s32 $0x0;
	s11 =	simm.s32 $0x4F80  }
0x4: {  	s12 =	simm.s32 $0x80;
	s13 =	simm.s32 $0x400;
	s4 =	sand.u32 $0x1, s0  }
0x5: {  	s14 =	simm.s32 $0x0;
	s0 =	stileid.u32;
	s1 =	sshll.u32 s4, $0x4  }
0x6: {  	[smem:$0x7FF] =	sst s2;
	s10 =	sshll.u32 s0, $0x7;
	s7 =	sor.u32 s0, s1  }
0x7: {  	s4 =	ssub.s32 $0x2, s4;
	s8 =	sshrl.u32 s7, $0x3;
	s7 =	smul.u32 $0x271, s7  }
0x8: {  	s1 =	rddreg [dreg:$0x3];
	s10 =	sand.u32 $0x380, s10;
	s9 =	smul.u32 $0x13C00, s8  }
0x9: {  	_ =	strace $0x80000047;
	s30 =	sshrl.u32 s4, $0x1;
	s8 =	smul.u32 $0xA000, s8  }
0xa: {  	s31 =	ssub.s32 s4, s30;
	s3 =	sadd.s32 s3, s7;
	s4 =	sadd.s32 s5, s7  }
0xb: {  	s7 =	smax.u32 s31, $0x1;
	s9 =	sor.u32 s10, s9;
	s8 =	sor.u32 s10, s8  }
0xc: {  	s10 =	simm.s32 $0x2800;
	s9 =	sshrl.u32 s9, $0x3;
	s8 =	sshrl.u32 s8, $0x3  }
0xd: {  	s9 =	sadd.s32 s9, s6;
	s6 =	sadd.s32 s8, s6;
	s8 =	simm.s32 $0x1  }
0xe: {  	v0 =	vimm.s32 $0x0;
	v1 =	vimm.f32 $0.0e+00;
	v2 =	vimm.f32 $1.000000000e+00;
	s5 =	sadd.s32 $0x5400, s9;
	s6 =	sadd.s32 $0xF200, s6;
	s9 =	simm.s32 $0x1400  }
.LBB2_1:
0xf: {  	[tilespmem:$0x1380] =	vst v0  }
0x10: {  	[tilespmem:$0x2780] =	vst v0  }
0x11: {  	[tilespmem:s2], [sflag:$0x1] =	stream.linear.gather [hbm4b:s3+s2], $0x1388, $0x38;
	[tilespmem:$0x6380] =	vst v63  }
0x12: {  	_ =	swait.ge [sflag:s8], $0x1388  }
0x13: {  	[sflag:s8] =	ssyncset.done $0x0  }
0x14: {  	[sflag:s8] =	ssyncadd.s32 $0xFFFFEC78  }
0x15: {  	[tilespmem:s9], [sflag:$0x1] =	stream.linear.gather [hbm4b:s4+s2], $0x1388, $0x38;
	[tilespmem:$0x6380] =	vst v63  }
0x16: {  	_ =	swait.ge [sflag:s8], $0x1388  }
0x17: {  	[sflag:s8] =	ssyncset.done $0x0  }
0x18: {  	s15 =	simm.s32 $0x40;
	s16 =	simm.s32 $0x0;
	[sflag:s8] =	ssyncadd.s32 $0xFFFFEC78  }
.LBB2_2:
0x19: {  	p0 =	sne.s32 s15, $0x9C00;
	[tilespmem:s16+$0x2800] =	vst v1;
	s16 =	smov.u32 s15;
	s15 =	sadd.s32 $0x40, s15  }
.Ltmp0:
0x1a: {  	(pc) =	sbr.rel @p0 .LBB2_2-.Ltmp0, $2  }
0x1b: {  	_ =	sdelay $0x2  }
0x1c: {  	s16 =	sshra.s32 s16, $0x2  }
0x1d: {  	[tilespmem:s16+$0x2800] =	vst v1;
	s15 =	simm.s32 $0x40;
	s16 =	simm.s32 $0x0  }
.LBB2_4:
0x1e: {  	p0 =	sne.s32 s15, $0x4DC0;
	[tilespmem:s16+$0x4F80] =	vst v1;
	s16 =	smov.u32 s15;
	s15 =	sadd.s32 $0x40, s15  }
.Ltmp1:
0x1f: {  	(pc) =	sbr.rel @p0 .LBB2_4-.Ltmp1, $2  }
0x20: {  	_ =	sdelay $0x2  }
0x21: {  	s16 =	sshra.s32 s16, $0x2  }
0x22: {  	[tilespmem:s16+$0x4F80] =	vst v1;
	s16 =	simm.s32 $0x0  }
0x23: {  	s15 =	simm.s32 $0x40;
	v3 =	vld [tilespmem:s16+$0x0]  }
.LBB2_6:
0x24: {  	p0 =	sne.s32 s15, $0x4DC0;
	v4 =	vld [tilespmem:s16+$0x1400];
	_ =	sdelay $0x4  }
.Ltmp2:
0x25: {  	(pc) =	sbr.rel @p0 .LBB2_6-.Ltmp2, $4  }
0x26: {  	_ = 	snop  }
0x27: {  	[tilespmem:v3+s10+$0x0] =	vst.idx.add.f32.msk $0xffff, v2  }
0x28: {  	s16 =	sshra.s32 s15, $0x2;
	[tilespmem:v4+s11+$0x0] =	vst.idx.add.f32.msk $0xffff, v2  }
0x29: {  	s15 =	sadd.s32 $0x40, s15;
	v3 =	vld [tilespmem:s16+$0x0]  }
0x2a: {  	_ = 	snop  }
0x2b: {  	v4 =	vld [tilespmem:s16+$0x1400];
	_ =	sdelay $0x6  }
0x2c: {  	[tilespmem:v3+s10+$0x0] =	vst.idx.add.f32.msk $0xffff, v2  }
0x2d: {  	[tilespmem:v4+s11+$0x0] =	vst.idx.add.f32.msk $0xffff, v2  }
0x2e: {  	v3 =	vld [tilespmem:$0x1380]  }
0x2f: {  	v4 =	vld [tilespmem:$0x2780];
	_ =	sdelay $0x6  }
0x30: {  	[tilespmem:v3+s10+$0x0] =	vst.idx.add.f32.msk $0xff, v2  }
0x31: {  	[tilespmem:v4+s11+$0x0] =	vst.idx.add.f32.msk $0xff, v2  }
0x32: {  	[hbm4b:s5+s12] =	stream.strided.scatter [tilespmem:s10], [sflag:$0x1], $0x2780, s13, s12, $0x38;
	[tilespmem:$0x6380] =	vst v63  }
0x33: {  	s14 =	sadd.s32 $0x1, s14;
	_ =	swait.ge [sflag:s8], $0x2780  }
0x34: {  	p0 =	sne.s32 s14, s7;
	[sflag:s8] =	ssyncset.done $0x0  }
.Ltmp3:
0x35: {  	[sflag:s8] =	ssyncadd.s32 $0xFFFFD880;
	(pc) =	sbr.rel @p0 .LBB2_1-.Ltmp3, $4  }
0x36: {  	[hbm4b:s6+s12] =	stream.strided.scatter [tilespmem:s11], [sflag:$0x1], $0x1400, s13, s12, $0x38;
	[tilespmem:$0x6380] =	vst v63  }
0x37: {  	_ =	swait.ge [sflag:s8], $0x1400  }
0x38: {  	[sflag:s8] =	ssyncset.done $0x0  }
0x39: {  	[sflag:s8] =	ssyncadd.s32 $0xFFFFEC00  }
0x3a: {  	_ =	sfence.sel $0x180000  }
0x3b: {  	[bflag:$0x0] =	sbarrier.arrive $0xFFFF  }
0x3c: {  	p0 =	sne.s32 s0, $0x0;
	_ =	strace $0x90000047  }
0x3d: {  	s0 =	sadd.s32 @!p0 $0x100000, s1;
	[bflag:$0x2] =	sbarrier.arrive $0xFFFF  }
0x3e: {  	[sflag:s0] =	ssyncadd.tile.s32 @!p0 $0x1;
	_ =	shalt  }
.Lfunc_end2:
_tile_overlayer_lowered:
.L_overlay_start_2:
0x3f: {  	(tag) =	ssettag $0x2  }
0x40: {  	s0 =	rddreg [dreg:$0x0];
	s2 =	stileid.u32  }
0x41: {  	s1 =	rddreg [dreg:$0x1];
	p0 =	sne.s32 s2, $0x0  }
0x42: {  	s3 =	rddreg [dreg:$0x2];
	[bflag:$0x3] =	sbarrier.arrive $0xFFFF;
	s2 =	simm.s32 @!p0 $0x1C01  }
0x43: {  	[timem:s3], [sflag:s2] =	dma.local @!p0 [hbm:s0], s1  }
0x44: {  	s0 =	simm.s32 @!p0 $0x1  }
0x45: {  	_ =	swait.ge @!p0 [sflag:s0], s1  }
0x46: {  	s1 =	ssub.s32 @!p0 $0x0, s1;
	[sflag:s0] =	ssyncset.done @!p0 $0x0  }
0x47: {  	[sflag:s0] =	ssyncadd.s32 @!p0 s1  }
0x48: {  	[bflag:$0x3] =	sbarrier.arrive $0xFFFF  }
0x49: {  	_ =	shalt  }

// kernel: kernel.18.cloned.1.call-start
scs
__scs_entry_jumppad:
0x0: {  	(pc) =	sbr.rel $0x88, $3  }
0x1: {  	(tag) =	ssettag $0x0;
	lr =	simm.s32 $0x1  }
0x2: {  	[smem:$0x3F94] =	sst lr;
	_ =	strace $0xD0000000  }
0x3: {  	_ = 	snop  }
0x4: {  	_ = 	snop  }
0x5: {  	_ = 	snop  }
0x6: {  	_ = 	snop  }
0x7: {  	_ = 	snop  }
__scs_overlays_trampoline_lowered:
0x8: {  	[smem:$0x3FA3] =	sst s0  }
0x9: {  	[smem:$0x3FA4] =	sst s1  }
0xa: {  	[smem:$0x3FA5] =	sst s2  }
0xb: {  	[smem:$0x3FA6] =	sst s3  }
0xc: {  	[smem:$0x3FA7] =	sst s4  }
0xd: {  	[smem:$0x3FA8] =	sst s5  }
0xe: {  	[smem:$0x3FA9] =	sst s6  }
0xf: {  	[smem:$0x3FAA] =	sst s7  }
0x10: {  	[smem:$0x3FAB] =	sst s8  }
0x11: {  	[smem:$0x3FAC] =	sst s9;
	s0 =	simm.s32 @!p0 $0x0  }
0x12: {  	s1 =	sld [smem:$0x3F92];
	s0 =	simm.s32 @p0 $0x1  }
0x13: {  	[smem:$0x3FAD] =	sst s0;
	s0 =	simm.s32 @!p1 $0x0  }
0x14: {  	s2 =	sld [smem:$0x3F91];
	s0 =	simm.s32 @p1 $0x1  }
0x15: {  	[smem:$0x3FAE] =	sst s0;
	s0 =	simm.s32 @!p2 $0x0  }
0x16: {  	s3 =	sld [smem:$0x3FDB];
	s0 =	simm.s32 @p2 $0x1  }
0x17: {  	s4 =	simm.s32 $0x1BF5;
	[smem:$0x3FB0] =	sst s0  }
0x18: {  	s0 =	sld [smem:$0x3F93];
	_ =	swait.ge [sflag:s4], $0x0  }
0x19: {  	s7 =	sld [smem:$0x3F94]  }
0x1a: {  	s8 =	sadd.s32 $0xFFFFE003, lr  }
0x1b: {  	s9 =	sadd.s32 $0xFFFFFEF7, lr;
	s5 =	simm.s32 $0xFFFFFFFF;
	p2 =	slt.u32 s8, $0xFFFFF086  }
0x1c: {  	p1 =	slt.u32 s9, $0xF7A;
	s5 =	simm.s32 @!p2 $0x0  }
0x1d: {  	s5 =	simm.s32 @p1 $0x1;
	p0 =	seq.s32 s7, s2  }
0x1e: {  	s7 =	smul.u32 @!p0 $0xF7A, s2;
	p2 =	seq.s32 @!p0 s5, $0x0  }
0x1f: {  	s9 =	smul.u32 $0xF7A, s1;
	s8 =	simm.s32 @!p0 $0x1BF5;
	p2 =	por !p2, p0  }
0x20: {  	[sflag:s8] =	ssyncset.s32 @!p0 $0xFFFFF086;
	s6 =	sadd.s32 @!p0 s3, s7;
	s7 =	simm.s32 @!p0 $0x108  }
0x21: {  	s3 =	sadd.s32 s3, s9;
	s6 =	sadd.s32 @!p0 $0x88, s6;
	s7 =	simm.s32 @p2 $0x1082  }
0x22: {  	[simem:s7], [sflag:s8] =	dma.local @!p0 [hbm:s6], $0xF7A  }
0x23: {  	s9 =	sor.u32 $0xD0000000, s2;
	s6 =	simm.s32 $0x108;
	_ =	swait.ge @!p0 [sflag:s8], $0x0  }
0x24: {  	s3 =	sadd.s32 $0x88, s3;
	s6 =	simm.s32 @!p1 $0x1082;
	[sflag:s4] =	ssyncset.s32 $0xFFFFF086  }
0x25: {  	[simem:s6], [sflag:s4] =	dma.local [hbm:s3], $0xF7A  }
0x26: {  	[smem:$0x3F94] =	sst s1;
	(tag) =	ssettag s2;
	_ =	strace s9  }
0x27: {  	s1 =	sld [smem:$0x3FA4]  }
0x28: {  	s2 =	sld [smem:$0x3FA5]  }
0x29: {  	s4 =	sld [smem:$0x3FA7]  }
0x2a: {  	p0 =	seq.s32 s5, $0x0;
	s5 =	sld [smem:$0x3FA8]  }
0x2b: {  	s6 =	sld [smem:$0x3FA9]  }
0x2c: {  	s7 =	sld [smem:$0x3FAA]  }
0x2d: {  	s3 =	simm.s32 $0x108;
	s8 =	sld [smem:$0x3FAB]  }
0x2e: {  	s3 =	simm.s32 @!p0 $0x1082;
	s9 =	sld [smem:$0x3FAC]  }
0x2f: {  	lr =	sadd.s32 s0, s3;
	s0 =	sld [smem:$0x3FA3]  }
0x30: {  	s3 =	sld [smem:$0x3FA6]  }
0x31: {  	[smem:$0x3FAF] =	sst s10  }
0x32: {  	s10 =	sld [smem:$0x3FAD];
	_ =	sdelay $0x3  }
0x33: {  	p0 =	seq.s32 s10, $0x1;
	s10 =	sld [smem:$0x3FAF];
	_ =	sdelay $0x3  }
0x34: {  	[smem:$0x3FAF] =	sst s10  }
0x35: {  	s10 =	sld [smem:$0x3FAE];
	_ =	sdelay $0x3  }
0x36: {  	p1 =	seq.s32 s10, $0x1;
	s10 =	sld [smem:$0x3FAF];
	_ =	sdelay $0x3  }
0x37: {  	[smem:$0x3FAF] =	sst s10  }
0x38: {  	s10 =	sld [smem:$0x3FB0]  }
0x39: {  	_ = 	snop;
	(pc) =	sbr.ind lr, $3  }
0x3a: {  	_ = 	snop  }
0x3b: {  	_ = 	snop  }
0x3c: {  	p2 =	seq.s32 s10, $0x1;
	s10 =	sld [smem:$0x3FAF]  }
0x3d: {  	_ =	shalt  }
0x3e: {  	_ =	shalt  }
0x3f: {  	_ =	shalt  }
0x40: {  	_ =	shalt  }
0x41: {  	_ =	shalt  }
0x42: {  	_ =	shalt  }
0x43: {  	_ =	shalt  }
0x44: {  	_ =	shalt  }
0x45: {  	_ =	shalt  }
0x46: {  	_ =	shalt  }
0x47: {  	_ =	shalt  }
0x48: {  	_ =	shalt  }
0x49: {  	_ =	shalt  }
0x4a: {  	_ =	shalt  }
0x4b: {  	_ =	shalt  }
0x4c: {  	_ =	shalt  }
0x4d: {  	_ =	shalt  }
0x4e: {  	_ =	shalt  }
0x4f: {  	_ =	shalt  }
0x50: {  	_ =	shalt  }
0x51: {  	_ =	shalt  }
0x52: {  	_ =	shalt  }
0x53: {  	_ =	shalt  }
0x54: {  	_ =	shalt  }
0x55: {  	_ =	shalt  }
0x56: {  	_ =	shalt  }
0x57: {  	_ =	shalt  }
0x58: {  	_ =	shalt  }
0x59: {  	_ =	shalt  }
0x5a: {  	_ =	shalt  }
0x5b: {  	_ =	shalt  }
0x5c: {  	_ =	shalt  }
0x5d: {  	_ =	shalt  }
0x5e: {  	_ =	shalt  }
0x5f: {  	_ =	shalt  }
0x60: {  	_ =	shalt  }
0x61: {  	_ =	shalt  }
0x62: {  	_ =	shalt  }
0x63: {  	_ =	shalt  }
0x64: {  	_ =	shalt  }
0x65: {  	_ =	shalt  }
0x66: {  	_ =	shalt  }
0x67: {  	_ =	shalt  }
0x68: {  	_ =	shalt  }
0x69: {  	_ =	shalt  }
0x6a: {  	_ =	shalt  }
0x6b: {  	_ =	shalt  }
0x6c: {  	_ =	shalt  }
0x6d: {  	_ =	shalt  }
0x6e: {  	_ =	shalt  }
0x6f: {  	_ =	shalt  }
0x70: {  	_ =	shalt  }
0x71: {  	_ =	shalt  }
0x72: {  	_ =	shalt  }
0x73: {  	_ =	shalt  }
0x74: {  	_ =	shalt  }
0x75: {  	_ =	shalt  }
0x76: {  	_ =	shalt  }
0x77: {  	_ =	shalt  }
0x78: {  	_ =	shalt  }
0x79: {  	_ =	shalt  }
0x7a: {  	_ =	shalt  }
0x7b: {  	_ =	shalt  }
0x7c: {  	_ =	shalt  }
0x7d: {  	_ =	shalt  }
0x7e: {  	_ =	shalt  }
0x7f: {  	_ =	shalt  }
0x80: {  	_ =	shalt  }
0x81: {  	_ =	shalt  }
0x82: {  	_ =	shalt  }
0x83: {  	_ =	shalt  }
0x84: {  	_ =	shalt  }
0x85: {  	_ =	shalt  }
0x86: {  	_ =	shalt  }
0x87: {  	_ =	shalt  }
.Lfunc_end0:
.L_simem_size_0:
called_computation.1_lowered:
.L_overlay_start_0:
0x88: {  	s2 =	sld [smem:$0x3FD9]  }
0x89: {  	s3 =	sld [smem:$0x3FFE];
	_ =	sdelay $0x1  }
0x8a: {  	s1 =	srdreg.scid  }
0x8b: {  	s0 =	sand.u32 $0x1, s1  }
0x8c: {  	s17 =	sshll.u32 s0, $0xA;
	s2 =	sadd.s32 s3, s2  }
0x8d: {  	s2 =	sadd.s32 s2, s17  }
0x8e: {  	[smem:$0x3FBB] =	sst s2  }
0x8f: {  	_ = 	snop  }
0x90: {  	s2 =	sld [smem:$0x3FC8]  }
0x91: {  	s18 =	sld [smem:$0x3FC7];
	(tm) =	ssettm $0x1  }
0x92: {  	s4 =	sld [smem:$0x3FFB];
	_ =	sdelay $0x3  }
0x93: {  	_ =	strace s4  }
0x94: {  	s4 =	sld [smem:$0x3FFC];
	_ =	sdelay $0x3  }
0x95: {  	_ =	strace s4  }
0x96: {  	s4 =	sld [smem:$0x3FFD];
	_ =	sdelay $0x3  }
0x97: {  	_ =	strace s4  }
0x98: {  	_ =	strace $0x8FFFFFFF  }
0x99: {  	s19 =	sld [smem:$0x3FDB];
	_ =	sdelay $0x1  }
0x9a: {  	s5 =	simm.s32 $_scs_section_size  }
0x9b: {  	s6 =	simm.s32 $_size__tile_overlayer_lowered;
	s7 =	simm.s32 $_tile_overlayer_lowered  }
0x9c: {  	s22 =	simm.s32 $0x1BFF;
	s21 =	sshll.u32 s7, $0x1;
	s4 =	sadd.s32 s5, s19  }
0x9d: {  	s8 =	simm.s32 $0x0;
	s20 =	sshll.u32 s6, $0x1;
	s6 =	sadd.s32 s21, s4  }
0x9e: {  	[timem:s8], [sflag:s22] =	dma.local [hbm:s6], s20  }
0x9f: {  	_ =	swait.ge [sflag:s22], s20  }
0xa0: {  	s5 =	ssub.s32 $0x0, s20;
	[sflag:s22] =	ssyncset.done $0x0  }
0xa1: {  	[sflag:s22] =	ssyncadd.s32 s5;
	_ =	sdelay $0x1  }
0xa2: {  	s23 =	simm.s32 $0x1B8B  }
0xa3: {  	_ =	swait.ge [sflag:s23], $0x1  }
0xa4: {  	[sflag:s23] =	ssyncset.done $0x0  }
0xa5: {  	s25 =	simm.s32 $0x1B8E;
	s24 =	sld [smem:$0x3FFE];
	[sflag:s23] =	ssyncadd.s32 $0xFFFFFFFF  }
0xa6: {  	s26 =	simm.s32 $execute0_lowered;
	[smem:$0x3FD2] =	sst s25  }
0xa7: {  	s6 =	sshll.u32 s26, $0x1;
	_ =	strace $0x80000049;
	[dreg:$0x1] =	wrdreg $0xFFFFFFFF  }
0xa8: {  	s28 =	simm.s32 $_size_execute0_lowered;
	s4 =	sadd.s32 s4, s6;
	[dreg:$0x0] =	wrdreg $0x0  }
0xa9: {  	s6 =	sshll.u32 s28, $0x1;
	[dreg:$0x2] =	wrdreg s4  }
0xaa: {  	[dreg:$0x3] =	wrdreg s6  }
0xab: {  	[dreg:$0x4] =	wrdreg $0xC0  }
0xac: {  	_ =	task [dreg:s8], $0x5FFFF  }
0xad: {  	[dreg:$0x1] =	wrdreg $0xFFFFFFFF  }
0xae: {  	[dreg:$0x0] =	wrdreg $0x60  }
0xaf: {  	[dreg:$0x2] =	wrdreg s2  }
0xb0: {  	[dreg:$0x3] =	wrdreg s18  }
0xb1: {  	[dreg:$0x4] =	wrdreg s24  }
0xb2: {  	[dreg:$0x5] =	wrdreg $0x9  }
0xb3: {  	_ =	task.clear_ibuf [dreg:s8], $0x6FFFF;
	_ =	strace $0x90000049  }
0xb4: {  	s29 =	simm.s32 $0x9;
	_ =	strace $0x8000004B  }
0xb5: {  	_ =	swait.ge [sflag:s29], $0x1  }
0xb6: {  	[sflag:s29] =	ssyncadd.s32 $0xFFFFFFFF  }
0xb7: {  	_ =	strace $0x9000004B  }
0xb8: {  	_ =	sfence  }
0xb9: {  	s30 =	sld [smem:$0x0];
	_ =	sdelay $0x2  }
0xba: {  	s31 =	sshll.u32 s1, $0xD;
	s1 =	sshrl.u32 s1, $0x2  }
0xbb: {  	s3 =	sand.u32 $0x4000, s31;
	s1 =	sadd.s32 s1, s30  }
0xbc: {  	s0 =	sor.u32 s3, s0;
	s1 =	sshll.u32 s1, $0x11  }
0xbd: {  	s0 =	sor.u32 s1, s0  }
0xbe: {  	s0 =	sadd.s32 $0x8F2B, s0  }
0xbf: {  	[sflag:s0] =	ssyncadd.remote.s32 $0x1  }
0xc0: {  	_ =	sfence.sel $0xFFFF  }
0xc1: {  	[dreg:$0x0] =	wrdreg $0xFFFFFFFF;
	(pc) =	sbr.abs _section_cstart, $3  }
0xc2: {  	[dreg:$0x1] =	wrdreg $0xFFFFFFFF  }
0xc3: {  	_ =	task.clear_ibuf [dreg:s8], $0x2FFFF;
	_ =	strace $0x9FFFFFFF  }
0xc4: {  	(tm) =	ssettm $0x7FFFFFFF  }
0xc5: {  	_ =	shalt  }
tec
execute0_lowered:
.L_overlay_start_1:
0x0: {  	(tag) =	ssettag $0x1  }
0x1: {  	s5 =	rddreg [dreg:$0x0]  }
0x2: {  	s7 =	rddreg [dreg:$0x1]  }
0x3: {  	s0 =	srdreg.scid;
	s8 =	rddreg [dreg:$0x2]  }
0x4: {  	s2 =	simm.s32 $0x0;
	s13 =	simm.s32 $0x4F80;
	s14 =	simm.s32 $0x6380  }
0x5: {  	s15 =	simm.s32 $0x8B00;
	s16 =	simm.s32 $0x80;
	s6 =	sand.u32 $0x1, s0  }
0x6: {  	s17 =	simm.s32 $0x400;
	s0 =	stileid.u32;
	s1 =	sshll.u32 s6, $0x4  }
0x7: {  	s18 =	simm.s32 $0x0;
	[smem:$0x7FF] =	sst s2;
	s9 =	sor.u32 s0, s1  }
0x8: {  	s10 =	sshll.u32 s0, $0x7;
	s3 =	sshrl.u32 s9, $0x3;
	s9 =	smul.u32 $0x271, s9  }
0x9: {  	s6 =	ssub.s32 $0x2, s6;
	s1 =	rddreg [dreg:$0x3];
	s4 =	smul.u32 $0x13C00, s3  }
0xa: {  	s10 =	sand.u32 $0x380, s10;
	_ =	strace $0x8000004A;
	s11 =	smul.u32 $0xA000, s3  }
0xb: {  	s31 =	sshrl.u32 s6, $0x1;
	s3 =	sadd.s32 $0x5800, s8;
	s5 =	sadd.s32 s5, s9  }
0xc: {  	s12 =	sor.u32 s10, s4;
	s4 =	sadd.s32 $0x5400, s8;
	s10 =	sor.u32 s10, s11  }
0xd: {  	s11 =	simm.s32 $0x1400;
	s12 =	sshrl.u32 s12, $0x3;
	s10 =	sshrl.u32 s10, $0x3  }
0xe: {  	s30 =	sadd.s32 s12, s8;
	s8 =	sadd.s32 s10, s8;
	s10 =	ssub.s32 s6, s31  }
0xf: {  	s6 =	sadd.s32 s7, s9;
	s12 =	simm.s32 $0x2800;
	s7 =	sadd.s32 $0x5E00, s30  }
0x10: {  	v0 =	vimm.s32 $0x0;
	v1 =	vimm.f32 $0.0e+00;
	s8 =	sadd.s32 $0xFC00, s8;
	s9 =	smax.u32 s10, $0x1;
	s10 =	simm.s32 $0x1  }
.LBB2_1:
0x11: {  	[tilespmem:$0x1380] =	vst v0  }
0x12: {  	[tilespmem:$0x2780] =	vst v0  }
0x13: {  	[tilespmem:s2], [sflag:$0x1] =	stream.linear.gather [hbm4b:s5+s2], $0x1388, $0x38;
	[tilespmem:$0x9F00] =	vst v63  }
0x14: {  	_ =	swait.ge [sflag:s10], $0x1388  }
0x15: {  	[sflag:s10] =	ssyncset.done $0x0  }
0x16: {  	[sflag:s10] =	ssyncadd.s32 $0xFFFFEC78  }
0x17: {  	[tilespmem:s11], [sflag:$0x1] =	stream.linear.gather [hbm4b:s6+s2], $0x1388, $0x38;
	[tilespmem:$0x9F00] =	vst v63  }
0x18: {  	_ =	swait.ge [sflag:s10], $0x1388  }
0x19: {  	[sflag:s10] =	ssyncset.done $0x0  }
0x1a: {  	[sflag:s10] =	ssyncadd.s32 $0xFFFFEC78  }
0x1b: {  	[tilespmem:s12], [sflag:$0x1] =	stream.linear.gather [hbm4b:s3+s2], $0x2780, $0x38;
	[tilespmem:$0x9F00] =	vst v63  }
0x1c: {  	_ =	swait.ge [sflag:s10], $0x2780  }
0x1d: {  	[sflag:s10] =	ssyncset.done $0x0  }
0x1e: {  	[sflag:s10] =	ssyncadd.s32 $0xFFFFD880  }
0x1f: {  	[tilespmem:s13], [sflag:$0x1] =	stream.linear.gather [hbm4b:s4+s2], $0x1400, $0x38;
	[tilespmem:$0x9F00] =	vst v63  }
0x20: {  	_ =	swait.ge [sflag:s10], $0x1400  }
0x21: {  	[sflag:s10] =	ssyncset.done $0x0  }
0x22: {  	s19 =	simm.s32 $0x40;
	s20 =	simm.s32 $0x0;
	[sflag:s10] =	ssyncadd.s32 $0xFFFFEC00  }
.LBB2_2:
0x23: {  	p0 =	sne.s32 s19, $0x9C00;
	[tilespmem:s20+$0x6380] =	vst v1;
	s20 =	smov.u32 s19;
	s19 =	sadd.s32 $0x40, s19  }
.Ltmp0:
0x24: {  	(pc) =	sbr.rel @p0 .LBB2_2-.Ltmp0, $2  }
0x25: {  	_ =	sdelay $0x2  }
0x26: {  	s20 =	sshra.s32 s20, $0x2  }
0x27: {  	[tilespmem:s20+$0x6380] =	vst v1;
	s19 =	simm.s32 $0x40;
	s20 =	simm.s32 $0x0  }
.LBB2_4:
0x28: {  	p0 =	sne.s32 s19, $0x4DC0;
	[tilespmem:s20+$0x8B00] =	vst v1;
	s20 =	smov.u32 s19;
	s19 =	sadd.s32 $0x40, s19  }
.Ltmp1:
0x29: {  	(pc) =	sbr.rel @p0 .LBB2_4-.Ltmp1, $2  }
0x2a: {  	_ =	sdelay $0x2  }
0x2b: {  	s20 =	sshra.s32 s20, $0x2  }
0x2c: {  	[tilespmem:s20+$0x8B00] =	vst v1;
	s19 =	simm.s32 $0x0  }
0x2d: {  	v2 =	vld [tilespmem:s19+$0x1400];
	_ =	sdelay $0x4  }
0x2e: {  	v3 =	vld [tilespmem:s19+$0x0];
	_ =	sdelay $0x2  }
0x2f: {  	v4 =	vld.idx.msk [tilespmem:v2+s13+$0x0], $0xffff;
	_ =	sdelay $0x4  }
0x30: {  	[tilespmem:v3+s14+$0x0] =	vst.idx.add.f32.msk $0xffff, v4  }
0x31: {  	s20 =	simm.s32 $0x80;
	s19 =	simm.s32 $0x40;
	v3 =	vld.idx.msk [tilespmem:v3+s12+$0x0], $0xffff  }
.LBB2_6:
0x32: {  	_ =	sdelay $0x2  }
0x33: {  	p0 =	sne.s32 s20, $0x4DC0  }
0x34: {  	s21 =	sshra.s32 s19, $0x2;
	s19 =	smov.u32 s20;
	s20 =	sadd.s32 $0x40, s20;
	[tilespmem:v2+s15+$0x0] =	vst.idx.add.f32.msk $0xffff, v3  }
0x35: {  	v2 =	vld [tilespmem:s21+$0x1400];
	_ =	sdelay $0x5  }
0x36: {  	v3 =	vld [tilespmem:s21+$0x0];
	_ =	sdelay $0x1  }
0x37: {  	v4 =	vld.idx.msk [tilespmem:v2+s13+$0x0], $0xffff;
	_ =	sdelay $0x2  }
.Ltmp2:
0x38: {  	(pc) =	sbr.rel @p0 .LBB2_6-.Ltmp2, $3  }
0x39: {  	_ =	sdelay $0x1  }
0x3a: {  	[tilespmem:v3+s14+$0x0] =	vst.idx.add.f32.msk $0xffff, v4  }
0x3b: {  	v3 =	vld.idx.msk [tilespmem:v3+s12+$0x0], $0xffff  }
0x3c: {  	_ =	sdelay $0x3  }
0x3d: {  	s19 =	sshra.s32 s19, $0x2;
	[tilespmem:v2+s15+$0x0] =	vst.idx.add.f32.msk $0xffff, v3  }
0x3e: {  	v2 =	vld [tilespmem:s19+$0x1400];
	_ =	sdelay $0x4  }
0x3f: {  	v3 =	vld [tilespmem:s19+$0x0];
	_ =	sdelay $0x2  }
0x40: {  	v4 =	vld.idx.msk [tilespmem:v2+s13+$0x0], $0xffff;
	_ =	sdelay $0x4  }
0x41: {  	[tilespmem:v3+s14+$0x0] =	vst.idx.add.f32.msk $0xffff, v4  }
0x42: {  	v3 =	vld.idx.msk [tilespmem:v3+s12+$0x0], $0xffff;
	_ =	sdelay $0x4  }
0x43: {  	[tilespmem:v2+s15+$0x0] =	vst.idx.add.f32.msk $0xffff, v3  }
0x44: {  	v2 =	vld [tilespmem:$0x2780];
	_ =	sdelay $0x4  }
0x45: {  	v3 =	vld [tilespmem:$0x1380];
	_ =	sdelay $0x2  }
0x46: {  	v4 =	vld.idx.msk [tilespmem:v2+s13+$0x0], $0xff;
	_ =	sdelay $0x4  }
0x47: {  	[tilespmem:v3+s14+$0x0] =	vst.idx.add.f32.msk $0xff, v4  }
0x48: {  	v3 =	vld.idx.msk [tilespmem:v3+s12+$0x0], $0xff;
	_ =	sdelay $0x4  }
0x49: {  	[tilespmem:v2+s15+$0x0] =	vst.idx.add.f32.msk $0xff, v3  }
0x4a: {  	[hbm4b:s7+s16] =	stream.strided.scatter [tilespmem:s14], [sflag:$0x1], $0x2780, s17, s16, $0x38;
	[tilespmem:$0x9F00] =	vst v63  }
0x4b: {  	s18 =	sadd.s32 $0x1, s18;
	_ =	swait.ge [sflag:s10], $0x2780  }
0x4c: {  	p0 =	sne.s32 s18, s9;
	[sflag:s10] =	ssyncset.done $0x0  }
.Ltmp3:
0x4d: {  	[sflag:s10] =	ssyncadd.s32 $0xFFFFD880;
	(pc) =	sbr.rel @p0 .LBB2_1-.Ltmp3, $4  }
0x4e: {  	[hbm4b:s8+s16] =	stream.strided.scatter [tilespmem:s15], [sflag:$0x1], $0x1400, s17, s16, $0x38;
	[tilespmem:$0x9F00] =	vst v63  }
0x4f: {  	_ =	swait.ge [sflag:s10], $0x1400  }
0x50: {  	[sflag:s10] =	ssyncset.done $0x0  }
0x51: {  	[sflag:s10] =	ssyncadd.s32 $0xFFFFEC00  }
0x52: {  	_ =	sfence.sel $0x180000  }
0x53: {  	[bflag:$0x0] =	sbarrier.arrive $0xFFFF  }
0x54: {  	p0 =	sne.s32 s0, $0x0;
	_ =	strace $0x9000004A  }
0x55: {  	s0 =	sadd.s32 @!p0 $0x100000, s1;
	[bflag:$0x2] =	sbarrier.arrive $0xFFFF  }
0x56: {  	[sflag:s0] =	ssyncadd.tile.s32 @!p0 $0x1;
	_ =	shalt  }
.Lfunc_end2:
_tile_overlayer_lowered:
.L_overlay_start_2:
0x57: {  	(tag) =	ssettag $0x2  }
0x58: {  	s0 =	rddreg [dreg:$0x0];
	s2 =	stileid.u32  }
0x59: {  	s1 =	rddreg [dreg:$0x1];
	p0 =	sne.s32 s2, $0x0  }
0x5a: {  	s3 =	rddreg [dreg:$0x2];
	[bflag:$0x3] =	sbarrier.arrive $0xFFFF;
	s2 =	simm.s32 @!p0 $0x1C01  }
0x5b: {  	[timem:s3], [sflag:s2] =	dma.local @!p0 [hbm:s0], s1  }
0x5c: {  	s0 =	simm.s32 @!p0 $0x1  }
0x5d: {  	_ =	swait.ge @!p0 [sflag:s0], s1  }
0x5e: {  	s1 =	ssub.s32 @!p0 $0x0, s1;
	[sflag:s0] =	ssyncset.done @!p0 $0x0  }
0x5f: {  	[sflag:s0] =	ssyncadd.s32 @!p0 s1  }
0x60: {  	[bflag:$0x3] =	sbarrier.arrive $0xFFFF  }
0x61: {  	_ =	shalt  }

// kernel: kernel.21.cloned.1.call-start
scs
__scs_entry_jumppad:
0x0: {  	(pc) =	sbr.rel $0x88, $3  }
0x1: {  	(tag) =	ssettag $0x0;
	lr =	simm.s32 $0x1  }
0x2: {  	[smem:$0x3F94] =	sst lr;
	_ =	strace $0xD0000000  }
0x3: {  	_ = 	snop  }
0x4: {  	_ = 	snop  }
0x5: {  	_ = 	snop  }
0x6: {  	_ = 	snop  }
0x7: {  	_ = 	snop  }
__scs_overlays_trampoline_lowered:
0x8: {  	[smem:$0x3FA3] =	sst s0  }
0x9: {  	[smem:$0x3FA4] =	sst s1  }
0xa: {  	[smem:$0x3FA5] =	sst s2  }
0xb: {  	[smem:$0x3FA6] =	sst s3  }
0xc: {  	[smem:$0x3FA7] =	sst s4  }
0xd: {  	[smem:$0x3FA8] =	sst s5  }
0xe: {  	[smem:$0x3FA9] =	sst s6  }
0xf: {  	[smem:$0x3FAA] =	sst s7  }
0x10: {  	[smem:$0x3FAB] =	sst s8  }
0x11: {  	[smem:$0x3FAC] =	sst s9;
	s0 =	simm.s32 @!p0 $0x0  }
0x12: {  	s1 =	sld [smem:$0x3F92];
	s0 =	simm.s32 @p0 $0x1  }
0x13: {  	[smem:$0x3FAD] =	sst s0;
	s0 =	simm.s32 @!p1 $0x0  }
0x14: {  	s2 =	sld [smem:$0x3F91];
	s0 =	simm.s32 @p1 $0x1  }
0x15: {  	[smem:$0x3FAE] =	sst s0;
	s0 =	simm.s32 @!p2 $0x0  }
0x16: {  	s3 =	sld [smem:$0x3FDB];
	s0 =	simm.s32 @p2 $0x1  }
0x17: {  	s4 =	simm.s32 $0x1BF5;
	[smem:$0x3FB0] =	sst s0  }
0x18: {  	s0 =	sld [smem:$0x3F93];
	_ =	swait.ge [sflag:s4], $0x0  }
0x19: {  	s7 =	sld [smem:$0x3F94]  }
0x1a: {  	s8 =	sadd.s32 $0xFFFFE003, lr  }
0x1b: {  	s9 =	sadd.s32 $0xFFFFFEF7, lr;
	s5 =	simm.s32 $0xFFFFFFFF;
	p2 =	slt.u32 s8, $0xFFFFF086  }
0x1c: {  	p1 =	slt.u32 s9, $0xF7A;
	s5 =	simm.s32 @!p2 $0x0  }
0x1d: {  	s5 =	simm.s32 @p1 $0x1;
	p0 =	seq.s32 s7, s2  }
0x1e: {  	s7 =	smul.u32 @!p0 $0xF7A, s2;
	p2 =	seq.s32 @!p0 s5, $0x0  }
0x1f: {  	s9 =	smul.u32 $0xF7A, s1;
	s8 =	simm.s32 @!p0 $0x1BF5;
	p2 =	por !p2, p0  }
0x20: {  	[sflag:s8] =	ssyncset.s32 @!p0 $0xFFFFF086;
	s6 =	sadd.s32 @!p0 s3, s7;
	s7 =	simm.s32 @!p0 $0x108  }
0x21: {  	s3 =	sadd.s32 s3, s9;
	s6 =	sadd.s32 @!p0 $0x88, s6;
	s7 =	simm.s32 @p2 $0x1082  }
0x22: {  	[simem:s7], [sflag:s8] =	dma.local @!p0 [hbm:s6], $0xF7A  }
0x23: {  	s9 =	sor.u32 $0xD0000000, s2;
	s6 =	simm.s32 $0x108;
	_ =	swait.ge @!p0 [sflag:s8], $0x0  }
0x24: {  	s3 =	sadd.s32 $0x88, s3;
	s6 =	simm.s32 @!p1 $0x1082;
	[sflag:s4] =	ssyncset.s32 $0xFFFFF086  }
0x25: {  	[simem:s6], [sflag:s4] =	dma.local [hbm:s3], $0xF7A  }
0x26: {  	[smem:$0x3F94] =	sst s1;
	(tag) =	ssettag s2;
	_ =	strace s9  }
0x27: {  	s1 =	sld [smem:$0x3FA4]  }
0x28: {  	s2 =	sld [smem:$0x3FA5]  }
0x29: {  	s4 =	sld [smem:$0x3FA7]  }
0x2a: {  	p0 =	seq.s32 s5, $0x0;
	s5 =	sld [smem:$0x3FA8]  }
0x2b: {  	s6 =	sld [smem:$0x3FA9]  }
0x2c: {  	s7 =	sld [smem:$0x3FAA]  }
0x2d: {  	s3 =	simm.s32 $0x108;
	s8 =	sld [smem:$0x3FAB]  }
0x2e: {  	s3 =	simm.s32 @!p0 $0x1082;
	s9 =	sld [smem:$0x3FAC]  }
0x2f: {  	lr =	sadd.s32 s0, s3;
	s0 =	sld [smem:$0x3FA3]  }
0x30: {  	s3 =	sld [smem:$0x3FA6]  }
0x31: {  	[smem:$0x3FAF] =	sst s10  }
0x32: {  	s10 =	sld [smem:$0x3FAD];
	_ =	sdelay $0x3  }
0x33: {  	p0 =	seq.s32 s10, $0x1;
	s10 =	sld [smem:$0x3FAF];
	_ =	sdelay $0x3  }
0x34: {  	[smem:$0x3FAF] =	sst s10  }
0x35: {  	s10 =	sld [smem:$0x3FAE];
	_ =	sdelay $0x3  }
0x36: {  	p1 =	seq.s32 s10, $0x1;
	s10 =	sld [smem:$0x3FAF];
	_ =	sdelay $0x3  }
0x37: {  	[smem:$0x3FAF] =	sst s10  }
0x38: {  	s10 =	sld [smem:$0x3FB0]  }
0x39: {  	_ = 	snop;
	(pc) =	sbr.ind lr, $3  }
0x3a: {  	_ = 	snop  }
0x3b: {  	_ = 	snop  }
0x3c: {  	p2 =	seq.s32 s10, $0x1;
	s10 =	sld [smem:$0x3FAF]  }
0x3d: {  	_ =	shalt  }
0x3e: {  	_ =	shalt  }
0x3f: {  	_ =	shalt  }
0x40: {  	_ =	shalt  }
0x41: {  	_ =	shalt  }
0x42: {  	_ =	shalt  }
0x43: {  	_ =	shalt  }
0x44: {  	_ =	shalt  }
0x45: {  	_ =	shalt  }
0x46: {  	_ =	shalt  }
0x47: {  	_ =	shalt  }
0x48: {  	_ =	shalt  }
0x49: {  	_ =	shalt  }
0x4a: {  	_ =	shalt  }
0x4b: {  	_ =	shalt  }
0x4c: {  	_ =	shalt  }
0x4d: {  	_ =	shalt  }
0x4e: {  	_ =	shalt  }
0x4f: {  	_ =	shalt  }
0x50: {  	_ =	shalt  }
0x51: {  	_ =	shalt  }
0x52: {  	_ =	shalt  }
0x53: {  	_ =	shalt  }
0x54: {  	_ =	shalt  }
0x55: {  	_ =	shalt  }
0x56: {  	_ =	shalt  }
0x57: {  	_ =	shalt  }
0x58: {  	_ =	shalt  }
0x59: {  	_ =	shalt  }
0x5a: {  	_ =	shalt  }
0x5b: {  	_ =	shalt  }
0x5c: {  	_ =	shalt  }
0x5d: {  	_ =	shalt  }
0x5e: {  	_ =	shalt  }
0x5f: {  	_ =	shalt  }
0x60: {  	_ =	shalt  }
0x61: {  	_ =	shalt  }
0x62: {  	_ =	shalt  }
0x63: {  	_ =	shalt  }
0x64: {  	_ =	shalt  }
0x65: {  	_ =	shalt  }
0x66: {  	_ =	shalt  }
0x67: {  	_ =	shalt  }
0x68: {  	_ =	shalt  }
0x69: {  	_ =	shalt  }
0x6a: {  	_ =	shalt  }
0x6b: {  	_ =	shalt  }
0x6c: {  	_ =	shalt  }
0x6d: {  	_ =	shalt  }
0x6e: {  	_ =	shalt  }
0x6f: {  	_ =	shalt  }
0x70: {  	_ =	shalt  }
0x71: {  	_ =	shalt  }
0x72: {  	_ =	shalt  }
0x73: {  	_ =	shalt  }
0x74: {  	_ =	shalt  }
0x75: {  	_ =	shalt  }
0x76: {  	_ =	shalt  }
0x77: {  	_ =	shalt  }
0x78: {  	_ =	shalt  }
0x79: {  	_ =	shalt  }
0x7a: {  	_ =	shalt  }
0x7b: {  	_ =	shalt  }
0x7c: {  	_ =	shalt  }
0x7d: {  	_ =	shalt  }
0x7e: {  	_ =	shalt  }
0x7f: {  	_ =	shalt  }
0x80: {  	_ =	shalt  }
0x81: {  	_ =	shalt  }
0x82: {  	_ =	shalt  }
0x83: {  	_ =	shalt  }
0x84: {  	_ =	shalt  }
0x85: {  	_ =	shalt  }
0x86: {  	_ =	shalt  }
0x87: {  	_ =	shalt  }
.Lfunc_end0:
.L_simem_size_0:
called_computation.2_lowered:
.L_overlay_start_0:
0x88: {  	s2 =	sld [smem:$0x3FD9]  }
0x89: {  	s3 =	sld [smem:$0x3FFE];
	_ =	sdelay $0x1  }
0x8a: {  	s1 =	srdreg.scid  }
0x8b: {  	s0 =	sand.u32 $0x1, s1  }
0x8c: {  	s17 =	sshll.u32 s0, $0xA;
	s2 =	sadd.s32 s3, s2  }
0x8d: {  	s2 =	sadd.s32 s2, s17  }
0x8e: {  	[smem:$0x3FBB] =	sst s2  }
0x8f: {  	_ = 	snop  }
0x90: {  	s18 =	sld [smem:$0x3FC8]  }
0x91: {  	s4 =	sld [smem:$0x3FC7];
	(tm) =	ssettm $0x1  }
0x92: {  	s19 =	sld [smem:$0x3FFB];
	_ =	sdelay $0x3  }
0x93: {  	_ =	strace s19  }
0x94: {  	s2 =	sld [smem:$0x3FFC];
	_ =	sdelay $0x3  }
0x95: {  	_ =	strace s2  }
0x96: {  	s2 =	sld [smem:$0x3FFD];
	_ =	sdelay $0x3  }
0x97: {  	_ =	strace s2  }
0x98: {  	_ =	strace $0x8FFFFFFF  }
0x99: {  	s20 =	sld [smem:$0x3FDB];
	_ =	sdelay $0x1  }
0x9a: {  	s5 =	simm.s32 $_scs_section_size  }
0x9b: {  	s6 =	simm.s32 $_size__tile_overlayer_lowered;
	s7 =	simm.s32 $_tile_overlayer_lowered  }
0x9c: {  	s8 =	simm.s32 $0x1BFF;
	s21 =	sshll.u32 s7, $0x1;
	s5 =	sadd.s32 s5, s20  }
0x9d: {  	s22 =	simm.s32 $0x0;
	s6 =	sshll.u32 s6, $0x1;
	s7 =	sadd.s32 s21, s5  }
0x9e: {  	[timem:s22], [sflag:s8] =	dma.local [hbm:s7], s6  }
0x9f: {  	_ =	swait.ge [sflag:s8], s6  }
0xa0: {  	s6 =	ssub.s32 $0x0, s6;
	[sflag:s8] =	ssyncset.done $0x0  }
0xa1: {  	[sflag:s8] =	ssyncadd.s32 s6;
	_ =	sdelay $0x1  }
0xa2: {  	s23 =	simm.s32 $0x1B8B  }
0xa3: {  	_ =	swait.ge [sflag:s23], $0x1  }
0xa4: {  	[sflag:s23] =	ssyncset.done $0x0  }
0xa5: {  	[sflag:s23] =	ssyncadd.s32 $0xFFFFFFFF  }
0xa6: {  	s6 =	sld [smem:$0x0]  }
0xa7: {  	s7 =	sand.u32 $0xFFFFFFFE, s1  }
0xa8: {  	p0 =	sne.s32 s1, s7  }
0xa9: {  	s7 =	sshll.u32 @p0 s7, $0xE  }
0xaa: {  	s7 =	sadd.s32 @p0 $0x11B8D, s7;
	s8 =	sshll.u32 @p0 s6, $0x11  }
0xab: {  	s7 =	sor.u32 @p0 s8, s7  }
0xac: {  	[sflag:s7] =	ssyncadd.remote.s32 @p0 $0x1;
	_ =	sdelay $0x1  }
0xad: {  	s7 =	simm.s32 @p0 $0x1B8D  }
0xae: {  	_ =	swait.eq @p0 [sflag:s7], $0x1  }
0xaf: {  	[sflag:s7] =	ssyncadd.s32 @p0 $0xFFFFFFFF  }
0xb0: {  	s8 =	sshll.u32 @!p0 s1, $0xE  }
0xb1: {  	s8 =	sor.u32 @!p0 $0x4000, s8;
	s7 =	simm.s32 @!p0 $0x1B8D  }
0xb2: {  	s6 =	sshll.u32 @!p0 s6, $0x11;
	s8 =	sadd.s32 @!p0 $0x11B8D, s8;
	_ =	swait.eq @!p0 [sflag:s7], $0x1  }
0xb3: {  	s6 =	sor.u32 @!p0 s6, s8;
	[sflag:s7] =	ssyncadd.s32 @!p0 $0xFFFFFFFF  }
0xb4: {  	s25 =	simm.s32 $0x1B8E;
	s24 =	sld [smem:$0x3FFE];
	[sflag:s6] =	ssyncadd.remote.s32 @!p0 $0x1  }
0xb5: {  	s26 =	simm.s32 $execute0_lowered;
	[smem:$0x3FD2] =	sst s25  }
0xb6: {  	s7 =	sshll.u32 s26, $0x1;
	_ =	strace $0x8000004C;
	[dreg:$0x1] =	wrdreg $0xFFFFFFFF  }
0xb7: {  	s28 =	simm.s32 $_size_execute0_lowered;
	s5 =	sadd.s32 s5, s7;
	[dreg:$0x0] =	wrdreg $0x0  }
0xb8: {  	s7 =	sshll.u32 s28, $0x1;
	[dreg:$0x2] =	wrdreg s5  }
0xb9: {  	[dreg:$0x3] =	wrdreg s7  }
0xba: {  	[dreg:$0x4] =	wrdreg $0xC0  }
0xbb: {  	_ =	task [dreg:s22], $0x5FFFF  }
0xbc: {  	[dreg:$0x1] =	wrdreg $0xFFFFFFFF  }
0xbd: {  	[dreg:$0x0] =	wrdreg $0x60  }
0xbe: {  	[dreg:$0x2] =	wrdreg s24  }
0xbf: {  	[dreg:$0x3] =	wrdreg s18  }
0xc0: {  	[dreg:$0x4] =	wrdreg s4  }
0xc1: {  	[dreg:$0x5] =	wrdreg $0xA8800  }
0xc2: {  	[dreg:$0x6] =	wrdreg $0xA  }
0xc3: {  	_ =	task.clear_ibuf [dreg:s22], $0x7FFFF;
	_ =	strace $0x9000004C  }
0xc4: {  	s29 =	simm.s32 $0xA;
	_ =	strace $0x8000004E  }
0xc5: {  	_ =	swait.ge [sflag:s29], $0x1  }
0xc6: {  	[sflag:s29] =	ssyncadd.s32 $0xFFFFFFFF  }
0xc7: {  	_ =	strace $0x9000004E  }
0xc8: {  	_ =	sfence  }
0xc9: {  	s30 =	sld [smem:$0x0];
	_ =	sdelay $0x2  }
0xca: {  	s31 =	sshll.u32 s1, $0xD;
	s1 =	sshrl.u32 s1, $0x2  }
0xcb: {  	s4 =	sand.u32 $0x4000, s31;
	s1 =	sadd.s32 s1, s30  }
0xcc: {  	s0 =	sor.u32 s4, s0;
	s1 =	sshll.u32 s1, $0x11  }
0xcd: {  	s0 =	sor.u32 s1, s0  }
0xce: {  	s0 =	sadd.s32 $0x8F2B, s0  }
0xcf: {  	[sflag:s0] =	ssyncadd.remote.s32 $0x1  }
0xd0: {  	_ =	sfence.sel $0xFFFF  }
0xd1: {  	[dreg:$0x0] =	wrdreg $0xFFFFFFFF;
	(pc) =	sbr.abs _section_cstart, $3  }
0xd2: {  	[dreg:$0x1] =	wrdreg $0xFFFFFFFF  }
0xd3: {  	_ =	task.clear_ibuf [dreg:s22], $0x2FFFF;
	_ =	strace $0x9FFFFFFF  }
0xd4: {  	(tm) =	ssettm $0x7FFFFFFF  }
0xd5: {  	_ =	shalt  }
tec
execute0_lowered:
.L_overlay_start_1:
0x0: {  	(tag) =	ssettag $0x1  }
0x1: {  	s0 =	rddreg [dreg:$0x0]  }
0x2: {  	s1 =	rddreg [dreg:$0x1]  }
0x3: {  	s5 =	rddreg [dreg:$0x2]  }
0x4: {  	s2 =	rddreg [dreg:$0x3];
	s3 =	simm.s32 $0x0  }
0x5: {  	s4 =	srdreg.scid;
	s18 =	stileid.u32;
	s19 =	simm.s32 $0x5  }
0x6: {  	s20 =	simm.s32 $0x2880;
	s21 =	simm.s32 $0x2780;
	s7 =	smul.u32 $0x2710, s18  }
0x7: {  	s22 =	simm.s32 $0x80;
	s23 =	simm.s32 $0x2800;
	s14 =	smul.u32 $0xA000, s18  }
0x8: {  	s28 =	simm.s32 $0x4;
	s29 =	simm.s32 $0x2;
	s11 =	smul.u32 $0x28000, s18  }
0x9: {  	[smem:$0x7FF] =	sst s3;
	s6 =	sand.u32 $0x1, s4;
	s18 =	smul.u32 $0x4E2, s18  }
0xa: {  	s4 =	sadd.s32 $0x14C00, s0;
	s0 =	sadd.s32 $0x62E00, s0;
	s15 =	smul.u32 $0xA0000, s6  }
0xb: {  	_ =	strace $0x8000004D;
	s8 =	ssub.s32 $0x2, s6;
	s30 =	smul.u32 $0x2710, s6  }
0xc: {  	s9 =	sshrl.u32 s8, $0x1;
	s7 =	sshrl.u32 s7, $0x3;
	s25 =	sshrl.u32 s11, $0x2  }
0xd: {  	s16 =	sadd.s32 $0x2800, s14;
	s26 =	sadd.s32 $0x5000, s14;
	s17 =	sadd.s32 $0x7800, s14  }
0xe: {  	s18 =	sadd.s32 s18, s5;
	s10 =	ssub.s32 s8, s9;
	s1 =	sadd.s32 s1, s7  }
0xf: {  	s24 =	sadd.s32 s15, s14;
	s6 =	sadd.s32 s5, s7;
	s11 =	sadd.s32 s25, s2  }
0x10: {  	s12 =	sadd.s32 s16, s2;
	s13 =	sadd.s32 s26, s2;
	s16 =	sadd.s32 s15, s16  }
0x11: {  	s14 =	sadd.s32 s17, s2;
	s17 =	sadd.s32 s15, s17;
	s25 =	simm.s32 $0x3  }
0x12: {  	v0 =	vmov s30;
	s30 =	simm.s32 $0x10;
	[dreg:$0x5] =	wrdreg s1;
	s1 =	sshrl.u32 s24, $0x3  }
0x13: {  	s7 =	sadd.s32 $0x10, s6;
	s8 =	sadd.s32 $0x4E0, s6;
	s10 =	smax.u32 s10, $0x1  }
0x14: {  	s16 =	sshrl.u32 s16, $0x3;
	s31 =	sshrl.u32 s17, $0x3;
	s24 =	simm.s32 $0x6880  }
0x15: {  	[dreg:$0x6] =	wrdreg s7;
	s9 =	sadd.s32 s0, s1;
	s1 =	sadd.s32 s15, s26  }
0x16: {  	s15 =	sadd.s32 s0, s16;
	s17 =	sadd.s32 s0, s31;
	s1 =	sshrl.u32 s1, $0x3  }
0x17: {  	v1 =	vimm.f32 $0.0e+00;
	s26 =	simm.s32 $0x1;
	s16 =	sadd.s32 s0, s1;
	s0 =	simm.s32 $0x0  }
.LBB2_1:
0x18: {  	s1 =	rddreg [dreg:$0x5]  }
0x19: {  	[tilespmem:s3], [sflag:$0x5] =	stream.linear.gather [hbm4b:s1+s3], $0x2710, $0x38;
	[tilespmem:$0x14880] =	vst v63  }
0x1a: {  	_ =	swait.ge [sflag:s19], $0x2710  }
0x1b: {  	[sflag:s19] =	ssyncset.done $0x0  }
0x1c: {  	s31 =	simm.s32 $0x40;
	s1 =	simm.s32 $0x0;
	[sflag:s19] =	ssyncadd.s32 $0xFFFFD8F0  }
.LBB2_2:
0x1d: {  	p0 =	sne.s32 s31, $0x9C00;
	v2 =	vld [tilespmem:s1+$0x0];
	_ =	sdelay $0x1  }
.Ltmp0:
0x1e: {  	(pc) =	sbr.rel @p0 .LBB2_2-.Ltmp0, $3  }
0x1f: {  	_ =	sdelay $0x1  }
0x20: {  	v2 =	vadd.s32 v0, v2  }
0x21: {  	[tilespmem:s1+$0x0] =	vst v2;
	s1 =	sshra.s32 s31, $0x2;
	s31 =	sadd.s32 $0x40, s31  }
0x22: {  	v2 =	vld [tilespmem:s1+$0x0];
	_ =	sdelay $0x4  }
0x23: {  	v2 =	vadd.s32 v0, v2  }
0x24: {  	s31 =	simm.s32 $0x200;
	[tilespmem:s1+$0x0] =	vst v2;
	s1 =	simm.s32 $0x0  }
.LBB2_4:
0x25: {  	p0 =	sne.s32 s31, $0x9E00;
	[tilespmem:s1+$0x28F0] =	vst v1  }
0x26: {  	[tilespmem:s1+$0x2880] =	vst v1  }
0x27: {  	[tilespmem:s1+$0x2890] =	vst v1  }
.Ltmp1:
0x28: {  	[tilespmem:s1+$0x28A0] =	vst v1;
	(pc) =	sbr.rel @p0 .LBB2_4-.Ltmp1, $4  }
0x29: {  	[tilespmem:s1+$0x28B0] =	vst v1  }
0x2a: {  	[tilespmem:s1+$0x28C0] =	vst v1  }
0x2b: {  	[tilespmem:s1+$0x28D0] =	vst v1  }
0x2c: {  	[tilespmem:s1+$0x28E0] =	vst v1;
	s1 =	sshra.s32 s31, $0x2;
	s31 =	sadd.s32 $0x200, s31  }
0x2d: {  	[tilespmem:s1+$0x28F0] =	vst v1  }
0x2e: {  	[tilespmem:s1+$0x2880] =	vst v1  }
0x2f: {  	[tilespmem:s1+$0x2890] =	vst v1  }
0x30: {  	[tilespmem:s1+$0x28A0] =	vst v1  }
0x31: {  	[tilespmem:s1+$0x28B0] =	vst v1  }
0x32: {  	[tilespmem:s1+$0x28C0] =	vst v1  }
0x33: {  	[tilespmem:s1+$0x28D0] =	vst v1  }
0x34: {  	[tilespmem:s1+$0x28E0] =	vst v1  }
0x35: {  	[spmem:s11] =	stream.linear.scatter [tilespmem:s20], [sflag:$0x5], $0x2800, $0x38;
	[tilespmem:$0x14880] =	vst v63  }
0x36: {  	_ =	swait.ge [sflag:s19], $0x2800  }
0x37: {  	[sflag:s19] =	ssyncset.done $0x0  }
0x38: {  	[sflag:s19] =	ssyncadd.s32 $0xFFFFD800  }
0x39: {  	[spmem:s12] =	stream.linear.scatter [tilespmem:s20], [sflag:$0x5], $0x2800, $0x38;
	[tilespmem:$0x14880] =	vst v63  }
0x3a: {  	_ =	swait.ge [sflag:s19], $0x2800  }
0x3b: {  	[sflag:s19] =	ssyncset.done $0x0  }
0x3c: {  	[sflag:s19] =	ssyncadd.s32 $0xFFFFD800  }
0x3d: {  	[spmem:s13] =	stream.linear.scatter [tilespmem:s20], [sflag:$0x5], $0x2800, $0x38;
	[tilespmem:$0x14880] =	vst v63  }
0x3e: {  	_ =	swait.ge [sflag:s19], $0x2800  }
0x3f: {  	[sflag:s19] =	ssyncset.done $0x0  }
0x40: {  	[sflag:s19] =	ssyncadd.s32 $0xFFFFD800  }
0x41: {  	[spmem:s14] =	stream.linear.scatter [tilespmem:s20], [sflag:$0x5], $0x2800, $0x38;
	[tilespmem:$0x14880] =	vst v63  }
0x42: {  	_ =	swait.ge [sflag:s19], $0x2800  }
0x43: {  	[sflag:s19] =	ssyncset.done $0x0  }
0x44: {  	[sflag:s19] =	ssyncadd.s32 $0xFFFFD800  }
0x45: {  	[bflag:$0x0] =	sbarrier.arrive $0xFFFF  }
0x46: {  	[tilespmem:s21], [sflag:$0x3] =	stream.linear.gather [hbm4b:s6+s3], $0x80, $0x38;
	[tilespmem:$0x14880] =	vst v63  }
0x47: {  	_ = 	snop  }
0x48: {  	[tilespmem:s20], [sflag:$0x1] =	stream.indirect.gather [hbm4b:s4+s22], $0x80, s3, s22, $0xb8;
	[tilespmem:$0x14880] =	vst v63  }
0x49: {  	s5 =	rddreg [dreg:$0x6]  }
0x4a: {  	[tilespmem:s23], [sflag:$0x4] =	stream.linear.gather [hbm4b:s5+s3], $0x80, $0x38;
	[tilespmem:$0x14880] =	vst v63  }
0x4b: {  	_ = 	snop  }
0x4c: {  	[tilespmem:s24], [sflag:$0x2] =	stream.indirect.gather [hbm4b:s4+s22], $0x80, s22, s22, $0xb8;
	[tilespmem:$0x14880] =	vst v63  }
0x4d: {  	_ =	swait.ge [sflag:s25], $0x80  }
0x4e: {  	[sflag:s25] =	ssyncset.done $0x0  }
0x4f: {  	[sflag:s25] =	ssyncadd.s32 $0xFFFFFF80  }
0x50: {  	_ =	swait.ge [sflag:s26], $0x4000  }
0x51: {  	[sflag:s26] =	ssyncset.done $0x0  }
0x52: {  	[sflag:s26] =	ssyncadd.s32 $0xFFFFC000  }
0x53: {  	[spmem:s2] =	stream.indirect.scatter.add.f32 [tilespmem:s20], [sflag:$0x5], $0x80, s21, s22, $0xb8;
	[tilespmem:$0x14880] =	vst v63  }
0x54: {  	_ =	swait.ge [sflag:s19], $0x4000  }
0x55: {  	s1 =	sadd.s32 $0xFFFFFB40, s18;
	[sflag:s19] =	ssyncset.done $0x0  }
0x56: {  	s5 =	sadd.s32 $0x4E0, s1;
	[sflag:s19] =	ssyncadd.s32 $0xFFFFC000  }
0x57: {  	[tilespmem:s21], [sflag:$0x3] =	stream.linear.gather [hbm4b:s5+s3], $0x80, $0x38;
	[tilespmem:$0x14880] =	vst v63  }
0x58: {  	s7 =	simm.s32 $0x100  }
0x59: {  	[tilespmem:s20], [sflag:$0x1] =	stream.indirect.gather [hbm4b:s4+s22], $0x80, s7, s22, $0xb8;
	[tilespmem:$0x14880] =	vst v63  }
0x5a: {  	_ =	swait.ge [sflag:s28], $0x80  }
0x5b: {  	[sflag:s28] =	ssyncset.done $0x0  }
0x5c: {  	[sflag:s28] =	ssyncadd.s32 $0xFFFFFF80  }
0x5d: {  	_ =	swait.ge [sflag:s29], $0x4000  }
0x5e: {  	[sflag:s29] =	ssyncset.done $0x0  }
0x5f: {  	[sflag:s29] =	ssyncadd.s32 $0xFFFFC000  }
0x60: {  	[spmem:s2] =	stream.indirect.scatter.add.f32 [tilespmem:s24], [sflag:$0x5], $0x80, s23, s22, $0xb8;
	[tilespmem:$0x14880] =	vst v63  }
0x61: {  	_ =	swait.ge [sflag:s19], $0x4000  }
0x62: {  	[sflag:s19] =	ssyncset.done $0x0  }
0x63: {  	s1 =	sadd.s32 $0x4F0, s1;
	[sflag:s19] =	ssyncadd.s32 $0xFFFFC000  }
0x64: {  	[tilespmem:s23], [sflag:$0x4] =	stream.linear.gather [hbm4b:s1+s3], $0x80, $0x38;
	[tilespmem:$0x14880] =	vst v63  }
0x65: {  	s31 =	simm.s32 $0x200;
	s5 =	simm.s32 $0x180;
	s1 =	simm.s32 $0xFFFFFB60  }
.LBB2_6:
0x66: {  	[tilespmem:s24], [sflag:$0x2] =	stream.indirect.gather [hbm4b:s4+s22], $0x80, s5, s22, $0xb8;
	[tilespmem:$0x14880] =	vst v63  }
0x67: {  	s5 =	smov.u32 s1  }
0x68: {  	p0 =	sne.s32 s1, $0xFFFFFFE0;
	s1 =	sadd.s32 $0x20, s1;
	_ =	swait.ge [sflag:s25], $0x80  }
0x69: {  	[sflag:s25] =	ssyncset.done $0x0  }
0x6a: {  	[sflag:s25] =	ssyncadd.s32 $0xFFFFFF80  }
0x6b: {  	_ =	swait.ge [sflag:s26], $0x4000  }
0x6c: {  	[sflag:s26] =	ssyncset.done $0x0  }
0x6d: {  	[sflag:s26] =	ssyncadd.s32 $0xFFFFC000  }
0x6e: {  	[spmem:s2] =	stream.indirect.scatter.add.f32 [tilespmem:s20], [sflag:$0x5], $0x80, s21, s22, $0xb8;
	[tilespmem:$0x14880] =	vst v63  }
0x6f: {  	_ =	swait.ge [sflag:s19], $0x4000  }
0x70: {  	s5 =	sadd.s32 s5, s18;
	[sflag:s19] =	ssyncset.done $0x0  }
0x71: {  	s7 =	sadd.s32 $0x4E0, s5;
	[sflag:s19] =	ssyncadd.s32 $0xFFFFC000  }
0x72: {  	[tilespmem:s21], [sflag:$0x3] =	stream.linear.gather [hbm4b:s7+s3], $0x80, $0x38;
	[tilespmem:$0x14880] =	vst v63  }
0x73: {  	_ = 	snop  }
0x74: {  	[tilespmem:s20], [sflag:$0x1] =	stream.indirect.gather [hbm4b:s4+s22], $0x80, s31, s22, $0xb8;
	[tilespmem:$0x14880] =	vst v63  }
0x75: {  	_ =	swait.ge [sflag:s28], $0x80  }
0x76: {  	[sflag:s28] =	ssyncset.done $0x0  }
0x77: {  	[sflag:s28] =	ssyncadd.s32 $0xFFFFFF80  }
0x78: {  	_ =	swait.ge [sflag:s29], $0x4000  }
0x79: {  	[sflag:s29] =	ssyncset.done $0x0  }
0x7a: {  	[sflag:s29] =	ssyncadd.s32 $0xFFFFC000  }
0x7b: {  	[spmem:s2] =	stream.indirect.scatter.add.f32 [tilespmem:s24], [sflag:$0x5], $0x80, s23, s22, $0xb8;
	[tilespmem:$0x14880] =	vst v63  }
.Ltmp2:
0x7c: {  	_ =	swait.ge [sflag:s19], $0x4000;
	(pc) =	sbr.rel @p0 .LBB2_6-.Ltmp2, $4  }
0x7d: {  	[sflag:s19] =	ssyncset.done $0x0  }
0x7e: {  	s5 =	sadd.s32 $0x4F0, s5;
	[sflag:s19] =	ssyncadd.s32 $0xFFFFC000  }
0x7f: {  	[tilespmem:s23], [sflag:$0x4] =	stream.linear.gather [hbm4b:s5+s3], $0x80, $0x38;
	[tilespmem:$0x14880] =	vst v63  }
0x80: {  	s5 =	sadd.s32 $0x80, s31;
	s31 =	sadd.s32 $0x100, s31  }
0x81: {  	[tilespmem:s24], [sflag:$0x2] =	stream.indirect.gather [hbm4b:s4+s22], $0x80, s5, s22, $0xb8;
	[tilespmem:$0x14880] =	vst v63  }
0x82: {  	_ =	swait.ge [sflag:s25], $0x80  }
0x83: {  	[sflag:s25] =	ssyncset.done $0x0  }
0x84: {  	[sflag:s25] =	ssyncadd.s32 $0xFFFFFF80  }
0x85: {  	_ =	swait.ge [sflag:s26], $0x4000  }
0x86: {  	[sflag:s26] =	ssyncset.done $0x0  }
0x87: {  	[sflag:s26] =	ssyncadd.s32 $0xFFFFC000  }
0x88: {  	[spmem:s2] =	stream.indirect.scatter.add.f32 [tilespmem:s20], [sflag:$0x5], $0x80, s21, s22, $0xb8;
	[tilespmem:$0x14880] =	vst v63  }
0x89: {  	_ =	swait.ge [sflag:s19], $0x4000  }
0x8a: {  	[sflag:s19] =	ssyncset.done $0x0  }
0x8b: {  	[sflag:s19] =	ssyncadd.s32 $0xFFFFC000  }
0x8c: {  	_ =	swait.ge [sflag:s28], $0x80  }
0x8d: {  	[sflag:s28] =	ssyncset.done $0x0  }
0x8e: {  	[sflag:s28] =	ssyncadd.s32 $0xFFFFFF80  }
0x8f: {  	_ =	swait.ge [sflag:s29], $0x4000  }
0x90: {  	[sflag:s29] =	ssyncset.done $0x0  }
0x91: {  	[sflag:s29] =	ssyncadd.s32 $0xFFFFC000  }
0x92: {  	[spmem:s2] =	stream.indirect.scatter.add.f32 [tilespmem:s24], [sflag:$0x5], $0x80, s23, s22, $0xb8;
	[tilespmem:$0x14880] =	vst v63  }
0x93: {  	_ =	swait.ge [sflag:s19], $0x4000  }
0x94: {  	[sflag:s19] =	ssyncset.done $0x0  }
0x95: {  	[sflag:s19] =	ssyncadd.s32 $0xFFFFC000  }
0x96: {  	[tilespmem:s21], [sflag:$0x3] =	stream.linear.gather [hbm4b:s8+s3], $0x10, $0x38;
	[tilespmem:$0x14880] =	vst v63  }
0x97: {  	s1 =	simm.s32 $0x2700  }
0x98: {  	[tilespmem:s20], [sflag:$0x1] =	stream.indirect.gather [hbm4b:s4+s30], $0x80, s1, s30, $0xb8;
	[tilespmem:$0x14880] =	vst v63  }
0x99: {  	_ =	swait.ge [sflag:s25], $0x10  }
0x9a: {  	[sflag:s25] =	ssyncset.done $0x0  }
0x9b: {  	[sflag:s25] =	ssyncadd.s32 $0xFFFFFFF0  }
0x9c: {  	_ =	swait.ge [sflag:s26], $0x800  }
0x9d: {  	[sflag:s26] =	ssyncset.done $0x0  }
0x9e: {  	[sflag:s26] =	ssyncadd.s32 $0xFFFFF800  }
0x9f: {  	[spmem:s2] =	stream.indirect.scatter.add.f32 [tilespmem:s20], [sflag:$0x5], $0x80, s21, s30, $0xb8;
	[tilespmem:$0x14880] =	vst v63  }
0xa0: {  	_ =	swait.ge [sflag:s19], $0x800  }
0xa1: {  	s5 =	stileid.u32;
	[sflag:s19] =	ssyncset.done $0x0  }
0xa2: {  	s1 =	sshll.u32 s5, $0x6;
	[sflag:s19] =	ssyncadd.s32 $0xFFFFF800  }
0xa3: {  	s7 =	sshrl.u32 s11, $0x3;
	s1 =	sor.u32 $0x1C05, s1;
	[bflag:$0x0] =	sbarrier.arrive $0xFFFF  }
0xa4: {  	[hbm:s9], [sflag:s1] =	dma.local [spmem:s7], $0x500  }
0xa5: {  	_ =	swait.ge [sflag:s19], $0x500  }
0xa6: {  	[sflag:s19] =	ssyncset.done $0x0  }
0xa7: {  	s31 =	sshrl.u32 s12, $0x3;
	[sflag:s19] =	ssyncadd.s32 $0xFFFFFB00  }
0xa8: {  	[hbm:s15], [sflag:s1] =	dma.local [spmem:s31], $0x500  }
0xa9: {  	_ =	swait.ge [sflag:s19], $0x500  }
0xaa: {  	[sflag:s19] =	ssyncset.done $0x0  }
0xab: {  	s7 =	sshrl.u32 s13, $0x3;
	[sflag:s19] =	ssyncadd.s32 $0xFFFFFB00  }
0xac: {  	[hbm:s16], [sflag:s1] =	dma.local [spmem:s7], $0x500  }
0xad: {  	s0 =	sadd.s32 $0x1, s0;
	_ =	swait.ge [sflag:s19], $0x500  }
0xae: {  	p0 =	sne.s32 s0, s10;
	[sflag:s19] =	ssyncset.done $0x0  }
.Ltmp3:
0xaf: {  	s31 =	sshrl.u32 s14, $0x3;
	[sflag:s19] =	ssyncadd.s32 $0xFFFFFB00;
	(pc) =	sbr.rel @p0 .LBB2_1-.Ltmp3, $4  }
0xb0: {  	[hbm:s17], [sflag:s1] =	dma.local [spmem:s31], $0x500  }
0xb1: {  	_ =	swait.ge [sflag:s19], $0x500  }
0xb2: {  	[sflag:s19] =	ssyncset.done $0x0  }
0xb3: {  	[sflag:s19] =	ssyncadd.s32 $0xFFFFFB00  }
0xb4: {  	_ =	sfence.sel $0x180000  }
0xb5: {  	[bflag:$0x0] =	sbarrier.arrive $0xFFFF  }
0xb6: {  	_ =	strace $0x9000004D  }
0xb7: {  	s0 =	stileid.u32;
	[bflag:$0x2] =	sbarrier.arrive $0xFFFF  }
0xb8: {  	p0 =	sne.s32 s0, $0x0;
	s0 =	rddreg [dreg:$0x4]  }
0xb9: {  	s0 =	sadd.s32 @!p0 $0x100000, s0  }
0xba: {  	[sflag:s0] =	ssyncadd.tile.s32 @!p0 $0x1;
	_ =	shalt  }
.Lfunc_end2:
_tile_overlayer_lowered:
.L_overlay_start_2:
0xbb: {  	(tag) =	ssettag $0x2  }
0xbc: {  	s0 =	rddreg [dreg:$0x0];
	s2 =	stileid.u32  }
0xbd: {  	s1 =	rddreg [dreg:$0x1];
	p0 =	sne.s32 s2, $0x0  }
0xbe: {  	s3 =	rddreg [dreg:$0x2];
	[bflag:$0x3] =	sbarrier.arrive $0xFFFF;
	s2 =	simm.s32 @!p0 $0x1C05  }
0xbf: {  	[timem:s3], [sflag:s2] =	dma.local @!p0 [hbm:s0], s1  }
0xc0: {  	s0 =	simm.s32 @!p0 $0x5  }
0xc1: {  	_ =	swait.ge @!p0 [sflag:s0], s1  }
0xc2: {  	s1 =	ssub.s32 @!p0 $0x0, s1;
	[sflag:s0] =	ssyncset.done @!p0 $0x0  }
0xc3: {  	[sflag:s0] =	ssyncadd.s32 @!p0 s1  }
0xc4: {  	[bflag:$0x3] =	sbarrier.arrive $0xFFFF  }
0xc5: {  	_ =	shalt  }

// kernel: kernel.24.cloned.1.call-start
scs
__scs_entry_jumppad:
0x0: {  	(pc) =	sbr.rel $0x88, $3  }
0x1: {  	(tag) =	ssettag $0x0;
	lr =	simm.s32 $0x1  }
0x2: {  	[smem:$0x3F94] =	sst lr;
	_ =	strace $0xD0000000  }
0x3: {  	_ = 	snop  }
0x4: {  	_ = 	snop  }
0x5: {  	_ = 	snop  }
0x6: {  	_ = 	snop  }
0x7: {  	_ = 	snop  }
__scs_overlays_trampoline_lowered:
0x8: {  	[smem:$0x3FA3] =	sst s0  }
0x9: {  	[smem:$0x3FA4] =	sst s1  }
0xa: {  	[smem:$0x3FA5] =	sst s2  }
0xb: {  	[smem:$0x3FA6] =	sst s3  }
0xc: {  	[smem:$0x3FA7] =	sst s4  }
0xd: {  	[smem:$0x3FA8] =	sst s5  }
0xe: {  	[smem:$0x3FA9] =	sst s6  }
0xf: {  	[smem:$0x3FAA] =	sst s7  }
0x10: {  	[smem:$0x3FAB] =	sst s8  }
0x11: {  	[smem:$0x3FAC] =	sst s9;
	s0 =	simm.s32 @!p0 $0x0  }
0x12: {  	s1 =	sld [smem:$0x3F92];
	s0 =	simm.s32 @p0 $0x1  }
0x13: {  	[smem:$0x3FAD] =	sst s0;
	s0 =	simm.s32 @!p1 $0x0  }
0x14: {  	s2 =	sld [smem:$0x3F91];
	s0 =	simm.s32 @p1 $0x1  }
0x15: {  	[smem:$0x3FAE] =	sst s0;
	s0 =	simm.s32 @!p2 $0x0  }
0x16: {  	s3 =	sld [smem:$0x3FDB];
	s0 =	simm.s32 @p2 $0x1  }
0x17: {  	s4 =	simm.s32 $0x1BF5;
	[smem:$0x3FB0] =	sst s0  }
0x18: {  	s0 =	sld [smem:$0x3F93];
	_ =	swait.ge [sflag:s4], $0x0  }
0x19: {  	s7 =	sld [smem:$0x3F94]  }
0x1a: {  	s8 =	sadd.s32 $0xFFFFE003, lr  }
0x1b: {  	s9 =	sadd.s32 $0xFFFFFEF7, lr;
	s5 =	simm.s32 $0xFFFFFFFF;
	p2 =	slt.u32 s8, $0xFFFFF086  }
0x1c: {  	p1 =	slt.u32 s9, $0xF7A;
	s5 =	simm.s32 @!p2 $0x0  }
0x1d: {  	s5 =	simm.s32 @p1 $0x1;
	p0 =	seq.s32 s7, s2  }
0x1e: {  	s7 =	smul.u32 @!p0 $0xF7A, s2;
	p2 =	seq.s32 @!p0 s5, $0x0  }
0x1f: {  	s9 =	smul.u32 $0xF7A, s1;
	s8 =	simm.s32 @!p0 $0x1BF5;
	p2 =	por !p2, p0  }
0x20: {  	[sflag:s8] =	ssyncset.s32 @!p0 $0xFFFFF086;
	s6 =	sadd.s32 @!p0 s3, s7;
	s7 =	simm.s32 @!p0 $0x108  }
0x21: {  	s3 =	sadd.s32 s3, s9;
	s6 =	sadd.s32 @!p0 $0x88, s6;
	s7 =	simm.s32 @p2 $0x1082  }
0x22: {  	[simem:s7], [sflag:s8] =	dma.local @!p0 [hbm:s6], $0xF7A  }
0x23: {  	s9 =	sor.u32 $0xD0000000, s2;
	s6 =	simm.s32 $0x108;
	_ =	swait.ge @!p0 [sflag:s8], $0x0  }
0x24: {  	s3 =	sadd.s32 $0x88, s3;
	s6 =	simm.s32 @!p1 $0x1082;
	[sflag:s4] =	ssyncset.s32 $0xFFFFF086  }
0x25: {  	[simem:s6], [sflag:s4] =	dma.local [hbm:s3], $0xF7A  }
0x26: {  	[smem:$0x3F94] =	sst s1;
	(tag) =	ssettag s2;
	_ =	strace s9  }
0x27: {  	s1 =	sld [smem:$0x3FA4]  }
0x28: {  	s2 =	sld [smem:$0x3FA5]  }
0x29: {  	s4 =	sld [smem:$0x3FA7]  }
0x2a: {  	p0 =	seq.s32 s5, $0x0;
	s5 =	sld [smem:$0x3FA8]  }
0x2b: {  	s6 =	sld [smem:$0x3FA9]  }
0x2c: {  	s7 =	sld [smem:$0x3FAA]  }
0x2d: {  	s3 =	simm.s32 $0x108;
	s8 =	sld [smem:$0x3FAB]  }
0x2e: {  	s3 =	simm.s32 @!p0 $0x1082;
	s9 =	sld [smem:$0x3FAC]  }
0x2f: {  	lr =	sadd.s32 s0, s3;
	s0 =	sld [smem:$0x3FA3]  }
0x30: {  	s3 =	sld [smem:$0x3FA6]  }
0x31: {  	[smem:$0x3FAF] =	sst s10  }
0x32: {  	s10 =	sld [smem:$0x3FAD];
	_ =	sdelay $0x3  }
0x33: {  	p0 =	seq.s32 s10, $0x1;
	s10 =	sld [smem:$0x3FAF];
	_ =	sdelay $0x3  }
0x34: {  	[smem:$0x3FAF] =	sst s10  }
0x35: {  	s10 =	sld [smem:$0x3FAE];
	_ =	sdelay $0x3  }
0x36: {  	p1 =	seq.s32 s10, $0x1;
	s10 =	sld [smem:$0x3FAF];
	_ =	sdelay $0x3  }
0x37: {  	[smem:$0x3FAF] =	sst s10  }
0x38: {  	s10 =	sld [smem:$0x3FB0]  }
0x39: {  	_ = 	snop;
	(pc) =	sbr.ind lr, $3  }
0x3a: {  	_ = 	snop  }
0x3b: {  	_ = 	snop  }
0x3c: {  	p2 =	seq.s32 s10, $0x1;
	s10 =	sld [smem:$0x3FAF]  }
0x3d: {  	_ =	shalt  }
0x3e: {  	_ =	shalt  }
0x3f: {  	_ =	shalt  }
0x40: {  	_ =	shalt  }
0x41: {  	_ =	shalt  }
0x42: {  	_ =	shalt  }
0x43: {  	_ =	shalt  }
0x44: {  	_ =	shalt  }
0x45: {  	_ =	shalt  }
0x46: {  	_ =	shalt  }
0x47: {  	_ =	shalt  }
0x48: {  	_ =	shalt  }
0x49: {  	_ =	shalt  }
0x4a: {  	_ =	shalt  }
0x4b: {  	_ =	shalt  }
0x4c: {  	_ =	shalt  }
0x4d: {  	_ =	shalt  }
0x4e: {  	_ =	shalt  }
0x4f: {  	_ =	shalt  }
0x50: {  	_ =	shalt  }
0x51: {  	_ =	shalt  }
0x52: {  	_ =	shalt  }
0x53: {  	_ =	shalt  }
0x54: {  	_ =	shalt  }
0x55: {  	_ =	shalt  }
0x56: {  	_ =	shalt  }
0x57: {  	_ =	shalt  }
0x58: {  	_ =	shalt  }
0x59: {  	_ =	shalt  }
0x5a: {  	_ =	shalt  }
0x5b: {  	_ =	shalt  }
0x5c: {  	_ =	shalt  }
0x5d: {  	_ =	shalt  }
0x5e: {  	_ =	shalt  }
0x5f: {  	_ =	shalt  }
0x60: {  	_ =	shalt  }
0x61: {  	_ =	shalt  }
0x62: {  	_ =	shalt  }
0x63: {  	_ =	shalt  }
0x64: {  	_ =	shalt  }
0x65: {  	_ =	shalt  }
0x66: {  	_ =	shalt  }
0x67: {  	_ =	shalt  }
0x68: {  	_ =	shalt  }
0x69: {  	_ =	shalt  }
0x6a: {  	_ =	shalt  }
0x6b: {  	_ =	shalt  }
0x6c: {  	_ =	shalt  }
0x6d: {  	_ =	shalt  }
0x6e: {  	_ =	shalt  }
0x6f: {  	_ =	shalt  }
0x70: {  	_ =	shalt  }
0x71: {  	_ =	shalt  }
0x72: {  	_ =	shalt  }
0x73: {  	_ =	shalt  }
0x74: {  	_ =	shalt  }
0x75: {  	_ =	shalt  }
0x76: {  	_ =	shalt  }
0x77: {  	_ =	shalt  }
0x78: {  	_ =	shalt  }
0x79: {  	_ =	shalt  }
0x7a: {  	_ =	shalt  }
0x7b: {  	_ =	shalt  }
0x7c: {  	_ =	shalt  }
0x7d: {  	_ =	shalt  }
0x7e: {  	_ =	shalt  }
0x7f: {  	_ =	shalt  }
0x80: {  	_ =	shalt  }
0x81: {  	_ =	shalt  }
0x82: {  	_ =	shalt  }
0x83: {  	_ =	shalt  }
0x84: {  	_ =	shalt  }
0x85: {  	_ =	shalt  }
0x86: {  	_ =	shalt  }
0x87: {  	_ =	shalt  }
.Lfunc_end0:
.L_simem_size_0:
called_computation.3_lowered:
.L_overlay_start_0:
0x88: {  	s2 =	sld [smem:$0x3FD9]  }
0x89: {  	s3 =	sld [smem:$0x3FFE];
	_ =	sdelay $0x1  }
0x8a: {  	s1 =	srdreg.scid  }
0x8b: {  	s0 =	sand.u32 $0x1, s1  }
0x8c: {  	s17 =	sshll.u32 s0, $0xA;
	s2 =	sadd.s32 s3, s2  }
0x8d: {  	s2 =	sadd.s32 s2, s17  }
0x8e: {  	[smem:$0x3FBB] =	sst s2  }
0x8f: {  	_ = 	snop  }
0x90: {  	s2 =	sld [smem:$0x3FC8]  }
0x91: {  	s18 =	sld [smem:$0x3FC7];
	(tm) =	ssettm $0x1  }
0x92: {  	s4 =	sld [smem:$0x3FFB];
	_ =	sdelay $0x3  }
0x93: {  	_ =	strace s4  }
0x94: {  	s4 =	sld [smem:$0x3FFC];
	_ =	sdelay $0x3  }
0x95: {  	_ =	strace s4  }
0x96: {  	s4 =	sld [smem:$0x3FFD];
	_ =	sdelay $0x3  }
0x97: {  	_ =	strace s4  }
0x98: {  	_ =	strace $0x8FFFFFFF  }
0x99: {  	s19 =	sld [smem:$0x3FDB];
	_ =	sdelay $0x1  }
0x9a: {  	s5 =	simm.s32 $_scs_section_size  }
0x9b: {  	s6 =	simm.s32 $_size__tile_overlayer_lowered;
	s7 =	simm.s32 $_tile_overlayer_lowered  }
0x9c: {  	s22 =	simm.s32 $0x1BFF;
	s21 =	sshll.u32 s7, $0x1;
	s4 =	sadd.s32 s5, s19  }
0x9d: {  	s8 =	simm.s32 $0x0;
	s20 =	sshll.u32 s6, $0x1;
	s6 =	sadd.s32 s21, s4  }
0x9e: {  	[timem:s8], [sflag:s22] =	dma.local [hbm:s6], s20  }
0x9f: {  	_ =	swait.ge [sflag:s22], s20  }
0xa0: {  	s5 =	ssub.s32 $0x0, s20;
	[sflag:s22] =	ssyncset.done $0x0  }
0xa1: {  	[sflag:s22] =	ssyncadd.s32 s5;
	_ =	sdelay $0x1  }
0xa2: {  	s23 =	simm.s32 $0x1B8B  }
0xa3: {  	_ =	swait.ge [sflag:s23], $0x1  }
0xa4: {  	[sflag:s23] =	ssyncset.done $0x0  }
0xa5: {  	s25 =	simm.s32 $0x1B8E;
	s24 =	sld [smem:$0x3FFE];
	[sflag:s23] =	ssyncadd.s32 $0xFFFFFFFF  }
0xa6: {  	s26 =	simm.s32 $execute0_lowered;
	[smem:$0x3FD2] =	sst s25  }
0xa7: {  	s6 =	sshll.u32 s26, $0x1;
	_ =	strace $0x8000004F;
	[dreg:$0x1] =	wrdreg $0xFFFFFFFF  }
0xa8: {  	s28 =	simm.s32 $_size_execute0_lowered;
	s4 =	sadd.s32 s4, s6;
	[dreg:$0x0] =	wrdreg $0x0  }
0xa9: {  	s6 =	sshll.u32 s28, $0x1;
	[dreg:$0x2] =	wrdreg s4  }
0xaa: {  	[dreg:$0x3] =	wrdreg s6  }
0xab: {  	[dreg:$0x4] =	wrdreg $0xC0  }
0xac: {  	_ =	task [dreg:s8], $0x5FFFF  }
0xad: {  	[dreg:$0x1] =	wrdreg $0xFFFFFFFF  }
0xae: {  	[dreg:$0x0] =	wrdreg $0x60  }
0xaf: {  	[dreg:$0x2] =	wrdreg s24  }
0xb0: {  	[dreg:$0x3] =	wrdreg s18  }
0xb1: {  	[dreg:$0x4] =	wrdreg s2  }
0xb2: {  	[dreg:$0x5] =	wrdreg $0xA8800  }
0xb3: {  	[dreg:$0x6] =	wrdreg $0x9  }
0xb4: {  	_ =	task.clear_ibuf [dreg:s8], $0x7FFFF;
	_ =	strace $0x9000004F  }
0xb5: {  	s29 =	simm.s32 $0x9;
	_ =	strace $0x80000051  }
0xb6: {  	_ =	swait.ge [sflag:s29], $0x1  }
0xb7: {  	[sflag:s29] =	ssyncadd.s32 $0xFFFFFFFF  }
0xb8: {  	_ =	strace $0x90000051  }
0xb9: {  	_ =	sfence  }
0xba: {  	s30 =	sld [smem:$0x0];
	_ =	sdelay $0x2  }
0xbb: {  	s31 =	sshll.u32 s1, $0xD;
	s1 =	sshrl.u32 s1, $0x2  }
0xbc: {  	s3 =	sand.u32 $0x4000, s31;
	s1 =	sadd.s32 s1, s30  }
0xbd: {  	s0 =	sor.u32 s3, s0;
	s1 =	sshll.u32 s1, $0x11  }
0xbe: {  	s0 =	sor.u32 s1, s0  }
0xbf: {  	s0 =	sadd.s32 $0x8F2B, s0  }
0xc0: {  	[sflag:s0] =	ssyncadd.remote.s32 $0x1  }
0xc1: {  	_ =	sfence.sel $0xFFFF  }
0xc2: {  	[dreg:$0x0] =	wrdreg $0xFFFFFFFF;
	(pc) =	sbr.abs _section_cstart, $3  }
0xc3: {  	[dreg:$0x1] =	wrdreg $0xFFFFFFFF  }
0xc4: {  	_ =	task.clear_ibuf [dreg:s8], $0x2FFFF;
	_ =	strace $0x9FFFFFFF  }
0xc5: {  	(tm) =	ssettm $0x7FFFFFFF  }
tec
execute0_lowered:
.L_overlay_start_1:
0x0: {  	(tag) =	ssettag $0x1  }
0x1: {  	s0 =	rddreg [dreg:$0x0]  }
0x2: {  	s1 =	rddreg [dreg:$0x1]  }
0x3: {  	s4 =	rddreg [dreg:$0x2];
	s3 =	srdreg.scid  }
0x4: {  	s2 =	rddreg [dreg:$0x3];
	s16 =	stileid.u32  }
0x5: {  	s28 =	simm.s32 $0x5;
	s29 =	simm.s32 $0x2880;
	s30 =	simm.s32 $0x2780  }
0x6: {  	s31 =	simm.s32 $0x80;
	s5 =	sand.u32 $0x1, s3;
	s7 =	smul.u32 $0x14000, s16  }
0x7: {  	s3 =	simm.s32 $0x0;
	s9 =	smul.u32 $0x2710, s16;
	s10 =	sadd.s32 $0x2C600, s0  }
0x8: {  	s6 =	smul.u32 $0x140000, s5;
	s8 =	ssub.s32 $0x2, s5;
	[smem:$0x7FF] =	sst s3  }
0x9: {  	s11 =	sshrl.u32 s8, $0x1;
	s9 =	sshrl.u32 s9, $0x3;
	s20 =	sadd.s32 $0x7800, s7  }
0xa: {  	s21 =	sadd.s32 $0xA000, s7;
	s22 =	sadd.s32 $0xC800, s7;
	s23 =	sadd.s32 $0xF000, s7  }
0xb: {  	s12 =	sadd.s32 s6, s7;
	s8 =	ssub.s32 s8, s11;
	s14 =	sadd.s32 s6, s20  }
0xc: {  	s15 =	sadd.s32 s6, s21;
	s19 =	sadd.s32 s6, s22;
	s24 =	sadd.s32 s6, s23  }
0xd: {  	s1 =	sadd.s32 s1, s9;
	s20 =	sadd.s32 s20, s2;
	s21 =	sadd.s32 s21, s2  }
0xe: {  	s22 =	sadd.s32 s22, s2;
	s23 =	sadd.s32 s23, s2;
	s25 =	sshrl.u32 s12, $0x3  }
0xf: {  	s12 =	sadd.s32 $0x5000, s7;
	s14 =	sshrl.u32 s14, $0x3;
	s17 =	sshrl.u32 s15, $0x3  }
0x10: {  	[dreg:$0xd] =	wrdreg s1;
	s15 =	sadd.s32 $0x5400, s0;
	s0 =	simm.s32 $0x2800  }
0x11: {  	s1 =	simm.s32 $0x6880;
	s11 =	sadd.s32 s10, s25;
	s26 =	sadd.s32 s6, s12  }
0x12: {  	s18 =	sadd.s32 s10, s17;
	s25 =	sshrl.u32 s24, $0x3;
	[dreg:$0x5] =	wrdreg s11  }
0x13: {  	s11 =	sor.u32 $0x2800, s7;
	s7 =	sadd.s32 $0x11800, s7;
	[dreg:$0x9] =	wrdreg s18  }
0x14: {  	s13 =	sadd.s32 s6, s11;
	s6 =	sadd.s32 s6, s7;
	s18 =	sadd.s32 s11, s2  }
0x15: {  	s24 =	sadd.s32 s7, s2;
	s13 =	sshrl.u32 s13, $0x3;
	s6 =	sshrl.u32 s6, $0x3  }
0x16: {  	s7 =	simm.s32 $0x2;
	s13 =	sadd.s32 s10, s13;
	s6 =	sadd.s32 s10, s6  }
0x17: {  	[dreg:$0x6] =	wrdreg s13;
	s13 =	sshrl.u32 s26, $0x3;
	s26 =	smul.u32 $0x4E2, s16  }
0x18: {  	[dreg:$0xc] =	wrdreg s6;
	s6 =	simm.s32 $0x4;
	s13 =	sadd.s32 s10, s13  }
0x19: {  	[dreg:$0x7] =	wrdreg s13;
	s13 =	sadd.s32 s10, s14;
	s14 =	sadd.s32 s26, s4  }
0x1a: {  	s26 =	smax.u32 s8, $0x1;
	[dreg:$0x8] =	wrdreg s13;
	s13 =	sshrl.u32 s19, $0x3  }
0x1b: {  	s8 =	simm.s32 $0x10;
	s19 =	sadd.s32 s12, s2;
	s13 =	sadd.s32 s10, s13  }
0x1c: {  	[dreg:$0xa] =	wrdreg s13;
	s13 =	sadd.s32 s10, s25;
	s10 =	smul.u32 $0x50000, s16  }
0x1d: {  	s16 =	smul.u32 $0x1388, s5;
	s5 =	simm.s32 $0x1;
	[dreg:$0xb] =	wrdreg s13  }
0x1e: {  	s13 =	sadd.s32 s4, s9;
	s4 =	simm.s32 $0x3;
	s9 =	simm.s32 $0x0  }
0x1f: {  	_ =	strace $0x80000050;
	s25 =	sshrl.u32 s10, $0x2;
	[dreg:$0xe] =	wrdreg s26  }
0x20: {  	v1 =	vimm.f32 $0.0e+00;
	s26 =	sadd.s32 $0x4E0, s13;
	v0 =	vmov s16;
	s17 =	sadd.s32 s25, s2;
	s25 =	sadd.s32 $0x10, s13  }
.LBB2_1:
0x21: {  	s10 =	rddreg [dreg:$0xd]  }
0x22: {  	[tilespmem:s3], [sflag:$0x5] =	stream.linear.gather [hbm4b:s10+s3], $0x2710, $0x38;
	[tilespmem:$0x1E880] =	vst v63  }
0x23: {  	_ =	swait.ge [sflag:s28], $0x2710  }
0x24: {  	[sflag:s28] =	ssyncset.done $0x0  }
0x25: {  	s11 =	simm.s32 $0x40;
	s10 =	simm.s32 $0x0;
	[sflag:s28] =	ssyncadd.s32 $0xFFFFD8F0  }
.LBB2_2:
0x26: {  	p0 =	sne.s32 s11, $0x9C00;
	v2 =	vld [tilespmem:s10+$0x0];
	_ =	sdelay $0x1  }
.Ltmp0:
0x27: {  	(pc) =	sbr.rel @p0 .LBB2_2-.Ltmp0, $3  }
0x28: {  	_ =	sdelay $0x1  }
0x29: {  	v2 =	vadd.s32 v0, v2  }
0x2a: {  	[tilespmem:s10+$0x0] =	vst v2;
	s10 =	sshra.s32 s11, $0x2;
	s11 =	sadd.s32 $0x40, s11  }
0x2b: {  	v2 =	vld [tilespmem:s10+$0x0];
	_ =	sdelay $0x4  }
0x2c: {  	v2 =	vadd.s32 v0, v2  }
0x2d: {  	s11 =	simm.s32 $0x200;
	[tilespmem:s10+$0x0] =	vst v2;
	s10 =	simm.s32 $0x0  }
.LBB2_4:
0x2e: {  	p0 =	sne.s32 s11, $0x9E00;
	[tilespmem:s10+$0x28F0] =	vst v1  }
0x2f: {  	[tilespmem:s10+$0x2880] =	vst v1  }
0x30: {  	[tilespmem:s10+$0x2890] =	vst v1  }
.Ltmp1:
0x31: {  	[tilespmem:s10+$0x28A0] =	vst v1;
	(pc) =	sbr.rel @p0 .LBB2_4-.Ltmp1, $4  }
0x32: {  	[tilespmem:s10+$0x28B0] =	vst v1  }
0x33: {  	[tilespmem:s10+$0x28C0] =	vst v1  }
0x34: {  	[tilespmem:s10+$0x28D0] =	vst v1  }
0x35: {  	[tilespmem:s10+$0x28E0] =	vst v1;
	s10 =	sshra.s32 s11, $0x2;
	s11 =	sadd.s32 $0x200, s11  }
0x36: {  	[tilespmem:s10+$0x28F0] =	vst v1  }
0x37: {  	[tilespmem:s10+$0x2880] =	vst v1  }
0x38: {  	[tilespmem:s10+$0x2890] =	vst v1  }
0x39: {  	[tilespmem:s10+$0x28A0] =	vst v1  }
0x3a: {  	[tilespmem:s10+$0x28B0] =	vst v1  }
0x3b: {  	[tilespmem:s10+$0x28C0] =	vst v1  }
0x3c: {  	[tilespmem:s10+$0x28D0] =	vst v1  }
0x3d: {  	[tilespmem:s10+$0x28E0] =	vst v1  }
0x3e: {  	[spmem:s17] =	stream.linear.scatter [tilespmem:s29], [sflag:$0x5], $0x2800, $0x38;
	[tilespmem:$0x1E880] =	vst v63  }
0x3f: {  	_ =	swait.ge [sflag:s28], $0x2800  }
0x40: {  	[sflag:s28] =	ssyncset.done $0x0  }
0x41: {  	[sflag:s28] =	ssyncadd.s32 $0xFFFFD800  }
0x42: {  	[spmem:s18] =	stream.linear.scatter [tilespmem:s29], [sflag:$0x5], $0x2800, $0x38;
	[tilespmem:$0x1E880] =	vst v63  }
0x43: {  	_ =	swait.ge [sflag:s28], $0x2800  }
0x44: {  	[sflag:s28] =	ssyncset.done $0x0  }
0x45: {  	[sflag:s28] =	ssyncadd.s32 $0xFFFFD800  }
0x46: {  	[spmem:s19] =	stream.linear.scatter [tilespmem:s29], [sflag:$0x5], $0x2800, $0x38;
	[tilespmem:$0x1E880] =	vst v63  }
0x47: {  	_ =	swait.ge [sflag:s28], $0x2800  }
0x48: {  	[sflag:s28] =	ssyncset.done $0x0  }
0x49: {  	[sflag:s28] =	ssyncadd.s32 $0xFFFFD800  }
0x4a: {  	[spmem:s20] =	stream.linear.scatter [tilespmem:s29], [sflag:$0x5], $0x2800, $0x38;
	[tilespmem:$0x1E880] =	vst v63  }
0x4b: {  	_ =	swait.ge [sflag:s28], $0x2800  }
0x4c: {  	[sflag:s28] =	ssyncset.done $0x0  }
0x4d: {  	[sflag:s28] =	ssyncadd.s32 $0xFFFFD800  }
0x4e: {  	[spmem:s21] =	stream.linear.scatter [tilespmem:s29], [sflag:$0x5], $0x2800, $0x38;
	[tilespmem:$0x1E880] =	vst v63  }
0x4f: {  	_ =	swait.ge [sflag:s28], $0x2800  }
0x50: {  	[sflag:s28] =	ssyncset.done $0x0  }
0x51: {  	[sflag:s28] =	ssyncadd.s32 $0xFFFFD800  }
0x52: {  	[spmem:s22] =	stream.linear.scatter [tilespmem:s29], [sflag:$0x5], $0x2800, $0x38;
	[tilespmem:$0x1E880] =	vst v63  }
0x53: {  	_ =	swait.ge [sflag:s28], $0x2800  }
0x54: {  	[sflag:s28] =	ssyncset.done $0x0  }
0x55: {  	[sflag:s28] =	ssyncadd.s32 $0xFFFFD800  }
0x56: {  	[spmem:s23] =	stream.linear.scatter [tilespmem:s29], [sflag:$0x5], $0x2800, $0x38;
	[tilespmem:$0x1E880] =	vst v63  }
0x57: {  	_ =	swait.ge [sflag:s28], $0x2800  }
0x58: {  	[sflag:s28] =	ssyncset.done $0x0  }
0x59: {  	[sflag:s28] =	ssyncadd.s32 $0xFFFFD800  }
0x5a: {  	[spmem:s24] =	stream.linear.scatter [tilespmem:s29], [sflag:$0x5], $0x2800, $0x38;
	[tilespmem:$0x1E880] =	vst v63  }
0x5b: {  	_ =	swait.ge [sflag:s28], $0x2800  }
0x5c: {  	[sflag:s28] =	ssyncset.done $0x0  }
0x5d: {  	[sflag:s28] =	ssyncadd.s32 $0xFFFFD800  }
0x5e: {  	[bflag:$0x0] =	sbarrier.arrive $0xFFFF  }
0x5f: {  	[tilespmem:s30], [sflag:$0x3] =	stream.linear.gather [hbm4b:s13+s3], $0x80, $0x38;
	[tilespmem:$0x1E880] =	vst v63  }
0x60: {  	_ = 	snop  }
0x61: {  	[tilespmem:s29], [sflag:$0x1] =	stream.indirect.gather [hbm4b:s15+s31], $0x80, s3, s31, $0xb8;
	[tilespmem:$0x1E880] =	vst v63  }
0x62: {  	_ = 	snop  }
0x63: {  	[tilespmem:s0], [sflag:$0x4] =	stream.linear.gather [hbm4b:s25+s3], $0x80, $0x38;
	[tilespmem:$0x1E880] =	vst v63  }
0x64: {  	_ = 	snop  }
0x65: {  	[tilespmem:s1], [sflag:$0x2] =	stream.indirect.gather [hbm4b:s15+s31], $0x80, s31, s31, $0xb8;
	[tilespmem:$0x1E880] =	vst v63  }
0x66: {  	_ =	swait.ge [sflag:s4], $0x80  }
0x67: {  	[sflag:s4] =	ssyncset.done $0x0  }
0x68: {  	[sflag:s4] =	ssyncadd.s32 $0xFFFFFF80  }
0x69: {  	_ =	swait.ge [sflag:s5], $0x4000  }
0x6a: {  	[sflag:s5] =	ssyncset.done $0x0  }
0x6b: {  	[sflag:s5] =	ssyncadd.s32 $0xFFFFC000  }
0x6c: {  	[spmem:s2] =	stream.indirect.scatter.add.f32 [tilespmem:s29], [sflag:$0x5], $0x80, s30, s31, $0xb8;
	[tilespmem:$0x1E880] =	vst v63  }
0x6d: {  	_ =	swait.ge [sflag:s28], $0x4000  }
0x6e: {  	s12 =	sadd.s32 $0xFFFFFB40, s14;
	[sflag:s28] =	ssyncset.done $0x0  }
0x6f: {  	s11 =	sadd.s32 $0x4E0, s12;
	[sflag:s28] =	ssyncadd.s32 $0xFFFFC000  }
0x70: {  	[tilespmem:s30], [sflag:$0x3] =	stream.linear.gather [hbm4b:s11+s3], $0x80, $0x38;
	[tilespmem:$0x1E880] =	vst v63  }
0x71: {  	s16 =	simm.s32 $0x100  }
0x72: {  	[tilespmem:s29], [sflag:$0x1] =	stream.indirect.gather [hbm4b:s15+s31], $0x80, s16, s31, $0xb8;
	[tilespmem:$0x1E880] =	vst v63  }
0x73: {  	_ =	swait.ge [sflag:s6], $0x80  }
0x74: {  	[sflag:s6] =	ssyncset.done $0x0  }
0x75: {  	[sflag:s6] =	ssyncadd.s32 $0xFFFFFF80  }
0x76: {  	_ =	swait.ge [sflag:s7], $0x4000  }
0x77: {  	[sflag:s7] =	ssyncset.done $0x0  }
0x78: {  	[sflag:s7] =	ssyncadd.s32 $0xFFFFC000  }
0x79: {  	[spmem:s2] =	stream.indirect.scatter.add.f32 [tilespmem:s1], [sflag:$0x5], $0x80, s0, s31, $0xb8;
	[tilespmem:$0x1E880] =	vst v63  }
0x7a: {  	_ =	swait.ge [sflag:s28], $0x4000  }
0x7b: {  	[sflag:s28] =	ssyncset.done $0x0  }
0x7c: {  	s10 =	sadd.s32 $0x4F0, s12;
	[sflag:s28] =	ssyncadd.s32 $0xFFFFC000  }
0x7d: {  	[tilespmem:s0], [sflag:$0x4] =	stream.linear.gather [hbm4b:s10+s3], $0x80, $0x38;
	[tilespmem:$0x1E880] =	vst v63  }
0x7e: {  	s12 =	simm.s32 $0x180;
	s11 =	simm.s32 $0x200;
	s10 =	simm.s32 $0xFFFFFB60  }
.LBB2_6:
0x7f: {  	[tilespmem:s1], [sflag:$0x2] =	stream.indirect.gather [hbm4b:s15+s31], $0x80, s12, s31, $0xb8;
	[tilespmem:$0x1E880] =	vst v63  }
0x80: {  	s12 =	smov.u32 s10  }
0x81: {  	p0 =	sne.s32 s10, $0xFFFFFFE0;
	s10 =	sadd.s32 $0x20, s10;
	_ =	swait.ge [sflag:s4], $0x80  }
0x82: {  	[sflag:s4] =	ssyncset.done $0x0  }
0x83: {  	[sflag:s4] =	ssyncadd.s32 $0xFFFFFF80  }
0x84: {  	_ =	swait.ge [sflag:s5], $0x4000  }
0x85: {  	[sflag:s5] =	ssyncset.done $0x0  }
0x86: {  	[sflag:s5] =	ssyncadd.s32 $0xFFFFC000  }
0x87: {  	[spmem:s2] =	stream.indirect.scatter.add.f32 [tilespmem:s29], [sflag:$0x5], $0x80, s30, s31, $0xb8;
	[tilespmem:$0x1E880] =	vst v63  }
0x88: {  	_ =	swait.ge [sflag:s28], $0x4000  }
0x89: {  	s12 =	sadd.s32 s12, s14;
	[sflag:s28] =	ssyncset.done $0x0  }
0x8a: {  	s16 =	sadd.s32 $0x4E0, s12;
	[sflag:s28] =	ssyncadd.s32 $0xFFFFC000  }
0x8b: {  	[tilespmem:s30], [sflag:$0x3] =	stream.linear.gather [hbm4b:s16+s3], $0x80, $0x38;
	[tilespmem:$0x1E880] =	vst v63  }
0x8c: {  	_ = 	snop  }
0x8d: {  	[tilespmem:s29], [sflag:$0x1] =	stream.indirect.gather [hbm4b:s15+s31], $0x80, s11, s31, $0xb8;
	[tilespmem:$0x1E880] =	vst v63  }
0x8e: {  	_ =	swait.ge [sflag:s6], $0x80  }
0x8f: {  	[sflag:s6] =	ssyncset.done $0x0  }
0x90: {  	[sflag:s6] =	ssyncadd.s32 $0xFFFFFF80  }
0x91: {  	_ =	swait.ge [sflag:s7], $0x4000  }
0x92: {  	[sflag:s7] =	ssyncset.done $0x0  }
0x93: {  	[sflag:s7] =	ssyncadd.s32 $0xFFFFC000  }
0x94: {  	[spmem:s2] =	stream.indirect.scatter.add.f32 [tilespmem:s1], [sflag:$0x5], $0x80, s0, s31, $0xb8;
	[tilespmem:$0x1E880] =	vst v63  }
.Ltmp2:
0x95: {  	_ =	swait.ge [sflag:s28], $0x4000;
	(pc) =	sbr.rel @p0 .LBB2_6-.Ltmp2, $4  }
0x96: {  	[sflag:s28] =	ssyncset.done $0x0  }
0x97: {  	s12 =	sadd.s32 $0x4F0, s12;
	[sflag:s28] =	ssyncadd.s32 $0xFFFFC000  }
0x98: {  	[tilespmem:s0], [sflag:$0x4] =	stream.linear.gather [hbm4b:s12+s3], $0x80, $0x38;
	[tilespmem:$0x1E880] =	vst v63  }
0x99: {  	s12 =	sadd.s32 $0x80, s11;
	s11 =	sadd.s32 $0x100, s11  }
0x9a: {  	[tilespmem:s1], [sflag:$0x2] =	stream.indirect.gather [hbm4b:s15+s31], $0x80, s12, s31, $0xb8;
	[tilespmem:$0x1E880] =	vst v63  }
0x9b: {  	_ =	swait.ge [sflag:s4], $0x80  }
0x9c: {  	[sflag:s4] =	ssyncset.done $0x0  }
0x9d: {  	[sflag:s4] =	ssyncadd.s32 $0xFFFFFF80  }
0x9e: {  	_ =	swait.ge [sflag:s5], $0x4000  }
0x9f: {  	[sflag:s5] =	ssyncset.done $0x0  }
0xa0: {  	[sflag:s5] =	ssyncadd.s32 $0xFFFFC000  }
0xa1: {  	[spmem:s2] =	stream.indirect.scatter.add.f32 [tilespmem:s29], [sflag:$0x5], $0x80, s30, s31, $0xb8;
	[tilespmem:$0x1E880] =	vst v63  }
0xa2: {  	_ =	swait.ge [sflag:s28], $0x4000  }
0xa3: {  	[sflag:s28] =	ssyncset.done $0x0  }
0xa4: {  	[sflag:s28] =	ssyncadd.s32 $0xFFFFC000  }
0xa5: {  	_ =	swait.ge [sflag:s6], $0x80  }
0xa6: {  	[sflag:s6] =	ssyncset.done $0x0  }
0xa7: {  	[sflag:s6] =	ssyncadd.s32 $0xFFFFFF80  }
0xa8: {  	_ =	swait.ge [sflag:s7], $0x4000  }
0xa9: {  	[sflag:s7] =	ssyncset.done $0x0  }
0xaa: {  	[sflag:s7] =	ssyncadd.s32 $0xFFFFC000  }
0xab: {  	[spmem:s2] =	stream.indirect.scatter.add.f32 [tilespmem:s1], [sflag:$0x5], $0x80, s0, s31, $0xb8;
	[tilespmem:$0x1E880] =	vst v63  }
0xac: {  	_ =	swait.ge [sflag:s28], $0x4000  }
0xad: {  	[sflag:s28] =	ssyncset.done $0x0  }
0xae: {  	[sflag:s28] =	ssyncadd.s32 $0xFFFFC000  }
0xaf: {  	[tilespmem:s30], [sflag:$0x3] =	stream.linear.gather [hbm4b:s26+s3], $0x10, $0x38;
	[tilespmem:$0x1E880] =	vst v63  }
0xb0: {  	s10 =	simm.s32 $0x2700  }
0xb1: {  	[tilespmem:s29], [sflag:$0x1] =	stream.indirect.gather [hbm4b:s15+s8], $0x80, s10, s8, $0xb8;
	[tilespmem:$0x1E880] =	vst v63  }
0xb2: {  	_ =	swait.ge [sflag:s4], $0x10  }
0xb3: {  	[sflag:s4] =	ssyncset.done $0x0  }
0xb4: {  	[sflag:s4] =	ssyncadd.s32 $0xFFFFFFF0  }
0xb5: {  	_ =	swait.ge [sflag:s5], $0x800  }
0xb6: {  	[sflag:s5] =	ssyncset.done $0x0  }
0xb7: {  	[sflag:s5] =	ssyncadd.s32 $0xFFFFF800  }
0xb8: {  	[spmem:s2] =	stream.indirect.scatter.add.f32 [tilespmem:s29], [sflag:$0x5], $0x80, s30, s8, $0xb8;
	[tilespmem:$0x1E880] =	vst v63  }
0xb9: {  	_ =	swait.ge [sflag:s28], $0x800  }
0xba: {  	[sflag:s28] =	ssyncset.done $0x0  }
0xbb: {  	s12 =	stileid.u32;
	[sflag:s28] =	ssyncadd.s32 $0xFFFFF800  }
0xbc: {  	s10 =	sshll.u32 s12, $0x6;
	[bflag:$0x0] =	sbarrier.arrive $0xFFFF  }
0xbd: {  	s11 =	sshrl.u32 s17, $0x3;
	s10 =	sor.u32 $0x1C05, s10;
	s16 =	rddreg [dreg:$0x5]  }
0xbe: {  	[hbm:s16], [sflag:s10] =	dma.local [spmem:s11], $0x500  }
0xbf: {  	_ =	swait.ge [sflag:s28], $0x500  }
0xc0: {  	[sflag:s28] =	ssyncset.done $0x0  }
0xc1: {  	s12 =	sshrl.u32 s18, $0x3;
	s16 =	rddreg [dreg:$0x6];
	[sflag:s28] =	ssyncadd.s32 $0xFFFFFB00  }
0xc2: {  	[hbm:s16], [sflag:s10] =	dma.local [spmem:s12], $0x500  }
0xc3: {  	_ =	swait.ge [sflag:s28], $0x500  }
0xc4: {  	[sflag:s28] =	ssyncset.done $0x0  }
0xc5: {  	s12 =	sshrl.u32 s19, $0x3;
	s16 =	rddreg [dreg:$0x7];
	[sflag:s28] =	ssyncadd.s32 $0xFFFFFB00  }
0xc6: {  	[hbm:s16], [sflag:s10] =	dma.local [spmem:s12], $0x500  }
0xc7: {  	_ =	swait.ge [sflag:s28], $0x500  }
0xc8: {  	[sflag:s28] =	ssyncset.done $0x0  }
0xc9: {  	s12 =	sshrl.u32 s20, $0x3;
	s16 =	rddreg [dreg:$0x8];
	[sflag:s28] =	ssyncadd.s32 $0xFFFFFB00  }
0xca: {  	[hbm:s16], [sflag:s10] =	dma.local [spmem:s12], $0x500  }
0xcb: {  	_ =	swait.ge [sflag:s28], $0x500  }
0xcc: {  	[sflag:s28] =	ssyncset.done $0x0  }
0xcd: {  	s12 =	sshrl.u32 s21, $0x3;
	s16 =	rddreg [dreg:$0x9];
	[sflag:s28] =	ssyncadd.s32 $0xFFFFFB00  }
0xce: {  	[hbm:s16], [sflag:s10] =	dma.local [spmem:s12], $0x500  }
0xcf: {  	_ =	swait.ge [sflag:s28], $0x500  }
0xd0: {  	[sflag:s28] =	ssyncset.done $0x0  }
0xd1: {  	s12 =	sshrl.u32 s22, $0x3;
	s16 =	rddreg [dreg:$0xa];
	[sflag:s28] =	ssyncadd.s32 $0xFFFFFB00  }
0xd2: {  	[hbm:s16], [sflag:s10] =	dma.local [spmem:s12], $0x500  }
0xd3: {  	_ =	swait.ge [sflag:s28], $0x500  }
0xd4: {  	[sflag:s28] =	ssyncset.done $0x0  }
0xd5: {  	s12 =	sshrl.u32 s23, $0x3;
	s16 =	rddreg [dreg:$0xb];
	[sflag:s28] =	ssyncadd.s32 $0xFFFFFB00  }
0xd6: {  	[hbm:s16], [sflag:s10] =	dma.local [spmem:s12], $0x500  }
0xd7: {  	_ =	swait.ge [sflag:s28], $0x500  }
0xd8: {  	[sflag:s28] =	ssyncset.done $0x0  }
0xd9: {  	s12 =	sshrl.u32 s24, $0x3;
	s16 =	rddreg [dreg:$0xc];
	[sflag:s28] =	ssyncadd.s32 $0xFFFFFB00  }
0xda: {  	[hbm:s16], [sflag:s10] =	dma.local [spmem:s12], $0x500  }
0xdb: {  	_ =	swait.ge [sflag:s28], $0x500  }
0xdc: {  	s9 =	sadd.s32 $0x1, s9;
	s16 =	rddreg [dreg:$0xe]  }
0xdd: {  	p0 =	sne.s32 s9, s16  }
.Ltmp3:
0xde: {  	_ = 	snop;
	(pc) =	sbr.rel @p0 .LBB2_1-.Ltmp3, $3  }
0xdf: {  	_ =	sdelay $0x1  }
0xe0: {  	[sflag:s28] =	ssyncset.done $0x0  }
0xe1: {  	[sflag:s28] =	ssyncadd.s32 $0xFFFFFB00  }
0xe2: {  	_ =	sfence.sel $0x180000  }
0xe3: {  	[bflag:$0x0] =	sbarrier.arrive $0xFFFF  }
0xe4: {  	_ =	strace $0x90000050  }
0xe5: {  	s0 =	stileid.u32;
	[bflag:$0x2] =	sbarrier.arrive $0xFFFF  }
0xe6: {  	p0 =	sne.s32 s0, $0x0;
	s0 =	rddreg [dreg:$0x4]  }
0xe7: {  	s0 =	sadd.s32 @!p0 $0x100000, s0  }
0xe8: {  	[sflag:s0] =	ssyncadd.tile.s32 @!p0 $0x1;
	_ =	shalt  }
.Lfunc_end2:
_tile_overlayer_lowered:
.L_overlay_start_2:
0xe9: {  	(tag) =	ssettag $0x2  }
0xea: {  	s0 =	rddreg [dreg:$0x0];
	s2 =	stileid.u32  }
0xeb: {  	s1 =	rddreg [dreg:$0x1];
	p0 =	sne.s32 s2, $0x0  }
0xec: {  	s3 =	rddreg [dreg:$0x2];
	[bflag:$0x3] =	sbarrier.arrive $0xFFFF;
	s2 =	simm.s32 @!p0 $0x1C05  }
0xed: {  	[timem:s3], [sflag:s2] =	dma.local @!p0 [hbm:s0], s1  }
0xee: {  	s0 =	simm.s32 @!p0 $0x5  }
0xef: {  	_ =	swait.ge @!p0 [sflag:s0], s1  }
0xf0: {  	s1 =	ssub.s32 @!p0 $0x0, s1;
	[sflag:s0] =	ssyncset.done @!p0 $0x0  }
0xf1: {  	[sflag:s0] =	ssyncadd.s32 @!p0 s1  }
0xf2: {  	[bflag:$0x3] =	sbarrier.arrive $0xFFFF  }
0xf3: {  	_ =	shalt  }

// kernel: kernel.27.cloned.1.call-start
scs
__scs_entry_jumppad:
0x0: {  	(pc) =	sbr.rel $0x88, $3  }
0x1: {  	(tag) =	ssettag $0x0;
	lr =	simm.s32 $0x1  }
0x2: {  	[smem:$0x3F94] =	sst lr;
	_ =	strace $0xD0000000  }
0x3: {  	_ = 	snop  }
0x4: {  	_ = 	snop  }
0x5: {  	_ = 	snop  }
0x6: {  	_ = 	snop  }
0x7: {  	_ = 	snop  }
__scs_overlays_trampoline_lowered:
0x8: {  	[smem:$0x3FA3] =	sst s0  }
0x9: {  	[smem:$0x3FA4] =	sst s1  }
0xa: {  	[smem:$0x3FA5] =	sst s2  }
0xb: {  	[smem:$0x3FA6] =	sst s3  }
0xc: {  	[smem:$0x3FA7] =	sst s4  }
0xd: {  	[smem:$0x3FA8] =	sst s5  }
0xe: {  	[smem:$0x3FA9] =	sst s6  }
0xf: {  	[smem:$0x3FAA] =	sst s7  }
0x10: {  	[smem:$0x3FAB] =	sst s8  }
0x11: {  	[smem:$0x3FAC] =	sst s9;
	s0 =	simm.s32 @!p0 $0x0  }
0x12: {  	s1 =	sld [smem:$0x3F92];
	s0 =	simm.s32 @p0 $0x1  }
0x13: {  	[smem:$0x3FAD] =	sst s0;
	s0 =	simm.s32 @!p1 $0x0  }
0x14: {  	s2 =	sld [smem:$0x3F91];
	s0 =	simm.s32 @p1 $0x1  }
0x15: {  	[smem:$0x3FAE] =	sst s0;
	s0 =	simm.s32 @!p2 $0x0  }
0x16: {  	s3 =	sld [smem:$0x3FDB];
	s0 =	simm.s32 @p2 $0x1  }
0x17: {  	s4 =	simm.s32 $0x1BF5;
	[smem:$0x3FB0] =	sst s0  }
0x18: {  	s0 =	sld [smem:$0x3F93];
	_ =	swait.ge [sflag:s4], $0x0  }
0x19: {  	s7 =	sld [smem:$0x3F94]  }
0x1a: {  	s8 =	sadd.s32 $0xFFFFE003, lr  }
0x1b: {  	s9 =	sadd.s32 $0xFFFFFEF7, lr;
	s5 =	simm.s32 $0xFFFFFFFF;
	p2 =	slt.u32 s8, $0xFFFFF086  }
0x1c: {  	p1 =	slt.u32 s9, $0xF7A;
	s5 =	simm.s32 @!p2 $0x0  }
0x1d: {  	s5 =	simm.s32 @p1 $0x1;
	p0 =	seq.s32 s7, s2  }
0x1e: {  	s7 =	smul.u32 @!p0 $0xF7A, s2;
	p2 =	seq.s32 @!p0 s5, $0x0  }
0x1f: {  	s9 =	smul.u32 $0xF7A, s1;
	s8 =	simm.s32 @!p0 $0x1BF5;
	p2 =	por !p2, p0  }
0x20: {  	[sflag:s8] =	ssyncset.s32 @!p0 $0xFFFFF086;
	s6 =	sadd.s32 @!p0 s3, s7;
	s7 =	simm.s32 @!p0 $0x108  }
0x21: {  	s3 =	sadd.s32 s3, s9;
	s6 =	sadd.s32 @!p0 $0x88, s6;
	s7 =	simm.s32 @p2 $0x1082  }
0x22: {  	[simem:s7], [sflag:s8] =	dma.local @!p0 [hbm:s6], $0xF7A  }
0x23: {  	s9 =	sor.u32 $0xD0000000, s2;
	s6 =	simm.s32 $0x108;
	_ =	swait.ge @!p0 [sflag:s8], $0x0  }
0x24: {  	s3 =	sadd.s32 $0x88, s3;
	s6 =	simm.s32 @!p1 $0x1082;
	[sflag:s4] =	ssyncset.s32 $0xFFFFF086  }
0x25: {  	[simem:s6], [sflag:s4] =	dma.local [hbm:s3], $0xF7A  }
0x26: {  	[smem:$0x3F94] =	sst s1;
	(tag) =	ssettag s2;
	_ =	strace s9  }
0x27: {  	s1 =	sld [smem:$0x3FA4]  }
0x28: {  	s2 =	sld [smem:$0x3FA5]  }
0x29: {  	s4 =	sld [smem:$0x3FA7]  }
0x2a: {  	p0 =	seq.s32 s5, $0x0;
	s5 =	sld [smem:$0x3FA8]  }
0x2b: {  	s6 =	sld [smem:$0x3FA9]  }
0x2c: {  	s7 =	sld [smem:$0x3FAA]  }
0x2d: {  	s3 =	simm.s32 $0x108;
	s8 =	sld [smem:$0x3FAB]  }
0x2e: {  	s3 =	simm.s32 @!p0 $0x1082;
	s9 =	sld [smem:$0x3FAC]  }
0x2f: {  	lr =	sadd.s32 s0, s3;
	s0 =	sld [smem:$0x3FA3]  }
0x30: {  	s3 =	sld [smem:$0x3FA6]  }
0x31: {  	[smem:$0x3FAF] =	sst s10  }
0x32: {  	s10 =	sld [smem:$0x3FAD];
	_ =	sdelay $0x3  }
0x33: {  	p0 =	seq.s32 s10, $0x1;
	s10 =	sld [smem:$0x3FAF];
	_ =	sdelay $0x3  }
0x34: {  	[smem:$0x3FAF] =	sst s10  }
0x35: {  	s10 =	sld [smem:$0x3FAE];
	_ =	sdelay $0x3  }
0x36: {  	p1 =	seq.s32 s10, $0x1;
	s10 =	sld [smem:$0x3FAF];
	_ =	sdelay $0x3  }
0x37: {  	[smem:$0x3FAF] =	sst s10  }
0x38: {  	s10 =	sld [smem:$0x3FB0]  }
0x39: {  	_ = 	snop;
	(pc) =	sbr.ind lr, $3  }
0x3a: {  	_ = 	snop  }
0x3b: {  	_ = 	snop  }
0x3c: {  	p2 =	seq.s32 s10, $0x1;
	s10 =	sld [smem:$0x3FAF]  }
0x3d: {  	_ =	shalt  }
0x3e: {  	_ =	shalt  }
0x3f: {  	_ =	shalt  }
0x40: {  	_ =	shalt  }
0x41: {  	_ =	shalt  }
0x42: {  	_ =	shalt  }
0x43: {  	_ =	shalt  }
0x44: {  	_ =	shalt  }
0x45: {  	_ =	shalt  }
0x46: {  	_ =	shalt  }
0x47: {  	_ =	shalt  }
0x48: {  	_ =	shalt  }
0x49: {  	_ =	shalt  }
0x4a: {  	_ =	shalt  }
0x4b: {  	_ =	shalt  }
0x4c: {  	_ =	shalt  }
0x4d: {  	_ =	shalt  }
0x4e: {  	_ =	shalt  }
0x4f: {  	_ =	shalt  }
0x50: {  	_ =	shalt  }
0x51: {  	_ =	shalt  }
0x52: {  	_ =	shalt  }
0x53: {  	_ =	shalt  }
0x54: {  	_ =	shalt  }
0x55: {  	_ =	shalt  }
0x56: {  	_ =	shalt  }
0x57: {  	_ =	shalt  }
0x58: {  	_ =	shalt  }
0x59: {  	_ =	shalt  }
0x5a: {  	_ =	shalt  }
0x5b: {  	_ =	shalt  }
0x5c: {  	_ =	shalt  }
0x5d: {  	_ =	shalt  }
0x5e: {  	_ =	shalt  }
0x5f: {  	_ =	shalt  }
0x60: {  	_ =	shalt  }
0x61: {  	_ =	shalt  }
0x62: {  	_ =	shalt  }
0x63: {  	_ =	shalt  }
0x64: {  	_ =	shalt  }
0x65: {  	_ =	shalt  }
0x66: {  	_ =	shalt  }
0x67: {  	_ =	shalt  }
0x68: {  	_ =	shalt  }
0x69: {  	_ =	shalt  }
0x6a: {  	_ =	shalt  }
0x6b: {  	_ =	shalt  }
0x6c: {  	_ =	shalt  }
0x6d: {  	_ =	shalt  }
0x6e: {  	_ =	shalt  }
0x6f: {  	_ =	shalt  }
0x70: {  	_ =	shalt  }
0x71: {  	_ =	shalt  }
0x72: {  	_ =	shalt  }
0x73: {  	_ =	shalt  }
0x74: {  	_ =	shalt  }
0x75: {  	_ =	shalt  }
0x76: {  	_ =	shalt  }
0x77: {  	_ =	shalt  }
0x78: {  	_ =	shalt  }
0x79: {  	_ =	shalt  }
0x7a: {  	_ =	shalt  }
0x7b: {  	_ =	shalt  }
0x7c: {  	_ =	shalt  }
0x7d: {  	_ =	shalt  }
0x7e: {  	_ =	shalt  }
0x7f: {  	_ =	shalt  }
0x80: {  	_ =	shalt  }
0x81: {  	_ =	shalt  }
0x82: {  	_ =	shalt  }
0x83: {  	_ =	shalt  }
0x84: {  	_ =	shalt  }
0x85: {  	_ =	shalt  }
0x86: {  	_ =	shalt  }
0x87: {  	_ =	shalt  }
.Lfunc_end0:
.L_simem_size_0:
called_computation.4_lowered:
.L_overlay_start_0:
0x88: {  	s2 =	sld [smem:$0x3FD9]  }
0x89: {  	s3 =	sld [smem:$0x3FFE];
	_ =	sdelay $0x1  }
0x8a: {  	s1 =	srdreg.scid  }
0x8b: {  	s0 =	sand.u32 $0x1, s1  }
0x8c: {  	s17 =	sshll.u32 s0, $0xA;
	s2 =	sadd.s32 s3, s2  }
0x8d: {  	s2 =	sadd.s32 s2, s17  }
0x8e: {  	[smem:$0x3FBB] =	sst s2  }
0x8f: {  	_ = 	snop  }
0x90: {  	s2 =	sld [smem:$0x3FC8]  }
0x91: {  	s18 =	sld [smem:$0x3FC7];
	(tm) =	ssettm $0x1  }
0x92: {  	s4 =	sld [smem:$0x3FFB];
	_ =	sdelay $0x3  }
0x93: {  	_ =	strace s4  }
0x94: {  	s4 =	sld [smem:$0x3FFC];
	_ =	sdelay $0x3  }
0x95: {  	_ =	strace s4  }
0x96: {  	s4 =	sld [smem:$0x3FFD];
	_ =	sdelay $0x3  }
0x97: {  	_ =	strace s4  }
0x98: {  	_ =	strace $0x8FFFFFFF  }
0x99: {  	s19 =	sld [smem:$0x3FDB];
	_ =	sdelay $0x1  }
0x9a: {  	s5 =	simm.s32 $_scs_section_size  }
0x9b: {  	s6 =	simm.s32 $_size__tile_overlayer_lowered;
	s7 =	simm.s32 $_tile_overlayer_lowered  }
0x9c: {  	s22 =	simm.s32 $0x1BFF;
	s21 =	sshll.u32 s7, $0x1;
	s4 =	sadd.s32 s5, s19  }
0x9d: {  	s8 =	simm.s32 $0x0;
	s20 =	sshll.u32 s6, $0x1;
	s6 =	sadd.s32 s21, s4  }
0x9e: {  	[timem:s8], [sflag:s22] =	dma.local [hbm:s6], s20  }
0x9f: {  	_ =	swait.ge [sflag:s22], s20  }
0xa0: {  	s5 =	ssub.s32 $0x0, s20;
	[sflag:s22] =	ssyncset.done $0x0  }
0xa1: {  	[sflag:s22] =	ssyncadd.s32 s5;
	_ =	sdelay $0x1  }
0xa2: {  	s23 =	simm.s32 $0x1B8B  }
0xa3: {  	_ =	swait.ge [sflag:s23], $0x1  }
0xa4: {  	[sflag:s23] =	ssyncset.done $0x0  }
0xa5: {  	s25 =	simm.s32 $0x1B8E;
	s24 =	sld [smem:$0x3FFE];
	[sflag:s23] =	ssyncadd.s32 $0xFFFFFFFF  }
0xa6: {  	s26 =	simm.s32 $execute0_lowered;
	[smem:$0x3FD2] =	sst s25  }
0xa7: {  	s6 =	sshll.u32 s26, $0x1;
	_ =	strace $0x80000052;
	[dreg:$0x1] =	wrdreg $0xFFFFFFFF  }
0xa8: {  	s28 =	simm.s32 $_size_execute0_lowered;
	s4 =	sadd.s32 s4, s6;
	[dreg:$0x0] =	wrdreg $0x0  }
0xa9: {  	s6 =	sshll.u32 s28, $0x1;
	[dreg:$0x2] =	wrdreg s4  }
0xaa: {  	[dreg:$0x3] =	wrdreg s6  }
0xab: {  	[dreg:$0x4] =	wrdreg $0xC0  }
0xac: {  	_ =	task [dreg:s8], $0x5FFFF  }
0xad: {  	[dreg:$0x1] =	wrdreg $0xFFFFFFFF  }
0xae: {  	[dreg:$0x0] =	wrdreg $0x60  }
0xaf: {  	[dreg:$0x2] =	wrdreg s24  }
0xb0: {  	[dreg:$0x3] =	wrdreg s2  }
0xb1: {  	[dreg:$0x4] =	wrdreg s18  }
0xb2: {  	[dreg:$0x5] =	wrdreg $0xA8800  }
0xb3: {  	[dreg:$0x6] =	wrdreg $0x9  }
0xb4: {  	_ =	task.clear_ibuf [dreg:s8], $0x7FFFF;
	_ =	strace $0x90000052  }
0xb5: {  	s29 =	simm.s32 $0x9;
	_ =	strace $0x80000054  }
0xb6: {  	_ =	swait.ge [sflag:s29], $0x1  }
0xb7: {  	[sflag:s29] =	ssyncadd.s32 $0xFFFFFFFF  }
0xb8: {  	_ =	strace $0x90000054  }
0xb9: {  	_ =	sfence  }
0xba: {  	s30 =	sld [smem:$0x0];
	_ =	sdelay $0x2  }
0xbb: {  	s31 =	sshll.u32 s1, $0xD;
	s1 =	sshrl.u32 s1, $0x2  }
0xbc: {  	s3 =	sand.u32 $0x4000, s31;
	s1 =	sadd.s32 s1, s30  }
0xbd: {  	s0 =	sor.u32 s3, s0;
	s1 =	sshll.u32 s1, $0x11  }
0xbe: {  	s0 =	sor.u32 s1, s0  }
0xbf: {  	s0 =	sadd.s32 $0x8F2B, s0  }
0xc0: {  	[sflag:s0] =	ssyncadd.remote.s32 $0x1  }
0xc1: {  	_ =	sfence.sel $0xFFFF  }
0xc2: {  	[dreg:$0x0] =	wrdreg $0xFFFFFFFF;
	(pc) =	sbr.abs _section_cstart, $3  }
0xc3: {  	[dreg:$0x1] =	wrdreg $0xFFFFFFFF  }
0xc4: {  	_ =	task.clear_ibuf [dreg:s8], $0x2FFFF;
	_ =	strace $0x9FFFFFFF  }
0xc5: {  	(tm) =	ssettm $0x7FFFFFFF  }
tec
execute0_lowered:
.L_overlay_start_1:
0x0: {  	(tag) =	ssettag $0x1  }
0x1: {  	s0 =	rddreg [dreg:$0x0]  }
0x2: {  	s1 =	rddreg [dreg:$0x1]  }
0x3: {  	s5 =	rddreg [dreg:$0x2]  }
0x4: {  	s2 =	rddreg [dreg:$0x3];
	s3 =	simm.s32 $0x0  }
0x5: {  	s4 =	srdreg.scid;
	s18 =	stileid.u32;
	s19 =	simm.s32 $0x5  }
0x6: {  	s20 =	simm.s32 $0x2880;
	s21 =	simm.s32 $0x2780;
	s7 =	smul.u32 $0x2710, s18  }
0x7: {  	s22 =	simm.s32 $0x80;
	s23 =	simm.s32 $0x2800;
	s14 =	smul.u32 $0xA000, s18  }
0x8: {  	s28 =	simm.s32 $0x4;
	s29 =	simm.s32 $0x2;
	s11 =	smul.u32 $0x28000, s18  }
0x9: {  	[smem:$0x7FF] =	sst s3;
	s6 =	sand.u32 $0x1, s4;
	s18 =	smul.u32 $0x4E2, s18  }
0xa: {  	s4 =	sadd.s32 $0x5400, s0;
	s0 =	sadd.s32 $0x53600, s0;
	s15 =	smul.u32 $0xA0000, s6  }
0xb: {  	_ =	strace $0x80000053;
	s8 =	ssub.s32 $0x2, s6;
	s30 =	smul.u32 $0x2710, s6  }
0xc: {  	s9 =	sshrl.u32 s8, $0x1;
	s7 =	sshrl.u32 s7, $0x3;
	s25 =	sshrl.u32 s11, $0x2  }
0xd: {  	s16 =	sadd.s32 $0x2800, s14;
	s26 =	sadd.s32 $0x5000, s14;
	s17 =	sadd.s32 $0x7800, s14  }
0xe: {  	s18 =	sadd.s32 s18, s5;
	s10 =	ssub.s32 s8, s9;
	s1 =	sadd.s32 s1, s7  }
0xf: {  	s24 =	sadd.s32 s15, s14;
	s6 =	sadd.s32 s5, s7;
	s11 =	sadd.s32 s25, s2  }
0x10: {  	s12 =	sadd.s32 s16, s2;
	s13 =	sadd.s32 s26, s2;
	s16 =	sadd.s32 s15, s16  }
0x11: {  	s14 =	sadd.s32 s17, s2;
	s17 =	sadd.s32 s15, s17;
	s25 =	simm.s32 $0x3  }
0x12: {  	v0 =	vmov s30;
	s30 =	simm.s32 $0x10;
	[dreg:$0x5] =	wrdreg s1;
	s1 =	sshrl.u32 s24, $0x3  }
0x13: {  	s7 =	sadd.s32 $0x10, s6;
	s8 =	sadd.s32 $0x4E0, s6;
	s10 =	smax.u32 s10, $0x1  }
0x14: {  	s16 =	sshrl.u32 s16, $0x3;
	s31 =	sshrl.u32 s17, $0x3;
	s24 =	simm.s32 $0x6880  }
0x15: {  	[dreg:$0x6] =	wrdreg s7;
	s9 =	sadd.s32 s0, s1;
	s1 =	sadd.s32 s15, s26  }
0x16: {  	s15 =	sadd.s32 s0, s16;
	s17 =	sadd.s32 s0, s31;
	s1 =	sshrl.u32 s1, $0x3  }
0x17: {  	v1 =	vimm.f32 $0.0e+00;
	s26 =	simm.s32 $0x1;
	s16 =	sadd.s32 s0, s1;
	s0 =	simm.s32 $0x0  }
.LBB2_1:
0x18: {  	s1 =	rddreg [dreg:$0x5]  }
0x19: {  	[tilespmem:s3], [sflag:$0x5] =	stream.linear.gather [hbm4b:s1+s3], $0x2710, $0x38;
	[tilespmem:$0x14880] =	vst v63  }
0x1a: {  	_ =	swait.ge [sflag:s19], $0x2710  }
0x1b: {  	[sflag:s19] =	ssyncset.done $0x0  }
0x1c: {  	s31 =	simm.s32 $0x40;
	s1 =	simm.s32 $0x0;
	[sflag:s19] =	ssyncadd.s32 $0xFFFFD8F0  }
.LBB2_2:
0x1d: {  	p0 =	sne.s32 s31, $0x9C00;
	v2 =	vld [tilespmem:s1+$0x0];
	_ =	sdelay $0x1  }
.Ltmp0:
0x1e: {  	(pc) =	sbr.rel @p0 .LBB2_2-.Ltmp0, $3  }
0x1f: {  	_ =	sdelay $0x1  }
0x20: {  	v2 =	vadd.s32 v0, v2  }
0x21: {  	[tilespmem:s1+$0x0] =	vst v2;
	s1 =	sshra.s32 s31, $0x2;
	s31 =	sadd.s32 $0x40, s31  }
0x22: {  	v2 =	vld [tilespmem:s1+$0x0];
	_ =	sdelay $0x4  }
0x23: {  	v2 =	vadd.s32 v0, v2  }
0x24: {  	s31 =	simm.s32 $0x200;
	[tilespmem:s1+$0x0] =	vst v2;
	s1 =	simm.s32 $0x0  }
.LBB2_4:
0x25: {  	p0 =	sne.s32 s31, $0x9E00;
	[tilespmem:s1+$0x28F0] =	vst v1  }
0x26: {  	[tilespmem:s1+$0x2880] =	vst v1  }
0x27: {  	[tilespmem:s1+$0x2890] =	vst v1  }
.Ltmp1:
0x28: {  	[tilespmem:s1+$0x28A0] =	vst v1;
	(pc) =	sbr.rel @p0 .LBB2_4-.Ltmp1, $4  }
0x29: {  	[tilespmem:s1+$0x28B0] =	vst v1  }
0x2a: {  	[tilespmem:s1+$0x28C0] =	vst v1  }
0x2b: {  	[tilespmem:s1+$0x28D0] =	vst v1  }
0x2c: {  	[tilespmem:s1+$0x28E0] =	vst v1;
	s1 =	sshra.s32 s31, $0x2;
	s31 =	sadd.s32 $0x200, s31  }
0x2d: {  	[tilespmem:s1+$0x28F0] =	vst v1  }
0x2e: {  	[tilespmem:s1+$0x2880] =	vst v1  }
0x2f: {  	[tilespmem:s1+$0x2890] =	vst v1  }
0x30: {  	[tilespmem:s1+$0x28A0] =	vst v1  }
0x31: {  	[tilespmem:s1+$0x28B0] =	vst v1  }
0x32: {  	[tilespmem:s1+$0x28C0] =	vst v1  }
0x33: {  	[tilespmem:s1+$0x28D0] =	vst v1  }
0x34: {  	[tilespmem:s1+$0x28E0] =	vst v1  }
0x35: {  	[spmem:s11] =	stream.linear.scatter [tilespmem:s20], [sflag:$0x5], $0x2800, $0x38;
	[tilespmem:$0x14880] =	vst v63  }
0x36: {  	_ =	swait.ge [sflag:s19], $0x2800  }
0x37: {  	[sflag:s19] =	ssyncset.done $0x0  }
0x38: {  	[sflag:s19] =	ssyncadd.s32 $0xFFFFD800  }
0x39: {  	[spmem:s12] =	stream.linear.scatter [tilespmem:s20], [sflag:$0x5], $0x2800, $0x38;
	[tilespmem:$0x14880] =	vst v63  }
0x3a: {  	_ =	swait.ge [sflag:s19], $0x2800  }
0x3b: {  	[sflag:s19] =	ssyncset.done $0x0  }
0x3c: {  	[sflag:s19] =	ssyncadd.s32 $0xFFFFD800  }
0x3d: {  	[spmem:s13] =	stream.linear.scatter [tilespmem:s20], [sflag:$0x5], $0x2800, $0x38;
	[tilespmem:$0x14880] =	vst v63  }
0x3e: {  	_ =	swait.ge [sflag:s19], $0x2800  }
0x3f: {  	[sflag:s19] =	ssyncset.done $0x0  }
0x40: {  	[sflag:s19] =	ssyncadd.s32 $0xFFFFD800  }
0x41: {  	[spmem:s14] =	stream.linear.scatter [tilespmem:s20], [sflag:$0x5], $0x2800, $0x38;
	[tilespmem:$0x14880] =	vst v63  }
0x42: {  	_ =	swait.ge [sflag:s19], $0x2800  }
0x43: {  	[sflag:s19] =	ssyncset.done $0x0  }
0x44: {  	[sflag:s19] =	ssyncadd.s32 $0xFFFFD800  }
0x45: {  	[bflag:$0x0] =	sbarrier.arrive $0xFFFF  }
0x46: {  	[tilespmem:s21], [sflag:$0x3] =	stream.linear.gather [hbm4b:s6+s3], $0x80, $0x38;
	[tilespmem:$0x14880] =	vst v63  }
0x47: {  	_ = 	snop  }
0x48: {  	[tilespmem:s20], [sflag:$0x1] =	stream.indirect.gather [hbm4b:s4+s22], $0x80, s3, s22, $0xb8;
	[tilespmem:$0x14880] =	vst v63  }
0x49: {  	s5 =	rddreg [dreg:$0x6]  }
0x4a: {  	[tilespmem:s23], [sflag:$0x4] =	stream.linear.gather [hbm4b:s5+s3], $0x80, $0x38;
	[tilespmem:$0x14880] =	vst v63  }
0x4b: {  	_ = 	snop  }
0x4c: {  	[tilespmem:s24], [sflag:$0x2] =	stream.indirect.gather [hbm4b:s4+s22], $0x80, s22, s22, $0xb8;
	[tilespmem:$0x14880] =	vst v63  }
0x4d: {  	_ =	swait.ge [sflag:s25], $0x80  }
0x4e: {  	[sflag:s25] =	ssyncset.done $0x0  }
0x4f: {  	[sflag:s25] =	ssyncadd.s32 $0xFFFFFF80  }
0x50: {  	_ =	swait.ge [sflag:s26], $0x4000  }
0x51: {  	[sflag:s26] =	ssyncset.done $0x0  }
0x52: {  	[sflag:s26] =	ssyncadd.s32 $0xFFFFC000  }
0x53: {  	[spmem:s2] =	stream.indirect.scatter.add.f32 [tilespmem:s20], [sflag:$0x5], $0x80, s21, s22, $0xb8;
	[tilespmem:$0x14880] =	vst v63  }
0x54: {  	_ =	swait.ge [sflag:s19], $0x4000  }
0x55: {  	s1 =	sadd.s32 $0xFFFFFB40, s18;
	[sflag:s19] =	ssyncset.done $0x0  }
0x56: {  	s5 =	sadd.s32 $0x4E0, s1;
	[sflag:s19] =	ssyncadd.s32 $0xFFFFC000  }
0x57: {  	[tilespmem:s21], [sflag:$0x3] =	stream.linear.gather [hbm4b:s5+s3], $0x80, $0x38;
	[tilespmem:$0x14880] =	vst v63  }
0x58: {  	s7 =	simm.s32 $0x100  }
0x59: {  	[tilespmem:s20], [sflag:$0x1] =	stream.indirect.gather [hbm4b:s4+s22], $0x80, s7, s22, $0xb8;
	[tilespmem:$0x14880] =	vst v63  }
0x5a: {  	_ =	swait.ge [sflag:s28], $0x80  }
0x5b: {  	[sflag:s28] =	ssyncset.done $0x0  }
0x5c: {  	[sflag:s28] =	ssyncadd.s32 $0xFFFFFF80  }
0x5d: {  	_ =	swait.ge [sflag:s29], $0x4000  }
0x5e: {  	[sflag:s29] =	ssyncset.done $0x0  }
0x5f: {  	[sflag:s29] =	ssyncadd.s32 $0xFFFFC000  }
0x60: {  	[spmem:s2] =	stream.indirect.scatter.add.f32 [tilespmem:s24], [sflag:$0x5], $0x80, s23, s22, $0xb8;
	[tilespmem:$0x14880] =	vst v63  }
0x61: {  	_ =	swait.ge [sflag:s19], $0x4000  }
0x62: {  	[sflag:s19] =	ssyncset.done $0x0  }
0x63: {  	s1 =	sadd.s32 $0x4F0, s1;
	[sflag:s19] =	ssyncadd.s32 $0xFFFFC000  }
0x64: {  	[tilespmem:s23], [sflag:$0x4] =	stream.linear.gather [hbm4b:s1+s3], $0x80, $0x38;
	[tilespmem:$0x14880] =	vst v63  }
0x65: {  	s31 =	simm.s32 $0x200;
	s5 =	simm.s32 $0x180;
	s1 =	simm.s32 $0xFFFFFB60  }
.LBB2_6:
0x66: {  	[tilespmem:s24], [sflag:$0x2] =	stream.indirect.gather [hbm4b:s4+s22], $0x80, s5, s22, $0xb8;
	[tilespmem:$0x14880] =	vst v63  }
0x67: {  	s5 =	smov.u32 s1  }
0x68: {  	p0 =	sne.s32 s1, $0xFFFFFFE0;
	s1 =	sadd.s32 $0x20, s1;
	_ =	swait.ge [sflag:s25], $0x80  }
0x69: {  	[sflag:s25] =	ssyncset.done $0x0  }
0x6a: {  	[sflag:s25] =	ssyncadd.s32 $0xFFFFFF80  }
0x6b: {  	_ =	swait.ge [sflag:s26], $0x4000  }
0x6c: {  	[sflag:s26] =	ssyncset.done $0x0  }
0x6d: {  	[sflag:s26] =	ssyncadd.s32 $0xFFFFC000  }
0x6e: {  	[spmem:s2] =	stream.indirect.scatter.add.f32 [tilespmem:s20], [sflag:$0x5], $0x80, s21, s22, $0xb8;
	[tilespmem:$0x14880] =	vst v63  }
0x6f: {  	_ =	swait.ge [sflag:s19], $0x4000  }
0x70: {  	s5 =	sadd.s32 s5, s18;
	[sflag:s19] =	ssyncset.done $0x0  }
0x71: {  	s7 =	sadd.s32 $0x4E0, s5;
	[sflag:s19] =	ssyncadd.s32 $0xFFFFC000  }
0x72: {  	[tilespmem:s21], [sflag:$0x3] =	stream.linear.gather [hbm4b:s7+s3], $0x80, $0x38;
	[tilespmem:$0x14880] =	vst v63  }
0x73: {  	_ = 	snop  }
0x74: {  	[tilespmem:s20], [sflag:$0x1] =	stream.indirect.gather [hbm4b:s4+s22], $0x80, s31, s22, $0xb8;
	[tilespmem:$0x14880] =	vst v63  }
0x75: {  	_ =	swait.ge [sflag:s28], $0x80  }
0x76: {  	[sflag:s28] =	ssyncset.done $0x0  }
0x77: {  	[sflag:s28] =	ssyncadd.s32 $0xFFFFFF80  }
0x78: {  	_ =	swait.ge [sflag:s29], $0x4000  }
0x79: {  	[sflag:s29] =	ssyncset.done $0x0  }
0x7a: {  	[sflag:s29] =	ssyncadd.s32 $0xFFFFC000  }
0x7b: {  	[spmem:s2] =	stream.indirect.scatter.add.f32 [tilespmem:s24], [sflag:$0x5], $0x80, s23, s22, $0xb8;
	[tilespmem:$0x14880] =	vst v63  }
.Ltmp2:
0x7c: {  	_ =	swait.ge [sflag:s19], $0x4000;
	(pc) =	sbr.rel @p0 .LBB2_6-.Ltmp2, $4  }
0x7d: {  	[sflag:s19] =	ssyncset.done $0x0  }
0x7e: {  	s5 =	sadd.s32 $0x4F0, s5;
	[sflag:s19] =	ssyncadd.s32 $0xFFFFC000  }
0x7f: {  	[tilespmem:s23], [sflag:$0x4] =	stream.linear.gather [hbm4b:s5+s3], $0x80, $0x38;
	[tilespmem:$0x14880] =	vst v63  }
0x80: {  	s5 =	sadd.s32 $0x80, s31;
	s31 =	sadd.s32 $0x100, s31  }
0x81: {  	[tilespmem:s24], [sflag:$0x2] =	stream.indirect.gather [hbm4b:s4+s22], $0x80, s5, s22, $0xb8;
	[tilespmem:$0x14880] =	vst v63  }
0x82: {  	_ =	swait.ge [sflag:s25], $0x80  }
0x83: {  	[sflag:s25] =	ssyncset.done $0x0  }
0x84: {  	[sflag:s25] =	ssyncadd.s32 $0xFFFFFF80  }
0x85: {  	_ =	swait.ge [sflag:s26], $0x4000  }
0x86: {  	[sflag:s26] =	ssyncset.done $0x0  }
0x87: {  	[sflag:s26] =	ssyncadd.s32 $0xFFFFC000  }
0x88: {  	[spmem:s2] =	stream.indirect.scatter.add.f32 [tilespmem:s20], [sflag:$0x5], $0x80, s21, s22, $0xb8;
	[tilespmem:$0x14880] =	vst v63  }
0x89: {  	_ =	swait.ge [sflag:s19], $0x4000  }
0x8a: {  	[sflag:s19] =	ssyncset.done $0x0  }
0x8b: {  	[sflag:s19] =	ssyncadd.s32 $0xFFFFC000  }
0x8c: {  	_ =	swait.ge [sflag:s28], $0x80  }
0x8d: {  	[sflag:s28] =	ssyncset.done $0x0  }
0x8e: {  	[sflag:s28] =	ssyncadd.s32 $0xFFFFFF80  }
0x8f: {  	_ =	swait.ge [sflag:s29], $0x4000  }
0x90: {  	[sflag:s29] =	ssyncset.done $0x0  }
0x91: {  	[sflag:s29] =	ssyncadd.s32 $0xFFFFC000  }
0x92: {  	[spmem:s2] =	stream.indirect.scatter.add.f32 [tilespmem:s24], [sflag:$0x5], $0x80, s23, s22, $0xb8;
	[tilespmem:$0x14880] =	vst v63  }
0x93: {  	_ =	swait.ge [sflag:s19], $0x4000  }
0x94: {  	[sflag:s19] =	ssyncset.done $0x0  }
0x95: {  	[sflag:s19] =	ssyncadd.s32 $0xFFFFC000  }
0x96: {  	[tilespmem:s21], [sflag:$0x3] =	stream.linear.gather [hbm4b:s8+s3], $0x10, $0x38;
	[tilespmem:$0x14880] =	vst v63  }
0x97: {  	s1 =	simm.s32 $0x2700  }
0x98: {  	[tilespmem:s20], [sflag:$0x1] =	stream.indirect.gather [hbm4b:s4+s30], $0x80, s1, s30, $0xb8;
	[tilespmem:$0x14880] =	vst v63  }
0x99: {  	_ =	swait.ge [sflag:s25], $0x10  }
0x9a: {  	[sflag:s25] =	ssyncset.done $0x0  }
0x9b: {  	[sflag:s25] =	ssyncadd.s32 $0xFFFFFFF0  }
0x9c: {  	_ =	swait.ge [sflag:s26], $0x800  }
0x9d: {  	[sflag:s26] =	ssyncset.done $0x0  }
0x9e: {  	[sflag:s26] =	ssyncadd.s32 $0xFFFFF800  }
0x9f: {  	[spmem:s2] =	stream.indirect.scatter.add.f32 [tilespmem:s20], [sflag:$0x5], $0x80, s21, s30, $0xb8;
	[tilespmem:$0x14880] =	vst v63  }
0xa0: {  	_ =	swait.ge [sflag:s19], $0x800  }
0xa1: {  	s5 =	stileid.u32;
	[sflag:s19] =	ssyncset.done $0x0  }
0xa2: {  	s1 =	sshll.u32 s5, $0x6;
	[sflag:s19] =	ssyncadd.s32 $0xFFFFF800  }
0xa3: {  	s7 =	sshrl.u32 s11, $0x3;
	s1 =	sor.u32 $0x1C05, s1;
	[bflag:$0x0] =	sbarrier.arrive $0xFFFF  }
0xa4: {  	[hbm:s9], [sflag:s1] =	dma.local [spmem:s7], $0x500  }
0xa5: {  	_ =	swait.ge [sflag:s19], $0x500  }
0xa6: {  	[sflag:s19] =	ssyncset.done $0x0  }
0xa7: {  	s31 =	sshrl.u32 s12, $0x3;
	[sflag:s19] =	ssyncadd.s32 $0xFFFFFB00  }
0xa8: {  	[hbm:s15], [sflag:s1] =	dma.local [spmem:s31], $0x500  }
0xa9: {  	_ =	swait.ge [sflag:s19], $0x500  }
0xaa: {  	[sflag:s19] =	ssyncset.done $0x0  }
0xab: {  	s7 =	sshrl.u32 s13, $0x3;
	[sflag:s19] =	ssyncadd.s32 $0xFFFFFB00  }
0xac: {  	[hbm:s16], [sflag:s1] =	dma.local [spmem:s7], $0x500  }
0xad: {  	s0 =	sadd.s32 $0x1, s0;
	_ =	swait.ge [sflag:s19], $0x500  }
0xae: {  	p0 =	sne.s32 s0, s10;
	[sflag:s19] =	ssyncset.done $0x0  }
.Ltmp3:
0xaf: {  	s31 =	sshrl.u32 s14, $0x3;
	[sflag:s19] =	ssyncadd.s32 $0xFFFFFB00;
	(pc) =	sbr.rel @p0 .LBB2_1-.Ltmp3, $4  }
0xb0: {  	[hbm:s17], [sflag:s1] =	dma.local [spmem:s31], $0x500  }
0xb1: {  	_ =	swait.ge [sflag:s19], $0x500  }
0xb2: {  	[sflag:s19] =	ssyncset.done $0x0  }
0xb3: {  	[sflag:s19] =	ssyncadd.s32 $0xFFFFFB00  }
0xb4: {  	_ =	sfence.sel $0x180000  }
0xb5: {  	[bflag:$0x0] =	sbarrier.arrive $0xFFFF  }
0xb6: {  	_ =	strace $0x90000053  }
0xb7: {  	s0 =	stileid.u32;
	[bflag:$0x2] =	sbarrier.arrive $0xFFFF  }
0xb8: {  	p0 =	sne.s32 s0, $0x0;
	s0 =	rddreg [dreg:$0x4]  }
0xb9: {  	s0 =	sadd.s32 @!p0 $0x100000, s0  }
0xba: {  	[sflag:s0] =	ssyncadd.tile.s32 @!p0 $0x1;
	_ =	shalt  }
.Lfunc_end2:
_tile_overlayer_lowered:
.L_overlay_start_2:
0xbb: {  	(tag) =	ssettag $0x2  }
0xbc: {  	s0 =	rddreg [dreg:$0x0];
	s2 =	stileid.u32  }
0xbd: {  	s1 =	rddreg [dreg:$0x1];
	p0 =	sne.s32 s2, $0x0  }
0xbe: {  	s3 =	rddreg [dreg:$0x2];
	[bflag:$0x3] =	sbarrier.arrive $0xFFFF;
	s2 =	simm.s32 @!p0 $0x1C05  }
0xbf: {  	[timem:s3], [sflag:s2] =	dma.local @!p0 [hbm:s0], s1  }
0xc0: {  	s0 =	simm.s32 @!p0 $0x5  }
0xc1: {  	_ =	swait.ge @!p0 [sflag:s0], s1  }
0xc2: {  	s1 =	ssub.s32 @!p0 $0x0, s1;
	[sflag:s0] =	ssyncset.done @!p0 $0x0  }
0xc3: {  	[sflag:s0] =	ssyncadd.s32 @!p0 s1  }
0xc4: {  	[bflag:$0x3] =	sbarrier.arrive $0xFFFF  }
0xc5: {  	_ =	shalt  }

// kernel: kernel.30.cloned.1.call-start
scs
__scs_entry_jumppad:
0x0: {  	(pc) =	sbr.rel $0x88, $3  }
0x1: {  	(tag) =	ssettag $0x0;
	lr =	simm.s32 $0x1  }
0x2: {  	[smem:$0x3F94] =	sst lr;
	_ =	strace $0xD0000000  }
0x3: {  	_ = 	snop  }
0x4: {  	_ = 	snop  }
0x5: {  	_ = 	snop  }
0x6: {  	_ = 	snop  }
0x7: {  	_ = 	snop  }
__scs_overlays_trampoline_lowered:
0x8: {  	[smem:$0x3FA3] =	sst s0  }
0x9: {  	[smem:$0x3FA4] =	sst s1  }
0xa: {  	[smem:$0x3FA5] =	sst s2  }
0xb: {  	[smem:$0x3FA6] =	sst s3  }
0xc: {  	[smem:$0x3FA7] =	sst s4  }
0xd: {  	[smem:$0x3FA8] =	sst s5  }
0xe: {  	[smem:$0x3FA9] =	sst s6  }
0xf: {  	[smem:$0x3FAA] =	sst s7  }
0x10: {  	[smem:$0x3FAB] =	sst s8  }
0x11: {  	[smem:$0x3FAC] =	sst s9;
	s0 =	simm.s32 @!p0 $0x0  }
0x12: {  	s1 =	sld [smem:$0x3F92];
	s0 =	simm.s32 @p0 $0x1  }
0x13: {  	[smem:$0x3FAD] =	sst s0;
	s0 =	simm.s32 @!p1 $0x0  }
0x14: {  	s2 =	sld [smem:$0x3F91];
	s0 =	simm.s32 @p1 $0x1  }
0x15: {  	[smem:$0x3FAE] =	sst s0;
	s0 =	simm.s32 @!p2 $0x0  }
0x16: {  	s3 =	sld [smem:$0x3FDB];
	s0 =	simm.s32 @p2 $0x1  }
0x17: {  	s4 =	simm.s32 $0x1BF5;
	[smem:$0x3FB0] =	sst s0  }
0x18: {  	s0 =	sld [smem:$0x3F93];
	_ =	swait.ge [sflag:s4], $0x0  }
0x19: {  	s7 =	sld [smem:$0x3F94]  }
0x1a: {  	s8 =	sadd.s32 $0xFFFFE003, lr  }
0x1b: {  	s9 =	sadd.s32 $0xFFFFFEF7, lr;
	s5 =	simm.s32 $0xFFFFFFFF;
	p2 =	slt.u32 s8, $0xFFFFF086  }
0x1c: {  	p1 =	slt.u32 s9, $0xF7A;
	s5 =	simm.s32 @!p2 $0x0  }
0x1d: {  	s5 =	simm.s32 @p1 $0x1;
	p0 =	seq.s32 s7, s2  }
0x1e: {  	s7 =	smul.u32 @!p0 $0xF7A, s2;
	p2 =	seq.s32 @!p0 s5, $0x0  }
0x1f: {  	s9 =	smul.u32 $0xF7A, s1;
	s8 =	simm.s32 @!p0 $0x1BF5;
	p2 =	por !p2, p0  }
0x20: {  	[sflag:s8] =	ssyncset.s32 @!p0 $0xFFFFF086;
	s6 =	sadd.s32 @!p0 s3, s7;
	s7 =	simm.s32 @!p0 $0x108  }
0x21: {  	s3 =	sadd.s32 s3, s9;
	s6 =	sadd.s32 @!p0 $0x88, s6;
	s7 =	simm.s32 @p2 $0x1082  }
0x22: {  	[simem:s7], [sflag:s8] =	dma.local @!p0 [hbm:s6], $0xF7A  }
0x23: {  	s9 =	sor.u32 $0xD0000000, s2;
	s6 =	simm.s32 $0x108;
	_ =	swait.ge @!p0 [sflag:s8], $0x0  }
0x24: {  	s3 =	sadd.s32 $0x88, s3;
	s6 =	simm.s32 @!p1 $0x1082;
	[sflag:s4] =	ssyncset.s32 $0xFFFFF086  }
0x25: {  	[simem:s6], [sflag:s4] =	dma.local [hbm:s3], $0xF7A  }
0x26: {  	[smem:$0x3F94] =	sst s1;
	(tag) =	ssettag s2;
	_ =	strace s9  }
0x27: {  	s1 =	sld [smem:$0x3FA4]  }
0x28: {  	s2 =	sld [smem:$0x3FA5]  }
0x29: {  	s4 =	sld [smem:$0x3FA7]  }
0x2a: {  	p0 =	seq.s32 s5, $0x0;
	s5 =	sld [smem:$0x3FA8]  }
0x2b: {  	s6 =	sld [smem:$0x3FA9]  }
0x2c: {  	s7 =	sld [smem:$0x3FAA]  }
0x2d: {  	s3 =	simm.s32 $0x108;
	s8 =	sld [smem:$0x3FAB]  }
0x2e: {  	s3 =	simm.s32 @!p0 $0x1082;
	s9 =	sld [smem:$0x3FAC]  }
0x2f: {  	lr =	sadd.s32 s0, s3;
	s0 =	sld [smem:$0x3FA3]  }
0x30: {  	s3 =	sld [smem:$0x3FA6]  }
0x31: {  	[smem:$0x3FAF] =	sst s10  }
0x32: {  	s10 =	sld [smem:$0x3FAD];
	_ =	sdelay $0x3  }
0x33: {  	p0 =	seq.s32 s10, $0x1;
	s10 =	sld [smem:$0x3FAF];
	_ =	sdelay $0x3  }
0x34: {  	[smem:$0x3FAF] =	sst s10  }
0x35: {  	s10 =	sld [smem:$0x3FAE];
	_ =	sdelay $0x3  }
0x36: {  	p1 =	seq.s32 s10, $0x1;
	s10 =	sld [smem:$0x3FAF];
	_ =	sdelay $0x3  }
0x37: {  	[smem:$0x3FAF] =	sst s10  }
0x38: {  	s10 =	sld [smem:$0x3FB0]  }
0x39: {  	_ = 	snop;
	(pc) =	sbr.ind lr, $3  }
0x3a: {  	_ = 	snop  }
0x3b: {  	_ = 	snop  }
0x3c: {  	p2 =	seq.s32 s10, $0x1;
	s10 =	sld [smem:$0x3FAF]  }
0x3d: {  	_ =	shalt  }
0x3e: {  	_ =	shalt  }
0x3f: {  	_ =	shalt  }
0x40: {  	_ =	shalt  }
0x41: {  	_ =	shalt  }
0x42: {  	_ =	shalt  }
0x43: {  	_ =	shalt  }
0x44: {  	_ =	shalt  }
0x45: {  	_ =	shalt  }
0x46: {  	_ =	shalt  }
0x47: {  	_ =	shalt  }
0x48: {  	_ =	shalt  }
0x49: {  	_ =	shalt  }
0x4a: {  	_ =	shalt  }
0x4b: {  	_ =	shalt  }
0x4c: {  	_ =	shalt  }
0x4d: {  	_ =	shalt  }
0x4e: {  	_ =	shalt  }
0x4f: {  	_ =	shalt  }
0x50: {  	_ =	shalt  }
0x51: {  	_ =	shalt  }
0x52: {  	_ =	shalt  }
0x53: {  	_ =	shalt  }
0x54: {  	_ =	shalt  }
0x55: {  	_ =	shalt  }
0x56: {  	_ =	shalt  }
0x57: {  	_ =	shalt  }
0x58: {  	_ =	shalt  }
0x59: {  	_ =	shalt  }
0x5a: {  	_ =	shalt  }
0x5b: {  	_ =	shalt  }
0x5c: {  	_ =	shalt  }
0x5d: {  	_ =	shalt  }
0x5e: {  	_ =	shalt  }
0x5f: {  	_ =	shalt  }
0x60: {  	_ =	shalt  }
0x61: {  	_ =	shalt  }
0x62: {  	_ =	shalt  }
0x63: {  	_ =	shalt  }
0x64: {  	_ =	shalt  }
0x65: {  	_ =	shalt  }
0x66: {  	_ =	shalt  }
0x67: {  	_ =	shalt  }
0x68: {  	_ =	shalt  }
0x69: {  	_ =	shalt  }
0x6a: {  	_ =	shalt  }
0x6b: {  	_ =	shalt  }
0x6c: {  	_ =	shalt  }
0x6d: {  	_ =	shalt  }
0x6e: {  	_ =	shalt  }
0x6f: {  	_ =	shalt  }
0x70: {  	_ =	shalt  }
0x71: {  	_ =	shalt  }
0x72: {  	_ =	shalt  }
0x73: {  	_ =	shalt  }
0x74: {  	_ =	shalt  }
0x75: {  	_ =	shalt  }
0x76: {  	_ =	shalt  }
0x77: {  	_ =	shalt  }
0x78: {  	_ =	shalt  }
0x79: {  	_ =	shalt  }
0x7a: {  	_ =	shalt  }
0x7b: {  	_ =	shalt  }
0x7c: {  	_ =	shalt  }
0x7d: {  	_ =	shalt  }
0x7e: {  	_ =	shalt  }
0x7f: {  	_ =	shalt  }
0x80: {  	_ =	shalt  }
0x81: {  	_ =	shalt  }
0x82: {  	_ =	shalt  }
0x83: {  	_ =	shalt  }
0x84: {  	_ =	shalt  }
0x85: {  	_ =	shalt  }
0x86: {  	_ =	shalt  }
0x87: {  	_ =	shalt  }
.Lfunc_end0:
.L_simem_size_0:
called_computation.5_lowered:
.L_overlay_start_0:
0x88: {  	s2 =	sld [smem:$0x3FD9]  }
0x89: {  	s3 =	sld [smem:$0x3FFE];
	_ =	sdelay $0x1  }
0x8a: {  	s1 =	srdreg.scid  }
0x8b: {  	s0 =	sand.u32 $0x1, s1  }
0x8c: {  	s17 =	sshll.u32 s0, $0xA;
	s2 =	sadd.s32 s3, s2  }
0x8d: {  	s2 =	sadd.s32 s2, s17  }
0x8e: {  	[smem:$0x3FBB] =	sst s2  }
0x8f: {  	_ = 	snop  }
0x90: {  	s2 =	sld [smem:$0x3FC8]  }
0x91: {  	s18 =	sld [smem:$0x3FC7];
	(tm) =	ssettm $0x1  }
0x92: {  	s4 =	sld [smem:$0x3FFB];
	_ =	sdelay $0x3  }
0x93: {  	_ =	strace s4  }
0x94: {  	s4 =	sld [smem:$0x3FFC];
	_ =	sdelay $0x3  }
0x95: {  	_ =	strace s4  }
0x96: {  	s4 =	sld [smem:$0x3FFD];
	_ =	sdelay $0x3  }
0x97: {  	_ =	strace s4  }
0x98: {  	_ =	strace $0x8FFFFFFF  }
0x99: {  	s19 =	sld [smem:$0x3FDB];
	_ =	sdelay $0x1  }
0x9a: {  	s5 =	simm.s32 $_scs_section_size  }
0x9b: {  	s6 =	simm.s32 $_size__tile_overlayer_lowered;
	s7 =	simm.s32 $_tile_overlayer_lowered  }
0x9c: {  	s22 =	simm.s32 $0x1BFF;
	s21 =	sshll.u32 s7, $0x1;
	s4 =	sadd.s32 s5, s19  }
0x9d: {  	s8 =	simm.s32 $0x0;
	s20 =	sshll.u32 s6, $0x1;
	s6 =	sadd.s32 s21, s4  }
0x9e: {  	[timem:s8], [sflag:s22] =	dma.local [hbm:s6], s20  }
0x9f: {  	_ =	swait.ge [sflag:s22], s20  }
0xa0: {  	s5 =	ssub.s32 $0x0, s20;
	[sflag:s22] =	ssyncset.done $0x0  }
0xa1: {  	[sflag:s22] =	ssyncadd.s32 s5;
	_ =	sdelay $0x1  }
0xa2: {  	s23 =	simm.s32 $0x1B8B  }
0xa3: {  	_ =	swait.ge [sflag:s23], $0x1  }
0xa4: {  	[sflag:s23] =	ssyncset.done $0x0  }
0xa5: {  	s25 =	simm.s32 $0x1B8E;
	s24 =	sld [smem:$0x3FFE];
	[sflag:s23] =	ssyncadd.s32 $0xFFFFFFFF  }
0xa6: {  	s26 =	simm.s32 $execute0_lowered;
	[smem:$0x3FD2] =	sst s25  }
0xa7: {  	s6 =	sshll.u32 s26, $0x1;
	_ =	strace $0x80000055;
	[dreg:$0x1] =	wrdreg $0xFFFFFFFF  }
0xa8: {  	s28 =	simm.s32 $_size_execute0_lowered;
	s4 =	sadd.s32 s4, s6;
	[dreg:$0x0] =	wrdreg $0x0  }
0xa9: {  	s6 =	sshll.u32 s28, $0x1;
	[dreg:$0x2] =	wrdreg s4  }
0xaa: {  	[dreg:$0x3] =	wrdreg s6  }
0xab: {  	[dreg:$0x4] =	wrdreg $0xC0  }
0xac: {  	_ =	task [dreg:s8], $0x5FFFF  }
0xad: {  	[dreg:$0x1] =	wrdreg $0xFFFFFFFF  }
0xae: {  	[dreg:$0x0] =	wrdreg $0x60  }
0xaf: {  	[dreg:$0x2] =	wrdreg s24  }
0xb0: {  	[dreg:$0x3] =	wrdreg s18  }
0xb1: {  	[dreg:$0x4] =	wrdreg s2  }
0xb2: {  	[dreg:$0x5] =	wrdreg $0xA8800  }
0xb3: {  	[dreg:$0x6] =	wrdreg $0x9  }
0xb4: {  	_ =	task.clear_ibuf [dreg:s8], $0x7FFFF;
	_ =	strace $0x90000055  }
0xb5: {  	s29 =	simm.s32 $0x9;
	_ =	strace $0x80000057  }
0xb6: {  	_ =	swait.ge [sflag:s29], $0x1  }
0xb7: {  	[sflag:s29] =	ssyncadd.s32 $0xFFFFFFFF  }
0xb8: {  	_ =	strace $0x90000057  }
0xb9: {  	_ =	sfence  }
0xba: {  	s30 =	sld [smem:$0x0];
	_ =	sdelay $0x2  }
0xbb: {  	s31 =	sshll.u32 s1, $0xD;
	s1 =	sshrl.u32 s1, $0x2  }
0xbc: {  	s3 =	sand.u32 $0x4000, s31;
	s1 =	sadd.s32 s1, s30  }
0xbd: {  	s0 =	sor.u32 s3, s0;
	s1 =	sshll.u32 s1, $0x11  }
0xbe: {  	s0 =	sor.u32 s1, s0  }
0xbf: {  	s0 =	sadd.s32 $0x8F2B, s0  }
0xc0: {  	[sflag:s0] =	ssyncadd.remote.s32 $0x1  }
0xc1: {  	_ =	sfence.sel $0xFFFF  }
0xc2: {  	[dreg:$0x0] =	wrdreg $0xFFFFFFFF;
	(pc) =	sbr.abs _section_cstart, $3  }
0xc3: {  	[dreg:$0x1] =	wrdreg $0xFFFFFFFF  }
0xc4: {  	_ =	task.clear_ibuf [dreg:s8], $0x2FFFF;
	_ =	strace $0x9FFFFFFF  }
0xc5: {  	(tm) =	ssettm $0x7FFFFFFF  }
tec
execute0_lowered:
.L_overlay_start_1:
0x0: {  	(tag) =	ssettag $0x1  }
0x1: {  	s0 =	rddreg [dreg:$0x0]  }
0x2: {  	s1 =	rddreg [dreg:$0x1]  }
0x3: {  	s4 =	rddreg [dreg:$0x2];
	s3 =	srdreg.scid  }
0x4: {  	s2 =	rddreg [dreg:$0x3];
	s16 =	stileid.u32  }
0x5: {  	s28 =	simm.s32 $0x5;
	s29 =	simm.s32 $0x2880;
	s30 =	simm.s32 $0x2780  }
0x6: {  	s31 =	simm.s32 $0x80;
	s5 =	sand.u32 $0x1, s3;
	s7 =	smul.u32 $0x14000, s16  }
0x7: {  	s3 =	simm.s32 $0x0;
	s9 =	smul.u32 $0x2710, s16;
	s10 =	sadd.s32 $0x2C600, s0  }
0x8: {  	s6 =	smul.u32 $0x140000, s5;
	s8 =	ssub.s32 $0x2, s5;
	[smem:$0x7FF] =	sst s3  }
0x9: {  	s11 =	sshrl.u32 s8, $0x1;
	s9 =	sshrl.u32 s9, $0x3;
	s20 =	sadd.s32 $0x7800, s7  }
0xa: {  	s21 =	sadd.s32 $0xA000, s7;
	s22 =	sadd.s32 $0xC800, s7;
	s23 =	sadd.s32 $0xF000, s7  }
0xb: {  	s12 =	sadd.s32 s6, s7;
	s8 =	ssub.s32 s8, s11;
	s14 =	sadd.s32 s6, s20  }
0xc: {  	s15 =	sadd.s32 s6, s21;
	s19 =	sadd.s32 s6, s22;
	s24 =	sadd.s32 s6, s23  }
0xd: {  	s1 =	sadd.s32 s1, s9;
	s20 =	sadd.s32 s20, s2;
	s21 =	sadd.s32 s21, s2  }
0xe: {  	s22 =	sadd.s32 s22, s2;
	s23 =	sadd.s32 s23, s2;
	s25 =	sshrl.u32 s12, $0x3  }
0xf: {  	s12 =	sadd.s32 $0x5000, s7;
	s14 =	sshrl.u32 s14, $0x3;
	s17 =	sshrl.u32 s15, $0x3  }
0x10: {  	[dreg:$0xd] =	wrdreg s1;
	s15 =	sadd.s32 $0x5400, s0;
	s0 =	simm.s32 $0x2800  }
0x11: {  	s1 =	simm.s32 $0x6880;
	s11 =	sadd.s32 s10, s25;
	s26 =	sadd.s32 s6, s12  }
0x12: {  	s18 =	sadd.s32 s10, s17;
	s25 =	sshrl.u32 s24, $0x3;
	[dreg:$0x5] =	wrdreg s11  }
0x13: {  	s11 =	sor.u32 $0x2800, s7;
	s7 =	sadd.s32 $0x11800, s7;
	[dreg:$0x9] =	wrdreg s18  }
0x14: {  	s13 =	sadd.s32 s6, s11;
	s6 =	sadd.s32 s6, s7;
	s18 =	sadd.s32 s11, s2  }
0x15: {  	s24 =	sadd.s32 s7, s2;
	s13 =	sshrl.u32 s13, $0x3;
	s6 =	sshrl.u32 s6, $0x3  }
0x16: {  	s7 =	simm.s32 $0x2;
	s13 =	sadd.s32 s10, s13;
	s6 =	sadd.s32 s10, s6  }
0x17: {  	[dreg:$0x6] =	wrdreg s13;
	s13 =	sshrl.u32 s26, $0x3;
	s26 =	smul.u32 $0x4E2, s16  }
0x18: {  	[dreg:$0xc] =	wrdreg s6;
	s6 =	simm.s32 $0x4;
	s13 =	sadd.s32 s10, s13  }
0x19: {  	[dreg:$0x7] =	wrdreg s13;
	s13 =	sadd.s32 s10, s14;
	s14 =	sadd.s32 s26, s4  }
0x1a: {  	s26 =	smax.u32 s8, $0x1;
	[dreg:$0x8] =	wrdreg s13;
	s13 =	sshrl.u32 s19, $0x3  }
0x1b: {  	s8 =	simm.s32 $0x10;
	s19 =	sadd.s32 s12, s2;
	s13 =	sadd.s32 s10, s13  }
0x1c: {  	[dreg:$0xa] =	wrdreg s13;
	s13 =	sadd.s32 s10, s25;
	s10 =	smul.u32 $0x50000, s16  }
0x1d: {  	s16 =	smul.u32 $0x1388, s5;
	s5 =	simm.s32 $0x1;
	[dreg:$0xb] =	wrdreg s13  }
0x1e: {  	s13 =	sadd.s32 s4, s9;
	s4 =	simm.s32 $0x3;
	s9 =	simm.s32 $0x0  }
0x1f: {  	_ =	strace $0x80000056;
	s25 =	sshrl.u32 s10, $0x2;
	[dreg:$0xe] =	wrdreg s26  }
0x20: {  	v1 =	vimm.f32 $0.0e+00;
	s26 =	sadd.s32 $0x4E0, s13;
	v0 =	vmov s16;
	s17 =	sadd.s32 s25, s2;
	s25 =	sadd.s32 $0x10, s13  }
.LBB2_1:
0x21: {  	s10 =	rddreg [dreg:$0xd]  }
0x22: {  	[tilespmem:s3], [sflag:$0x5] =	stream.linear.gather [hbm4b:s10+s3], $0x2710, $0x38;
	[tilespmem:$0x1E880] =	vst v63  }
0x23: {  	_ =	swait.ge [sflag:s28], $0x2710  }
0x24: {  	[sflag:s28] =	ssyncset.done $0x0  }
0x25: {  	s11 =	simm.s32 $0x40;
	s10 =	simm.s32 $0x0;
	[sflag:s28] =	ssyncadd.s32 $0xFFFFD8F0  }
.LBB2_2:
0x26: {  	p0 =	sne.s32 s11, $0x9C00;
	v2 =	vld [tilespmem:s10+$0x0];
	_ =	sdelay $0x1  }
.Ltmp0:
0x27: {  	(pc) =	sbr.rel @p0 .LBB2_2-.Ltmp0, $3  }
0x28: {  	_ =	sdelay $0x1  }
0x29: {  	v2 =	vadd.s32 v0, v2  }
0x2a: {  	[tilespmem:s10+$0x0] =	vst v2;
	s10 =	sshra.s32 s11, $0x2;
	s11 =	sadd.s32 $0x40, s11  }
0x2b: {  	v2 =	vld [tilespmem:s10+$0x0];
	_ =	sdelay $0x4  }
0x2c: {  	v2 =	vadd.s32 v0, v2  }
0x2d: {  	s11 =	simm.s32 $0x200;
	[tilespmem:s10+$0x0] =	vst v2;
	s10 =	simm.s32 $0x0  }
.LBB2_4:
0x2e: {  	p0 =	sne.s32 s11, $0x9E00;
	[tilespmem:s10+$0x28F0] =	vst v1  }
0x2f: {  	[tilespmem:s10+$0x2880] =	vst v1  }
0x30: {  	[tilespmem:s10+$0x2890] =	vst v1  }
.Ltmp1:
0x31: {  	[tilespmem:s10+$0x28A0] =	vst v1;
	(pc) =	sbr.rel @p0 .LBB2_4-.Ltmp1, $4  }
0x32: {  	[tilespmem:s10+$0x28B0] =	vst v1  }
0x33: {  	[tilespmem:s10+$0x28C0] =	vst v1  }
0x34: {  	[tilespmem:s10+$0x28D0] =	vst v1  }
0x35: {  	[tilespmem:s10+$0x28E0] =	vst v1;
	s10 =	sshra.s32 s11, $0x2;
	s11 =	sadd.s32 $0x200, s11  }
0x36: {  	[tilespmem:s10+$0x28F0] =	vst v1  }
0x37: {  	[tilespmem:s10+$0x2880] =	vst v1  }
0x38: {  	[tilespmem:s10+$0x2890] =	vst v1  }
0x39: {  	[tilespmem:s10+$0x28A0] =	vst v1  }
0x3a: {  	[tilespmem:s10+$0x28B0] =	vst v1  }
0x3b: {  	[tilespmem:s10+$0x28C0] =	vst v1  }
0x3c: {  	[tilespmem:s10+$0x28D0] =	vst v1  }
0x3d: {  	[tilespmem:s10+$0x28E0] =	vst v1  }
0x3e: {  	[spmem:s17] =	stream.linear.scatter [tilespmem:s29], [sflag:$0x5], $0x2800, $0x38;
	[tilespmem:$0x1E880] =	vst v63  }
0x3f: {  	_ =	swait.ge [sflag:s28], $0x2800  }
0x40: {  	[sflag:s28] =	ssyncset.done $0x0  }
0x41: {  	[sflag:s28] =	ssyncadd.s32 $0xFFFFD800  }
0x42: {  	[spmem:s18] =	stream.linear.scatter [tilespmem:s29], [sflag:$0x5], $0x2800, $0x38;
	[tilespmem:$0x1E880] =	vst v63  }
0x43: {  	_ =	swait.ge [sflag:s28], $0x2800  }
0x44: {  	[sflag:s28] =	ssyncset.done $0x0  }
0x45: {  	[sflag:s28] =	ssyncadd.s32 $0xFFFFD800  }
0x46: {  	[spmem:s19] =	stream.linear.scatter [tilespmem:s29], [sflag:$0x5], $0x2800, $0x38;
	[tilespmem:$0x1E880] =	vst v63  }
0x47: {  	_ =	swait.ge [sflag:s28], $0x2800  }
0x48: {  	[sflag:s28] =	ssyncset.done $0x0  }
0x49: {  	[sflag:s28] =	ssyncadd.s32 $0xFFFFD800  }
0x4a: {  	[spmem:s20] =	stream.linear.scatter [tilespmem:s29], [sflag:$0x5], $0x2800, $0x38;
	[tilespmem:$0x1E880] =	vst v63  }
0x4b: {  	_ =	swait.ge [sflag:s28], $0x2800  }
0x4c: {  	[sflag:s28] =	ssyncset.done $0x0  }
0x4d: {  	[sflag:s28] =	ssyncadd.s32 $0xFFFFD800  }
0x4e: {  	[spmem:s21] =	stream.linear.scatter [tilespmem:s29], [sflag:$0x5], $0x2800, $0x38;
	[tilespmem:$0x1E880] =	vst v63  }
0x4f: {  	_ =	swait.ge [sflag:s28], $0x2800  }
0x50: {  	[sflag:s28] =	ssyncset.done $0x0  }
0x51: {  	[sflag:s28] =	ssyncadd.s32 $0xFFFFD800  }
0x52: {  	[spmem:s22] =	stream.linear.scatter [tilespmem:s29], [sflag:$0x5], $0x2800, $0x38;
	[tilespmem:$0x1E880] =	vst v63  }
0x53: {  	_ =	swait.ge [sflag:s28], $0x2800  }
0x54: {  	[sflag:s28] =	ssyncset.done $0x0  }
0x55: {  	[sflag:s28] =	ssyncadd.s32 $0xFFFFD800  }
0x56: {  	[spmem:s23] =	stream.linear.scatter [tilespmem:s29], [sflag:$0x5], $0x2800, $0x38;
	[tilespmem:$0x1E880] =	vst v63  }
0x57: {  	_ =	swait.ge [sflag:s28], $0x2800  }
0x58: {  	[sflag:s28] =	ssyncset.done $0x0  }
0x59: {  	[sflag:s28] =	ssyncadd.s32 $0xFFFFD800  }
0x5a: {  	[spmem:s24] =	stream.linear.scatter [tilespmem:s29], [sflag:$0x5], $0x2800, $0x38;
	[tilespmem:$0x1E880] =	vst v63  }
0x5b: {  	_ =	swait.ge [sflag:s28], $0x2800  }
0x5c: {  	[sflag:s28] =	ssyncset.done $0x0  }
0x5d: {  	[sflag:s28] =	ssyncadd.s32 $0xFFFFD800  }
0x5e: {  	[bflag:$0x0] =	sbarrier.arrive $0xFFFF  }
0x5f: {  	[tilespmem:s30], [sflag:$0x3] =	stream.linear.gather [hbm4b:s13+s3], $0x80, $0x38;
	[tilespmem:$0x1E880] =	vst v63  }
0x60: {  	_ = 	snop  }
0x61: {  	[tilespmem:s29], [sflag:$0x1] =	stream.indirect.gather [hbm4b:s15+s31], $0x80, s3, s31, $0xb8;
	[tilespmem:$0x1E880] =	vst v63  }
0x62: {  	_ = 	snop  }
0x63: {  	[tilespmem:s0], [sflag:$0x4] =	stream.linear.gather [hbm4b:s25+s3], $0x80, $0x38;
	[tilespmem:$0x1E880] =	vst v63  }
0x64: {  	_ = 	snop  }
0x65: {  	[tilespmem:s1], [sflag:$0x2] =	stream.indirect.gather [hbm4b:s15+s31], $0x80, s31, s31, $0xb8;
	[tilespmem:$0x1E880] =	vst v63  }
0x66: {  	_ =	swait.ge [sflag:s4], $0x80  }
0x67: {  	[sflag:s4] =	ssyncset.done $0x0  }
0x68: {  	[sflag:s4] =	ssyncadd.s32 $0xFFFFFF80  }
0x69: {  	_ =	swait.ge [sflag:s5], $0x4000  }
0x6a: {  	[sflag:s5] =	ssyncset.done $0x0  }
0x6b: {  	[sflag:s5] =	ssyncadd.s32 $0xFFFFC000  }
0x6c: {  	[spmem:s2] =	stream.indirect.scatter.add.f32 [tilespmem:s29], [sflag:$0x5], $0x80, s30, s31, $0xb8;
	[tilespmem:$0x1E880] =	vst v63  }
0x6d: {  	_ =	swait.ge [sflag:s28], $0x4000  }
0x6e: {  	s12 =	sadd.s32 $0xFFFFFB40, s14;
	[sflag:s28] =	ssyncset.done $0x0  }
0x6f: {  	s11 =	sadd.s32 $0x4E0, s12;
	[sflag:s28] =	ssyncadd.s32 $0xFFFFC000  }
0x70: {  	[tilespmem:s30], [sflag:$0x3] =	stream.linear.gather [hbm4b:s11+s3], $0x80, $0x38;
	[tilespmem:$0x1E880] =	vst v63  }
0x71: {  	s16 =	simm.s32 $0x100  }
0x72: {  	[tilespmem:s29], [sflag:$0x1] =	stream.indirect.gather [hbm4b:s15+s31], $0x80, s16, s31, $0xb8;
	[tilespmem:$0x1E880] =	vst v63  }
0x73: {  	_ =	swait.ge [sflag:s6], $0x80  }
0x74: {  	[sflag:s6] =	ssyncset.done $0x0  }
0x75: {  	[sflag:s6] =	ssyncadd.s32 $0xFFFFFF80  }
0x76: {  	_ =	swait.ge [sflag:s7], $0x4000  }
0x77: {  	[sflag:s7] =	ssyncset.done $0x0  }
0x78: {  	[sflag:s7] =	ssyncadd.s32 $0xFFFFC000  }
0x79: {  	[spmem:s2] =	stream.indirect.scatter.add.f32 [tilespmem:s1], [sflag:$0x5], $0x80, s0, s31, $0xb8;
	[tilespmem:$0x1E880] =	vst v63  }
0x7a: {  	_ =	swait.ge [sflag:s28], $0x4000  }
0x7b: {  	[sflag:s28] =	ssyncset.done $0x0  }
0x7c: {  	s10 =	sadd.s32 $0x4F0, s12;
	[sflag:s28] =	ssyncadd.s32 $0xFFFFC000  }
0x7d: {  	[tilespmem:s0], [sflag:$0x4] =	stream.linear.gather [hbm4b:s10+s3], $0x80, $0x38;
	[tilespmem:$0x1E880] =	vst v63  }
0x7e: {  	s12 =	simm.s32 $0x180;
	s11 =	simm.s32 $0x200;
	s10 =	simm.s32 $0xFFFFFB60  }
.LBB2_6:
0x7f: {  	[tilespmem:s1], [sflag:$0x2] =	stream.indirect.gather [hbm4b:s15+s31], $0x80, s12, s31, $0xb8;
	[tilespmem:$0x1E880] =	vst v63  }
0x80: {  	s12 =	smov.u32 s10  }
0x81: {  	p0 =	sne.s32 s10, $0xFFFFFFE0;
	s10 =	sadd.s32 $0x20, s10;
	_ =	swait.ge [sflag:s4], $0x80  }
0x82: {  	[sflag:s4] =	ssyncset.done $0x0  }
0x83: {  	[sflag:s4] =	ssyncadd.s32 $0xFFFFFF80  }
0x84: {  	_ =	swait.ge [sflag:s5], $0x4000  }
0x85: {  	[sflag:s5] =	ssyncset.done $0x0  }
0x86: {  	[sflag:s5] =	ssyncadd.s32 $0xFFFFC000  }
0x87: {  	[spmem:s2] =	stream.indirect.scatter.add.f32 [tilespmem:s29], [sflag:$0x5], $0x80, s30, s31, $0xb8;
	[tilespmem:$0x1E880] =	vst v63  }
0x88: {  	_ =	swait.ge [sflag:s28], $0x4000  }
0x89: {  	s12 =	sadd.s32 s12, s14;
	[sflag:s28] =	ssyncset.done $0x0  }
0x8a: {  	s16 =	sadd.s32 $0x4E0, s12;
	[sflag:s28] =	ssyncadd.s32 $0xFFFFC000  }
0x8b: {  	[tilespmem:s30], [sflag:$0x3] =	stream.linear.gather [hbm4b:s16+s3], $0x80, $0x38;
	[tilespmem:$0x1E880] =	vst v63  }
0x8c: {  	_ = 	snop  }
0x8d: {  	[tilespmem:s29], [sflag:$0x1] =	stream.indirect.gather [hbm4b:s15+s31], $0x80, s11, s31, $0xb8;
	[tilespmem:$0x1E880] =	vst v63  }
0x8e: {  	_ =	swait.ge [sflag:s6], $0x80  }
0x8f: {  	[sflag:s6] =	ssyncset.done $0x0  }
0x90: {  	[sflag:s6] =	ssyncadd.s32 $0xFFFFFF80  }
0x91: {  	_ =	swait.ge [sflag:s7], $0x4000  }
0x92: {  	[sflag:s7] =	ssyncset.done $0x0  }
0x93: {  	[sflag:s7] =	ssyncadd.s32 $0xFFFFC000  }
0x94: {  	[spmem:s2] =	stream.indirect.scatter.add.f32 [tilespmem:s1], [sflag:$0x5], $0x80, s0, s31, $0xb8;
	[tilespmem:$0x1E880] =	vst v63  }
.Ltmp2:
0x95: {  	_ =	swait.ge [sflag:s28], $0x4000;
	(pc) =	sbr.rel @p0 .LBB2_6-.Ltmp2, $4  }
0x96: {  	[sflag:s28] =	ssyncset.done $0x0  }
0x97: {  	s12 =	sadd.s32 $0x4F0, s12;
	[sflag:s28] =	ssyncadd.s32 $0xFFFFC000  }
0x98: {  	[tilespmem:s0], [sflag:$0x4] =	stream.linear.gather [hbm4b:s12+s3], $0x80, $0x38;
	[tilespmem:$0x1E880] =	vst v63  }
0x99: {  	s12 =	sadd.s32 $0x80, s11;
	s11 =	sadd.s32 $0x100, s11  }
0x9a: {  	[tilespmem:s1], [sflag:$0x2] =	stream.indirect.gather [hbm4b:s15+s31], $0x80, s12, s31, $0xb8;
	[tilespmem:$0x1E880] =	vst v63  }
0x9b: {  	_ =	swait.ge [sflag:s4], $0x80  }
0x9c: {  	[sflag:s4] =	ssyncset.done $0x0  }
0x9d: {  	[sflag:s4] =	ssyncadd.s32 $0xFFFFFF80  }
0x9e: {  	_ =	swait.ge [sflag:s5], $0x4000  }
0x9f: {  	[sflag:s5] =	ssyncset.done $0x0  }
0xa0: {  	[sflag:s5] =	ssyncadd.s32 $0xFFFFC000  }
0xa1: {  	[spmem:s2] =	stream.indirect.scatter.add.f32 [tilespmem:s29], [sflag:$0x5], $0x80, s30, s31, $0xb8;
	[tilespmem:$0x1E880] =	vst v63  }
0xa2: {  	_ =	swait.ge [sflag:s28], $0x4000  }
0xa3: {  	[sflag:s28] =	ssyncset.done $0x0  }
0xa4: {  	[sflag:s28] =	ssyncadd.s32 $0xFFFFC000  }
0xa5: {  	_ =	swait.ge [sflag:s6], $0x80  }
0xa6: {  	[sflag:s6] =	ssyncset.done $0x0  }
0xa7: {  	[sflag:s6] =	ssyncadd.s32 $0xFFFFFF80  }
0xa8: {  	_ =	swait.ge [sflag:s7], $0x4000  }
0xa9: {  	[sflag:s7] =	ssyncset.done $0x0  }
0xaa: {  	[sflag:s7] =	ssyncadd.s32 $0xFFFFC000  }
0xab: {  	[spmem:s2] =	stream.indirect.scatter.add.f32 [tilespmem:s1], [sflag:$0x5], $0x80, s0, s31, $0xb8;
	[tilespmem:$0x1E880] =	vst v63  }
0xac: {  	_ =	swait.ge [sflag:s28], $0x4000  }
0xad: {  	[sflag:s28] =	ssyncset.done $0x0  }
0xae: {  	[sflag:s28] =	ssyncadd.s32 $0xFFFFC000  }
0xaf: {  	[tilespmem:s30], [sflag:$0x3] =	stream.linear.gather [hbm4b:s26+s3], $0x10, $0x38;
	[tilespmem:$0x1E880] =	vst v63  }
0xb0: {  	s10 =	simm.s32 $0x2700  }
0xb1: {  	[tilespmem:s29], [sflag:$0x1] =	stream.indirect.gather [hbm4b:s15+s8], $0x80, s10, s8, $0xb8;
	[tilespmem:$0x1E880] =	vst v63  }
0xb2: {  	_ =	swait.ge [sflag:s4], $0x10  }
0xb3: {  	[sflag:s4] =	ssyncset.done $0x0  }
0xb4: {  	[sflag:s4] =	ssyncadd.s32 $0xFFFFFFF0  }
0xb5: {  	_ =	swait.ge [sflag:s5], $0x800  }
0xb6: {  	[sflag:s5] =	ssyncset.done $0x0  }
0xb7: {  	[sflag:s5] =	ssyncadd.s32 $0xFFFFF800  }
0xb8: {  	[spmem:s2] =	stream.indirect.scatter.add.f32 [tilespmem:s29], [sflag:$0x5], $0x80, s30, s8, $0xb8;
	[tilespmem:$0x1E880] =	vst v63  }
0xb9: {  	_ =	swait.ge [sflag:s28], $0x800  }
0xba: {  	[sflag:s28] =	ssyncset.done $0x0  }
0xbb: {  	s12 =	stileid.u32;
	[sflag:s28] =	ssyncadd.s32 $0xFFFFF800  }
0xbc: {  	s10 =	sshll.u32 s12, $0x6;
	[bflag:$0x0] =	sbarrier.arrive $0xFFFF  }
0xbd: {  	s11 =	sshrl.u32 s17, $0x3;
	s10 =	sor.u32 $0x1C05, s10;
	s16 =	rddreg [dreg:$0x5]  }
0xbe: {  	[hbm:s16], [sflag:s10] =	dma.local [spmem:s11], $0x500  }
0xbf: {  	_ =	swait.ge [sflag:s28], $0x500  }
0xc0: {  	[sflag:s28] =	ssyncset.done $0x0  }
0xc1: {  	s12 =	sshrl.u32 s18, $0x3;
	s16 =	rddreg [dreg:$0x6];
	[sflag:s28] =	ssyncadd.s32 $0xFFFFFB00  }
0xc2: {  	[hbm:s16], [sflag:s10] =	dma.local [spmem:s12], $0x500  }
0xc3: {  	_ =	swait.ge [sflag:s28], $0x500  }
0xc4: {  	[sflag:s28] =	ssyncset.done $0x0  }
0xc5: {  	s12 =	sshrl.u32 s19, $0x3;
	s16 =	rddreg [dreg:$0x7];
	[sflag:s28] =	ssyncadd.s32 $0xFFFFFB00  }
0xc6: {  	[hbm:s16], [sflag:s10] =	dma.local [spmem:s12], $0x500  }
0xc7: {  	_ =	swait.ge [sflag:s28], $0x500  }
0xc8: {  	[sflag:s28] =	ssyncset.done $0x0  }
0xc9: {  	s12 =	sshrl.u32 s20, $0x3;
	s16 =	rddreg [dreg:$0x8];
	[sflag:s28] =	ssyncadd.s32 $0xFFFFFB00  }
0xca: {  	[hbm:s16], [sflag:s10] =	dma.local [spmem:s12], $0x500  }
0xcb: {  	_ =	swait.ge [sflag:s28], $0x500  }
0xcc: {  	[sflag:s28] =	ssyncset.done $0x0  }
0xcd: {  	s12 =	sshrl.u32 s21, $0x3;
	s16 =	rddreg [dreg:$0x9];
	[sflag:s28] =	ssyncadd.s32 $0xFFFFFB00  }
0xce: {  	[hbm:s16], [sflag:s10] =	dma.local [spmem:s12], $0x500  }
0xcf: {  	_ =	swait.ge [sflag:s28], $0x500  }
0xd0: {  	[sflag:s28] =	ssyncset.done $0x0  }
0xd1: {  	s12 =	sshrl.u32 s22, $0x3;
	s16 =	rddreg [dreg:$0xa];
	[sflag:s28] =	ssyncadd.s32 $0xFFFFFB00  }
0xd2: {  	[hbm:s16], [sflag:s10] =	dma.local [spmem:s12], $0x500  }
0xd3: {  	_ =	swait.ge [sflag:s28], $0x500  }
0xd4: {  	[sflag:s28] =	ssyncset.done $0x0  }
0xd5: {  	s12 =	sshrl.u32 s23, $0x3;
	s16 =	rddreg [dreg:$0xb];
	[sflag:s28] =	ssyncadd.s32 $0xFFFFFB00  }
0xd6: {  	[hbm:s16], [sflag:s10] =	dma.local [spmem:s12], $0x500  }
0xd7: {  	_ =	swait.ge [sflag:s28], $0x500  }
0xd8: {  	[sflag:s28] =	ssyncset.done $0x0  }
0xd9: {  	s12 =	sshrl.u32 s24, $0x3;
	s16 =	rddreg [dreg:$0xc];
	[sflag:s28] =	ssyncadd.s32 $0xFFFFFB00  }
0xda: {  	[hbm:s16], [sflag:s10] =	dma.local [spmem:s12], $0x500  }
0xdb: {  	_ =	swait.ge [sflag:s28], $0x500  }
0xdc: {  	s9 =	sadd.s32 $0x1, s9;
	s16 =	rddreg [dreg:$0xe]  }
0xdd: {  	p0 =	sne.s32 s9, s16  }
.Ltmp3:
0xde: {  	_ = 	snop;
	(pc) =	sbr.rel @p0 .LBB2_1-.Ltmp3, $3  }
0xdf: {  	_ =	sdelay $0x1  }
0xe0: {  	[sflag:s28] =	ssyncset.done $0x0  }
0xe1: {  	[sflag:s28] =	ssyncadd.s32 $0xFFFFFB00  }
0xe2: {  	_ =	sfence.sel $0x180000  }
0xe3: {  	[bflag:$0x0] =	sbarrier.arrive $0xFFFF  }
0xe4: {  	_ =	strace $0x90000056  }
0xe5: {  	s0 =	stileid.u32;
	[bflag:$0x2] =	sbarrier.arrive $0xFFFF  }
0xe6: {  	p0 =	sne.s32 s0, $0x0;
	s0 =	rddreg [dreg:$0x4]  }
0xe7: {  	s0 =	sadd.s32 @!p0 $0x100000, s0  }
0xe8: {  	[sflag:s0] =	ssyncadd.tile.s32 @!p0 $0x1;
	_ =	shalt  }
.Lfunc_end2:
_tile_overlayer_lowered:
.L_overlay_start_2:
0xe9: {  	(tag) =	ssettag $0x2  }
0xea: {  	s0 =	rddreg [dreg:$0x0];
	s2 =	stileid.u32  }
0xeb: {  	s1 =	rddreg [dreg:$0x1];
	p0 =	sne.s32 s2, $0x0  }
0xec: {  	s3 =	rddreg [dreg:$0x2];
	[bflag:$0x3] =	sbarrier.arrive $0xFFFF;
	s2 =	simm.s32 @!p0 $0x1C05  }
0xed: {  	[timem:s3], [sflag:s2] =	dma.local @!p0 [hbm:s0], s1  }
0xee: {  	s0 =	simm.s32 @!p0 $0x5  }
0xef: {  	_ =	swait.ge @!p0 [sflag:s0], s1  }
0xf0: {  	s1 =	ssub.s32 @!p0 $0x0, s1;
	[sflag:s0] =	ssyncset.done @!p0 $0x0  }
0xf1: {  	[sflag:s0] =	ssyncadd.s32 @!p0 s1  }
0xf2: {  	[bflag:$0x3] =	sbarrier.arrive $0xFFFF  }
0xf3: {  	_ =	shalt  }

</sc_bundles>
